<compile_context>
chip_gen: v7x
topology: tpu7x:2x2x1
jax: 0.10.2.dev20260603
libtpu: 0.0.44.dev20260713+nightly
codegen_flags: <defaults>
</compile_context>

<pallas_src>
import jax
import jax.numpy as jnp
from jax import lax
from jax.experimental import pallas as pl
from jax.experimental.pallas import tpu as pltpu
from jax.experimental.pallas import tpu_sc as plsc

NC = 2
NS = 16
NW = NC * NS
L = 16

D = 32
SCALE = float(D) ** 0.5
B = 4096
S = 200
V = 1_000_000
CHUNK = 128
NB1 = 2
NBUF = 4

CT_FULL = V // 128
CT_RING = 244
MAGIC = 0x5CAB51AB
POLL_LIMIT = 200000


def _transpose_tile(src, dst, dtab, iota, n_rows, scale=None):

    @pl.loop(0, D, unroll=4)
    def _d0(d0):
        dvec = dtab[d0, 0:L]
        for r0 in range(0, n_rows, L):
            rvec = iota + r0
            vals = plsc.load_gather(src, [dvec, rvec])
            if scale is not None:
                vals = vals * scale
            plsc.store_scatter(dst, [rvec, dvec], vals)


def _emb_body(ids_hbm, tab_t_hbm, tail_hbm, out_hbm, rmaj, flags,
              dtab, fbuf, *bufs):
    o = 0
    blk = bufs[o:o + NB1]; o += NB1
    tr = bufs[o:o + NB1]; o += NB1
    idx_b = bufs[o:o + NBUF]; o += NBUF
    g_bufs = bufs[o:o + NBUF]; o += NBUF
    t_bufs = bufs[o:o + NBUF]; o += NBUF
    isems = bufs[o:o + NB1]; o += NB1
    osems = bufs[o:o + NB1]; o += NB1
    xsems = bufs[o:o + NBUF]; o += NBUF
    gsems = bufs[o:o + NBUF]; o += NBUF
    ssems = bufs[o:o + NBUF]

    cid = lax.axis_index("c")
    sid = lax.axis_index("s")
    wid = sid * NC + cid
    iota = lax.iota(jnp.int32, L)

    @pl.when(sid == 0)
    def _reset_flag():
        fbuf[0:L] = jnp.zeros((L,), jnp.int32)
        pltpu.sync_copy(fbuf, flags.at[cid])

    @pl.loop(0, D)
    def _mk_tabs(d0):
        dtab[d0, 0:L] = (d0 + iota) & (D - 1)

    for b in range(NB1):
        ct = wid + 32 * b
        pltpu.async_copy(
            tab_t_hbm.at[:, pl.ds(ct * 128, 128)], blk[b], isems[b]
        )

    @pl.loop(0, CT_RING // NB1)
    def _p1(g):
        for b in range(NB1):
            k = g * NB1 + b
            ct = wid + 32 * k
            pltpu.make_async_copy(
                tab_t_hbm.at[:, pl.ds(ct * 128, 128)], blk[b], isems[b]
            ).wait()

            @pl.when(g >= 1)
            def _wait_store():
                ctp = ct - 32 * NB1
                pltpu.make_async_copy(
                    tr[b], rmaj.at[pl.ds(ctp * 128, 128), :], osems[b]
                ).wait()

            _transpose_tile(blk[b], tr[b], dtab, iota, 128)

            @pl.when(g < CT_RING // NB1 - 1)
            def _refill():
                ctn = ct + 32 * NB1
                pltpu.async_copy(
                    tab_t_hbm.at[:, pl.ds(ctn * 128, 128)], blk[b], isems[b]
                )

            pltpu.async_copy(
                tr[b], rmaj.at[pl.ds(ct * 128, 128), :], osems[b]
            )

    for b in range(NB1):
        ct = wid + 32 * (CT_RING - NB1 + b)
        pltpu.make_async_copy(
            tr[b], rmaj.at[pl.ds(ct * 128, 128), :], osems[b]
        ).wait()

    ct_t = wid + 32 * CT_RING

    @pl.when(ct_t < CT_FULL)
    def _tail_full():
        pltpu.sync_copy(tab_t_hbm.at[:, pl.ds(ct_t * 128, 128)], blk[0])
        _transpose_tile(blk[0], tr[0], dtab, iota, 128)
        pltpu.sync_copy(tr[0], rmaj.at[pl.ds(ct_t * 128, 128), :])

    @pl.when(ct_t == CT_FULL)
    def _tail_rows():
        nrem = V - CT_FULL * 128
        pltpu.sync_copy(tail_hbm, blk[0].at[pl.ds(0, L), :])
        for t in range(nrem * D // L):
            vals = blk[0][t // 8, (t % 8) * L : (t % 8 + 1) * L]
            tr[0][t // 2, (t % 2) * L : (t % 2 + 1) * L] = vals
        pltpu.sync_copy(
            tr[0].at[pl.ds(0, nrem), :], rmaj.at[pl.ds(CT_FULL * 128, nrem), :]
        )

    plsc.subcore_barrier()

    @pl.when(sid == 0)
    def _handshake():
        fbuf[0:L] = jnp.full((L,), MAGIC, jnp.int32)
        pltpu.sync_copy(fbuf, flags.at[cid])

        def _cond(st):
            i, done = st
            return jnp.logical_and(i < POLL_LIMIT, jnp.logical_not(done))

        def _poll(st):
            i, _ = st
            pltpu.sync_copy(flags.at[1 - cid], fbuf)
            v = fbuf[0:L]
            nmatch = jnp.sum((v == MAGIC).astype(jnp.int32))
            return i + 1, nmatch == L

        lax.while_loop(_cond, _poll, (jnp.int32(0), False))

    plsc.subcore_barrier()

    for b in range(NBUF):
        pltpu.sync_copy(ids_hbm.at[b // 8, wid, b % 8], idx_b[b].at[0])
        pltpu.async_copy(rmaj.at[idx_b[b].at[0]], g_bufs[b], gsems[b])

    @pl.loop(0, S // NBUF)
    def _p2(g):
        for b in range(NBUF):
            j = g * NBUF + b
            pltpu.make_async_copy(
                rmaj.at[idx_b[b].at[0]], g_bufs[b], gsems[b]
            ).wait()

            @pl.when(g >= 1)
            def _wait_store():
                pltpu.make_async_copy(
                    t_bufs[b], out_hbm.at[j - NBUF, :, wid], ssems[b]
                ).wait()

            @pl.when(g < S // NBUF - 1)
            def _idx_prefetch():
                jn = j + NBUF
                pltpu.async_copy(
                    ids_hbm.at[jn // 8, wid, jn % 8], idx_b[b].at[0], xsems[b]
                )

            @pl.loop(0, D, unroll=4)
            def _d0(d0):
                dvec = dtab[d0, 0:L]
                dtvec = dvec >> 3
                drvec = dvec & 7
                for r0 in range(0, CHUNK, L):
                    rvec = iota + r0
                    vals = plsc.load_gather(g_bufs[b], [rvec, dvec])
                    plsc.store_scatter(
                        t_bufs[b], [dtvec, drvec, rvec], vals * SCALE
                    )

            @pl.when(g < S // NBUF - 1)
            def _refill():
                jn = j + NBUF
                pltpu.make_async_copy(
                    ids_hbm.at[jn // 8, wid, jn % 8], idx_b[b].at[0], xsems[b]
                ).wait()
                pltpu.async_copy(rmaj.at[idx_b[b].at[0]], g_bufs[b], gsems[b])

            pltpu.async_copy(t_bufs[b], out_hbm.at[j, :, wid], ssems[b])

    for k in range(S - NBUF, S):
        b = k % NBUF
        pltpu.make_async_copy(
            t_bufs[b], out_hbm.at[k, :, wid], ssems[b]
        ).wait()


@jax.jit
def _emb_call(ids_x, tab_t, tail128):
    mesh = plsc.VectorSubcoreMesh(
        core_axis_name="c", subcore_axis_name="s", num_cores=NC, num_subcores=NS
    )
    fn = pl.kernel(
        _emb_body,
        out_type=jax.ShapeDtypeStruct((S, D // 8, NW, 8, CHUNK), jnp.float32),
        mesh=mesh,
        scratch_types=[
            pltpu.HBM((V, D), jnp.float32),
            pltpu.HBM((NC, L), jnp.int32),
            pltpu.VMEM((D, L), jnp.int32),
            pltpu.VMEM((L,), jnp.int32),
        ]
        + [pltpu.VMEM((D, CHUNK), jnp.float32) for _ in range(NB1)]
        + [pltpu.VMEM((CHUNK, D), jnp.float32) for _ in range(NB1)]
        + [pltpu.VMEM((1, CHUNK), jnp.int32) for _ in range(NBUF)]
        + [pltpu.VMEM((CHUNK, D), jnp.float32) for _ in range(NBUF)]
        + [pltpu.VMEM((D // 8, 8, CHUNK), jnp.float32) for _ in range(NBUF)]
        + [pltpu.SemaphoreType.DMA] * (2 * NB1 + 3 * NBUF),
        compiler_params=pltpu.CompilerParams(
            use_tc_tiling_on_sc=True, needs_layout_passes=False
        ),
    )
    return fn(ids_x, tab_t, tail128)


def kernel(ids, emb_var):
    ids_x = (
        jnp.asarray(ids, jnp.int32)
        .T.reshape(S // 8, 8, NW, CHUNK)
        .transpose(0, 2, 1, 3)
    )
    tab_t = emb_var.T
    tail128 = emb_var[CT_FULL * 128 :, :].reshape(L, CHUNK)
    out_phys = _emb_call(ids_x, tab_t, tail128)
    return (
        out_phys.transpose(2, 4, 0, 1, 3)
        .reshape(B, S, D)
    )

# --- scband reference (transcript-rebuilt; emitter-appended) ---
"""Pipeline reference for scband-embedding-46608985096325 (READ-ONLY COPY).

The authoritative reference and input builder live on the scoring server;
editing this copy changes nothing except your own understanding.
"""

import jax, jax.numpy as jnp
import numpy as np

NUM_CLASSES = 1000000
INPUT_DIMS = 32

def setup_inputs(seed: int = 0) -> dict:
    key = jax.random.key(seed)
    k_ids, k_emb = jax.random.split(key)
    ids = jax.random.randint(k_ids, (4096, 200), 0, NUM_CLASSES, dtype=jnp.int64 if jax.config.jax_enable_x64 else jnp.int32)
    emb_var = jax.random.normal(k_emb, (NUM_CLASSES, INPUT_DIMS), dtype=jnp.float32)
    return {"ids": ids, "emb_var": emb_var}

def reference(ids, emb_var):
    # Embedding lookup (scale_sqrt_depth=True, set_nan_for_oob_id=False)
    embs = jnp.take(emb_var, ids, axis=0)
    embs = embs * (INPUT_DIMS ** 0.5)
    return embs

if __name__ == "__main__":
    import jax
    _d = setup_inputs()
    print(jax.jit(kernel)(*tuple(_d.values())))

</pallas_src>

<mosaic_0001>
#map = affine_map<(d0, d1) -> (0, 0, 0, 0)>
#map1 = affine_map<(d0, d1) -> (0, 0)>
#map2 = affine_map<(d0, d1) -> (0, 0, 0, 0, 0)>
module attributes {stable_mosaic.version = 14 : i64} {
  func.func @_emb_body(%arg0: i32, %arg1: i32, %arg2: memref<25x32x8x128xi32, #tpu.memory_space<hbm>>, %arg3: memref<32x1000000xf32, #tpu.memory_space<hbm>>, %arg4: memref<16x128xf32, #tpu.memory_space<hbm>>, %arg5: memref<200x4x32x8x128xf32, #tpu.memory_space<hbm>>, %arg6: memref<1000000x32xf32, #tpu.memory_space<hbm>>, %arg7: memref<2x16xi32, #tpu.memory_space<hbm>>, %arg8: memref<32x16xi32, #tpu.memory_space<vmem>>, %arg9: memref<16xi32, #tpu.memory_space<vmem>>, %arg10: memref<32x128xf32, #tpu.memory_space<vmem>>, %arg11: memref<32x128xf32, #tpu.memory_space<vmem>>, %arg12: memref<128x32xf32, #tpu.memory_space<vmem>>, %arg13: memref<128x32xf32, #tpu.memory_space<vmem>>, %arg14: memref<1x128xi32, #tpu.memory_space<vmem>>, %arg15: memref<1x128xi32, #tpu.memory_space<vmem>>, %arg16: memref<1x128xi32, #tpu.memory_space<vmem>>, %arg17: memref<1x128xi32, #tpu.memory_space<vmem>>, %arg18: memref<128x32xf32, #tpu.memory_space<vmem>>, %arg19: memref<128x32xf32, #tpu.memory_space<vmem>>, %arg20: memref<128x32xf32, #tpu.memory_space<vmem>>, %arg21: memref<128x32xf32, #tpu.memory_space<vmem>>, %arg22: memref<4x8x128xf32, #tpu.memory_space<vmem>>, %arg23: memref<4x8x128xf32, #tpu.memory_space<vmem>>, %arg24: memref<4x8x128xf32, #tpu.memory_space<vmem>>, %arg25: memref<4x8x128xf32, #tpu.memory_space<vmem>>, %arg26: memref<!tpu.dma_semaphore, #tpu.memory_space<semaphore_mem>>, %arg27: memref<!tpu.dma_semaphore, #tpu.memory_space<semaphore_mem>>, %arg28: memref<!tpu.dma_semaphore, #tpu.memory_space<semaphore_mem>>, %arg29: memref<!tpu.dma_semaphore, #tpu.memory_space<semaphore_mem>>, %arg30: memref<!tpu.dma_semaphore, #tpu.memory_space<semaphore_mem>>, %arg31: memref<!tpu.dma_semaphore, #tpu.memory_space<semaphore_mem>>, %arg32: memref<!tpu.dma_semaphore, #tpu.memory_space<semaphore_mem>>, %arg33: memref<!tpu.dma_semaphore, #tpu.memory_space<semaphore_mem>>, %arg34: memref<!tpu.dma_semaphore, #tpu.memory_space<semaphore_mem>>, %arg35: memref<!tpu.dma_semaphore, #tpu.memory_space<semaphore_mem>>, %arg36: memref<!tpu.dma_semaphore, #tpu.memory_space<semaphore_mem>>, %arg37: memref<!tpu.dma_semaphore, #tpu.memory_space<semaphore_mem>>, %arg38: memref<!tpu.dma_semaphore, #tpu.memory_space<semaphore_mem>>, %arg39: memref<!tpu.dma_semaphore, #tpu.memory_space<semaphore_mem>>, %arg40: memref<!tpu.dma_semaphore, #tpu.memory_space<semaphore_mem>>, %arg41: memref<!tpu.dma_semaphore, #tpu.memory_space<semaphore_mem>>) attributes {dimension_semantics = [#tpu.dimension_semantics<core_parallel>, #tpu.dimension_semantics<subcore_parallel>], iteration_bounds = array<i64: 2, 16>, scalar_prefetch = 0 : i64, scratch_operands = 36 : i64, tpu.core_type = #tpu.core_type<sc_vector_subcore>, window_params = [{transform_indices = #map}, {transform_indices = #map1}, {transform_indices = #map1}, {transform_indices = #map2}]} {
    %mul3A = arith.constant 2 : i32
    %mul3A_0 = arith.muli %arg1, %mul3A : i32
    %add3A = arith.addi %mul3A_0, %arg0 : i32
    %iota3A = tpu.iota {dimensions = array<i32: 0>} : vector<16xi32>
    %eq3A = arith.constant 0 : i32
    %eq3A_1 = arith.cmpi eq, %arg1, %eq3A : i32
    %convert_element_type3A = arith.extui %eq3A_1 : i1 to i32
    %cond3A = arith.constant 0 : i32
    %cond3A_2 = arith.cmpi ne, %convert_element_type3A, %cond3A : i32
    scf.if %cond3A_2 {
      %broadcast_in_dim3A = arith.constant 0 : i32
      %broadcast_in_dim3A_147 = vector.broadcast %broadcast_in_dim3A : i32 to vector<16xi32>
      %swap3A = arith.constant 0 : index
      %swap3A_148 = tpu.vector_load %arg9[%swap3A] {strides = array<i32>} : memref<16xi32, #tpu.memory_space<vmem>>, vector<16xi32>,
      tpu.vector_store %arg9[%swap3A], %broadcast_in_dim3A_147 {strides = array<i32>} : memref<16xi32, #tpu.memory_space<vmem>>, vector<16xi32>,
      "tpu.region"() ({
        %run_scoped3A_149 = tpu.sem_alloc : memref<!tpu.dma_semaphore, #tpu.memory_space<semaphore_mem>>
        %dma_start3A_150 = arith.constant 0 : i32
        %dma_start3A_151 = tpu.memref_slice %arg7[%arg0, %dma_start3A_150] : memref<2x16xi32, #tpu.memory_space<hbm>> -> memref<1x16xi32, #tpu.memory_space<hbm>>
        %dma_start3A_152 = tpu.memref_squeeze %dma_start3A_151 : memref<1x16xi32, #tpu.memory_space<hbm>> -> memref<16xi32, #tpu.memory_space<hbm>>
        %dma_start3A_153 = arith.constant 0 : i32
        %dma_start3A_154 = tpu.memref_slice %arg7[%arg0, %dma_start3A_153] : memref<2x16xi32, #tpu.memory_space<hbm>> -> memref<1x16xi32, #tpu.memory_space<hbm>>
        %dma_start3A_155 = tpu.memref_squeeze %dma_start3A_154 : memref<1x16xi32, #tpu.memory_space<hbm>> -> memref<16xi32, #tpu.memory_space<hbm>>
        tpu.enqueue_dma source(%arg9 : memref<16xi32, #tpu.memory_space<vmem>>) target(%dma_start3A_155 : memref<16xi32, #tpu.memory_space<hbm>>) target_semaphore(%run_scoped3A_149 : memref<!tpu.dma_semaphore, #tpu.memory_space<semaphore_mem>>)
        %dma_wait3A_156 = arith.constant 0 : i32
        %dma_wait3A_157 = tpu.memref_slice %arg7[%arg0, %dma_wait3A_156] : memref<2x16xi32, #tpu.memory_space<hbm>> -> memref<1x16xi32, #tpu.memory_space<hbm>>
        %dma_wait3A_158 = tpu.memref_squeeze %dma_wait3A_157 : memref<1x16xi32, #tpu.memory_space<hbm>> -> memref<16xi32, #tpu.memory_space<hbm>>
        %dma_wait3A_159 = arith.constant 0 : i32
        %dma_wait3A_160 = tpu.memref_slice %arg7[%arg0, %dma_wait3A_159] : memref<2x16xi32, #tpu.memory_space<hbm>> -> memref<1x16xi32, #tpu.memory_space<hbm>>
        %dma_wait3A_161 = tpu.memref_squeeze %dma_wait3A_160 : memref<1x16xi32, #tpu.memory_space<hbm>> -> memref<16xi32, #tpu.memory_space<hbm>>
        tpu.wait_dma2 semaphore(%run_scoped3A_149 : memref<!tpu.dma_semaphore, #tpu.memory_space<semaphore_mem>>) src(%arg9 : memref<16xi32, #tpu.memory_space<vmem>>) dst(%dma_wait3A_161 : memref<16xi32, #tpu.memory_space<hbm>>)
        tpu.yield
      }) : () -> ()
    } else {
    }
    %scan3A = arith.constant 0 : i32
    %scan3A_3 = arith.constant 32 : i32
    %scan3A_4 = arith.addi %scan3A, %scan3A_3 : i32
    %scan3A_5 = arith.constant 1 : i32
    scf.for %scan3A_147 = %scan3A to %scan3A_4 step %scan3A_5  : i32 {
      %mul3A_148 = arith.constant 1 : i32
      %mul3A_149 = arith.muli %scan3A_147, %mul3A_148 : i32
      %add3A_150 = arith.constant 0 : i32
      %add3A_151 = arith.addi %add3A_150, %mul3A_149 : i32
      %add3A_152 = vector.broadcast %add3A_151 : i32 to vector<16xi32>
      %add3A_153 = arith.addi %add3A_152, %iota3A : vector<16xi32>
      %and3A = arith.constant 31 : i32
      %and3A_154 = vector.broadcast %and3A : i32 to vector<16xi32>
      %and3A_155 = arith.andi %add3A_153, %and3A_154 : vector<16xi32>
      %swap3A = arith.index_cast %add3A_151 : i32 to index
      %swap3A_156 = arith.constant 0 : index
      %swap3A_157 = tpu.vector_load %arg8[%swap3A, %swap3A_156] {strides = array<i32>} : memref<32x16xi32, #tpu.memory_space<vmem>>, vector<16xi32>,
      tpu.vector_store %arg8[%swap3A, %swap3A_156], %and3A_155 {strides = array<i32>} : memref<32x16xi32, #tpu.memory_space<vmem>>, vector<16xi32>,
    }
    %scan3A_6 = arith.constant 32 : i32
    %add3A_7 = arith.constant 0 : i32
    %add3A_8 = arith.addi %add3A, %add3A_7 : i32
    %mul3A_9 = arith.constant 128 : i32
    %mul3A_10 = arith.muli %add3A_8, %mul3A_9 : i32
    %dma_start3A = arith.constant 0 : i32
    %dma_start3A_11 = tpu.memref_slice %arg3[%dma_start3A, %mul3A_10] : memref<32x1000000xf32, #tpu.memory_space<hbm>> -> memref<32x128xf32, #tpu.memory_space<hbm>>
    %dma_start3A_12 = arith.constant 0 : i32
    %dma_start3A_13 = tpu.memref_slice %arg3[%dma_start3A_12, %mul3A_10] : memref<32x1000000xf32, #tpu.memory_space<hbm>> -> memref<32x128xf32, #tpu.memory_space<hbm>>
    tpu.enqueue_dma source(%dma_start3A_13 : memref<32x128xf32, #tpu.memory_space<hbm>>) target(%arg10 : memref<32x128xf32, #tpu.memory_space<vmem>>) target_semaphore(%arg26 : memref<!tpu.dma_semaphore, #tpu.memory_space<semaphore_mem>>)
    %add3A_14 = arith.constant 32 : i32
    %add3A_15 = arith.addi %add3A, %add3A_14 : i32
    %mul3A_16 = arith.constant 128 : i32
    %mul3A_17 = arith.muli %add3A_15, %mul3A_16 : i32
    %dma_start3A_18 = arith.constant 0 : i32
    %dma_start3A_19 = tpu.memref_slice %arg3[%dma_start3A_18, %mul3A_17] : memref<32x1000000xf32, #tpu.memory_space<hbm>> -> memref<32x128xf32, #tpu.memory_space<hbm>>
    %dma_start3A_20 = arith.constant 0 : i32
    %dma_start3A_21 = tpu.memref_slice %arg3[%dma_start3A_20, %mul3A_17] : memref<32x1000000xf32, #tpu.memory_space<hbm>> -> memref<32x128xf32, #tpu.memory_space<hbm>>
    tpu.enqueue_dma source(%dma_start3A_21 : memref<32x128xf32, #tpu.memory_space<hbm>>) target(%arg11 : memref<32x128xf32, #tpu.memory_space<vmem>>) target_semaphore(%arg27 : memref<!tpu.dma_semaphore, #tpu.memory_space<semaphore_mem>>)
    %scan3A_22 = arith.constant 0 : i32
    %scan3A_23 = arith.constant 122 : i32
    %scan3A_24 = arith.addi %scan3A_22, %scan3A_23 : i32
    %scan3A_25 = arith.constant 1 : i32
    scf.for %scan3A_147 = %scan3A_22 to %scan3A_24 step %scan3A_25  : i32 {
      %mul3A_148 = arith.constant 1 : i32
      %mul3A_149 = arith.muli %scan3A_147, %mul3A_148 : i32
      %add3A_150 = arith.constant 0 : i32
      %add3A_151 = arith.addi %add3A_150, %mul3A_149 : i32
      %mul3A_152 = arith.constant 2 : i32
      %mul3A_153 = arith.muli %add3A_151, %mul3A_152 : i32
      %add3A_154 = arith.constant 0 : i32
      %add3A_155 = arith.addi %mul3A_153, %add3A_154 : i32
      %mul3A_156 = arith.constant 32 : i32
      %mul3A_157 = arith.muli %mul3A_156, %add3A_155 : i32
      %add3A_158 = arith.addi %add3A, %mul3A_157 : i32
      %mul3A_159 = arith.constant 128 : i32
      %mul3A_160 = arith.muli %add3A_158, %mul3A_159 : i32
      %dma_wait3A_161 = arith.constant 0 : i32
      %dma_wait3A_162 = tpu.memref_slice %arg3[%dma_wait3A_161, %mul3A_160] : memref<32x1000000xf32, #tpu.memory_space<hbm>> -> memref<32x128xf32, #tpu.memory_space<hbm>>
      %dma_wait3A_163 = arith.constant 0 : i32
      %dma_wait3A_164 = tpu.memref_slice %arg3[%dma_wait3A_163, %mul3A_160] : memref<32x1000000xf32, #tpu.memory_space<hbm>> -> memref<32x128xf32, #tpu.memory_space<hbm>>
      tpu.wait_dma2 semaphore(%arg26 : memref<!tpu.dma_semaphore, #tpu.memory_space<semaphore_mem>>) src(%dma_wait3A_164 : memref<32x128xf32, #tpu.memory_space<hbm>>) dst(%arg10 : memref<32x128xf32, #tpu.memory_space<vmem>>)
      %ge3A = arith.constant 1 : i32
      %ge3A_165 = arith.cmpi sge, %add3A_151, %ge3A : i32
      %convert_element_type3A_166 = arith.extui %ge3A_165 : i1 to i32
      %cond3A_167 = arith.constant 0 : i32
      %cond3A_168 = arith.cmpi ne, %convert_element_type3A_166, %cond3A_167 : i32
      scf.if %cond3A_168 {
        %sub3A = arith.constant 64 : i32
        %sub3A_219 = arith.subi %add3A_158, %sub3A : i32
        %mul3A_220 = arith.constant 128 : i32
        %mul3A_221 = arith.muli %sub3A_219, %mul3A_220 : i32
        %dma_wait3A_222 = arith.constant 0 : i32
        %dma_wait3A_223 = tpu.memref_slice %arg6[%mul3A_221, %dma_wait3A_222] : memref<1000000x32xf32, #tpu.memory_space<hbm>> -> memref<128x32xf32, #tpu.memory_space<hbm>>
        %dma_wait3A_224 = arith.constant 0 : i32
        %dma_wait3A_225 = tpu.memref_slice %arg6[%mul3A_221, %dma_wait3A_224] : memref<1000000x32xf32, #tpu.memory_space<hbm>> -> memref<128x32xf32, #tpu.memory_space<hbm>>
        tpu.wait_dma2 semaphore(%arg28 : memref<!tpu.dma_semaphore, #tpu.memory_space<semaphore_mem>>) src(%arg12 : memref<128x32xf32, #tpu.memory_space<vmem>>) dst(%dma_wait3A_225 : memref<128x32xf32, #tpu.memory_space<hbm>>)
      } else {
      }
      %scan3A_169 = arith.constant 0 : i32
      %scan3A_170 = arith.constant 32 : i32
      %scan3A_171 = arith.addi %scan3A_169, %scan3A_170 : i32
      %scan3A_172 = arith.constant 4 : i32
      scf.for %scan3A_219 = %scan3A_169 to %scan3A_171 step %scan3A_172  : i32 {
        %mul3A_220 = arith.constant 1 : i32
        %mul3A_221 = arith.muli %scan3A_219, %mul3A_220 : i32
        %add3A_222 = arith.constant 0 : i32
        %add3A_223 = arith.addi %add3A_222, %mul3A_221 : i32
        %get3A = arith.index_cast %add3A_223 : i32 to index
        %get3A_224 = arith.constant 0 : index
        %get3A_225 = tpu.vector_load %arg8[%get3A, %get3A_224] {strides = array<i32>} : memref<32x16xi32, #tpu.memory_space<vmem>>, vector<16xi32>,
        %add3A_226 = arith.constant 0 : i32
        %add3A_227 = vector.broadcast %add3A_226 : i32 to vector<16xi32>
        %add3A_228 = arith.addi %iota3A, %add3A_227 : vector<16xi32>
        %gather3A = tpu.vector_load_idx %arg10[%get3A_225, %add3A_228] : memref<32x128xf32, #tpu.memory_space<vmem>>[vector<16xi32>, vector<16xi32>], vector<16xf32>,
        tpu.vector_store_idx %arg12[%add3A_228, %get3A_225], %gather3A : memref<128x32xf32, #tpu.memory_space<vmem>>[vector<16xi32>, vector<16xi32>], vector<16xf32>,
        %add3A_229 = arith.constant 16 : i32
        %add3A_230 = vector.broadcast %add3A_229 : i32 to vector<16xi32>
        %add3A_231 = arith.addi %iota3A, %add3A_230 : vector<16xi32>
        %gather3A_232 = tpu.vector_load_idx %arg10[%get3A_225, %add3A_231] : memref<32x128xf32, #tpu.memory_space<vmem>>[vector<16xi32>, vector<16xi32>], vector<16xf32>,
        tpu.vector_store_idx %arg12[%add3A_231, %get3A_225], %gather3A_232 : memref<128x32xf32, #tpu.memory_space<vmem>>[vector<16xi32>, vector<16xi32>], vector<16xf32>,
        %add3A_233 = arith.constant 32 : i32
        %add3A_234 = vector.broadcast %add3A_233 : i32 to vector<16xi32>
        %add3A_235 = arith.addi %iota3A, %add3A_234 : vector<16xi32>
        %gather3A_236 = tpu.vector_load_idx %arg10[%get3A_225, %add3A_235] : memref<32x128xf32, #tpu.memory_space<vmem>>[vector<16xi32>, vector<16xi32>], vector<16xf32>,
        tpu.vector_store_idx %arg12[%add3A_235, %get3A_225], %gather3A_236 : memref<128x32xf32, #tpu.memory_space<vmem>>[vector<16xi32>, vector<16xi32>], vector<16xf32>,
        %add3A_237 = arith.constant 48 : i32
        %add3A_238 = vector.broadcast %add3A_237 : i32 to vector<16xi32>
        %add3A_239 = arith.addi %iota3A, %add3A_238 : vector<16xi32>
        %gather3A_240 = tpu.vector_load_idx %arg10[%get3A_225, %add3A_239] : memref<32x128xf32, #tpu.memory_space<vmem>>[vector<16xi32>, vector<16xi32>], vector<16xf32>,
        tpu.vector_store_idx %arg12[%add3A_239, %get3A_225], %gather3A_240 : memref<128x32xf32, #tpu.memory_space<vmem>>[vector<16xi32>, vector<16xi32>], vector<16xf32>,
        %add3A_241 = arith.constant 64 : i32
        %add3A_242 = vector.broadcast %add3A_241 : i32 to vector<16xi32>
        %add3A_243 = arith.addi %iota3A, %add3A_242 : vector<16xi32>
        %gather3A_244 = tpu.vector_load_idx %arg10[%get3A_225, %add3A_243] : memref<32x128xf32, #tpu.memory_space<vmem>>[vector<16xi32>, vector<16xi32>], vector<16xf32>,
        tpu.vector_store_idx %arg12[%add3A_243, %get3A_225], %gather3A_244 : memref<128x32xf32, #tpu.memory_space<vmem>>[vector<16xi32>, vector<16xi32>], vector<16xf32>,
        %add3A_245 = arith.constant 80 : i32
        %add3A_246 = vector.broadcast %add3A_245 : i32 to vector<16xi32>
        %add3A_247 = arith.addi %iota3A, %add3A_246 : vector<16xi32>
        %gather3A_248 = tpu.vector_load_idx %arg10[%get3A_225, %add3A_247] : memref<32x128xf32, #tpu.memory_space<vmem>>[vector<16xi32>, vector<16xi32>], vector<16xf32>,
        tpu.vector_store_idx %arg12[%add3A_247, %get3A_225], %gather3A_248 : memref<128x32xf32, #tpu.memory_space<vmem>>[vector<16xi32>, vector<16xi32>], vector<16xf32>,
        %add3A_249 = arith.constant 96 : i32
        %add3A_250 = vector.broadcast %add3A_249 : i32 to vector<16xi32>
        %add3A_251 = arith.addi %iota3A, %add3A_250 : vector<16xi32>
        %gather3A_252 = tpu.vector_load_idx %arg10[%get3A_225, %add3A_251] : memref<32x128xf32, #tpu.memory_space<vmem>>[vector<16xi32>, vector<16xi32>], vector<16xf32>,
        tpu.vector_store_idx %arg12[%add3A_251, %get3A_225], %gather3A_252 : memref<128x32xf32, #tpu.memory_space<vmem>>[vector<16xi32>, vector<16xi32>], vector<16xf32>,
        %add3A_253 = arith.constant 112 : i32
        %add3A_254 = vector.broadcast %add3A_253 : i32 to vector<16xi32>
        %add3A_255 = arith.addi %iota3A, %add3A_254 : vector<16xi32>
        %gather3A_256 = tpu.vector_load_idx %arg10[%get3A_225, %add3A_255] : memref<32x128xf32, #tpu.memory_space<vmem>>[vector<16xi32>, vector<16xi32>], vector<16xf32>,
        tpu.vector_store_idx %arg12[%add3A_255, %get3A_225], %gather3A_256 : memref<128x32xf32, #tpu.memory_space<vmem>>[vector<16xi32>, vector<16xi32>], vector<16xf32>,
        %scan3A_257 = arith.constant 1 : i32
        %scan3A_258 = arith.addi %scan3A_219, %scan3A_257 : i32
        %mul3A_259 = arith.constant 1 : i32
        %mul3A_260 = arith.muli %scan3A_258, %mul3A_259 : i32
        %add3A_261 = arith.constant 0 : i32
        %add3A_262 = arith.addi %add3A_261, %mul3A_260 : i32
        %get3A_263 = arith.index_cast %add3A_262 : i32 to index
        %get3A_264 = arith.constant 0 : index
        %get3A_265 = tpu.vector_load %arg8[%get3A_263, %get3A_264] {strides = array<i32>} : memref<32x16xi32, #tpu.memory_space<vmem>>, vector<16xi32>,
        %add3A_266 = arith.constant 0 : i32
        %add3A_267 = vector.broadcast %add3A_266 : i32 to vector<16xi32>
        %add3A_268 = arith.addi %iota3A, %add3A_267 : vector<16xi32>
        %gather3A_269 = tpu.vector_load_idx %arg10[%get3A_265, %add3A_268] : memref<32x128xf32, #tpu.memory_space<vmem>>[vector<16xi32>, vector<16xi32>], vector<16xf32>,
        tpu.vector_store_idx %arg12[%add3A_268, %get3A_265], %gather3A_269 : memref<128x32xf32, #tpu.memory_space<vmem>>[vector<16xi32>, vector<16xi32>], vector<16xf32>,
        %add3A_270 = arith.constant 16 : i32
        %add3A_271 = vector.broadcast %add3A_270 : i32 to vector<16xi32>
        %add3A_272 = arith.addi %iota3A, %add3A_271 : vector<16xi32>
        %gather3A_273 = tpu.vector_load_idx %arg10[%get3A_265, %add3A_272] : memref<32x128xf32, #tpu.memory_space<vmem>>[vector<16xi32>, vector<16xi32>], vector<16xf32>,
        tpu.vector_store_idx %arg12[%add3A_272, %get3A_265], %gather3A_273 : memref<128x32xf32, #tpu.memory_space<vmem>>[vector<16xi32>, vector<16xi32>], vector<16xf32>,
        %add3A_274 = arith.constant 32 : i32
        %add3A_275 = vector.broadcast %add3A_274 : i32 to vector<16xi32>
        %add3A_276 = arith.addi %iota3A, %add3A_275 : vector<16xi32>
        %gather3A_277 = tpu.vector_load_idx %arg10[%get3A_265, %add3A_276] : memref<32x128xf32, #tpu.memory_space<vmem>>[vector<16xi32>, vector<16xi32>], vector<16xf32>,
        tpu.vector_store_idx %arg12[%add3A_276, %get3A_265], %gather3A_277 : memref<128x32xf32, #tpu.memory_space<vmem>>[vector<16xi32>, vector<16xi32>], vector<16xf32>,
        %add3A_278 = arith.constant 48 : i32
        %add3A_279 = vector.broadcast %add3A_278 : i32 to vector<16xi32>
        %add3A_280 = arith.addi %iota3A, %add3A_279 : vector<16xi32>
        %gather3A_281 = tpu.vector_load_idx %arg10[%get3A_265, %add3A_280] : memref<32x128xf32, #tpu.memory_space<vmem>>[vector<16xi32>, vector<16xi32>], vector<16xf32>,
        tpu.vector_store_idx %arg12[%add3A_280, %get3A_265], %gather3A_281 : memref<128x32xf32, #tpu.memory_space<vmem>>[vector<16xi32>, vector<16xi32>], vector<16xf32>,
        %add3A_282 = arith.constant 64 : i32
        %add3A_283 = vector.broadcast %add3A_282 : i32 to vector<16xi32>
        %add3A_284 = arith.addi %iota3A, %add3A_283 : vector<16xi32>
        %gather3A_285 = tpu.vector_load_idx %arg10[%get3A_265, %add3A_284] : memref<32x128xf32, #tpu.memory_space<vmem>>[vector<16xi32>, vector<16xi32>], vector<16xf32>,
        tpu.vector_store_idx %arg12[%add3A_284, %get3A_265], %gather3A_285 : memref<128x32xf32, #tpu.memory_space<vmem>>[vector<16xi32>, vector<16xi32>], vector<16xf32>,
        %add3A_286 = arith.constant 80 : i32
        %add3A_287 = vector.broadcast %add3A_286 : i32 to vector<16xi32>
        %add3A_288 = arith.addi %iota3A, %add3A_287 : vector<16xi32>
        %gather3A_289 = tpu.vector_load_idx %arg10[%get3A_265, %add3A_288] : memref<32x128xf32, #tpu.memory_space<vmem>>[vector<16xi32>, vector<16xi32>], vector<16xf32>,
        tpu.vector_store_idx %arg12[%add3A_288, %get3A_265], %gather3A_289 : memref<128x32xf32, #tpu.memory_space<vmem>>[vector<16xi32>, vector<16xi32>], vector<16xf32>,
        %add3A_290 = arith.constant 96 : i32
        %add3A_291 = vector.broadcast %add3A_290 : i32 to vector<16xi32>
        %add3A_292 = arith.addi %iota3A, %add3A_291 : vector<16xi32>
        %gather3A_293 = tpu.vector_load_idx %arg10[%get3A_265, %add3A_292] : memref<32x128xf32, #tpu.memory_space<vmem>>[vector<16xi32>, vector<16xi32>], vector<16xf32>,
        tpu.vector_store_idx %arg12[%add3A_292, %get3A_265], %gather3A_293 : memref<128x32xf32, #tpu.memory_space<vmem>>[vector<16xi32>, vector<16xi32>], vector<16xf32>,
        %add3A_294 = arith.constant 112 : i32
        %add3A_295 = vector.broadcast %add3A_294 : i32 to vector<16xi32>
        %add3A_296 = arith.addi %iota3A, %add3A_295 : vector<16xi32>
        %gather3A_297 = tpu.vector_load_idx %arg10[%get3A_265, %add3A_296] : memref<32x128xf32, #tpu.memory_space<vmem>>[vector<16xi32>, vector<16xi32>], vector<16xf32>,
        tpu.vector_store_idx %arg12[%add3A_296, %get3A_265], %gather3A_297 : memref<128x32xf32, #tpu.memory_space<vmem>>[vector<16xi32>, vector<16xi32>], vector<16xf32>,
        %scan3A_298 = arith.constant 2 : i32
        %scan3A_299 = arith.addi %scan3A_219, %scan3A_298 : i32
        %mul3A_300 = arith.constant 1 : i32
        %mul3A_301 = arith.muli %scan3A_299, %mul3A_300 : i32
        %add3A_302 = arith.constant 0 : i32
        %add3A_303 = arith.addi %add3A_302, %mul3A_301 : i32
        %get3A_304 = arith.index_cast %add3A_303 : i32 to index
        %get3A_305 = arith.constant 0 : index
        %get3A_306 = tpu.vector_load %arg8[%get3A_304, %get3A_305] {strides = array<i32>} : memref<32x16xi32, #tpu.memory_space<vmem>>, vector<16xi32>,
        %add3A_307 = arith.constant 0 : i32
        %add3A_308 = vector.broadcast %add3A_307 : i32 to vector<16xi32>
        %add3A_309 = arith.addi %iota3A, %add3A_308 : vector<16xi32>
        %gather3A_310 = tpu.vector_load_idx %arg10[%get3A_306, %add3A_309] : memref<32x128xf32, #tpu.memory_space<vmem>>[vector<16xi32>, vector<16xi32>], vector<16xf32>,
        tpu.vector_store_idx %arg12[%add3A_309, %get3A_306], %gather3A_310 : memref<128x32xf32, #tpu.memory_space<vmem>>[vector<16xi32>, vector<16xi32>], vector<16xf32>,
        %add3A_311 = arith.constant 16 : i32
        %add3A_312 = vector.broadcast %add3A_311 : i32 to vector<16xi32>
        %add3A_313 = arith.addi %iota3A, %add3A_312 : vector<16xi32>
        %gather3A_314 = tpu.vector_load_idx %arg10[%get3A_306, %add3A_313] : memref<32x128xf32, #tpu.memory_space<vmem>>[vector<16xi32>, vector<16xi32>], vector<16xf32>,
        tpu.vector_store_idx %arg12[%add3A_313, %get3A_306], %gather3A_314 : memref<128x32xf32, #tpu.memory_space<vmem>>[vector<16xi32>, vector<16xi32>], vector<16xf32>,
        %add3A_315 = arith.constant 32 : i32
        %add3A_316 = vector.broadcast %add3A_315 : i32 to vector<16xi32>
        %add3A_317 = arith.addi %iota3A, %add3A_316 : vector<16xi32>
        %gather3A_318 = tpu.vector_load_idx %arg10[%get3A_306, %add3A_317] : memref<32x128xf32, #tpu.memory_space<vmem>>[vector<16xi32>, vector<16xi32>], vector<16xf32>,
        tpu.vector_store_idx %arg12[%add3A_317, %get3A_306], %gather3A_318 : memref<128x32xf32, #tpu.memory_space<vmem>>[vector<16xi32>, vector<16xi32>], vector<16xf32>,
        %add3A_319 = arith.constant 48 : i32
        %add3A_320 = vector.broadcast %add3A_319 : i32 to vector<16xi32>
        %add3A_321 = arith.addi %iota3A, %add3A_320 : vector<16xi32>
        %gather3A_322 = tpu.vector_load_idx %arg10[%get3A_306, %add3A_321] : memref<32x128xf32, #tpu.memory_space<vmem>>[vector<16xi32>, vector<16xi32>], vector<16xf32>,
        tpu.vector_store_idx %arg12[%add3A_321, %get3A_306], %gather3A_322 : memref<128x32xf32, #tpu.memory_space<vmem>>[vector<16xi32>, vector<16xi32>], vector<16xf32>,
        %add3A_323 = arith.constant 64 : i32
        %add3A_324 = vector.broadcast %add3A_323 : i32 to vector<16xi32>
        %add3A_325 = arith.addi %iota3A, %add3A_324 : vector<16xi32>
        %gather3A_326 = tpu.vector_load_idx %arg10[%get3A_306, %add3A_325] : memref<32x128xf32, #tpu.memory_space<vmem>>[vector<16xi32>, vector<16xi32>], vector<16xf32>,
        tpu.vector_store_idx %arg12[%add3A_325, %get3A_306], %gather3A_326 : memref<128x32xf32, #tpu.memory_space<vmem>>[vector<16xi32>, vector<16xi32>], vector<16xf32>,
        %add3A_327 = arith.constant 80 : i32
        %add3A_328 = vector.broadcast %add3A_327 : i32 to vector<16xi32>
        %add3A_329 = arith.addi %iota3A, %add3A_328 : vector<16xi32>
        %gather3A_330 = tpu.vector_load_idx %arg10[%get3A_306, %add3A_329] : memref<32x128xf32, #tpu.memory_space<vmem>>[vector<16xi32>, vector<16xi32>], vector<16xf32>,
        tpu.vector_store_idx %arg12[%add3A_329, %get3A_306], %gather3A_330 : memref<128x32xf32, #tpu.memory_space<vmem>>[vector<16xi32>, vector<16xi32>], vector<16xf32>,
        %add3A_331 = arith.constant 96 : i32
        %add3A_332 = vector.broadcast %add3A_331 : i32 to vector<16xi32>
        %add3A_333 = arith.addi %iota3A, %add3A_332 : vector<16xi32>
        %gather3A_334 = tpu.vector_load_idx %arg10[%get3A_306, %add3A_333] : memref<32x128xf32, #tpu.memory_space<vmem>>[vector<16xi32>, vector<16xi32>], vector<16xf32>,
        tpu.vector_store_idx %arg12[%add3A_333, %get3A_306], %gather3A_334 : memref<128x32xf32, #tpu.memory_space<vmem>>[vector<16xi32>, vector<16xi32>], vector<16xf32>,
        %add3A_335 = arith.constant 112 : i32
        %add3A_336 = vector.broadcast %add3A_335 : i32 to vector<16xi32>
        %add3A_337 = arith.addi %iota3A, %add3A_336 : vector<16xi32>
        %gather3A_338 = tpu.vector_load_idx %arg10[%get3A_306, %add3A_337] : memref<32x128xf32, #tpu.memory_space<vmem>>[vector<16xi32>, vector<16xi32>], vector<16xf32>,
        tpu.vector_store_idx %arg12[%add3A_337, %get3A_306], %gather3A_338 : memref<128x32xf32, #tpu.memory_space<vmem>>[vector<16xi32>, vector<16xi32>], vector<16xf32>,
        %scan3A_339 = arith.constant 3 : i32
        %scan3A_340 = arith.addi %scan3A_219, %scan3A_339 : i32
        %mul3A_341 = arith.constant 1 : i32
        %mul3A_342 = arith.muli %scan3A_340, %mul3A_341 : i32
        %add3A_343 = arith.constant 0 : i32
        %add3A_344 = arith.addi %add3A_343, %mul3A_342 : i32
        %get3A_345 = arith.index_cast %add3A_344 : i32 to index
        %get3A_346 = arith.constant 0 : index
        %get3A_347 = tpu.vector_load %arg8[%get3A_345, %get3A_346] {strides = array<i32>} : memref<32x16xi32, #tpu.memory_space<vmem>>, vector<16xi32>,
        %add3A_348 = arith.constant 0 : i32
        %add3A_349 = vector.broadcast %add3A_348 : i32 to vector<16xi32>
        %add3A_350 = arith.addi %iota3A, %add3A_349 : vector<16xi32>
        %gather3A_351 = tpu.vector_load_idx %arg10[%get3A_347, %add3A_350] : memref<32x128xf32, #tpu.memory_space<vmem>>[vector<16xi32>, vector<16xi32>], vector<16xf32>,
        tpu.vector_store_idx %arg12[%add3A_350, %get3A_347], %gather3A_351 : memref<128x32xf32, #tpu.memory_space<vmem>>[vector<16xi32>, vector<16xi32>], vector<16xf32>,
        %add3A_352 = arith.constant 16 : i32
        %add3A_353 = vector.broadcast %add3A_352 : i32 to vector<16xi32>
        %add3A_354 = arith.addi %iota3A, %add3A_353 : vector<16xi32>
        %gather3A_355 = tpu.vector_load_idx %arg10[%get3A_347, %add3A_354] : memref<32x128xf32, #tpu.memory_space<vmem>>[vector<16xi32>, vector<16xi32>], vector<16xf32>,
        tpu.vector_store_idx %arg12[%add3A_354, %get3A_347], %gather3A_355 : memref<128x32xf32, #tpu.memory_space<vmem>>[vector<16xi32>, vector<16xi32>], vector<16xf32>,
        %add3A_356 = arith.constant 32 : i32
        %add3A_357 = vector.broadcast %add3A_356 : i32 to vector<16xi32>
        %add3A_358 = arith.addi %iota3A, %add3A_357 : vector<16xi32>
        %gather3A_359 = tpu.vector_load_idx %arg10[%get3A_347, %add3A_358] : memref<32x128xf32, #tpu.memory_space<vmem>>[vector<16xi32>, vector<16xi32>], vector<16xf32>,
        tpu.vector_store_idx %arg12[%add3A_358, %get3A_347], %gather3A_359 : memref<128x32xf32, #tpu.memory_space<vmem>>[vector<16xi32>, vector<16xi32>], vector<16xf32>,
        %add3A_360 = arith.constant 48 : i32
        %add3A_361 = vector.broadcast %add3A_360 : i32 to vector<16xi32>
        %add3A_362 = arith.addi %iota3A, %add3A_361 : vector<16xi32>
        %gather3A_363 = tpu.vector_load_idx %arg10[%get3A_347, %add3A_362] : memref<32x128xf32, #tpu.memory_space<vmem>>[vector<16xi32>, vector<16xi32>], vector<16xf32>,
        tpu.vector_store_idx %arg12[%add3A_362, %get3A_347], %gather3A_363 : memref<128x32xf32, #tpu.memory_space<vmem>>[vector<16xi32>, vector<16xi32>], vector<16xf32>,
        %add3A_364 = arith.constant 64 : i32
        %add3A_365 = vector.broadcast %add3A_364 : i32 to vector<16xi32>
        %add3A_366 = arith.addi %iota3A, %add3A_365 : vector<16xi32>
        %gather3A_367 = tpu.vector_load_idx %arg10[%get3A_347, %add3A_366] : memref<32x128xf32, #tpu.memory_space<vmem>>[vector<16xi32>, vector<16xi32>], vector<16xf32>,
        tpu.vector_store_idx %arg12[%add3A_366, %get3A_347], %gather3A_367 : memref<128x32xf32, #tpu.memory_space<vmem>>[vector<16xi32>, vector<16xi32>], vector<16xf32>,
        %add3A_368 = arith.constant 80 : i32
        %add3A_369 = vector.broadcast %add3A_368 : i32 to vector<16xi32>
        %add3A_370 = arith.addi %iota3A, %add3A_369 : vector<16xi32>
        %gather3A_371 = tpu.vector_load_idx %arg10[%get3A_347, %add3A_370] : memref<32x128xf32, #tpu.memory_space<vmem>>[vector<16xi32>, vector<16xi32>], vector<16xf32>,
        tpu.vector_store_idx %arg12[%add3A_370, %get3A_347], %gather3A_371 : memref<128x32xf32, #tpu.memory_space<vmem>>[vector<16xi32>, vector<16xi32>], vector<16xf32>,
        %add3A_372 = arith.constant 96 : i32
        %add3A_373 = vector.broadcast %add3A_372 : i32 to vector<16xi32>
        %add3A_374 = arith.addi %iota3A, %add3A_373 : vector<16xi32>
        %gather3A_375 = tpu.vector_load_idx %arg10[%get3A_347, %add3A_374] : memref<32x128xf32, #tpu.memory_space<vmem>>[vector<16xi32>, vector<16xi32>], vector<16xf32>,
        tpu.vector_store_idx %arg12[%add3A_374, %get3A_347], %gather3A_375 : memref<128x32xf32, #tpu.memory_space<vmem>>[vector<16xi32>, vector<16xi32>], vector<16xf32>,
        %add3A_376 = arith.constant 112 : i32
        %add3A_377 = vector.broadcast %add3A_376 : i32 to vector<16xi32>
        %add3A_378 = arith.addi %iota3A, %add3A_377 : vector<16xi32>
        %gather3A_379 = tpu.vector_load_idx %arg10[%get3A_347, %add3A_378] : memref<32x128xf32, #tpu.memory_space<vmem>>[vector<16xi32>, vector<16xi32>], vector<16xf32>,
        tpu.vector_store_idx %arg12[%add3A_378, %get3A_347], %gather3A_379 : memref<128x32xf32, #tpu.memory_space<vmem>>[vector<16xi32>, vector<16xi32>], vector<16xf32>,
      }
      %scan3A_173 = arith.constant 32 : i32
      %lt3A_174 = arith.constant 121 : i32
      %lt3A_175 = arith.cmpi slt, %add3A_151, %lt3A_174 : i32
      %convert_element_type3A_176 = arith.extui %lt3A_175 : i1 to i32
      %cond3A_177 = arith.constant 0 : i32
      %cond3A_178 = arith.cmpi ne, %convert_element_type3A_176, %cond3A_177 : i32
      scf.if %cond3A_178 {
        %add3A_219 = arith.constant 64 : i32
        %add3A_220 = arith.addi %add3A_158, %add3A_219 : i32
        %mul3A_221 = arith.constant 128 : i32
        %mul3A_222 = arith.muli %add3A_220, %mul3A_221 : i32
        %dma_start3A_223 = arith.constant 0 : i32
        %dma_start3A_224 = tpu.memref_slice %arg3[%dma_start3A_223, %mul3A_222] : memref<32x1000000xf32, #tpu.memory_space<hbm>> -> memref<32x128xf32, #tpu.memory_space<hbm>>
        %dma_start3A_225 = arith.constant 0 : i32
        %dma_start3A_226 = tpu.memref_slice %arg3[%dma_start3A_225, %mul3A_222] : memref<32x1000000xf32, #tpu.memory_space<hbm>> -> memref<32x128xf32, #tpu.memory_space<hbm>>
        tpu.enqueue_dma source(%dma_start3A_226 : memref<32x128xf32, #tpu.memory_space<hbm>>) target(%arg10 : memref<32x128xf32, #tpu.memory_space<vmem>>) target_semaphore(%arg26 : memref<!tpu.dma_semaphore, #tpu.memory_space<semaphore_mem>>)
      } else {
      }
      %mul3A_179 = arith.constant 128 : i32
      %mul3A_180 = arith.muli %add3A_158, %mul3A_179 : i32
      %dma_start3A_181 = arith.constant 0 : i32
      %dma_start3A_182 = tpu.memref_slice %arg6[%mul3A_180, %dma_start3A_181] : memref<1000000x32xf32, #tpu.memory_space<hbm>> -> memref<128x32xf32, #tpu.memory_space<hbm>>
      %dma_start3A_183 = arith.constant 0 : i32
      %dma_start3A_184 = tpu.memref_slice %arg6[%mul3A_180, %dma_start3A_183] : memref<1000000x32xf32, #tpu.memory_space<hbm>> -> memref<128x32xf32, #tpu.memory_space<hbm>>
      tpu.enqueue_dma source(%arg12 : memref<128x32xf32, #tpu.memory_space<vmem>>) target(%dma_start3A_184 : memref<128x32xf32, #tpu.memory_space<hbm>>) target_semaphore(%arg28 : memref<!tpu.dma_semaphore, #tpu.memory_space<semaphore_mem>>)
      %mul3A_185 = arith.constant 2 : i32
      %mul3A_186 = arith.muli %add3A_151, %mul3A_185 : i32
      %add3A_187 = arith.constant 1 : i32
      %add3A_188 = arith.addi %mul3A_186, %add3A_187 : i32
      %mul3A_189 = arith.constant 32 : i32
      %mul3A_190 = arith.muli %mul3A_189, %add3A_188 : i32
      %add3A_191 = arith.addi %add3A, %mul3A_190 : i32
      %mul3A_192 = arith.constant 128 : i32
      %mul3A_193 = arith.muli %add3A_191, %mul3A_192 : i32
      %dma_wait3A_194 = arith.constant 0 : i32
      %dma_wait3A_195 = tpu.memref_slice %arg3[%dma_wait3A_194, %mul3A_193] : memref<32x1000000xf32, #tpu.memory_space<hbm>> -> memref<32x128xf32, #tpu.memory_space<hbm>>
      %dma_wait3A_196 = arith.constant 0 : i32
      %dma_wait3A_197 = tpu.memref_slice %arg3[%dma_wait3A_196, %mul3A_193] : memref<32x1000000xf32, #tpu.memory_space<hbm>> -> memref<32x128xf32, #tpu.memory_space<hbm>>
      tpu.wait_dma2 semaphore(%arg27 : memref<!tpu.dma_semaphore, #tpu.memory_space<semaphore_mem>>) src(%dma_wait3A_197 : memref<32x128xf32, #tpu.memory_space<hbm>>) dst(%arg11 : memref<32x128xf32, #tpu.memory_space<vmem>>)
      %ge3A_198 = arith.constant 1 : i32
      %ge3A_199 = arith.cmpi sge, %add3A_151, %ge3A_198 : i32
      %convert_element_type3A_200 = arith.extui %ge3A_199 : i1 to i32
      %cond3A_201 = arith.constant 0 : i32
      %cond3A_202 = arith.cmpi ne, %convert_element_type3A_200, %cond3A_201 : i32
      scf.if %cond3A_202 {
        %sub3A = arith.constant 64 : i32
        %sub3A_219 = arith.subi %add3A_191, %sub3A : i32
        %mul3A_220 = arith.constant 128 : i32
        %mul3A_221 = arith.muli %sub3A_219, %mul3A_220 : i32
        %dma_wait3A_222 = arith.constant 0 : i32
        %dma_wait3A_223 = tpu.memref_slice %arg6[%mul3A_221, %dma_wait3A_222] : memref<1000000x32xf32, #tpu.memory_space<hbm>> -> memref<128x32xf32, #tpu.memory_space<hbm>>
        %dma_wait3A_224 = arith.constant 0 : i32
        %dma_wait3A_225 = tpu.memref_slice %arg6[%mul3A_221, %dma_wait3A_224] : memref<1000000x32xf32, #tpu.memory_space<hbm>> -> memref<128x32xf32, #tpu.memory_space<hbm>>
        tpu.wait_dma2 semaphore(%arg29 : memref<!tpu.dma_semaphore, #tpu.memory_space<semaphore_mem>>) src(%arg13 : memref<128x32xf32, #tpu.memory_space<vmem>>) dst(%dma_wait3A_225 : memref<128x32xf32, #tpu.memory_space<hbm>>)
      } else {
      }
      %scan3A_203 = arith.constant 0 : i32
      %scan3A_204 = arith.constant 32 : i32
      %scan3A_205 = arith.addi %scan3A_203, %scan3A_204 : i32
      %scan3A_206 = arith.constant 4 : i32
      scf.for %scan3A_219 = %scan3A_203 to %scan3A_205 step %scan3A_206  : i32 {
        %mul3A_220 = arith.constant 1 : i32
        %mul3A_221 = arith.muli %scan3A_219, %mul3A_220 : i32
        %add3A_222 = arith.constant 0 : i32
        %add3A_223 = arith.addi %add3A_222, %mul3A_221 : i32
        %get3A = arith.index_cast %add3A_223 : i32 to index
        %get3A_224 = arith.constant 0 : index
        %get3A_225 = tpu.vector_load %arg8[%get3A, %get3A_224] {strides = array<i32>} : memref<32x16xi32, #tpu.memory_space<vmem>>, vector<16xi32>,
        %add3A_226 = arith.constant 0 : i32
        %add3A_227 = vector.broadcast %add3A_226 : i32 to vector<16xi32>
        %add3A_228 = arith.addi %iota3A, %add3A_227 : vector<16xi32>
        %gather3A = tpu.vector_load_idx %arg11[%get3A_225, %add3A_228] : memref<32x128xf32, #tpu.memory_space<vmem>>[vector<16xi32>, vector<16xi32>], vector<16xf32>,
        tpu.vector_store_idx %arg13[%add3A_228, %get3A_225], %gather3A : memref<128x32xf32, #tpu.memory_space<vmem>>[vector<16xi32>, vector<16xi32>], vector<16xf32>,
        %add3A_229 = arith.constant 16 : i32
        %add3A_230 = vector.broadcast %add3A_229 : i32 to vector<16xi32>
        %add3A_231 = arith.addi %iota3A, %add3A_230 : vector<16xi32>
        %gather3A_232 = tpu.vector_load_idx %arg11[%get3A_225, %add3A_231] : memref<32x128xf32, #tpu.memory_space<vmem>>[vector<16xi32>, vector<16xi32>], vector<16xf32>,
        tpu.vector_store_idx %arg13[%add3A_231, %get3A_225], %gather3A_232 : memref<128x32xf32, #tpu.memory_space<vmem>>[vector<16xi32>, vector<16xi32>], vector<16xf32>,
        %add3A_233 = arith.constant 32 : i32
        %add3A_234 = vector.broadcast %add3A_233 : i32 to vector<16xi32>
        %add3A_235 = arith.addi %iota3A, %add3A_234 : vector<16xi32>
        %gather3A_236 = tpu.vector_load_idx %arg11[%get3A_225, %add3A_235] : memref<32x128xf32, #tpu.memory_space<vmem>>[vector<16xi32>, vector<16xi32>], vector<16xf32>,
        tpu.vector_store_idx %arg13[%add3A_235, %get3A_225], %gather3A_236 : memref<128x32xf32, #tpu.memory_space<vmem>>[vector<16xi32>, vector<16xi32>], vector<16xf32>,
        %add3A_237 = arith.constant 48 : i32
        %add3A_238 = vector.broadcast %add3A_237 : i32 to vector<16xi32>
        %add3A_239 = arith.addi %iota3A, %add3A_238 : vector<16xi32>
        %gather3A_240 = tpu.vector_load_idx %arg11[%get3A_225, %add3A_239] : memref<32x128xf32, #tpu.memory_space<vmem>>[vector<16xi32>, vector<16xi32>], vector<16xf32>,
        tpu.vector_store_idx %arg13[%add3A_239, %get3A_225], %gather3A_240 : memref<128x32xf32, #tpu.memory_space<vmem>>[vector<16xi32>, vector<16xi32>], vector<16xf32>,
        %add3A_241 = arith.constant 64 : i32
        %add3A_242 = vector.broadcast %add3A_241 : i32 to vector<16xi32>
        %add3A_243 = arith.addi %iota3A, %add3A_242 : vector<16xi32>
        %gather3A_244 = tpu.vector_load_idx %arg11[%get3A_225, %add3A_243] : memref<32x128xf32, #tpu.memory_space<vmem>>[vector<16xi32>, vector<16xi32>], vector<16xf32>,
        tpu.vector_store_idx %arg13[%add3A_243, %get3A_225], %gather3A_244 : memref<128x32xf32, #tpu.memory_space<vmem>>[vector<16xi32>, vector<16xi32>], vector<16xf32>,
        %add3A_245 = arith.constant 80 : i32
        %add3A_246 = vector.broadcast %add3A_245 : i32 to vector<16xi32>
        %add3A_247 = arith.addi %iota3A, %add3A_246 : vector<16xi32>
        %gather3A_248 = tpu.vector_load_idx %arg11[%get3A_225, %add3A_247] : memref<32x128xf32, #tpu.memory_space<vmem>>[vector<16xi32>, vector<16xi32>], vector<16xf32>,
        tpu.vector_store_idx %arg13[%add3A_247, %get3A_225], %gather3A_248 : memref<128x32xf32, #tpu.memory_space<vmem>>[vector<16xi32>, vector<16xi32>], vector<16xf32>,
        %add3A_249 = arith.constant 96 : i32
        %add3A_250 = vector.broadcast %add3A_249 : i32 to vector<16xi32>
        %add3A_251 = arith.addi %iota3A, %add3A_250 : vector<16xi32>
        %gather3A_252 = tpu.vector_load_idx %arg11[%get3A_225, %add3A_251] : memref<32x128xf32, #tpu.memory_space<vmem>>[vector<16xi32>, vector<16xi32>], vector<16xf32>,
        tpu.vector_store_idx %arg13[%add3A_251, %get3A_225], %gather3A_252 : memref<128x32xf32, #tpu.memory_space<vmem>>[vector<16xi32>, vector<16xi32>], vector<16xf32>,
        %add3A_253 = arith.constant 112 : i32
        %add3A_254 = vector.broadcast %add3A_253 : i32 to vector<16xi32>
        %add3A_255 = arith.addi %iota3A, %add3A_254 : vector<16xi32>
        %gather3A_256 = tpu.vector_load_idx %arg11[%get3A_225, %add3A_255] : memref<32x128xf32, #tpu.memory_space<vmem>>[vector<16xi32>, vector<16xi32>], vector<16xf32>,
        tpu.vector_store_idx %arg13[%add3A_255, %get3A_225], %gather3A_256 : memref<128x32xf32, #tpu.memory_space<vmem>>[vector<16xi32>, vector<16xi32>], vector<16xf32>,
        %scan3A_257 = arith.constant 1 : i32
        %scan3A_258 = arith.addi %scan3A_219, %scan3A_257 : i32
        %mul3A_259 = arith.constant 1 : i32
        %mul3A_260 = arith.muli %scan3A_258, %mul3A_259 : i32
        %add3A_261 = arith.constant 0 : i32
        %add3A_262 = arith.addi %add3A_261, %mul3A_260 : i32
        %get3A_263 = arith.index_cast %add3A_262 : i32 to index
        %get3A_264 = arith.constant 0 : index
        %get3A_265 = tpu.vector_load %arg8[%get3A_263, %get3A_264] {strides = array<i32>} : memref<32x16xi32, #tpu.memory_space<vmem>>, vector<16xi32>,
        %add3A_266 = arith.constant 0 : i32
        %add3A_267 = vector.broadcast %add3A_266 : i32 to vector<16xi32>
        %add3A_268 = arith.addi %iota3A, %add3A_267 : vector<16xi32>
        %gather3A_269 = tpu.vector_load_idx %arg11[%get3A_265, %add3A_268] : memref<32x128xf32, #tpu.memory_space<vmem>>[vector<16xi32>, vector<16xi32>], vector<16xf32>,
        tpu.vector_store_idx %arg13[%add3A_268, %get3A_265], %gather3A_269 : memref<128x32xf32, #tpu.memory_space<vmem>>[vector<16xi32>, vector<16xi32>], vector<16xf32>,
        %add3A_270 = arith.constant 16 : i32
        %add3A_271 = vector.broadcast %add3A_270 : i32 to vector<16xi32>
        %add3A_272 = arith.addi %iota3A, %add3A_271 : vector<16xi32>
        %gather3A_273 = tpu.vector_load_idx %arg11[%get3A_265, %add3A_272] : memref<32x128xf32, #tpu.memory_space<vmem>>[vector<16xi32>, vector<16xi32>], vector<16xf32>,
        tpu.vector_store_idx %arg13[%add3A_272, %get3A_265], %gather3A_273 : memref<128x32xf32, #tpu.memory_space<vmem>>[vector<16xi32>, vector<16xi32>], vector<16xf32>,
        %add3A_274 = arith.constant 32 : i32
        %add3A_275 = vector.broadcast %add3A_274 : i32 to vector<16xi32>
        %add3A_276 = arith.addi %iota3A, %add3A_275 : vector<16xi32>
        %gather3A_277 = tpu.vector_load_idx %arg11[%get3A_265, %add3A_276] : memref<32x128xf32, #tpu.memory_space<vmem>>[vector<16xi32>, vector<16xi32>], vector<16xf32>,
        tpu.vector_store_idx %arg13[%add3A_276, %get3A_265], %gather3A_277 : memref<128x32xf32, #tpu.memory_space<vmem>>[vector<16xi32>, vector<16xi32>], vector<16xf32>,
        %add3A_278 = arith.constant 48 : i32
        %add3A_279 = vector.broadcast %add3A_278 : i32 to vector<16xi32>
        %add3A_280 = arith.addi %iota3A, %add3A_279 : vector<16xi32>
        %gather3A_281 = tpu.vector_load_idx %arg11[%get3A_265, %add3A_280] : memref<32x128xf32, #tpu.memory_space<vmem>>[vector<16xi32>, vector<16xi32>], vector<16xf32>,
        tpu.vector_store_idx %arg13[%add3A_280, %get3A_265], %gather3A_281 : memref<128x32xf32, #tpu.memory_space<vmem>>[vector<16xi32>, vector<16xi32>], vector<16xf32>,
        %add3A_282 = arith.constant 64 : i32
        %add3A_283 = vector.broadcast %add3A_282 : i32 to vector<16xi32>
        %add3A_284 = arith.addi %iota3A, %add3A_283 : vector<16xi32>
        %gather3A_285 = tpu.vector_load_idx %arg11[%get3A_265, %add3A_284] : memref<32x128xf32, #tpu.memory_space<vmem>>[vector<16xi32>, vector<16xi32>], vector<16xf32>,
        tpu.vector_store_idx %arg13[%add3A_284, %get3A_265], %gather3A_285 : memref<128x32xf32, #tpu.memory_space<vmem>>[vector<16xi32>, vector<16xi32>], vector<16xf32>,
        %add3A_286 = arith.constant 80 : i32
        %add3A_287 = vector.broadcast %add3A_286 : i32 to vector<16xi32>
        %add3A_288 = arith.addi %iota3A, %add3A_287 : vector<16xi32>
        %gather3A_289 = tpu.vector_load_idx %arg11[%get3A_265, %add3A_288] : memref<32x128xf32, #tpu.memory_space<vmem>>[vector<16xi32>, vector<16xi32>], vector<16xf32>,
        tpu.vector_store_idx %arg13[%add3A_288, %get3A_265], %gather3A_289 : memref<128x32xf32, #tpu.memory_space<vmem>>[vector<16xi32>, vector<16xi32>], vector<16xf32>,
        %add3A_290 = arith.constant 96 : i32
        %add3A_291 = vector.broadcast %add3A_290 : i32 to vector<16xi32>
        %add3A_292 = arith.addi %iota3A, %add3A_291 : vector<16xi32>
        %gather3A_293 = tpu.vector_load_idx %arg11[%get3A_265, %add3A_292] : memref<32x128xf32, #tpu.memory_space<vmem>>[vector<16xi32>, vector<16xi32>], vector<16xf32>,
        tpu.vector_store_idx %arg13[%add3A_292, %get3A_265], %gather3A_293 : memref<128x32xf32, #tpu.memory_space<vmem>>[vector<16xi32>, vector<16xi32>], vector<16xf32>,
        %add3A_294 = arith.constant 112 : i32
        %add3A_295 = vector.broadcast %add3A_294 : i32 to vector<16xi32>
        %add3A_296 = arith.addi %iota3A, %add3A_295 : vector<16xi32>
        %gather3A_297 = tpu.vector_load_idx %arg11[%get3A_265, %add3A_296] : memref<32x128xf32, #tpu.memory_space<vmem>>[vector<16xi32>, vector<16xi32>], vector<16xf32>,
        tpu.vector_store_idx %arg13[%add3A_296, %get3A_265], %gather3A_297 : memref<128x32xf32, #tpu.memory_space<vmem>>[vector<16xi32>, vector<16xi32>], vector<16xf32>,
        %scan3A_298 = arith.constant 2 : i32
        %scan3A_299 = arith.addi %scan3A_219, %scan3A_298 : i32
        %mul3A_300 = arith.constant 1 : i32
        %mul3A_301 = arith.muli %scan3A_299, %mul3A_300 : i32
        %add3A_302 = arith.constant 0 : i32
        %add3A_303 = arith.addi %add3A_302, %mul3A_301 : i32
        %get3A_304 = arith.index_cast %add3A_303 : i32 to index
        %get3A_305 = arith.constant 0 : index
        %get3A_306 = tpu.vector_load %arg8[%get3A_304, %get3A_305] {strides = array<i32>} : memref<32x16xi32, #tpu.memory_space<vmem>>, vector<16xi32>,
        %add3A_307 = arith.constant 0 : i32
        %add3A_308 = vector.broadcast %add3A_307 : i32 to vector<16xi32>
        %add3A_309 = arith.addi %iota3A, %add3A_308 : vector<16xi32>
        %gather3A_310 = tpu.vector_load_idx %arg11[%get3A_306, %add3A_309] : memref<32x128xf32, #tpu.memory_space<vmem>>[vector<16xi32>, vector<16xi32>], vector<16xf32>,
        tpu.vector_store_idx %arg13[%add3A_309, %get3A_306], %gather3A_310 : memref<128x32xf32, #tpu.memory_space<vmem>>[vector<16xi32>, vector<16xi32>], vector<16xf32>,
        %add3A_311 = arith.constant 16 : i32
        %add3A_312 = vector.broadcast %add3A_311 : i32 to vector<16xi32>
        %add3A_313 = arith.addi %iota3A, %add3A_312 : vector<16xi32>
        %gather3A_314 = tpu.vector_load_idx %arg11[%get3A_306, %add3A_313] : memref<32x128xf32, #tpu.memory_space<vmem>>[vector<16xi32>, vector<16xi32>], vector<16xf32>,
        tpu.vector_store_idx %arg13[%add3A_313, %get3A_306], %gather3A_314 : memref<128x32xf32, #tpu.memory_space<vmem>>[vector<16xi32>, vector<16xi32>], vector<16xf32>,
        %add3A_315 = arith.constant 32 : i32
        %add3A_316 = vector.broadcast %add3A_315 : i32 to vector<16xi32>
        %add3A_317 = arith.addi %iota3A, %add3A_316 : vector<16xi32>
        %gather3A_318 = tpu.vector_load_idx %arg11[%get3A_306, %add3A_317] : memref<32x128xf32, #tpu.memory_space<vmem>>[vector<16xi32>, vector<16xi32>], vector<16xf32>,
        tpu.vector_store_idx %arg13[%add3A_317, %get3A_306], %gather3A_318 : memref<128x32xf32, #tpu.memory_space<vmem>>[vector<16xi32>, vector<16xi32>], vector<16xf32>,
        %add3A_319 = arith.constant 48 : i32
        %add3A_320 = vector.broadcast %add3A_319 : i32 to vector<16xi32>
        %add3A_321 = arith.addi %iota3A, %add3A_320 : vector<16xi32>
        %gather3A_322 = tpu.vector_load_idx %arg11[%get3A_306, %add3A_321] : memref<32x128xf32, #tpu.memory_space<vmem>>[vector<16xi32>, vector<16xi32>], vector<16xf32>,
        tpu.vector_store_idx %arg13[%add3A_321, %get3A_306], %gather3A_322 : memref<128x32xf32, #tpu.memory_space<vmem>>[vector<16xi32>, vector<16xi32>], vector<16xf32>,
        %add3A_323 = arith.constant 64 : i32
        %add3A_324 = vector.broadcast %add3A_323 : i32 to vector<16xi32>
        %add3A_325 = arith.addi %iota3A, %add3A_324 : vector<16xi32>
        %gather3A_326 = tpu.vector_load_idx %arg11[%get3A_306, %add3A_325] : memref<32x128xf32, #tpu.memory_space<vmem>>[vector<16xi32>, vector<16xi32>], vector<16xf32>,
        tpu.vector_store_idx %arg13[%add3A_325, %get3A_306], %gather3A_326 : memref<128x32xf32, #tpu.memory_space<vmem>>[vector<16xi32>, vector<16xi32>], vector<16xf32>,
        %add3A_327 = arith.constant 80 : i32
        %add3A_328 = vector.broadcast %add3A_327 : i32 to vector<16xi32>
        %add3A_329 = arith.addi %iota3A, %add3A_328 : vector<16xi32>
        %gather3A_330 = tpu.vector_load_idx %arg11[%get3A_306, %add3A_329] : memref<32x128xf32, #tpu.memory_space<vmem>>[vector<16xi32>, vector<16xi32>], vector<16xf32>,
        tpu.vector_store_idx %arg13[%add3A_329, %get3A_306], %gather3A_330 : memref<128x32xf32, #tpu.memory_space<vmem>>[vector<16xi32>, vector<16xi32>], vector<16xf32>,
        %add3A_331 = arith.constant 96 : i32
        %add3A_332 = vector.broadcast %add3A_331 : i32 to vector<16xi32>
        %add3A_333 = arith.addi %iota3A, %add3A_332 : vector<16xi32>
        %gather3A_334 = tpu.vector_load_idx %arg11[%get3A_306, %add3A_333] : memref<32x128xf32, #tpu.memory_space<vmem>>[vector<16xi32>, vector<16xi32>], vector<16xf32>,
        tpu.vector_store_idx %arg13[%add3A_333, %get3A_306], %gather3A_334 : memref<128x32xf32, #tpu.memory_space<vmem>>[vector<16xi32>, vector<16xi32>], vector<16xf32>,
        %add3A_335 = arith.constant 112 : i32
        %add3A_336 = vector.broadcast %add3A_335 : i32 to vector<16xi32>
        %add3A_337 = arith.addi %iota3A, %add3A_336 : vector<16xi32>
        %gather3A_338 = tpu.vector_load_idx %arg11[%get3A_306, %add3A_337] : memref<32x128xf32, #tpu.memory_space<vmem>>[vector<16xi32>, vector<16xi32>], vector<16xf32>,
        tpu.vector_store_idx %arg13[%add3A_337, %get3A_306], %gather3A_338 : memref<128x32xf32, #tpu.memory_space<vmem>>[vector<16xi32>, vector<16xi32>], vector<16xf32>,
        %scan3A_339 = arith.constant 3 : i32
        %scan3A_340 = arith.addi %scan3A_219, %scan3A_339 : i32
        %mul3A_341 = arith.constant 1 : i32
        %mul3A_342 = arith.muli %scan3A_340, %mul3A_341 : i32
        %add3A_343 = arith.constant 0 : i32
        %add3A_344 = arith.addi %add3A_343, %mul3A_342 : i32
        %get3A_345 = arith.index_cast %add3A_344 : i32 to index
        %get3A_346 = arith.constant 0 : index
        %get3A_347 = tpu.vector_load %arg8[%get3A_345, %get3A_346] {strides = array<i32>} : memref<32x16xi32, #tpu.memory_space<vmem>>, vector<16xi32>,
        %add3A_348 = arith.constant 0 : i32
        %add3A_349 = vector.broadcast %add3A_348 : i32 to vector<16xi32>
        %add3A_350 = arith.addi %iota3A, %add3A_349 : vector<16xi32>
        %gather3A_351 = tpu.vector_load_idx %arg11[%get3A_347, %add3A_350] : memref<32x128xf32, #tpu.memory_space<vmem>>[vector<16xi32>, vector<16xi32>], vector<16xf32>,
        tpu.vector_store_idx %arg13[%add3A_350, %get3A_347], %gather3A_351 : memref<128x32xf32, #tpu.memory_space<vmem>>[vector<16xi32>, vector<16xi32>], vector<16xf32>,
        %add3A_352 = arith.constant 16 : i32
        %add3A_353 = vector.broadcast %add3A_352 : i32 to vector<16xi32>
        %add3A_354 = arith.addi %iota3A, %add3A_353 : vector<16xi32>
        %gather3A_355 = tpu.vector_load_idx %arg11[%get3A_347, %add3A_354] : memref<32x128xf32, #tpu.memory_space<vmem>>[vector<16xi32>, vector<16xi32>], vector<16xf32>,
        tpu.vector_store_idx %arg13[%add3A_354, %get3A_347], %gather3A_355 : memref<128x32xf32, #tpu.memory_space<vmem>>[vector<16xi32>, vector<16xi32>], vector<16xf32>,
        %add3A_356 = arith.constant 32 : i32
        %add3A_357 = vector.broadcast %add3A_356 : i32 to vector<16xi32>
        %add3A_358 = arith.addi %iota3A, %add3A_357 : vector<16xi32>
        %gather3A_359 = tpu.vector_load_idx %arg11[%get3A_347, %add3A_358] : memref<32x128xf32, #tpu.memory_space<vmem>>[vector<16xi32>, vector<16xi32>], vector<16xf32>,
        tpu.vector_store_idx %arg13[%add3A_358, %get3A_347], %gather3A_359 : memref<128x32xf32, #tpu.memory_space<vmem>>[vector<16xi32>, vector<16xi32>], vector<16xf32>,
        %add3A_360 = arith.constant 48 : i32
        %add3A_361 = vector.broadcast %add3A_360 : i32 to vector<16xi32>
        %add3A_362 = arith.addi %iota3A, %add3A_361 : vector<16xi32>
        %gather3A_363 = tpu.vector_load_idx %arg11[%get3A_347, %add3A_362] : memref<32x128xf32, #tpu.memory_space<vmem>>[vector<16xi32>, vector<16xi32>], vector<16xf32>,
        tpu.vector_store_idx %arg13[%add3A_362, %get3A_347], %gather3A_363 : memref<128x32xf32, #tpu.memory_space<vmem>>[vector<16xi32>, vector<16xi32>], vector<16xf32>,
        %add3A_364 = arith.constant 64 : i32
        %add3A_365 = vector.broadcast %add3A_364 : i32 to vector<16xi32>
        %add3A_366 = arith.addi %iota3A, %add3A_365 : vector<16xi32>
        %gather3A_367 = tpu.vector_load_idx %arg11[%get3A_347, %add3A_366] : memref<32x128xf32, #tpu.memory_space<vmem>>[vector<16xi32>, vector<16xi32>], vector<16xf32>,
        tpu.vector_store_idx %arg13[%add3A_366, %get3A_347], %gather3A_367 : memref<128x32xf32, #tpu.memory_space<vmem>>[vector<16xi32>, vector<16xi32>], vector<16xf32>,
        %add3A_368 = arith.constant 80 : i32
        %add3A_369 = vector.broadcast %add3A_368 : i32 to vector<16xi32>
        %add3A_370 = arith.addi %iota3A, %add3A_369 : vector<16xi32>
        %gather3A_371 = tpu.vector_load_idx %arg11[%get3A_347, %add3A_370] : memref<32x128xf32, #tpu.memory_space<vmem>>[vector<16xi32>, vector<16xi32>], vector<16xf32>,
        tpu.vector_store_idx %arg13[%add3A_370, %get3A_347], %gather3A_371 : memref<128x32xf32, #tpu.memory_space<vmem>>[vector<16xi32>, vector<16xi32>], vector<16xf32>,
        %add3A_372 = arith.constant 96 : i32
        %add3A_373 = vector.broadcast %add3A_372 : i32 to vector<16xi32>
        %add3A_374 = arith.addi %iota3A, %add3A_373 : vector<16xi32>
        %gather3A_375 = tpu.vector_load_idx %arg11[%get3A_347, %add3A_374] : memref<32x128xf32, #tpu.memory_space<vmem>>[vector<16xi32>, vector<16xi32>], vector<16xf32>,
        tpu.vector_store_idx %arg13[%add3A_374, %get3A_347], %gather3A_375 : memref<128x32xf32, #tpu.memory_space<vmem>>[vector<16xi32>, vector<16xi32>], vector<16xf32>,
        %add3A_376 = arith.constant 112 : i32
        %add3A_377 = vector.broadcast %add3A_376 : i32 to vector<16xi32>
        %add3A_378 = arith.addi %iota3A, %add3A_377 : vector<16xi32>
        %gather3A_379 = tpu.vector_load_idx %arg11[%get3A_347, %add3A_378] : memref<32x128xf32, #tpu.memory_space<vmem>>[vector<16xi32>, vector<16xi32>], vector<16xf32>,
        tpu.vector_store_idx %arg13[%add3A_378, %get3A_347], %gather3A_379 : memref<128x32xf32, #tpu.memory_space<vmem>>[vector<16xi32>, vector<16xi32>], vector<16xf32>,
      }
      %scan3A_207 = arith.constant 32 : i32
      %lt3A_208 = arith.constant 121 : i32
      %lt3A_209 = arith.cmpi slt, %add3A_151, %lt3A_208 : i32
      %convert_element_type3A_210 = arith.extui %lt3A_209 : i1 to i32
      %cond3A_211 = arith.constant 0 : i32
      %cond3A_212 = arith.cmpi ne, %convert_element_type3A_210, %cond3A_211 : i32
      scf.if %cond3A_212 {
        %add3A_219 = arith.constant 64 : i32
        %add3A_220 = arith.addi %add3A_191, %add3A_219 : i32
        %mul3A_221 = arith.constant 128 : i32
        %mul3A_222 = arith.muli %add3A_220, %mul3A_221 : i32
        %dma_start3A_223 = arith.constant 0 : i32
        %dma_start3A_224 = tpu.memref_slice %arg3[%dma_start3A_223, %mul3A_222] : memref<32x1000000xf32, #tpu.memory_space<hbm>> -> memref<32x128xf32, #tpu.memory_space<hbm>>
        %dma_start3A_225 = arith.constant 0 : i32
        %dma_start3A_226 = tpu.memref_slice %arg3[%dma_start3A_225, %mul3A_222] : memref<32x1000000xf32, #tpu.memory_space<hbm>> -> memref<32x128xf32, #tpu.memory_space<hbm>>
        tpu.enqueue_dma source(%dma_start3A_226 : memref<32x128xf32, #tpu.memory_space<hbm>>) target(%arg11 : memref<32x128xf32, #tpu.memory_space<vmem>>) target_semaphore(%arg27 : memref<!tpu.dma_semaphore, #tpu.memory_space<semaphore_mem>>)
      } else {
      }
      %mul3A_213 = arith.constant 128 : i32
      %mul3A_214 = arith.muli %add3A_191, %mul3A_213 : i32
      %dma_start3A_215 = arith.constant 0 : i32
      %dma_start3A_216 = tpu.memref_slice %arg6[%mul3A_214, %dma_start3A_215] : memref<1000000x32xf32, #tpu.memory_space<hbm>> -> memref<128x32xf32, #tpu.memory_space<hbm>>
      %dma_start3A_217 = arith.constant 0 : i32
      %dma_start3A_218 = tpu.memref_slice %arg6[%mul3A_214, %dma_start3A_217] : memref<1000000x32xf32, #tpu.memory_space<hbm>> -> memref<128x32xf32, #tpu.memory_space<hbm>>
      tpu.enqueue_dma source(%arg13 : memref<128x32xf32, #tpu.memory_space<vmem>>) target(%dma_start3A_218 : memref<128x32xf32, #tpu.memory_space<hbm>>) target_semaphore(%arg29 : memref<!tpu.dma_semaphore, #tpu.memory_space<semaphore_mem>>)
    }
    %scan3A_26 = arith.constant 122 : i32
    %add3A_27 = arith.constant 7744 : i32
    %add3A_28 = arith.addi %add3A, %add3A_27 : i32
    %mul3A_29 = arith.constant 128 : i32
    %mul3A_30 = arith.muli %add3A_28, %mul3A_29 : i32
    %dma_wait3A = arith.constant 0 : i32
    %dma_wait3A_31 = tpu.memref_slice %arg6[%mul3A_30, %dma_wait3A] : memref<1000000x32xf32, #tpu.memory_space<hbm>> -> memref<128x32xf32, #tpu.memory_space<hbm>>
    %dma_wait3A_32 = arith.constant 0 : i32
    %dma_wait3A_33 = tpu.memref_slice %arg6[%mul3A_30, %dma_wait3A_32] : memref<1000000x32xf32, #tpu.memory_space<hbm>> -> memref<128x32xf32, #tpu.memory_space<hbm>>
    tpu.wait_dma2 semaphore(%arg28 : memref<!tpu.dma_semaphore, #tpu.memory_space<semaphore_mem>>) src(%arg12 : memref<128x32xf32, #tpu.memory_space<vmem>>) dst(%dma_wait3A_33 : memref<128x32xf32, #tpu.memory_space<hbm>>)
    %add3A_34 = arith.constant 7776 : i32
    %add3A_35 = arith.addi %add3A, %add3A_34 : i32
    %mul3A_36 = arith.constant 128 : i32
    %mul3A_37 = arith.muli %add3A_35, %mul3A_36 : i32
    %dma_wait3A_38 = arith.constant 0 : i32
    %dma_wait3A_39 = tpu.memref_slice %arg6[%mul3A_37, %dma_wait3A_38] : memref<1000000x32xf32, #tpu.memory_space<hbm>> -> memref<128x32xf32, #tpu.memory_space<hbm>>
    %dma_wait3A_40 = arith.constant 0 : i32
    %dma_wait3A_41 = tpu.memref_slice %arg6[%mul3A_37, %dma_wait3A_40] : memref<1000000x32xf32, #tpu.memory_space<hbm>> -> memref<128x32xf32, #tpu.memory_space<hbm>>
    tpu.wait_dma2 semaphore(%arg29 : memref<!tpu.dma_semaphore, #tpu.memory_space<semaphore_mem>>) src(%arg13 : memref<128x32xf32, #tpu.memory_space<vmem>>) dst(%dma_wait3A_41 : memref<128x32xf32, #tpu.memory_space<hbm>>)
    %add3A_42 = arith.constant 7808 : i32
    %add3A_43 = arith.addi %add3A, %add3A_42 : i32
    %lt3A = arith.constant 7812 : i32
    %lt3A_44 = arith.cmpi slt, %add3A_43, %lt3A : i32
    %convert_element_type3A_45 = arith.extui %lt3A_44 : i1 to i32
    %cond3A_46 = arith.constant 0 : i32
    %cond3A_47 = arith.cmpi ne, %convert_element_type3A_45, %cond3A_46 : i32
    scf.if %cond3A_47 {
      %mul3A_147 = arith.constant 128 : i32
      %mul3A_148 = arith.muli %add3A_43, %mul3A_147 : i32
      "tpu.region"() ({
        %run_scoped3A_156 = tpu.sem_alloc : memref<!tpu.dma_semaphore, #tpu.memory_space<semaphore_mem>>
        %dma_start3A_157 = arith.constant 0 : i32
        %dma_start3A_158 = tpu.memref_slice %arg3[%dma_start3A_157, %mul3A_148] : memref<32x1000000xf32, #tpu.memory_space<hbm>> -> memref<32x128xf32, #tpu.memory_space<hbm>>
        %dma_start3A_159 = arith.constant 0 : i32
        %dma_start3A_160 = tpu.memref_slice %arg3[%dma_start3A_159, %mul3A_148] : memref<32x1000000xf32, #tpu.memory_space<hbm>> -> memref<32x128xf32, #tpu.memory_space<hbm>>
        tpu.enqueue_dma source(%dma_start3A_160 : memref<32x128xf32, #tpu.memory_space<hbm>>) target(%arg10 : memref<32x128xf32, #tpu.memory_space<vmem>>) target_semaphore(%run_scoped3A_156 : memref<!tpu.dma_semaphore, #tpu.memory_space<semaphore_mem>>)
        %dma_wait3A_161 = arith.constant 0 : i32
        %dma_wait3A_162 = tpu.memref_slice %arg3[%dma_wait3A_161, %mul3A_148] : memref<32x1000000xf32, #tpu.memory_space<hbm>> -> memref<32x128xf32, #tpu.memory_space<hbm>>
        %dma_wait3A_163 = arith.constant 0 : i32
        %dma_wait3A_164 = tpu.memref_slice %arg3[%dma_wait3A_163, %mul3A_148] : memref<32x1000000xf32, #tpu.memory_space<hbm>> -> memref<32x128xf32, #tpu.memory_space<hbm>>
        tpu.wait_dma2 semaphore(%run_scoped3A_156 : memref<!tpu.dma_semaphore, #tpu.memory_space<semaphore_mem>>) src(%dma_wait3A_164 : memref<32x128xf32, #tpu.memory_space<hbm>>) dst(%arg10 : memref<32x128xf32, #tpu.memory_space<vmem>>)
        tpu.yield
      }) : () -> ()
      %scan3A_149 = arith.constant 0 : i32
      %scan3A_150 = arith.constant 32 : i32
      %scan3A_151 = arith.addi %scan3A_149, %scan3A_150 : i32
      %scan3A_152 = arith.constant 4 : i32
      scf.for %scan3A_156 = %scan3A_149 to %scan3A_151 step %scan3A_152  : i32 {
        %mul3A_157 = arith.constant 1 : i32
        %mul3A_158 = arith.muli %scan3A_156, %mul3A_157 : i32
        %add3A_159 = arith.constant 0 : i32
        %add3A_160 = arith.addi %add3A_159, %mul3A_158 : i32
        %get3A = arith.index_cast %add3A_160 : i32 to index
        %get3A_161 = arith.constant 0 : index
        %get3A_162 = tpu.vector_load %arg8[%get3A, %get3A_161] {strides = array<i32>} : memref<32x16xi32, #tpu.memory_space<vmem>>, vector<16xi32>,
        %add3A_163 = arith.constant 0 : i32
        %add3A_164 = vector.broadcast %add3A_163 : i32 to vector<16xi32>
        %add3A_165 = arith.addi %iota3A, %add3A_164 : vector<16xi32>
        %gather3A = tpu.vector_load_idx %arg10[%get3A_162, %add3A_165] : memref<32x128xf32, #tpu.memory_space<vmem>>[vector<16xi32>, vector<16xi32>], vector<16xf32>,
        tpu.vector_store_idx %arg12[%add3A_165, %get3A_162], %gather3A : memref<128x32xf32, #tpu.memory_space<vmem>>[vector<16xi32>, vector<16xi32>], vector<16xf32>,
        %add3A_166 = arith.constant 16 : i32
        %add3A_167 = vector.broadcast %add3A_166 : i32 to vector<16xi32>
        %add3A_168 = arith.addi %iota3A, %add3A_167 : vector<16xi32>
        %gather3A_169 = tpu.vector_load_idx %arg10[%get3A_162, %add3A_168] : memref<32x128xf32, #tpu.memory_space<vmem>>[vector<16xi32>, vector<16xi32>], vector<16xf32>,
        tpu.vector_store_idx %arg12[%add3A_168, %get3A_162], %gather3A_169 : memref<128x32xf32, #tpu.memory_space<vmem>>[vector<16xi32>, vector<16xi32>], vector<16xf32>,
        %add3A_170 = arith.constant 32 : i32
        %add3A_171 = vector.broadcast %add3A_170 : i32 to vector<16xi32>
        %add3A_172 = arith.addi %iota3A, %add3A_171 : vector<16xi32>
        %gather3A_173 = tpu.vector_load_idx %arg10[%get3A_162, %add3A_172] : memref<32x128xf32, #tpu.memory_space<vmem>>[vector<16xi32>, vector<16xi32>], vector<16xf32>,
        tpu.vector_store_idx %arg12[%add3A_172, %get3A_162], %gather3A_173 : memref<128x32xf32, #tpu.memory_space<vmem>>[vector<16xi32>, vector<16xi32>], vector<16xf32>,
        %add3A_174 = arith.constant 48 : i32
        %add3A_175 = vector.broadcast %add3A_174 : i32 to vector<16xi32>
        %add3A_176 = arith.addi %iota3A, %add3A_175 : vector<16xi32>
        %gather3A_177 = tpu.vector_load_idx %arg10[%get3A_162, %add3A_176] : memref<32x128xf32, #tpu.memory_space<vmem>>[vector<16xi32>, vector<16xi32>], vector<16xf32>,
        tpu.vector_store_idx %arg12[%add3A_176, %get3A_162], %gather3A_177 : memref<128x32xf32, #tpu.memory_space<vmem>>[vector<16xi32>, vector<16xi32>], vector<16xf32>,
        %add3A_178 = arith.constant 64 : i32
        %add3A_179 = vector.broadcast %add3A_178 : i32 to vector<16xi32>
        %add3A_180 = arith.addi %iota3A, %add3A_179 : vector<16xi32>
        %gather3A_181 = tpu.vector_load_idx %arg10[%get3A_162, %add3A_180] : memref<32x128xf32, #tpu.memory_space<vmem>>[vector<16xi32>, vector<16xi32>], vector<16xf32>,
        tpu.vector_store_idx %arg12[%add3A_180, %get3A_162], %gather3A_181 : memref<128x32xf32, #tpu.memory_space<vmem>>[vector<16xi32>, vector<16xi32>], vector<16xf32>,
        %add3A_182 = arith.constant 80 : i32
        %add3A_183 = vector.broadcast %add3A_182 : i32 to vector<16xi32>
        %add3A_184 = arith.addi %iota3A, %add3A_183 : vector<16xi32>
        %gather3A_185 = tpu.vector_load_idx %arg10[%get3A_162, %add3A_184] : memref<32x128xf32, #tpu.memory_space<vmem>>[vector<16xi32>, vector<16xi32>], vector<16xf32>,
        tpu.vector_store_idx %arg12[%add3A_184, %get3A_162], %gather3A_185 : memref<128x32xf32, #tpu.memory_space<vmem>>[vector<16xi32>, vector<16xi32>], vector<16xf32>,
        %add3A_186 = arith.constant 96 : i32
        %add3A_187 = vector.broadcast %add3A_186 : i32 to vector<16xi32>
        %add3A_188 = arith.addi %iota3A, %add3A_187 : vector<16xi32>
        %gather3A_189 = tpu.vector_load_idx %arg10[%get3A_162, %add3A_188] : memref<32x128xf32, #tpu.memory_space<vmem>>[vector<16xi32>, vector<16xi32>], vector<16xf32>,
        tpu.vector_store_idx %arg12[%add3A_188, %get3A_162], %gather3A_189 : memref<128x32xf32, #tpu.memory_space<vmem>>[vector<16xi32>, vector<16xi32>], vector<16xf32>,
        %add3A_190 = arith.constant 112 : i32
        %add3A_191 = vector.broadcast %add3A_190 : i32 to vector<16xi32>
        %add3A_192 = arith.addi %iota3A, %add3A_191 : vector<16xi32>
        %gather3A_193 = tpu.vector_load_idx %arg10[%get3A_162, %add3A_192] : memref<32x128xf32, #tpu.memory_space<vmem>>[vector<16xi32>, vector<16xi32>], vector<16xf32>,
        tpu.vector_store_idx %arg12[%add3A_192, %get3A_162], %gather3A_193 : memref<128x32xf32, #tpu.memory_space<vmem>>[vector<16xi32>, vector<16xi32>], vector<16xf32>,
        %scan3A_194 = arith.constant 1 : i32
        %scan3A_195 = arith.addi %scan3A_156, %scan3A_194 : i32
        %mul3A_196 = arith.constant 1 : i32
        %mul3A_197 = arith.muli %scan3A_195, %mul3A_196 : i32
        %add3A_198 = arith.constant 0 : i32
        %add3A_199 = arith.addi %add3A_198, %mul3A_197 : i32
        %get3A_200 = arith.index_cast %add3A_199 : i32 to index
        %get3A_201 = arith.constant 0 : index
        %get3A_202 = tpu.vector_load %arg8[%get3A_200, %get3A_201] {strides = array<i32>} : memref<32x16xi32, #tpu.memory_space<vmem>>, vector<16xi32>,
        %add3A_203 = arith.constant 0 : i32
        %add3A_204 = vector.broadcast %add3A_203 : i32 to vector<16xi32>
        %add3A_205 = arith.addi %iota3A, %add3A_204 : vector<16xi32>
        %gather3A_206 = tpu.vector_load_idx %arg10[%get3A_202, %add3A_205] : memref<32x128xf32, #tpu.memory_space<vmem>>[vector<16xi32>, vector<16xi32>], vector<16xf32>,
        tpu.vector_store_idx %arg12[%add3A_205, %get3A_202], %gather3A_206 : memref<128x32xf32, #tpu.memory_space<vmem>>[vector<16xi32>, vector<16xi32>], vector<16xf32>,
        %add3A_207 = arith.constant 16 : i32
        %add3A_208 = vector.broadcast %add3A_207 : i32 to vector<16xi32>
        %add3A_209 = arith.addi %iota3A, %add3A_208 : vector<16xi32>
        %gather3A_210 = tpu.vector_load_idx %arg10[%get3A_202, %add3A_209] : memref<32x128xf32, #tpu.memory_space<vmem>>[vector<16xi32>, vector<16xi32>], vector<16xf32>,
        tpu.vector_store_idx %arg12[%add3A_209, %get3A_202], %gather3A_210 : memref<128x32xf32, #tpu.memory_space<vmem>>[vector<16xi32>, vector<16xi32>], vector<16xf32>,
        %add3A_211 = arith.constant 32 : i32
        %add3A_212 = vector.broadcast %add3A_211 : i32 to vector<16xi32>
        %add3A_213 = arith.addi %iota3A, %add3A_212 : vector<16xi32>
        %gather3A_214 = tpu.vector_load_idx %arg10[%get3A_202, %add3A_213] : memref<32x128xf32, #tpu.memory_space<vmem>>[vector<16xi32>, vector<16xi32>], vector<16xf32>,
        tpu.vector_store_idx %arg12[%add3A_213, %get3A_202], %gather3A_214 : memref<128x32xf32, #tpu.memory_space<vmem>>[vector<16xi32>, vector<16xi32>], vector<16xf32>,
        %add3A_215 = arith.constant 48 : i32
        %add3A_216 = vector.broadcast %add3A_215 : i32 to vector<16xi32>
        %add3A_217 = arith.addi %iota3A, %add3A_216 : vector<16xi32>
        %gather3A_218 = tpu.vector_load_idx %arg10[%get3A_202, %add3A_217] : memref<32x128xf32, #tpu.memory_space<vmem>>[vector<16xi32>, vector<16xi32>], vector<16xf32>,
        tpu.vector_store_idx %arg12[%add3A_217, %get3A_202], %gather3A_218 : memref<128x32xf32, #tpu.memory_space<vmem>>[vector<16xi32>, vector<16xi32>], vector<16xf32>,
        %add3A_219 = arith.constant 64 : i32
        %add3A_220 = vector.broadcast %add3A_219 : i32 to vector<16xi32>
        %add3A_221 = arith.addi %iota3A, %add3A_220 : vector<16xi32>
        %gather3A_222 = tpu.vector_load_idx %arg10[%get3A_202, %add3A_221] : memref<32x128xf32, #tpu.memory_space<vmem>>[vector<16xi32>, vector<16xi32>], vector<16xf32>,
        tpu.vector_store_idx %arg12[%add3A_221, %get3A_202], %gather3A_222 : memref<128x32xf32, #tpu.memory_space<vmem>>[vector<16xi32>, vector<16xi32>], vector<16xf32>,
        %add3A_223 = arith.constant 80 : i32
        %add3A_224 = vector.broadcast %add3A_223 : i32 to vector<16xi32>
        %add3A_225 = arith.addi %iota3A, %add3A_224 : vector<16xi32>
        %gather3A_226 = tpu.vector_load_idx %arg10[%get3A_202, %add3A_225] : memref<32x128xf32, #tpu.memory_space<vmem>>[vector<16xi32>, vector<16xi32>], vector<16xf32>,
        tpu.vector_store_idx %arg12[%add3A_225, %get3A_202], %gather3A_226 : memref<128x32xf32, #tpu.memory_space<vmem>>[vector<16xi32>, vector<16xi32>], vector<16xf32>,
        %add3A_227 = arith.constant 96 : i32
        %add3A_228 = vector.broadcast %add3A_227 : i32 to vector<16xi32>
        %add3A_229 = arith.addi %iota3A, %add3A_228 : vector<16xi32>
        %gather3A_230 = tpu.vector_load_idx %arg10[%get3A_202, %add3A_229] : memref<32x128xf32, #tpu.memory_space<vmem>>[vector<16xi32>, vector<16xi32>], vector<16xf32>,
        tpu.vector_store_idx %arg12[%add3A_229, %get3A_202], %gather3A_230 : memref<128x32xf32, #tpu.memory_space<vmem>>[vector<16xi32>, vector<16xi32>], vector<16xf32>,
        %add3A_231 = arith.constant 112 : i32
        %add3A_232 = vector.broadcast %add3A_231 : i32 to vector<16xi32>
        %add3A_233 = arith.addi %iota3A, %add3A_232 : vector<16xi32>
        %gather3A_234 = tpu.vector_load_idx %arg10[%get3A_202, %add3A_233] : memref<32x128xf32, #tpu.memory_space<vmem>>[vector<16xi32>, vector<16xi32>], vector<16xf32>,
        tpu.vector_store_idx %arg12[%add3A_233, %get3A_202], %gather3A_234 : memref<128x32xf32, #tpu.memory_space<vmem>>[vector<16xi32>, vector<16xi32>], vector<16xf32>,
        %scan3A_235 = arith.constant 2 : i32
        %scan3A_236 = arith.addi %scan3A_156, %scan3A_235 : i32
        %mul3A_237 = arith.constant 1 : i32
        %mul3A_238 = arith.muli %scan3A_236, %mul3A_237 : i32
        %add3A_239 = arith.constant 0 : i32
        %add3A_240 = arith.addi %add3A_239, %mul3A_238 : i32
        %get3A_241 = arith.index_cast %add3A_240 : i32 to index
        %get3A_242 = arith.constant 0 : index
        %get3A_243 = tpu.vector_load %arg8[%get3A_241, %get3A_242] {strides = array<i32>} : memref<32x16xi32, #tpu.memory_space<vmem>>, vector<16xi32>,
        %add3A_244 = arith.constant 0 : i32
        %add3A_245 = vector.broadcast %add3A_244 : i32 to vector<16xi32>
        %add3A_246 = arith.addi %iota3A, %add3A_245 : vector<16xi32>
        %gather3A_247 = tpu.vector_load_idx %arg10[%get3A_243, %add3A_246] : memref<32x128xf32, #tpu.memory_space<vmem>>[vector<16xi32>, vector<16xi32>], vector<16xf32>,
        tpu.vector_store_idx %arg12[%add3A_246, %get3A_243], %gather3A_247 : memref<128x32xf32, #tpu.memory_space<vmem>>[vector<16xi32>, vector<16xi32>], vector<16xf32>,
        %add3A_248 = arith.constant 16 : i32
        %add3A_249 = vector.broadcast %add3A_248 : i32 to vector<16xi32>
        %add3A_250 = arith.addi %iota3A, %add3A_249 : vector<16xi32>
        %gather3A_251 = tpu.vector_load_idx %arg10[%get3A_243, %add3A_250] : memref<32x128xf32, #tpu.memory_space<vmem>>[vector<16xi32>, vector<16xi32>], vector<16xf32>,
        tpu.vector_store_idx %arg12[%add3A_250, %get3A_243], %gather3A_251 : memref<128x32xf32, #tpu.memory_space<vmem>>[vector<16xi32>, vector<16xi32>], vector<16xf32>,
        %add3A_252 = arith.constant 32 : i32
        %add3A_253 = vector.broadcast %add3A_252 : i32 to vector<16xi32>
        %add3A_254 = arith.addi %iota3A, %add3A_253 : vector<16xi32>
        %gather3A_255 = tpu.vector_load_idx %arg10[%get3A_243, %add3A_254] : memref<32x128xf32, #tpu.memory_space<vmem>>[vector<16xi32>, vector<16xi32>], vector<16xf32>,
        tpu.vector_store_idx %arg12[%add3A_254, %get3A_243], %gather3A_255 : memref<128x32xf32, #tpu.memory_space<vmem>>[vector<16xi32>, vector<16xi32>], vector<16xf32>,
        %add3A_256 = arith.constant 48 : i32
        %add3A_257 = vector.broadcast %add3A_256 : i32 to vector<16xi32>
        %add3A_258 = arith.addi %iota3A, %add3A_257 : vector<16xi32>
        %gather3A_259 = tpu.vector_load_idx %arg10[%get3A_243, %add3A_258] : memref<32x128xf32, #tpu.memory_space<vmem>>[vector<16xi32>, vector<16xi32>], vector<16xf32>,
        tpu.vector_store_idx %arg12[%add3A_258, %get3A_243], %gather3A_259 : memref<128x32xf32, #tpu.memory_space<vmem>>[vector<16xi32>, vector<16xi32>], vector<16xf32>,
        %add3A_260 = arith.constant 64 : i32
        %add3A_261 = vector.broadcast %add3A_260 : i32 to vector<16xi32>
        %add3A_262 = arith.addi %iota3A, %add3A_261 : vector<16xi32>
        %gather3A_263 = tpu.vector_load_idx %arg10[%get3A_243, %add3A_262] : memref<32x128xf32, #tpu.memory_space<vmem>>[vector<16xi32>, vector<16xi32>], vector<16xf32>,
        tpu.vector_store_idx %arg12[%add3A_262, %get3A_243], %gather3A_263 : memref<128x32xf32, #tpu.memory_space<vmem>>[vector<16xi32>, vector<16xi32>], vector<16xf32>,
        %add3A_264 = arith.constant 80 : i32
        %add3A_265 = vector.broadcast %add3A_264 : i32 to vector<16xi32>
        %add3A_266 = arith.addi %iota3A, %add3A_265 : vector<16xi32>
        %gather3A_267 = tpu.vector_load_idx %arg10[%get3A_243, %add3A_266] : memref<32x128xf32, #tpu.memory_space<vmem>>[vector<16xi32>, vector<16xi32>], vector<16xf32>,
        tpu.vector_store_idx %arg12[%add3A_266, %get3A_243], %gather3A_267 : memref<128x32xf32, #tpu.memory_space<vmem>>[vector<16xi32>, vector<16xi32>], vector<16xf32>,
        %add3A_268 = arith.constant 96 : i32
        %add3A_269 = vector.broadcast %add3A_268 : i32 to vector<16xi32>
        %add3A_270 = arith.addi %iota3A, %add3A_269 : vector<16xi32>
        %gather3A_271 = tpu.vector_load_idx %arg10[%get3A_243, %add3A_270] : memref<32x128xf32, #tpu.memory_space<vmem>>[vector<16xi32>, vector<16xi32>], vector<16xf32>,
        tpu.vector_store_idx %arg12[%add3A_270, %get3A_243], %gather3A_271 : memref<128x32xf32, #tpu.memory_space<vmem>>[vector<16xi32>, vector<16xi32>], vector<16xf32>,
        %add3A_272 = arith.constant 112 : i32
        %add3A_273 = vector.broadcast %add3A_272 : i32 to vector<16xi32>
        %add3A_274 = arith.addi %iota3A, %add3A_273 : vector<16xi32>
        %gather3A_275 = tpu.vector_load_idx %arg10[%get3A_243, %add3A_274] : memref<32x128xf32, #tpu.memory_space<vmem>>[vector<16xi32>, vector<16xi32>], vector<16xf32>,
        tpu.vector_store_idx %arg12[%add3A_274, %get3A_243], %gather3A_275 : memref<128x32xf32, #tpu.memory_space<vmem>>[vector<16xi32>, vector<16xi32>], vector<16xf32>,
        %scan3A_276 = arith.constant 3 : i32
        %scan3A_277 = arith.addi %scan3A_156, %scan3A_276 : i32
        %mul3A_278 = arith.constant 1 : i32
        %mul3A_279 = arith.muli %scan3A_277, %mul3A_278 : i32
        %add3A_280 = arith.constant 0 : i32
        %add3A_281 = arith.addi %add3A_280, %mul3A_279 : i32
        %get3A_282 = arith.index_cast %add3A_281 : i32 to index
        %get3A_283 = arith.constant 0 : index
        %get3A_284 = tpu.vector_load %arg8[%get3A_282, %get3A_283] {strides = array<i32>} : memref<32x16xi32, #tpu.memory_space<vmem>>, vector<16xi32>,
        %add3A_285 = arith.constant 0 : i32
        %add3A_286 = vector.broadcast %add3A_285 : i32 to vector<16xi32>
        %add3A_287 = arith.addi %iota3A, %add3A_286 : vector<16xi32>
        %gather3A_288 = tpu.vector_load_idx %arg10[%get3A_284, %add3A_287] : memref<32x128xf32, #tpu.memory_space<vmem>>[vector<16xi32>, vector<16xi32>], vector<16xf32>,
        tpu.vector_store_idx %arg12[%add3A_287, %get3A_284], %gather3A_288 : memref<128x32xf32, #tpu.memory_space<vmem>>[vector<16xi32>, vector<16xi32>], vector<16xf32>,
        %add3A_289 = arith.constant 16 : i32
        %add3A_290 = vector.broadcast %add3A_289 : i32 to vector<16xi32>
        %add3A_291 = arith.addi %iota3A, %add3A_290 : vector<16xi32>
        %gather3A_292 = tpu.vector_load_idx %arg10[%get3A_284, %add3A_291] : memref<32x128xf32, #tpu.memory_space<vmem>>[vector<16xi32>, vector<16xi32>], vector<16xf32>,
        tpu.vector_store_idx %arg12[%add3A_291, %get3A_284], %gather3A_292 : memref<128x32xf32, #tpu.memory_space<vmem>>[vector<16xi32>, vector<16xi32>], vector<16xf32>,
        %add3A_293 = arith.constant 32 : i32
        %add3A_294 = vector.broadcast %add3A_293 : i32 to vector<16xi32>
        %add3A_295 = arith.addi %iota3A, %add3A_294 : vector<16xi32>
        %gather3A_296 = tpu.vector_load_idx %arg10[%get3A_284, %add3A_295] : memref<32x128xf32, #tpu.memory_space<vmem>>[vector<16xi32>, vector<16xi32>], vector<16xf32>,
        tpu.vector_store_idx %arg12[%add3A_295, %get3A_284], %gather3A_296 : memref<128x32xf32, #tpu.memory_space<vmem>>[vector<16xi32>, vector<16xi32>], vector<16xf32>,
        %add3A_297 = arith.constant 48 : i32
        %add3A_298 = vector.broadcast %add3A_297 : i32 to vector<16xi32>
        %add3A_299 = arith.addi %iota3A, %add3A_298 : vector<16xi32>
        %gather3A_300 = tpu.vector_load_idx %arg10[%get3A_284, %add3A_299] : memref<32x128xf32, #tpu.memory_space<vmem>>[vector<16xi32>, vector<16xi32>], vector<16xf32>,
        tpu.vector_store_idx %arg12[%add3A_299, %get3A_284], %gather3A_300 : memref<128x32xf32, #tpu.memory_space<vmem>>[vector<16xi32>, vector<16xi32>], vector<16xf32>,
        %add3A_301 = arith.constant 64 : i32
        %add3A_302 = vector.broadcast %add3A_301 : i32 to vector<16xi32>
        %add3A_303 = arith.addi %iota3A, %add3A_302 : vector<16xi32>
        %gather3A_304 = tpu.vector_load_idx %arg10[%get3A_284, %add3A_303] : memref<32x128xf32, #tpu.memory_space<vmem>>[vector<16xi32>, vector<16xi32>], vector<16xf32>,
        tpu.vector_store_idx %arg12[%add3A_303, %get3A_284], %gather3A_304 : memref<128x32xf32, #tpu.memory_space<vmem>>[vector<16xi32>, vector<16xi32>], vector<16xf32>,
        %add3A_305 = arith.constant 80 : i32
        %add3A_306 = vector.broadcast %add3A_305 : i32 to vector<16xi32>
        %add3A_307 = arith.addi %iota3A, %add3A_306 : vector<16xi32>
        %gather3A_308 = tpu.vector_load_idx %arg10[%get3A_284, %add3A_307] : memref<32x128xf32, #tpu.memory_space<vmem>>[vector<16xi32>, vector<16xi32>], vector<16xf32>,
        tpu.vector_store_idx %arg12[%add3A_307, %get3A_284], %gather3A_308 : memref<128x32xf32, #tpu.memory_space<vmem>>[vector<16xi32>, vector<16xi32>], vector<16xf32>,
        %add3A_309 = arith.constant 96 : i32
        %add3A_310 = vector.broadcast %add3A_309 : i32 to vector<16xi32>
        %add3A_311 = arith.addi %iota3A, %add3A_310 : vector<16xi32>
        %gather3A_312 = tpu.vector_load_idx %arg10[%get3A_284, %add3A_311] : memref<32x128xf32, #tpu.memory_space<vmem>>[vector<16xi32>, vector<16xi32>], vector<16xf32>,
        tpu.vector_store_idx %arg12[%add3A_311, %get3A_284], %gather3A_312 : memref<128x32xf32, #tpu.memory_space<vmem>>[vector<16xi32>, vector<16xi32>], vector<16xf32>,
        %add3A_313 = arith.constant 112 : i32
        %add3A_314 = vector.broadcast %add3A_313 : i32 to vector<16xi32>
        %add3A_315 = arith.addi %iota3A, %add3A_314 : vector<16xi32>
        %gather3A_316 = tpu.vector_load_idx %arg10[%get3A_284, %add3A_315] : memref<32x128xf32, #tpu.memory_space<vmem>>[vector<16xi32>, vector<16xi32>], vector<16xf32>,
        tpu.vector_store_idx %arg12[%add3A_315, %get3A_284], %gather3A_316 : memref<128x32xf32, #tpu.memory_space<vmem>>[vector<16xi32>, vector<16xi32>], vector<16xf32>,
      }
      %scan3A_153 = arith.constant 32 : i32
      %mul3A_154 = arith.constant 128 : i32
      %mul3A_155 = arith.muli %add3A_43, %mul3A_154 : i32
      "tpu.region"() ({
        %run_scoped3A_156 = tpu.sem_alloc : memref<!tpu.dma_semaphore, #tpu.memory_space<semaphore_mem>>
        %dma_start3A_157 = arith.constant 0 : i32
        %dma_start3A_158 = tpu.memref_slice %arg6[%mul3A_155, %dma_start3A_157] : memref<1000000x32xf32, #tpu.memory_space<hbm>> -> memref<128x32xf32, #tpu.memory_space<hbm>>
        %dma_start3A_159 = arith.constant 0 : i32
        %dma_start3A_160 = tpu.memref_slice %arg6[%mul3A_155, %dma_start3A_159] : memref<1000000x32xf32, #tpu.memory_space<hbm>> -> memref<128x32xf32, #tpu.memory_space<hbm>>
        tpu.enqueue_dma source(%arg12 : memref<128x32xf32, #tpu.memory_space<vmem>>) target(%dma_start3A_160 : memref<128x32xf32, #tpu.memory_space<hbm>>) target_semaphore(%run_scoped3A_156 : memref<!tpu.dma_semaphore, #tpu.memory_space<semaphore_mem>>)
        %dma_wait3A_161 = arith.constant 0 : i32
        %dma_wait3A_162 = tpu.memref_slice %arg6[%mul3A_155, %dma_wait3A_161] : memref<1000000x32xf32, #tpu.memory_space<hbm>> -> memref<128x32xf32, #tpu.memory_space<hbm>>
        %dma_wait3A_163 = arith.constant 0 : i32
        %dma_wait3A_164 = tpu.memref_slice %arg6[%mul3A_155, %dma_wait3A_163] : memref<1000000x32xf32, #tpu.memory_space<hbm>> -> memref<128x32xf32, #tpu.memory_space<hbm>>
        tpu.wait_dma2 semaphore(%run_scoped3A_156 : memref<!tpu.dma_semaphore, #tpu.memory_space<semaphore_mem>>) src(%arg12 : memref<128x32xf32, #tpu.memory_space<vmem>>) dst(%dma_wait3A_164 : memref<128x32xf32, #tpu.memory_space<hbm>>)
        tpu.yield
      }) : () -> ()
    } else {
    }
    %eq3A_48 = arith.constant 7812 : i32
    %eq3A_49 = arith.cmpi eq, %add3A_43, %eq3A_48 : i32
    %convert_element_type3A_50 = arith.extui %eq3A_49 : i1 to i32
    %cond3A_51 = arith.constant 0 : i32
    %cond3A_52 = arith.cmpi ne, %convert_element_type3A_50, %cond3A_51 : i32
    scf.if %cond3A_52 {
      "tpu.region"() ({
        %run_scoped3A_1169 = tpu.sem_alloc : memref<!tpu.dma_semaphore, #tpu.memory_space<semaphore_mem>>
        %dma_start3A_1170 = arith.constant 0 : i32
        %dma_start3A_1171 = arith.constant 0 : i32
        %dma_start3A_1172 = tpu.memref_slice %arg10[%dma_start3A_1170, %dma_start3A_1171] : memref<32x128xf32, #tpu.memory_space<vmem>> -> memref<16x128xf32, #tpu.memory_space<vmem>>
        %dma_start3A_1173 = arith.constant 0 : i32
        %dma_start3A_1174 = arith.constant 0 : i32
        %dma_start3A_1175 = tpu.memref_slice %arg10[%dma_start3A_1173, %dma_start3A_1174] : memref<32x128xf32, #tpu.memory_space<vmem>> -> memref<16x128xf32, #tpu.memory_space<vmem>>
        tpu.enqueue_dma source(%arg4 : memref<16x128xf32, #tpu.memory_space<hbm>>) target(%dma_start3A_1175 : memref<16x128xf32, #tpu.memory_space<vmem>>) target_semaphore(%run_scoped3A_1169 : memref<!tpu.dma_semaphore, #tpu.memory_space<semaphore_mem>>)
        %dma_wait3A_1176 = arith.constant 0 : i32
        %dma_wait3A_1177 = arith.constant 0 : i32
        %dma_wait3A_1178 = tpu.memref_slice %arg10[%dma_wait3A_1176, %dma_wait3A_1177] : memref<32x128xf32, #tpu.memory_space<vmem>> -> memref<16x128xf32, #tpu.memory_space<vmem>>
        %dma_wait3A_1179 = arith.constant 0 : i32
        %dma_wait3A_1180 = arith.constant 0 : i32
        %dma_wait3A_1181 = tpu.memref_slice %arg10[%dma_wait3A_1179, %dma_wait3A_1180] : memref<32x128xf32, #tpu.memory_space<vmem>> -> memref<16x128xf32, #tpu.memory_space<vmem>>
        tpu.wait_dma2 semaphore(%run_scoped3A_1169 : memref<!tpu.dma_semaphore, #tpu.memory_space<semaphore_mem>>) src(%arg4 : memref<16x128xf32, #tpu.memory_space<hbm>>) dst(%dma_wait3A_1181 : memref<16x128xf32, #tpu.memory_space<vmem>>)
        tpu.yield
      }) : () -> ()
      %get3A = arith.constant 0 : i32
      %get3A_147 = arith.index_cast %get3A : i32 to index
      %get3A_148 = arith.constant 0 : index
      %get3A_149 = tpu.vector_load %arg10[%get3A_147, %get3A_148] {strides = array<i32>} : memref<32x128xf32, #tpu.memory_space<vmem>>, vector<16xf32>,
      %swap3A = arith.constant 0 : i32
      %swap3A_150 = arith.index_cast %swap3A : i32 to index
      %swap3A_151 = arith.constant 0 : index
      %swap3A_152 = tpu.vector_load %arg12[%swap3A_150, %swap3A_151] {strides = array<i32>} : memref<128x32xf32, #tpu.memory_space<vmem>>, vector<16xf32>,
      tpu.vector_store %arg12[%swap3A_150, %swap3A_151], %get3A_149 {strides = array<i32>} : memref<128x32xf32, #tpu.memory_space<vmem>>, vector<16xf32>,
      %get3A_153 = arith.constant 0 : i32
      %get3A_154 = arith.index_cast %get3A_153 : i32 to index
      %get3A_155 = arith.constant 16 : index
      %get3A_156 = tpu.vector_load %arg10[%get3A_154, %get3A_155] {strides = array<i32>} : memref<32x128xf32, #tpu.memory_space<vmem>>, vector<16xf32>,
      %swap3A_157 = arith.constant 0 : i32
      %swap3A_158 = arith.index_cast %swap3A_157 : i32 to index
      %swap3A_159 = arith.constant 16 : index
      %swap3A_160 = tpu.vector_load %arg12[%swap3A_158, %swap3A_159] {strides = array<i32>} : memref<128x32xf32, #tpu.memory_space<vmem>>, vector<16xf32>,
      tpu.vector_store %arg12[%swap3A_158, %swap3A_159], %get3A_156 {strides = array<i32>} : memref<128x32xf32, #tpu.memory_space<vmem>>, vector<16xf32>,
      %get3A_161 = arith.constant 0 : i32
      %get3A_162 = arith.index_cast %get3A_161 : i32 to index
      %get3A_163 = arith.constant 32 : index
      %get3A_164 = tpu.vector_load %arg10[%get3A_162, %get3A_163] {strides = array<i32>} : memref<32x128xf32, #tpu.memory_space<vmem>>, vector<16xf32>,
      %swap3A_165 = arith.constant 1 : i32
      %swap3A_166 = arith.index_cast %swap3A_165 : i32 to index
      %swap3A_167 = arith.constant 0 : index
      %swap3A_168 = tpu.vector_load %arg12[%swap3A_166, %swap3A_167] {strides = array<i32>} : memref<128x32xf32, #tpu.memory_space<vmem>>, vector<16xf32>,
      tpu.vector_store %arg12[%swap3A_166, %swap3A_167], %get3A_164 {strides = array<i32>} : memref<128x32xf32, #tpu.memory_space<vmem>>, vector<16xf32>,
      %get3A_169 = arith.constant 0 : i32
      %get3A_170 = arith.index_cast %get3A_169 : i32 to index
      %get3A_171 = arith.constant 48 : index
      %get3A_172 = tpu.vector_load %arg10[%get3A_170, %get3A_171] {strides = array<i32>} : memref<32x128xf32, #tpu.memory_space<vmem>>, vector<16xf32>,
      %swap3A_173 = arith.constant 1 : i32
      %swap3A_174 = arith.index_cast %swap3A_173 : i32 to index
      %swap3A_175 = arith.constant 16 : index
      %swap3A_176 = tpu.vector_load %arg12[%swap3A_174, %swap3A_175] {strides = array<i32>} : memref<128x32xf32, #tpu.memory_space<vmem>>, vector<16xf32>,
      tpu.vector_store %arg12[%swap3A_174, %swap3A_175], %get3A_172 {strides = array<i32>} : memref<128x32xf32, #tpu.memory_space<vmem>>, vector<16xf32>,
      %get3A_177 = arith.constant 0 : i32
      %get3A_178 = arith.index_cast %get3A_177 : i32 to index
      %get3A_179 = arith.constant 64 : index
      %get3A_180 = tpu.vector_load %arg10[%get3A_178, %get3A_179] {strides = array<i32>} : memref<32x128xf32, #tpu.memory_space<vmem>>, vector<16xf32>,
      %swap3A_181 = arith.constant 2 : i32
      %swap3A_182 = arith.index_cast %swap3A_181 : i32 to index
      %swap3A_183 = arith.constant 0 : index
      %swap3A_184 = tpu.vector_load %arg12[%swap3A_182, %swap3A_183] {strides = array<i32>} : memref<128x32xf32, #tpu.memory_space<vmem>>, vector<16xf32>,
      tpu.vector_store %arg12[%swap3A_182, %swap3A_183], %get3A_180 {strides = array<i32>} : memref<128x32xf32, #tpu.memory_space<vmem>>, vector<16xf32>,
      %get3A_185 = arith.constant 0 : i32
      %get3A_186 = arith.index_cast %get3A_185 : i32 to index
      %get3A_187 = arith.constant 80 : index
      %get3A_188 = tpu.vector_load %arg10[%get3A_186, %get3A_187] {strides = array<i32>} : memref<32x128xf32, #tpu.memory_space<vmem>>, vector<16xf32>,
      %swap3A_189 = arith.constant 2 : i32
      %swap3A_190 = arith.index_cast %swap3A_189 : i32 to index
      %swap3A_191 = arith.constant 16 : index
      %swap3A_192 = tpu.vector_load %arg12[%swap3A_190, %swap3A_191] {strides = array<i32>} : memref<128x32xf32, #tpu.memory_space<vmem>>, vector<16xf32>,
      tpu.vector_store %arg12[%swap3A_190, %swap3A_191], %get3A_188 {strides = array<i32>} : memref<128x32xf32, #tpu.memory_space<vmem>>, vector<16xf32>,
      %get3A_193 = arith.constant 0 : i32
      %get3A_194 = arith.index_cast %get3A_193 : i32 to index
      %get3A_195 = arith.constant 96 : index
      %get3A_196 = tpu.vector_load %arg10[%get3A_194, %get3A_195] {strides = array<i32>} : memref<32x128xf32, #tpu.memory_space<vmem>>, vector<16xf32>,
      %swap3A_197 = arith.constant 3 : i32
      %swap3A_198 = arith.index_cast %swap3A_197 : i32 to index
      %swap3A_199 = arith.constant 0 : index
      %swap3A_200 = tpu.vector_load %arg12[%swap3A_198, %swap3A_199] {strides = array<i32>} : memref<128x32xf32, #tpu.memory_space<vmem>>, vector<16xf32>,
      tpu.vector_store %arg12[%swap3A_198, %swap3A_199], %get3A_196 {strides = array<i32>} : memref<128x32xf32, #tpu.memory_space<vmem>>, vector<16xf32>,
      %get3A_201 = arith.constant 0 : i32
      %get3A_202 = arith.index_cast %get3A_201 : i32 to index
      %get3A_203 = arith.constant 112 : index
      %get3A_204 = tpu.vector_load %arg10[%get3A_202, %get3A_203] {strides = array<i32>} : memref<32x128xf32, #tpu.memory_space<vmem>>, vector<16xf32>,
      %swap3A_205 = arith.constant 3 : i32
      %swap3A_206 = arith.index_cast %swap3A_205 : i32 to index
      %swap3A_207 = arith.constant 16 : index
      %swap3A_208 = tpu.vector_load %arg12[%swap3A_206, %swap3A_207] {strides = array<i32>} : memref<128x32xf32, #tpu.memory_space<vmem>>, vector<16xf32>,
      tpu.vector_store %arg12[%swap3A_206, %swap3A_207], %get3A_204 {strides = array<i32>} : memref<128x32xf32, #tpu.memory_space<vmem>>, vector<16xf32>,
      %get3A_209 = arith.constant 1 : i32
      %get3A_210 = arith.index_cast %get3A_209 : i32 to index
      %get3A_211 = arith.constant 0 : index
      %get3A_212 = tpu.vector_load %arg10[%get3A_210, %get3A_211] {strides = array<i32>} : memref<32x128xf32, #tpu.memory_space<vmem>>, vector<16xf32>,
      %swap3A_213 = arith.constant 4 : i32
      %swap3A_214 = arith.index_cast %swap3A_213 : i32 to index
      %swap3A_215 = arith.constant 0 : index
      %swap3A_216 = tpu.vector_load %arg12[%swap3A_214, %swap3A_215] {strides = array<i32>} : memref<128x32xf32, #tpu.memory_space<vmem>>, vector<16xf32>,
      tpu.vector_store %arg12[%swap3A_214, %swap3A_215], %get3A_212 {strides = array<i32>} : memref<128x32xf32, #tpu.memory_space<vmem>>, vector<16xf32>,
      %get3A_217 = arith.constant 1 : i32
      %get3A_218 = arith.index_cast %get3A_217 : i32 to index
      %get3A_219 = arith.constant 16 : index
      %get3A_220 = tpu.vector_load %arg10[%get3A_218, %get3A_219] {strides = array<i32>} : memref<32x128xf32, #tpu.memory_space<vmem>>, vector<16xf32>,
      %swap3A_221 = arith.constant 4 : i32
      %swap3A_222 = arith.index_cast %swap3A_221 : i32 to index
      %swap3A_223 = arith.constant 16 : index
      %swap3A_224 = tpu.vector_load %arg12[%swap3A_222, %swap3A_223] {strides = array<i32>} : memref<128x32xf32, #tpu.memory_space<vmem>>, vector<16xf32>,
      tpu.vector_store %arg12[%swap3A_222, %swap3A_223], %get3A_220 {strides = array<i32>} : memref<128x32xf32, #tpu.memory_space<vmem>>, vector<16xf32>,
      %get3A_225 = arith.constant 1 : i32
      %get3A_226 = arith.index_cast %get3A_225 : i32 to index
      %get3A_227 = arith.constant 32 : index
      %get3A_228 = tpu.vector_load %arg10[%get3A_226, %get3A_227] {strides = array<i32>} : memref<32x128xf32, #tpu.memory_space<vmem>>, vector<16xf32>,
      %swap3A_229 = arith.constant 5 : i32
      %swap3A_230 = arith.index_cast %swap3A_229 : i32 to index
      %swap3A_231 = arith.constant 0 : index
      %swap3A_232 = tpu.vector_load %arg12[%swap3A_230, %swap3A_231] {strides = array<i32>} : memref<128x32xf32, #tpu.memory_space<vmem>>, vector<16xf32>,
      tpu.vector_store %arg12[%swap3A_230, %swap3A_231], %get3A_228 {strides = array<i32>} : memref<128x32xf32, #tpu.memory_space<vmem>>, vector<16xf32>,
      %get3A_233 = arith.constant 1 : i32
      %get3A_234 = arith.index_cast %get3A_233 : i32 to index
      %get3A_235 = arith.constant 48 : index
      %get3A_236 = tpu.vector_load %arg10[%get3A_234, %get3A_235] {strides = array<i32>} : memref<32x128xf32, #tpu.memory_space<vmem>>, vector<16xf32>,
      %swap3A_237 = arith.constant 5 : i32
      %swap3A_238 = arith.index_cast %swap3A_237 : i32 to index
      %swap3A_239 = arith.constant 16 : index
      %swap3A_240 = tpu.vector_load %arg12[%swap3A_238, %swap3A_239] {strides = array<i32>} : memref<128x32xf32, #tpu.memory_space<vmem>>, vector<16xf32>,
      tpu.vector_store %arg12[%swap3A_238, %swap3A_239], %get3A_236 {strides = array<i32>} : memref<128x32xf32, #tpu.memory_space<vmem>>, vector<16xf32>,
      %get3A_241 = arith.constant 1 : i32
      %get3A_242 = arith.index_cast %get3A_241 : i32 to index
      %get3A_243 = arith.constant 64 : index
      %get3A_244 = tpu.vector_load %arg10[%get3A_242, %get3A_243] {strides = array<i32>} : memref<32x128xf32, #tpu.memory_space<vmem>>, vector<16xf32>,
      %swap3A_245 = arith.constant 6 : i32
      %swap3A_246 = arith.index_cast %swap3A_245 : i32 to index
      %swap3A_247 = arith.constant 0 : index
      %swap3A_248 = tpu.vector_load %arg12[%swap3A_246, %swap3A_247] {strides = array<i32>} : memref<128x32xf32, #tpu.memory_space<vmem>>, vector<16xf32>,
      tpu.vector_store %arg12[%swap3A_246, %swap3A_247], %get3A_244 {strides = array<i32>} : memref<128x32xf32, #tpu.memory_space<vmem>>, vector<16xf32>,
      %get3A_249 = arith.constant 1 : i32
      %get3A_250 = arith.index_cast %get3A_249 : i32 to index
      %get3A_251 = arith.constant 80 : index
      %get3A_252 = tpu.vector_load %arg10[%get3A_250, %get3A_251] {strides = array<i32>} : memref<32x128xf32, #tpu.memory_space<vmem>>, vector<16xf32>,
      %swap3A_253 = arith.constant 6 : i32
      %swap3A_254 = arith.index_cast %swap3A_253 : i32 to index
      %swap3A_255 = arith.constant 16 : index
      %swap3A_256 = tpu.vector_load %arg12[%swap3A_254, %swap3A_255] {strides = array<i32>} : memref<128x32xf32, #tpu.memory_space<vmem>>, vector<16xf32>,
      tpu.vector_store %arg12[%swap3A_254, %swap3A_255], %get3A_252 {strides = array<i32>} : memref<128x32xf32, #tpu.memory_space<vmem>>, vector<16xf32>,
      %get3A_257 = arith.constant 1 : i32
      %get3A_258 = arith.index_cast %get3A_257 : i32 to index
      %get3A_259 = arith.constant 96 : index
      %get3A_260 = tpu.vector_load %arg10[%get3A_258, %get3A_259] {strides = array<i32>} : memref<32x128xf32, #tpu.memory_space<vmem>>, vector<16xf32>,
      %swap3A_261 = arith.constant 7 : i32
      %swap3A_262 = arith.index_cast %swap3A_261 : i32 to index
      %swap3A_263 = arith.constant 0 : index
      %swap3A_264 = tpu.vector_load %arg12[%swap3A_262, %swap3A_263] {strides = array<i32>} : memref<128x32xf32, #tpu.memory_space<vmem>>, vector<16xf32>,
      tpu.vector_store %arg12[%swap3A_262, %swap3A_263], %get3A_260 {strides = array<i32>} : memref<128x32xf32, #tpu.memory_space<vmem>>, vector<16xf32>,
      %get3A_265 = arith.constant 1 : i32
      %get3A_266 = arith.index_cast %get3A_265 : i32 to index
      %get3A_267 = arith.constant 112 : index
      %get3A_268 = tpu.vector_load %arg10[%get3A_266, %get3A_267] {strides = array<i32>} : memref<32x128xf32, #tpu.memory_space<vmem>>, vector<16xf32>,
      %swap3A_269 = arith.constant 7 : i32
      %swap3A_270 = arith.index_cast %swap3A_269 : i32 to index
      %swap3A_271 = arith.constant 16 : index
      %swap3A_272 = tpu.vector_load %arg12[%swap3A_270, %swap3A_271] {strides = array<i32>} : memref<128x32xf32, #tpu.memory_space<vmem>>, vector<16xf32>,
      tpu.vector_store %arg12[%swap3A_270, %swap3A_271], %get3A_268 {strides = array<i32>} : memref<128x32xf32, #tpu.memory_space<vmem>>, vector<16xf32>,
      %get3A_273 = arith.constant 2 : i32
      %get3A_274 = arith.index_cast %get3A_273 : i32 to index
      %get3A_275 = arith.constant 0 : index
      %get3A_276 = tpu.vector_load %arg10[%get3A_274, %get3A_275] {strides = array<i32>} : memref<32x128xf32, #tpu.memory_space<vmem>>, vector<16xf32>,
      %swap3A_277 = arith.constant 8 : i32
      %swap3A_278 = arith.index_cast %swap3A_277 : i32 to index
      %swap3A_279 = arith.constant 0 : index
      %swap3A_280 = tpu.vector_load %arg12[%swap3A_278, %swap3A_279] {strides = array<i32>} : memref<128x32xf32, #tpu.memory_space<vmem>>, vector<16xf32>,
      tpu.vector_store %arg12[%swap3A_278, %swap3A_279], %get3A_276 {strides = array<i32>} : memref<128x32xf32, #tpu.memory_space<vmem>>, vector<16xf32>,
      %get3A_281 = arith.constant 2 : i32
      %get3A_282 = arith.index_cast %get3A_281 : i32 to index
      %get3A_283 = arith.constant 16 : index
      %get3A_284 = tpu.vector_load %arg10[%get3A_282, %get3A_283] {strides = array<i32>} : memref<32x128xf32, #tpu.memory_space<vmem>>, vector<16xf32>,
      %swap3A_285 = arith.constant 8 : i32
      %swap3A_286 = arith.index_cast %swap3A_285 : i32 to index
      %swap3A_287 = arith.constant 16 : index
      %swap3A_288 = tpu.vector_load %arg12[%swap3A_286, %swap3A_287] {strides = array<i32>} : memref<128x32xf32, #tpu.memory_space<vmem>>, vector<16xf32>,
      tpu.vector_store %arg12[%swap3A_286, %swap3A_287], %get3A_284 {strides = array<i32>} : memref<128x32xf32, #tpu.memory_space<vmem>>, vector<16xf32>,
      %get3A_289 = arith.constant 2 : i32
      %get3A_290 = arith.index_cast %get3A_289 : i32 to index
      %get3A_291 = arith.constant 32 : index
      %get3A_292 = tpu.vector_load %arg10[%get3A_290, %get3A_291] {strides = array<i32>} : memref<32x128xf32, #tpu.memory_space<vmem>>, vector<16xf32>,
      %swap3A_293 = arith.constant 9 : i32
      %swap3A_294 = arith.index_cast %swap3A_293 : i32 to index
      %swap3A_295 = arith.constant 0 : index
      %swap3A_296 = tpu.vector_load %arg12[%swap3A_294, %swap3A_295] {strides = array<i32>} : memref<128x32xf32, #tpu.memory_space<vmem>>, vector<16xf32>,
      tpu.vector_store %arg12[%swap3A_294, %swap3A_295], %get3A_292 {strides = array<i32>} : memref<128x32xf32, #tpu.memory_space<vmem>>, vector<16xf32>,
      %get3A_297 = arith.constant 2 : i32
      %get3A_298 = arith.index_cast %get3A_297 : i32 to index
      %get3A_299 = arith.constant 48 : index
      %get3A_300 = tpu.vector_load %arg10[%get3A_298, %get3A_299] {strides = array<i32>} : memref<32x128xf32, #tpu.memory_space<vmem>>, vector<16xf32>,
      %swap3A_301 = arith.constant 9 : i32
      %swap3A_302 = arith.index_cast %swap3A_301 : i32 to index
      %swap3A_303 = arith.constant 16 : index
      %swap3A_304 = tpu.vector_load %arg12[%swap3A_302, %swap3A_303] {strides = array<i32>} : memref<128x32xf32, #tpu.memory_space<vmem>>, vector<16xf32>,
      tpu.vector_store %arg12[%swap3A_302, %swap3A_303], %get3A_300 {strides = array<i32>} : memref<128x32xf32, #tpu.memory_space<vmem>>, vector<16xf32>,
      %get3A_305 = arith.constant 2 : i32
      %get3A_306 = arith.index_cast %get3A_305 : i32 to index
      %get3A_307 = arith.constant 64 : index
      %get3A_308 = tpu.vector_load %arg10[%get3A_306, %get3A_307] {strides = array<i32>} : memref<32x128xf32, #tpu.memory_space<vmem>>, vector<16xf32>,
      %swap3A_309 = arith.constant 10 : i32
      %swap3A_310 = arith.index_cast %swap3A_309 : i32 to index
      %swap3A_311 = arith.constant 0 : index
      %swap3A_312 = tpu.vector_load %arg12[%swap3A_310, %swap3A_311] {strides = array<i32>} : memref<128x32xf32, #tpu.memory_space<vmem>>, vector<16xf32>,
      tpu.vector_store %arg12[%swap3A_310, %swap3A_311], %get3A_308 {strides = array<i32>} : memref<128x32xf32, #tpu.memory_space<vmem>>, vector<16xf32>,
      %get3A_313 = arith.constant 2 : i32
      %get3A_314 = arith.index_cast %get3A_313 : i32 to index
      %get3A_315 = arith.constant 80 : index
      %get3A_316 = tpu.vector_load %arg10[%get3A_314, %get3A_315] {strides = array<i32>} : memref<32x128xf32, #tpu.memory_space<vmem>>, vector<16xf32>,
      %swap3A_317 = arith.constant 10 : i32
      %swap3A_318 = arith.index_cast %swap3A_317 : i32 to index
      %swap3A_319 = arith.constant 16 : index
      %swap3A_320 = tpu.vector_load %arg12[%swap3A_318, %swap3A_319] {strides = array<i32>} : memref<128x32xf32, #tpu.memory_space<vmem>>, vector<16xf32>,
      tpu.vector_store %arg12[%swap3A_318, %swap3A_319], %get3A_316 {strides = array<i32>} : memref<128x32xf32, #tpu.memory_space<vmem>>, vector<16xf32>,
      %get3A_321 = arith.constant 2 : i32
      %get3A_322 = arith.index_cast %get3A_321 : i32 to index
      %get3A_323 = arith.constant 96 : index
      %get3A_324 = tpu.vector_load %arg10[%get3A_322, %get3A_323] {strides = array<i32>} : memref<32x128xf32, #tpu.memory_space<vmem>>, vector<16xf32>,
      %swap3A_325 = arith.constant 11 : i32
      %swap3A_326 = arith.index_cast %swap3A_325 : i32 to index
      %swap3A_327 = arith.constant 0 : index
      %swap3A_328 = tpu.vector_load %arg12[%swap3A_326, %swap3A_327] {strides = array<i32>} : memref<128x32xf32, #tpu.memory_space<vmem>>, vector<16xf32>,
      tpu.vector_store %arg12[%swap3A_326, %swap3A_327], %get3A_324 {strides = array<i32>} : memref<128x32xf32, #tpu.memory_space<vmem>>, vector<16xf32>,
      %get3A_329 = arith.constant 2 : i32
      %get3A_330 = arith.index_cast %get3A_329 : i32 to index
      %get3A_331 = arith.constant 112 : index
      %get3A_332 = tpu.vector_load %arg10[%get3A_330, %get3A_331] {strides = array<i32>} : memref<32x128xf32, #tpu.memory_space<vmem>>, vector<16xf32>,
      %swap3A_333 = arith.constant 11 : i32
      %swap3A_334 = arith.index_cast %swap3A_333 : i32 to index
      %swap3A_335 = arith.constant 16 : index
      %swap3A_336 = tpu.vector_load %arg12[%swap3A_334, %swap3A_335] {strides = array<i32>} : memref<128x32xf32, #tpu.memory_space<vmem>>, vector<16xf32>,
      tpu.vector_store %arg12[%swap3A_334, %swap3A_335], %get3A_332 {strides = array<i32>} : memref<128x32xf32, #tpu.memory_space<vmem>>, vector<16xf32>,
      %get3A_337 = arith.constant 3 : i32
      %get3A_338 = arith.index_cast %get3A_337 : i32 to index
      %get3A_339 = arith.constant 0 : index
      %get3A_340 = tpu.vector_load %arg10[%get3A_338, %get3A_339] {strides = array<i32>} : memref<32x128xf32, #tpu.memory_space<vmem>>, vector<16xf32>,
      %swap3A_341 = arith.constant 12 : i32
      %swap3A_342 = arith.index_cast %swap3A_341 : i32 to index
      %swap3A_343 = arith.constant 0 : index
      %swap3A_344 = tpu.vector_load %arg12[%swap3A_342, %swap3A_343] {strides = array<i32>} : memref<128x32xf32, #tpu.memory_space<vmem>>, vector<16xf32>,
      tpu.vector_store %arg12[%swap3A_342, %swap3A_343], %get3A_340 {strides = array<i32>} : memref<128x32xf32, #tpu.memory_space<vmem>>, vector<16xf32>,
      %get3A_345 = arith.constant 3 : i32
      %get3A_346 = arith.index_cast %get3A_345 : i32 to index
      %get3A_347 = arith.constant 16 : index
      %get3A_348 = tpu.vector_load %arg10[%get3A_346, %get3A_347] {strides = array<i32>} : memref<32x128xf32, #tpu.memory_space<vmem>>, vector<16xf32>,
      %swap3A_349 = arith.constant 12 : i32
      %swap3A_350 = arith.index_cast %swap3A_349 : i32 to index
      %swap3A_351 = arith.constant 16 : index
      %swap3A_352 = tpu.vector_load %arg12[%swap3A_350, %swap3A_351] {strides = array<i32>} : memref<128x32xf32, #tpu.memory_space<vmem>>, vector<16xf32>,
      tpu.vector_store %arg12[%swap3A_350, %swap3A_351], %get3A_348 {strides = array<i32>} : memref<128x32xf32, #tpu.memory_space<vmem>>, vector<16xf32>,
      %get3A_353 = arith.constant 3 : i32
      %get3A_354 = arith.index_cast %get3A_353 : i32 to index
      %get3A_355 = arith.constant 32 : index
      %get3A_356 = tpu.vector_load %arg10[%get3A_354, %get3A_355] {strides = array<i32>} : memref<32x128xf32, #tpu.memory_space<vmem>>, vector<16xf32>,
      %swap3A_357 = arith.constant 13 : i32
      %swap3A_358 = arith.index_cast %swap3A_357 : i32 to index
      %swap3A_359 = arith.constant 0 : index
      %swap3A_360 = tpu.vector_load %arg12[%swap3A_358, %swap3A_359] {strides = array<i32>} : memref<128x32xf32, #tpu.memory_space<vmem>>, vector<16xf32>,
      tpu.vector_store %arg12[%swap3A_358, %swap3A_359], %get3A_356 {strides = array<i32>} : memref<128x32xf32, #tpu.memory_space<vmem>>, vector<16xf32>,
      %get3A_361 = arith.constant 3 : i32
      %get3A_362 = arith.index_cast %get3A_361 : i32 to index
      %get3A_363 = arith.constant 48 : index
      %get3A_364 = tpu.vector_load %arg10[%get3A_362, %get3A_363] {strides = array<i32>} : memref<32x128xf32, #tpu.memory_space<vmem>>, vector<16xf32>,
      %swap3A_365 = arith.constant 13 : i32
      %swap3A_366 = arith.index_cast %swap3A_365 : i32 to index
      %swap3A_367 = arith.constant 16 : index
      %swap3A_368 = tpu.vector_load %arg12[%swap3A_366, %swap3A_367] {strides = array<i32>} : memref<128x32xf32, #tpu.memory_space<vmem>>, vector<16xf32>,
      tpu.vector_store %arg12[%swap3A_366, %swap3A_367], %get3A_364 {strides = array<i32>} : memref<128x32xf32, #tpu.memory_space<vmem>>, vector<16xf32>,
      %get3A_369 = arith.constant 3 : i32
      %get3A_370 = arith.index_cast %get3A_369 : i32 to index
      %get3A_371 = arith.constant 64 : index
      %get3A_372 = tpu.vector_load %arg10[%get3A_370, %get3A_371] {strides = array<i32>} : memref<32x128xf32, #tpu.memory_space<vmem>>, vector<16xf32>,
      %swap3A_373 = arith.constant 14 : i32
      %swap3A_374 = arith.index_cast %swap3A_373 : i32 to index
      %swap3A_375 = arith.constant 0 : index
      %swap3A_376 = tpu.vector_load %arg12[%swap3A_374, %swap3A_375] {strides = array<i32>} : memref<128x32xf32, #tpu.memory_space<vmem>>, vector<16xf32>,
      tpu.vector_store %arg12[%swap3A_374, %swap3A_375], %get3A_372 {strides = array<i32>} : memref<128x32xf32, #tpu.memory_space<vmem>>, vector<16xf32>,
      %get3A_377 = arith.constant 3 : i32
      %get3A_378 = arith.index_cast %get3A_377 : i32 to index
      %get3A_379 = arith.constant 80 : index
      %get3A_380 = tpu.vector_load %arg10[%get3A_378, %get3A_379] {strides = array<i32>} : memref<32x128xf32, #tpu.memory_space<vmem>>, vector<16xf32>,
      %swap3A_381 = arith.constant 14 : i32
      %swap3A_382 = arith.index_cast %swap3A_381 : i32 to index
      %swap3A_383 = arith.constant 16 : index
      %swap3A_384 = tpu.vector_load %arg12[%swap3A_382, %swap3A_383] {strides = array<i32>} : memref<128x32xf32, #tpu.memory_space<vmem>>, vector<16xf32>,
      tpu.vector_store %arg12[%swap3A_382, %swap3A_383], %get3A_380 {strides = array<i32>} : memref<128x32xf32, #tpu.memory_space<vmem>>, vector<16xf32>,
      %get3A_385 = arith.constant 3 : i32
      %get3A_386 = arith.index_cast %get3A_385 : i32 to index
      %get3A_387 = arith.constant 96 : index
      %get3A_388 = tpu.vector_load %arg10[%get3A_386, %get3A_387] {strides = array<i32>} : memref<32x128xf32, #tpu.memory_space<vmem>>, vector<16xf32>,
      %swap3A_389 = arith.constant 15 : i32
      %swap3A_390 = arith.index_cast %swap3A_389 : i32 to index
      %swap3A_391 = arith.constant 0 : index
      %swap3A_392 = tpu.vector_load %arg12[%swap3A_390, %swap3A_391] {strides = array<i32>} : memref<128x32xf32, #tpu.memory_space<vmem>>, vector<16xf32>,
      tpu.vector_store %arg12[%swap3A_390, %swap3A_391], %get3A_388 {strides = array<i32>} : memref<128x32xf32, #tpu.memory_space<vmem>>, vector<16xf32>,
      %get3A_393 = arith.constant 3 : i32
      %get3A_394 = arith.index_cast %get3A_393 : i32 to index
      %get3A_395 = arith.constant 112 : index
      %get3A_396 = tpu.vector_load %arg10[%get3A_394, %get3A_395] {strides = array<i32>} : memref<32x128xf32, #tpu.memory_space<vmem>>, vector<16xf32>,
      %swap3A_397 = arith.constant 15 : i32
      %swap3A_398 = arith.index_cast %swap3A_397 : i32 to index
      %swap3A_399 = arith.constant 16 : index
      %swap3A_400 = tpu.vector_load %arg12[%swap3A_398, %swap3A_399] {strides = array<i32>} : memref<128x32xf32, #tpu.memory_space<vmem>>, vector<16xf32>,
      tpu.vector_store %arg12[%swap3A_398, %swap3A_399], %get3A_396 {strides = array<i32>} : memref<128x32xf32, #tpu.memory_space<vmem>>, vector<16xf32>,
      %get3A_401 = arith.constant 4 : i32
      %get3A_402 = arith.index_cast %get3A_401 : i32 to index
      %get3A_403 = arith.constant 0 : index
      %get3A_404 = tpu.vector_load %arg10[%get3A_402, %get3A_403] {strides = array<i32>} : memref<32x128xf32, #tpu.memory_space<vmem>>, vector<16xf32>,
      %swap3A_405 = arith.constant 16 : i32
      %swap3A_406 = arith.index_cast %swap3A_405 : i32 to index
      %swap3A_407 = arith.constant 0 : index
      %swap3A_408 = tpu.vector_load %arg12[%swap3A_406, %swap3A_407] {strides = array<i32>} : memref<128x32xf32, #tpu.memory_space<vmem>>, vector<16xf32>,
      tpu.vector_store %arg12[%swap3A_406, %swap3A_407], %get3A_404 {strides = array<i32>} : memref<128x32xf32, #tpu.memory_space<vmem>>, vector<16xf32>,
      %get3A_409 = arith.constant 4 : i32
      %get3A_410 = arith.index_cast %get3A_409 : i32 to index
      %get3A_411 = arith.constant 16 : index
      %get3A_412 = tpu.vector_load %arg10[%get3A_410, %get3A_411] {strides = array<i32>} : memref<32x128xf32, #tpu.memory_space<vmem>>, vector<16xf32>,
      %swap3A_413 = arith.constant 16 : i32
      %swap3A_414 = arith.index_cast %swap3A_413 : i32 to index
      %swap3A_415 = arith.constant 16 : index
      %swap3A_416 = tpu.vector_load %arg12[%swap3A_414, %swap3A_415] {strides = array<i32>} : memref<128x32xf32, #tpu.memory_space<vmem>>, vector<16xf32>,
      tpu.vector_store %arg12[%swap3A_414, %swap3A_415], %get3A_412 {strides = array<i32>} : memref<128x32xf32, #tpu.memory_space<vmem>>, vector<16xf32>,
      %get3A_417 = arith.constant 4 : i32
      %get3A_418 = arith.index_cast %get3A_417 : i32 to index
      %get3A_419 = arith.constant 32 : index
      %get3A_420 = tpu.vector_load %arg10[%get3A_418, %get3A_419] {strides = array<i32>} : memref<32x128xf32, #tpu.memory_space<vmem>>, vector<16xf32>,
      %swap3A_421 = arith.constant 17 : i32
      %swap3A_422 = arith.index_cast %swap3A_421 : i32 to index
      %swap3A_423 = arith.constant 0 : index
      %swap3A_424 = tpu.vector_load %arg12[%swap3A_422, %swap3A_423] {strides = array<i32>} : memref<128x32xf32, #tpu.memory_space<vmem>>, vector<16xf32>,
      tpu.vector_store %arg12[%swap3A_422, %swap3A_423], %get3A_420 {strides = array<i32>} : memref<128x32xf32, #tpu.memory_space<vmem>>, vector<16xf32>,
      %get3A_425 = arith.constant 4 : i32
      %get3A_426 = arith.index_cast %get3A_425 : i32 to index
      %get3A_427 = arith.constant 48 : index
      %get3A_428 = tpu.vector_load %arg10[%get3A_426, %get3A_427] {strides = array<i32>} : memref<32x128xf32, #tpu.memory_space<vmem>>, vector<16xf32>,
      %swap3A_429 = arith.constant 17 : i32
      %swap3A_430 = arith.index_cast %swap3A_429 : i32 to index
      %swap3A_431 = arith.constant 16 : index
      %swap3A_432 = tpu.vector_load %arg12[%swap3A_430, %swap3A_431] {strides = array<i32>} : memref<128x32xf32, #tpu.memory_space<vmem>>, vector<16xf32>,
      tpu.vector_store %arg12[%swap3A_430, %swap3A_431], %get3A_428 {strides = array<i32>} : memref<128x32xf32, #tpu.memory_space<vmem>>, vector<16xf32>,
      %get3A_433 = arith.constant 4 : i32
      %get3A_434 = arith.index_cast %get3A_433 : i32 to index
      %get3A_435 = arith.constant 64 : index
      %get3A_436 = tpu.vector_load %arg10[%get3A_434, %get3A_435] {strides = array<i32>} : memref<32x128xf32, #tpu.memory_space<vmem>>, vector<16xf32>,
      %swap3A_437 = arith.constant 18 : i32
      %swap3A_438 = arith.index_cast %swap3A_437 : i32 to index
      %swap3A_439 = arith.constant 0 : index
      %swap3A_440 = tpu.vector_load %arg12[%swap3A_438, %swap3A_439] {strides = array<i32>} : memref<128x32xf32, #tpu.memory_space<vmem>>, vector<16xf32>,
      tpu.vector_store %arg12[%swap3A_438, %swap3A_439], %get3A_436 {strides = array<i32>} : memref<128x32xf32, #tpu.memory_space<vmem>>, vector<16xf32>,
      %get3A_441 = arith.constant 4 : i32
      %get3A_442 = arith.index_cast %get3A_441 : i32 to index
      %get3A_443 = arith.constant 80 : index
      %get3A_444 = tpu.vector_load %arg10[%get3A_442, %get3A_443] {strides = array<i32>} : memref<32x128xf32, #tpu.memory_space<vmem>>, vector<16xf32>,
      %swap3A_445 = arith.constant 18 : i32
      %swap3A_446 = arith.index_cast %swap3A_445 : i32 to index
      %swap3A_447 = arith.constant 16 : index
      %swap3A_448 = tpu.vector_load %arg12[%swap3A_446, %swap3A_447] {strides = array<i32>} : memref<128x32xf32, #tpu.memory_space<vmem>>, vector<16xf32>,
      tpu.vector_store %arg12[%swap3A_446, %swap3A_447], %get3A_444 {strides = array<i32>} : memref<128x32xf32, #tpu.memory_space<vmem>>, vector<16xf32>,
      %get3A_449 = arith.constant 4 : i32
      %get3A_450 = arith.index_cast %get3A_449 : i32 to index
      %get3A_451 = arith.constant 96 : index
      %get3A_452 = tpu.vector_load %arg10[%get3A_450, %get3A_451] {strides = array<i32>} : memref<32x128xf32, #tpu.memory_space<vmem>>, vector<16xf32>,
      %swap3A_453 = arith.constant 19 : i32
      %swap3A_454 = arith.index_cast %swap3A_453 : i32 to index
      %swap3A_455 = arith.constant 0 : index
      %swap3A_456 = tpu.vector_load %arg12[%swap3A_454, %swap3A_455] {strides = array<i32>} : memref<128x32xf32, #tpu.memory_space<vmem>>, vector<16xf32>,
      tpu.vector_store %arg12[%swap3A_454, %swap3A_455], %get3A_452 {strides = array<i32>} : memref<128x32xf32, #tpu.memory_space<vmem>>, vector<16xf32>,
      %get3A_457 = arith.constant 4 : i32
      %get3A_458 = arith.index_cast %get3A_457 : i32 to index
      %get3A_459 = arith.constant 112 : index
      %get3A_460 = tpu.vector_load %arg10[%get3A_458, %get3A_459] {strides = array<i32>} : memref<32x128xf32, #tpu.memory_space<vmem>>, vector<16xf32>,
      %swap3A_461 = arith.constant 19 : i32
      %swap3A_462 = arith.index_cast %swap3A_461 : i32 to index
      %swap3A_463 = arith.constant 16 : index
      %swap3A_464 = tpu.vector_load %arg12[%swap3A_462, %swap3A_463] {strides = array<i32>} : memref<128x32xf32, #tpu.memory_space<vmem>>, vector<16xf32>,
      tpu.vector_store %arg12[%swap3A_462, %swap3A_463], %get3A_460 {strides = array<i32>} : memref<128x32xf32, #tpu.memory_space<vmem>>, vector<16xf32>,
      %get3A_465 = arith.constant 5 : i32
      %get3A_466 = arith.index_cast %get3A_465 : i32 to index
      %get3A_467 = arith.constant 0 : index
      %get3A_468 = tpu.vector_load %arg10[%get3A_466, %get3A_467] {strides = array<i32>} : memref<32x128xf32, #tpu.memory_space<vmem>>, vector<16xf32>,
      %swap3A_469 = arith.constant 20 : i32
      %swap3A_470 = arith.index_cast %swap3A_469 : i32 to index
      %swap3A_471 = arith.constant 0 : index
      %swap3A_472 = tpu.vector_load %arg12[%swap3A_470, %swap3A_471] {strides = array<i32>} : memref<128x32xf32, #tpu.memory_space<vmem>>, vector<16xf32>,
      tpu.vector_store %arg12[%swap3A_470, %swap3A_471], %get3A_468 {strides = array<i32>} : memref<128x32xf32, #tpu.memory_space<vmem>>, vector<16xf32>,
      %get3A_473 = arith.constant 5 : i32
      %get3A_474 = arith.index_cast %get3A_473 : i32 to index
      %get3A_475 = arith.constant 16 : index
      %get3A_476 = tpu.vector_load %arg10[%get3A_474, %get3A_475] {strides = array<i32>} : memref<32x128xf32, #tpu.memory_space<vmem>>, vector<16xf32>,
      %swap3A_477 = arith.constant 20 : i32
      %swap3A_478 = arith.index_cast %swap3A_477 : i32 to index
      %swap3A_479 = arith.constant 16 : index
      %swap3A_480 = tpu.vector_load %arg12[%swap3A_478, %swap3A_479] {strides = array<i32>} : memref<128x32xf32, #tpu.memory_space<vmem>>, vector<16xf32>,
      tpu.vector_store %arg12[%swap3A_478, %swap3A_479], %get3A_476 {strides = array<i32>} : memref<128x32xf32, #tpu.memory_space<vmem>>, vector<16xf32>,
      %get3A_481 = arith.constant 5 : i32
      %get3A_482 = arith.index_cast %get3A_481 : i32 to index
      %get3A_483 = arith.constant 32 : index
      %get3A_484 = tpu.vector_load %arg10[%get3A_482, %get3A_483] {strides = array<i32>} : memref<32x128xf32, #tpu.memory_space<vmem>>, vector<16xf32>,
      %swap3A_485 = arith.constant 21 : i32
      %swap3A_486 = arith.index_cast %swap3A_485 : i32 to index
      %swap3A_487 = arith.constant 0 : index
      %swap3A_488 = tpu.vector_load %arg12[%swap3A_486, %swap3A_487] {strides = array<i32>} : memref<128x32xf32, #tpu.memory_space<vmem>>, vector<16xf32>,
      tpu.vector_store %arg12[%swap3A_486, %swap3A_487], %get3A_484 {strides = array<i32>} : memref<128x32xf32, #tpu.memory_space<vmem>>, vector<16xf32>,
      %get3A_489 = arith.constant 5 : i32
      %get3A_490 = arith.index_cast %get3A_489 : i32 to index
      %get3A_491 = arith.constant 48 : index
      %get3A_492 = tpu.vector_load %arg10[%get3A_490, %get3A_491] {strides = array<i32>} : memref<32x128xf32, #tpu.memory_space<vmem>>, vector<16xf32>,
      %swap3A_493 = arith.constant 21 : i32
      %swap3A_494 = arith.index_cast %swap3A_493 : i32 to index
      %swap3A_495 = arith.constant 16 : index
      %swap3A_496 = tpu.vector_load %arg12[%swap3A_494, %swap3A_495] {strides = array<i32>} : memref<128x32xf32, #tpu.memory_space<vmem>>, vector<16xf32>,
      tpu.vector_store %arg12[%swap3A_494, %swap3A_495], %get3A_492 {strides = array<i32>} : memref<128x32xf32, #tpu.memory_space<vmem>>, vector<16xf32>,
      %get3A_497 = arith.constant 5 : i32
      %get3A_498 = arith.index_cast %get3A_497 : i32 to index
      %get3A_499 = arith.constant 64 : index
      %get3A_500 = tpu.vector_load %arg10[%get3A_498, %get3A_499] {strides = array<i32>} : memref<32x128xf32, #tpu.memory_space<vmem>>, vector<16xf32>,
      %swap3A_501 = arith.constant 22 : i32
      %swap3A_502 = arith.index_cast %swap3A_501 : i32 to index
      %swap3A_503 = arith.constant 0 : index
      %swap3A_504 = tpu.vector_load %arg12[%swap3A_502, %swap3A_503] {strides = array<i32>} : memref<128x32xf32, #tpu.memory_space<vmem>>, vector<16xf32>,
      tpu.vector_store %arg12[%swap3A_502, %swap3A_503], %get3A_500 {strides = array<i32>} : memref<128x32xf32, #tpu.memory_space<vmem>>, vector<16xf32>,
      %get3A_505 = arith.constant 5 : i32
      %get3A_506 = arith.index_cast %get3A_505 : i32 to index
      %get3A_507 = arith.constant 80 : index
      %get3A_508 = tpu.vector_load %arg10[%get3A_506, %get3A_507] {strides = array<i32>} : memref<32x128xf32, #tpu.memory_space<vmem>>, vector<16xf32>,
      %swap3A_509 = arith.constant 22 : i32
      %swap3A_510 = arith.index_cast %swap3A_509 : i32 to index
      %swap3A_511 = arith.constant 16 : index
      %swap3A_512 = tpu.vector_load %arg12[%swap3A_510, %swap3A_511] {strides = array<i32>} : memref<128x32xf32, #tpu.memory_space<vmem>>, vector<16xf32>,
      tpu.vector_store %arg12[%swap3A_510, %swap3A_511], %get3A_508 {strides = array<i32>} : memref<128x32xf32, #tpu.memory_space<vmem>>, vector<16xf32>,
      %get3A_513 = arith.constant 5 : i32
      %get3A_514 = arith.index_cast %get3A_513 : i32 to index
      %get3A_515 = arith.constant 96 : index
      %get3A_516 = tpu.vector_load %arg10[%get3A_514, %get3A_515] {strides = array<i32>} : memref<32x128xf32, #tpu.memory_space<vmem>>, vector<16xf32>,
      %swap3A_517 = arith.constant 23 : i32
      %swap3A_518 = arith.index_cast %swap3A_517 : i32 to index
      %swap3A_519 = arith.constant 0 : index
      %swap3A_520 = tpu.vector_load %arg12[%swap3A_518, %swap3A_519] {strides = array<i32>} : memref<128x32xf32, #tpu.memory_space<vmem>>, vector<16xf32>,
      tpu.vector_store %arg12[%swap3A_518, %swap3A_519], %get3A_516 {strides = array<i32>} : memref<128x32xf32, #tpu.memory_space<vmem>>, vector<16xf32>,
      %get3A_521 = arith.constant 5 : i32
      %get3A_522 = arith.index_cast %get3A_521 : i32 to index
      %get3A_523 = arith.constant 112 : index
      %get3A_524 = tpu.vector_load %arg10[%get3A_522, %get3A_523] {strides = array<i32>} : memref<32x128xf32, #tpu.memory_space<vmem>>, vector<16xf32>,
      %swap3A_525 = arith.constant 23 : i32
      %swap3A_526 = arith.index_cast %swap3A_525 : i32 to index
      %swap3A_527 = arith.constant 16 : index
      %swap3A_528 = tpu.vector_load %arg12[%swap3A_526, %swap3A_527] {strides = array<i32>} : memref<128x32xf32, #tpu.memory_space<vmem>>, vector<16xf32>,
      tpu.vector_store %arg12[%swap3A_526, %swap3A_527], %get3A_524 {strides = array<i32>} : memref<128x32xf32, #tpu.memory_space<vmem>>, vector<16xf32>,
      %get3A_529 = arith.constant 6 : i32
      %get3A_530 = arith.index_cast %get3A_529 : i32 to index
      %get3A_531 = arith.constant 0 : index
      %get3A_532 = tpu.vector_load %arg10[%get3A_530, %get3A_531] {strides = array<i32>} : memref<32x128xf32, #tpu.memory_space<vmem>>, vector<16xf32>,
      %swap3A_533 = arith.constant 24 : i32
      %swap3A_534 = arith.index_cast %swap3A_533 : i32 to index
      %swap3A_535 = arith.constant 0 : index
      %swap3A_536 = tpu.vector_load %arg12[%swap3A_534, %swap3A_535] {strides = array<i32>} : memref<128x32xf32, #tpu.memory_space<vmem>>, vector<16xf32>,
      tpu.vector_store %arg12[%swap3A_534, %swap3A_535], %get3A_532 {strides = array<i32>} : memref<128x32xf32, #tpu.memory_space<vmem>>, vector<16xf32>,
      %get3A_537 = arith.constant 6 : i32
      %get3A_538 = arith.index_cast %get3A_537 : i32 to index
      %get3A_539 = arith.constant 16 : index
      %get3A_540 = tpu.vector_load %arg10[%get3A_538, %get3A_539] {strides = array<i32>} : memref<32x128xf32, #tpu.memory_space<vmem>>, vector<16xf32>,
      %swap3A_541 = arith.constant 24 : i32
      %swap3A_542 = arith.index_cast %swap3A_541 : i32 to index
      %swap3A_543 = arith.constant 16 : index
      %swap3A_544 = tpu.vector_load %arg12[%swap3A_542, %swap3A_543] {strides = array<i32>} : memref<128x32xf32, #tpu.memory_space<vmem>>, vector<16xf32>,
      tpu.vector_store %arg12[%swap3A_542, %swap3A_543], %get3A_540 {strides = array<i32>} : memref<128x32xf32, #tpu.memory_space<vmem>>, vector<16xf32>,
      %get3A_545 = arith.constant 6 : i32
      %get3A_546 = arith.index_cast %get3A_545 : i32 to index
      %get3A_547 = arith.constant 32 : index
      %get3A_548 = tpu.vector_load %arg10[%get3A_546, %get3A_547] {strides = array<i32>} : memref<32x128xf32, #tpu.memory_space<vmem>>, vector<16xf32>,
      %swap3A_549 = arith.constant 25 : i32
      %swap3A_550 = arith.index_cast %swap3A_549 : i32 to index
      %swap3A_551 = arith.constant 0 : index
      %swap3A_552 = tpu.vector_load %arg12[%swap3A_550, %swap3A_551] {strides = array<i32>} : memref<128x32xf32, #tpu.memory_space<vmem>>, vector<16xf32>,
      tpu.vector_store %arg12[%swap3A_550, %swap3A_551], %get3A_548 {strides = array<i32>} : memref<128x32xf32, #tpu.memory_space<vmem>>, vector<16xf32>,
      %get3A_553 = arith.constant 6 : i32
      %get3A_554 = arith.index_cast %get3A_553 : i32 to index
      %get3A_555 = arith.constant 48 : index
      %get3A_556 = tpu.vector_load %arg10[%get3A_554, %get3A_555] {strides = array<i32>} : memref<32x128xf32, #tpu.memory_space<vmem>>, vector<16xf32>,
      %swap3A_557 = arith.constant 25 : i32
      %swap3A_558 = arith.index_cast %swap3A_557 : i32 to index
      %swap3A_559 = arith.constant 16 : index
      %swap3A_560 = tpu.vector_load %arg12[%swap3A_558, %swap3A_559] {strides = array<i32>} : memref<128x32xf32, #tpu.memory_space<vmem>>, vector<16xf32>,
      tpu.vector_store %arg12[%swap3A_558, %swap3A_559], %get3A_556 {strides = array<i32>} : memref<128x32xf32, #tpu.memory_space<vmem>>, vector<16xf32>,
      %get3A_561 = arith.constant 6 : i32
      %get3A_562 = arith.index_cast %get3A_561 : i32 to index
      %get3A_563 = arith.constant 64 : index
      %get3A_564 = tpu.vector_load %arg10[%get3A_562, %get3A_563] {strides = array<i32>} : memref<32x128xf32, #tpu.memory_space<vmem>>, vector<16xf32>,
      %swap3A_565 = arith.constant 26 : i32
      %swap3A_566 = arith.index_cast %swap3A_565 : i32 to index
      %swap3A_567 = arith.constant 0 : index
      %swap3A_568 = tpu.vector_load %arg12[%swap3A_566, %swap3A_567] {strides = array<i32>} : memref<128x32xf32, #tpu.memory_space<vmem>>, vector<16xf32>,
      tpu.vector_store %arg12[%swap3A_566, %swap3A_567], %get3A_564 {strides = array<i32>} : memref<128x32xf32, #tpu.memory_space<vmem>>, vector<16xf32>,
      %get3A_569 = arith.constant 6 : i32
      %get3A_570 = arith.index_cast %get3A_569 : i32 to index
      %get3A_571 = arith.constant 80 : index
      %get3A_572 = tpu.vector_load %arg10[%get3A_570, %get3A_571] {strides = array<i32>} : memref<32x128xf32, #tpu.memory_space<vmem>>, vector<16xf32>,
      %swap3A_573 = arith.constant 26 : i32
      %swap3A_574 = arith.index_cast %swap3A_573 : i32 to index
      %swap3A_575 = arith.constant 16 : index
      %swap3A_576 = tpu.vector_load %arg12[%swap3A_574, %swap3A_575] {strides = array<i32>} : memref<128x32xf32, #tpu.memory_space<vmem>>, vector<16xf32>,
      tpu.vector_store %arg12[%swap3A_574, %swap3A_575], %get3A_572 {strides = array<i32>} : memref<128x32xf32, #tpu.memory_space<vmem>>, vector<16xf32>,
      %get3A_577 = arith.constant 6 : i32
      %get3A_578 = arith.index_cast %get3A_577 : i32 to index
      %get3A_579 = arith.constant 96 : index
      %get3A_580 = tpu.vector_load %arg10[%get3A_578, %get3A_579] {strides = array<i32>} : memref<32x128xf32, #tpu.memory_space<vmem>>, vector<16xf32>,
      %swap3A_581 = arith.constant 27 : i32
      %swap3A_582 = arith.index_cast %swap3A_581 : i32 to index
      %swap3A_583 = arith.constant 0 : index
      %swap3A_584 = tpu.vector_load %arg12[%swap3A_582, %swap3A_583] {strides = array<i32>} : memref<128x32xf32, #tpu.memory_space<vmem>>, vector<16xf32>,
      tpu.vector_store %arg12[%swap3A_582, %swap3A_583], %get3A_580 {strides = array<i32>} : memref<128x32xf32, #tpu.memory_space<vmem>>, vector<16xf32>,
      %get3A_585 = arith.constant 6 : i32
      %get3A_586 = arith.index_cast %get3A_585 : i32 to index
      %get3A_587 = arith.constant 112 : index
      %get3A_588 = tpu.vector_load %arg10[%get3A_586, %get3A_587] {strides = array<i32>} : memref<32x128xf32, #tpu.memory_space<vmem>>, vector<16xf32>,
      %swap3A_589 = arith.constant 27 : i32
      %swap3A_590 = arith.index_cast %swap3A_589 : i32 to index
      %swap3A_591 = arith.constant 16 : index
      %swap3A_592 = tpu.vector_load %arg12[%swap3A_590, %swap3A_591] {strides = array<i32>} : memref<128x32xf32, #tpu.memory_space<vmem>>, vector<16xf32>,
      tpu.vector_store %arg12[%swap3A_590, %swap3A_591], %get3A_588 {strides = array<i32>} : memref<128x32xf32, #tpu.memory_space<vmem>>, vector<16xf32>,
      %get3A_593 = arith.constant 7 : i32
      %get3A_594 = arith.index_cast %get3A_593 : i32 to index
      %get3A_595 = arith.constant 0 : index
      %get3A_596 = tpu.vector_load %arg10[%get3A_594, %get3A_595] {strides = array<i32>} : memref<32x128xf32, #tpu.memory_space<vmem>>, vector<16xf32>,
      %swap3A_597 = arith.constant 28 : i32
      %swap3A_598 = arith.index_cast %swap3A_597 : i32 to index
      %swap3A_599 = arith.constant 0 : index
      %swap3A_600 = tpu.vector_load %arg12[%swap3A_598, %swap3A_599] {strides = array<i32>} : memref<128x32xf32, #tpu.memory_space<vmem>>, vector<16xf32>,
      tpu.vector_store %arg12[%swap3A_598, %swap3A_599], %get3A_596 {strides = array<i32>} : memref<128x32xf32, #tpu.memory_space<vmem>>, vector<16xf32>,
      %get3A_601 = arith.constant 7 : i32
      %get3A_602 = arith.index_cast %get3A_601 : i32 to index
      %get3A_603 = arith.constant 16 : index
      %get3A_604 = tpu.vector_load %arg10[%get3A_602, %get3A_603] {strides = array<i32>} : memref<32x128xf32, #tpu.memory_space<vmem>>, vector<16xf32>,
      %swap3A_605 = arith.constant 28 : i32
      %swap3A_606 = arith.index_cast %swap3A_605 : i32 to index
      %swap3A_607 = arith.constant 16 : index
      %swap3A_608 = tpu.vector_load %arg12[%swap3A_606, %swap3A_607] {strides = array<i32>} : memref<128x32xf32, #tpu.memory_space<vmem>>, vector<16xf32>,
      tpu.vector_store %arg12[%swap3A_606, %swap3A_607], %get3A_604 {strides = array<i32>} : memref<128x32xf32, #tpu.memory_space<vmem>>, vector<16xf32>,
      %get3A_609 = arith.constant 7 : i32
      %get3A_610 = arith.index_cast %get3A_609 : i32 to index
      %get3A_611 = arith.constant 32 : index
      %get3A_612 = tpu.vector_load %arg10[%get3A_610, %get3A_611] {strides = array<i32>} : memref<32x128xf32, #tpu.memory_space<vmem>>, vector<16xf32>,
      %swap3A_613 = arith.constant 29 : i32
      %swap3A_614 = arith.index_cast %swap3A_613 : i32 to index
      %swap3A_615 = arith.constant 0 : index
      %swap3A_616 = tpu.vector_load %arg12[%swap3A_614, %swap3A_615] {strides = array<i32>} : memref<128x32xf32, #tpu.memory_space<vmem>>, vector<16xf32>,
      tpu.vector_store %arg12[%swap3A_614, %swap3A_615], %get3A_612 {strides = array<i32>} : memref<128x32xf32, #tpu.memory_space<vmem>>, vector<16xf32>,
      %get3A_617 = arith.constant 7 : i32
      %get3A_618 = arith.index_cast %get3A_617 : i32 to index
      %get3A_619 = arith.constant 48 : index
      %get3A_620 = tpu.vector_load %arg10[%get3A_618, %get3A_619] {strides = array<i32>} : memref<32x128xf32, #tpu.memory_space<vmem>>, vector<16xf32>,
      %swap3A_621 = arith.constant 29 : i32
      %swap3A_622 = arith.index_cast %swap3A_621 : i32 to index
      %swap3A_623 = arith.constant 16 : index
      %swap3A_624 = tpu.vector_load %arg12[%swap3A_622, %swap3A_623] {strides = array<i32>} : memref<128x32xf32, #tpu.memory_space<vmem>>, vector<16xf32>,
      tpu.vector_store %arg12[%swap3A_622, %swap3A_623], %get3A_620 {strides = array<i32>} : memref<128x32xf32, #tpu.memory_space<vmem>>, vector<16xf32>,
      %get3A_625 = arith.constant 7 : i32
      %get3A_626 = arith.index_cast %get3A_625 : i32 to index
      %get3A_627 = arith.constant 64 : index
      %get3A_628 = tpu.vector_load %arg10[%get3A_626, %get3A_627] {strides = array<i32>} : memref<32x128xf32, #tpu.memory_space<vmem>>, vector<16xf32>,
      %swap3A_629 = arith.constant 30 : i32
      %swap3A_630 = arith.index_cast %swap3A_629 : i32 to index
      %swap3A_631 = arith.constant 0 : index
      %swap3A_632 = tpu.vector_load %arg12[%swap3A_630, %swap3A_631] {strides = array<i32>} : memref<128x32xf32, #tpu.memory_space<vmem>>, vector<16xf32>,
      tpu.vector_store %arg12[%swap3A_630, %swap3A_631], %get3A_628 {strides = array<i32>} : memref<128x32xf32, #tpu.memory_space<vmem>>, vector<16xf32>,
      %get3A_633 = arith.constant 7 : i32
      %get3A_634 = arith.index_cast %get3A_633 : i32 to index
      %get3A_635 = arith.constant 80 : index
      %get3A_636 = tpu.vector_load %arg10[%get3A_634, %get3A_635] {strides = array<i32>} : memref<32x128xf32, #tpu.memory_space<vmem>>, vector<16xf32>,
      %swap3A_637 = arith.constant 30 : i32
      %swap3A_638 = arith.index_cast %swap3A_637 : i32 to index
      %swap3A_639 = arith.constant 16 : index
      %swap3A_640 = tpu.vector_load %arg12[%swap3A_638, %swap3A_639] {strides = array<i32>} : memref<128x32xf32, #tpu.memory_space<vmem>>, vector<16xf32>,
      tpu.vector_store %arg12[%swap3A_638, %swap3A_639], %get3A_636 {strides = array<i32>} : memref<128x32xf32, #tpu.memory_space<vmem>>, vector<16xf32>,
      %get3A_641 = arith.constant 7 : i32
      %get3A_642 = arith.index_cast %get3A_641 : i32 to index
      %get3A_643 = arith.constant 96 : index
      %get3A_644 = tpu.vector_load %arg10[%get3A_642, %get3A_643] {strides = array<i32>} : memref<32x128xf32, #tpu.memory_space<vmem>>, vector<16xf32>,
      %swap3A_645 = arith.constant 31 : i32
      %swap3A_646 = arith.index_cast %swap3A_645 : i32 to index
      %swap3A_647 = arith.constant 0 : index
      %swap3A_648 = tpu.vector_load %arg12[%swap3A_646, %swap3A_647] {strides = array<i32>} : memref<128x32xf32, #tpu.memory_space<vmem>>, vector<16xf32>,
      tpu.vector_store %arg12[%swap3A_646, %swap3A_647], %get3A_644 {strides = array<i32>} : memref<128x32xf32, #tpu.memory_space<vmem>>, vector<16xf32>,
      %get3A_649 = arith.constant 7 : i32
      %get3A_650 = arith.index_cast %get3A_649 : i32 to index
      %get3A_651 = arith.constant 112 : index
      %get3A_652 = tpu.vector_load %arg10[%get3A_650, %get3A_651] {strides = array<i32>} : memref<32x128xf32, #tpu.memory_space<vmem>>, vector<16xf32>,
      %swap3A_653 = arith.constant 31 : i32
      %swap3A_654 = arith.index_cast %swap3A_653 : i32 to index
      %swap3A_655 = arith.constant 16 : index
      %swap3A_656 = tpu.vector_load %arg12[%swap3A_654, %swap3A_655] {strides = array<i32>} : memref<128x32xf32, #tpu.memory_space<vmem>>, vector<16xf32>,
      tpu.vector_store %arg12[%swap3A_654, %swap3A_655], %get3A_652 {strides = array<i32>} : memref<128x32xf32, #tpu.memory_space<vmem>>, vector<16xf32>,
      %get3A_657 = arith.constant 8 : i32
      %get3A_658 = arith.index_cast %get3A_657 : i32 to index
      %get3A_659 = arith.constant 0 : index
      %get3A_660 = tpu.vector_load %arg10[%get3A_658, %get3A_659] {strides = array<i32>} : memref<32x128xf32, #tpu.memory_space<vmem>>, vector<16xf32>,
      %swap3A_661 = arith.constant 32 : i32
      %swap3A_662 = arith.index_cast %swap3A_661 : i32 to index
      %swap3A_663 = arith.constant 0 : index
      %swap3A_664 = tpu.vector_load %arg12[%swap3A_662, %swap3A_663] {strides = array<i32>} : memref<128x32xf32, #tpu.memory_space<vmem>>, vector<16xf32>,
      tpu.vector_store %arg12[%swap3A_662, %swap3A_663], %get3A_660 {strides = array<i32>} : memref<128x32xf32, #tpu.memory_space<vmem>>, vector<16xf32>,
      %get3A_665 = arith.constant 8 : i32
      %get3A_666 = arith.index_cast %get3A_665 : i32 to index
      %get3A_667 = arith.constant 16 : index
      %get3A_668 = tpu.vector_load %arg10[%get3A_666, %get3A_667] {strides = array<i32>} : memref<32x128xf32, #tpu.memory_space<vmem>>, vector<16xf32>,
      %swap3A_669 = arith.constant 32 : i32
      %swap3A_670 = arith.index_cast %swap3A_669 : i32 to index
      %swap3A_671 = arith.constant 16 : index
      %swap3A_672 = tpu.vector_load %arg12[%swap3A_670, %swap3A_671] {strides = array<i32>} : memref<128x32xf32, #tpu.memory_space<vmem>>, vector<16xf32>,
      tpu.vector_store %arg12[%swap3A_670, %swap3A_671], %get3A_668 {strides = array<i32>} : memref<128x32xf32, #tpu.memory_space<vmem>>, vector<16xf32>,
      %get3A_673 = arith.constant 8 : i32
      %get3A_674 = arith.index_cast %get3A_673 : i32 to index
      %get3A_675 = arith.constant 32 : index
      %get3A_676 = tpu.vector_load %arg10[%get3A_674, %get3A_675] {strides = array<i32>} : memref<32x128xf32, #tpu.memory_space<vmem>>, vector<16xf32>,
      %swap3A_677 = arith.constant 33 : i32
      %swap3A_678 = arith.index_cast %swap3A_677 : i32 to index
      %swap3A_679 = arith.constant 0 : index
      %swap3A_680 = tpu.vector_load %arg12[%swap3A_678, %swap3A_679] {strides = array<i32>} : memref<128x32xf32, #tpu.memory_space<vmem>>, vector<16xf32>,
      tpu.vector_store %arg12[%swap3A_678, %swap3A_679], %get3A_676 {strides = array<i32>} : memref<128x32xf32, #tpu.memory_space<vmem>>, vector<16xf32>,
      %get3A_681 = arith.constant 8 : i32
      %get3A_682 = arith.index_cast %get3A_681 : i32 to index
      %get3A_683 = arith.constant 48 : index
      %get3A_684 = tpu.vector_load %arg10[%get3A_682, %get3A_683] {strides = array<i32>} : memref<32x128xf32, #tpu.memory_space<vmem>>, vector<16xf32>,
      %swap3A_685 = arith.constant 33 : i32
      %swap3A_686 = arith.index_cast %swap3A_685 : i32 to index
      %swap3A_687 = arith.constant 16 : index
      %swap3A_688 = tpu.vector_load %arg12[%swap3A_686, %swap3A_687] {strides = array<i32>} : memref<128x32xf32, #tpu.memory_space<vmem>>, vector<16xf32>,
      tpu.vector_store %arg12[%swap3A_686, %swap3A_687], %get3A_684 {strides = array<i32>} : memref<128x32xf32, #tpu.memory_space<vmem>>, vector<16xf32>,
      %get3A_689 = arith.constant 8 : i32
      %get3A_690 = arith.index_cast %get3A_689 : i32 to index
      %get3A_691 = arith.constant 64 : index
      %get3A_692 = tpu.vector_load %arg10[%get3A_690, %get3A_691] {strides = array<i32>} : memref<32x128xf32, #tpu.memory_space<vmem>>, vector<16xf32>,
      %swap3A_693 = arith.constant 34 : i32
      %swap3A_694 = arith.index_cast %swap3A_693 : i32 to index
      %swap3A_695 = arith.constant 0 : index
      %swap3A_696 = tpu.vector_load %arg12[%swap3A_694, %swap3A_695] {strides = array<i32>} : memref<128x32xf32, #tpu.memory_space<vmem>>, vector<16xf32>,
      tpu.vector_store %arg12[%swap3A_694, %swap3A_695], %get3A_692 {strides = array<i32>} : memref<128x32xf32, #tpu.memory_space<vmem>>, vector<16xf32>,
      %get3A_697 = arith.constant 8 : i32
      %get3A_698 = arith.index_cast %get3A_697 : i32 to index
      %get3A_699 = arith.constant 80 : index
      %get3A_700 = tpu.vector_load %arg10[%get3A_698, %get3A_699] {strides = array<i32>} : memref<32x128xf32, #tpu.memory_space<vmem>>, vector<16xf32>,
      %swap3A_701 = arith.constant 34 : i32
      %swap3A_702 = arith.index_cast %swap3A_701 : i32 to index
      %swap3A_703 = arith.constant 16 : index
      %swap3A_704 = tpu.vector_load %arg12[%swap3A_702, %swap3A_703] {strides = array<i32>} : memref<128x32xf32, #tpu.memory_space<vmem>>, vector<16xf32>,
      tpu.vector_store %arg12[%swap3A_702, %swap3A_703], %get3A_700 {strides = array<i32>} : memref<128x32xf32, #tpu.memory_space<vmem>>, vector<16xf32>,
      %get3A_705 = arith.constant 8 : i32
      %get3A_706 = arith.index_cast %get3A_705 : i32 to index
      %get3A_707 = arith.constant 96 : index
      %get3A_708 = tpu.vector_load %arg10[%get3A_706, %get3A_707] {strides = array<i32>} : memref<32x128xf32, #tpu.memory_space<vmem>>, vector<16xf32>,
      %swap3A_709 = arith.constant 35 : i32
      %swap3A_710 = arith.index_cast %swap3A_709 : i32 to index
      %swap3A_711 = arith.constant 0 : index
      %swap3A_712 = tpu.vector_load %arg12[%swap3A_710, %swap3A_711] {strides = array<i32>} : memref<128x32xf32, #tpu.memory_space<vmem>>, vector<16xf32>,
      tpu.vector_store %arg12[%swap3A_710, %swap3A_711], %get3A_708 {strides = array<i32>} : memref<128x32xf32, #tpu.memory_space<vmem>>, vector<16xf32>,
      %get3A_713 = arith.constant 8 : i32
      %get3A_714 = arith.index_cast %get3A_713 : i32 to index
      %get3A_715 = arith.constant 112 : index
      %get3A_716 = tpu.vector_load %arg10[%get3A_714, %get3A_715] {strides = array<i32>} : memref<32x128xf32, #tpu.memory_space<vmem>>, vector<16xf32>,
      %swap3A_717 = arith.constant 35 : i32
      %swap3A_718 = arith.index_cast %swap3A_717 : i32 to index
      %swap3A_719 = arith.constant 16 : index
      %swap3A_720 = tpu.vector_load %arg12[%swap3A_718, %swap3A_719] {strides = array<i32>} : memref<128x32xf32, #tpu.memory_space<vmem>>, vector<16xf32>,
      tpu.vector_store %arg12[%swap3A_718, %swap3A_719], %get3A_716 {strides = array<i32>} : memref<128x32xf32, #tpu.memory_space<vmem>>, vector<16xf32>,
      %get3A_721 = arith.constant 9 : i32
      %get3A_722 = arith.index_cast %get3A_721 : i32 to index
      %get3A_723 = arith.constant 0 : index
      %get3A_724 = tpu.vector_load %arg10[%get3A_722, %get3A_723] {strides = array<i32>} : memref<32x128xf32, #tpu.memory_space<vmem>>, vector<16xf32>,
      %swap3A_725 = arith.constant 36 : i32
      %swap3A_726 = arith.index_cast %swap3A_725 : i32 to index
      %swap3A_727 = arith.constant 0 : index
      %swap3A_728 = tpu.vector_load %arg12[%swap3A_726, %swap3A_727] {strides = array<i32>} : memref<128x32xf32, #tpu.memory_space<vmem>>, vector<16xf32>,
      tpu.vector_store %arg12[%swap3A_726, %swap3A_727], %get3A_724 {strides = array<i32>} : memref<128x32xf32, #tpu.memory_space<vmem>>, vector<16xf32>,
      %get3A_729 = arith.constant 9 : i32
      %get3A_730 = arith.index_cast %get3A_729 : i32 to index
      %get3A_731 = arith.constant 16 : index
      %get3A_732 = tpu.vector_load %arg10[%get3A_730, %get3A_731] {strides = array<i32>} : memref<32x128xf32, #tpu.memory_space<vmem>>, vector<16xf32>,
      %swap3A_733 = arith.constant 36 : i32
      %swap3A_734 = arith.index_cast %swap3A_733 : i32 to index
      %swap3A_735 = arith.constant 16 : index
      %swap3A_736 = tpu.vector_load %arg12[%swap3A_734, %swap3A_735] {strides = array<i32>} : memref<128x32xf32, #tpu.memory_space<vmem>>, vector<16xf32>,
      tpu.vector_store %arg12[%swap3A_734, %swap3A_735], %get3A_732 {strides = array<i32>} : memref<128x32xf32, #tpu.memory_space<vmem>>, vector<16xf32>,
      %get3A_737 = arith.constant 9 : i32
      %get3A_738 = arith.index_cast %get3A_737 : i32 to index
      %get3A_739 = arith.constant 32 : index
      %get3A_740 = tpu.vector_load %arg10[%get3A_738, %get3A_739] {strides = array<i32>} : memref<32x128xf32, #tpu.memory_space<vmem>>, vector<16xf32>,
      %swap3A_741 = arith.constant 37 : i32
      %swap3A_742 = arith.index_cast %swap3A_741 : i32 to index
      %swap3A_743 = arith.constant 0 : index
      %swap3A_744 = tpu.vector_load %arg12[%swap3A_742, %swap3A_743] {strides = array<i32>} : memref<128x32xf32, #tpu.memory_space<vmem>>, vector<16xf32>,
      tpu.vector_store %arg12[%swap3A_742, %swap3A_743], %get3A_740 {strides = array<i32>} : memref<128x32xf32, #tpu.memory_space<vmem>>, vector<16xf32>,
      %get3A_745 = arith.constant 9 : i32
      %get3A_746 = arith.index_cast %get3A_745 : i32 to index
      %get3A_747 = arith.constant 48 : index
      %get3A_748 = tpu.vector_load %arg10[%get3A_746, %get3A_747] {strides = array<i32>} : memref<32x128xf32, #tpu.memory_space<vmem>>, vector<16xf32>,
      %swap3A_749 = arith.constant 37 : i32
      %swap3A_750 = arith.index_cast %swap3A_749 : i32 to index
      %swap3A_751 = arith.constant 16 : index
      %swap3A_752 = tpu.vector_load %arg12[%swap3A_750, %swap3A_751] {strides = array<i32>} : memref<128x32xf32, #tpu.memory_space<vmem>>, vector<16xf32>,
      tpu.vector_store %arg12[%swap3A_750, %swap3A_751], %get3A_748 {strides = array<i32>} : memref<128x32xf32, #tpu.memory_space<vmem>>, vector<16xf32>,
      %get3A_753 = arith.constant 9 : i32
      %get3A_754 = arith.index_cast %get3A_753 : i32 to index
      %get3A_755 = arith.constant 64 : index
      %get3A_756 = tpu.vector_load %arg10[%get3A_754, %get3A_755] {strides = array<i32>} : memref<32x128xf32, #tpu.memory_space<vmem>>, vector<16xf32>,
      %swap3A_757 = arith.constant 38 : i32
      %swap3A_758 = arith.index_cast %swap3A_757 : i32 to index
      %swap3A_759 = arith.constant 0 : index
      %swap3A_760 = tpu.vector_load %arg12[%swap3A_758, %swap3A_759] {strides = array<i32>} : memref<128x32xf32, #tpu.memory_space<vmem>>, vector<16xf32>,
      tpu.vector_store %arg12[%swap3A_758, %swap3A_759], %get3A_756 {strides = array<i32>} : memref<128x32xf32, #tpu.memory_space<vmem>>, vector<16xf32>,
      %get3A_761 = arith.constant 9 : i32
      %get3A_762 = arith.index_cast %get3A_761 : i32 to index
      %get3A_763 = arith.constant 80 : index
      %get3A_764 = tpu.vector_load %arg10[%get3A_762, %get3A_763] {strides = array<i32>} : memref<32x128xf32, #tpu.memory_space<vmem>>, vector<16xf32>,
      %swap3A_765 = arith.constant 38 : i32
      %swap3A_766 = arith.index_cast %swap3A_765 : i32 to index
      %swap3A_767 = arith.constant 16 : index
      %swap3A_768 = tpu.vector_load %arg12[%swap3A_766, %swap3A_767] {strides = array<i32>} : memref<128x32xf32, #tpu.memory_space<vmem>>, vector<16xf32>,
      tpu.vector_store %arg12[%swap3A_766, %swap3A_767], %get3A_764 {strides = array<i32>} : memref<128x32xf32, #tpu.memory_space<vmem>>, vector<16xf32>,
      %get3A_769 = arith.constant 9 : i32
      %get3A_770 = arith.index_cast %get3A_769 : i32 to index
      %get3A_771 = arith.constant 96 : index
      %get3A_772 = tpu.vector_load %arg10[%get3A_770, %get3A_771] {strides = array<i32>} : memref<32x128xf32, #tpu.memory_space<vmem>>, vector<16xf32>,
      %swap3A_773 = arith.constant 39 : i32
      %swap3A_774 = arith.index_cast %swap3A_773 : i32 to index
      %swap3A_775 = arith.constant 0 : index
      %swap3A_776 = tpu.vector_load %arg12[%swap3A_774, %swap3A_775] {strides = array<i32>} : memref<128x32xf32, #tpu.memory_space<vmem>>, vector<16xf32>,
      tpu.vector_store %arg12[%swap3A_774, %swap3A_775], %get3A_772 {strides = array<i32>} : memref<128x32xf32, #tpu.memory_space<vmem>>, vector<16xf32>,
      %get3A_777 = arith.constant 9 : i32
      %get3A_778 = arith.index_cast %get3A_777 : i32 to index
      %get3A_779 = arith.constant 112 : index
      %get3A_780 = tpu.vector_load %arg10[%get3A_778, %get3A_779] {strides = array<i32>} : memref<32x128xf32, #tpu.memory_space<vmem>>, vector<16xf32>,
      %swap3A_781 = arith.constant 39 : i32
      %swap3A_782 = arith.index_cast %swap3A_781 : i32 to index
      %swap3A_783 = arith.constant 16 : index
      %swap3A_784 = tpu.vector_load %arg12[%swap3A_782, %swap3A_783] {strides = array<i32>} : memref<128x32xf32, #tpu.memory_space<vmem>>, vector<16xf32>,
      tpu.vector_store %arg12[%swap3A_782, %swap3A_783], %get3A_780 {strides = array<i32>} : memref<128x32xf32, #tpu.memory_space<vmem>>, vector<16xf32>,
      %get3A_785 = arith.constant 10 : i32
      %get3A_786 = arith.index_cast %get3A_785 : i32 to index
      %get3A_787 = arith.constant 0 : index
      %get3A_788 = tpu.vector_load %arg10[%get3A_786, %get3A_787] {strides = array<i32>} : memref<32x128xf32, #tpu.memory_space<vmem>>, vector<16xf32>,
      %swap3A_789 = arith.constant 40 : i32
      %swap3A_790 = arith.index_cast %swap3A_789 : i32 to index
      %swap3A_791 = arith.constant 0 : index
      %swap3A_792 = tpu.vector_load %arg12[%swap3A_790, %swap3A_791] {strides = array<i32>} : memref<128x32xf32, #tpu.memory_space<vmem>>, vector<16xf32>,
      tpu.vector_store %arg12[%swap3A_790, %swap3A_791], %get3A_788 {strides = array<i32>} : memref<128x32xf32, #tpu.memory_space<vmem>>, vector<16xf32>,
      %get3A_793 = arith.constant 10 : i32
      %get3A_794 = arith.index_cast %get3A_793 : i32 to index
      %get3A_795 = arith.constant 16 : index
      %get3A_796 = tpu.vector_load %arg10[%get3A_794, %get3A_795] {strides = array<i32>} : memref<32x128xf32, #tpu.memory_space<vmem>>, vector<16xf32>,
      %swap3A_797 = arith.constant 40 : i32
      %swap3A_798 = arith.index_cast %swap3A_797 : i32 to index
      %swap3A_799 = arith.constant 16 : index
      %swap3A_800 = tpu.vector_load %arg12[%swap3A_798, %swap3A_799] {strides = array<i32>} : memref<128x32xf32, #tpu.memory_space<vmem>>, vector<16xf32>,
      tpu.vector_store %arg12[%swap3A_798, %swap3A_799], %get3A_796 {strides = array<i32>} : memref<128x32xf32, #tpu.memory_space<vmem>>, vector<16xf32>,
      %get3A_801 = arith.constant 10 : i32
      %get3A_802 = arith.index_cast %get3A_801 : i32 to index
      %get3A_803 = arith.constant 32 : index
      %get3A_804 = tpu.vector_load %arg10[%get3A_802, %get3A_803] {strides = array<i32>} : memref<32x128xf32, #tpu.memory_space<vmem>>, vector<16xf32>,
      %swap3A_805 = arith.constant 41 : i32
      %swap3A_806 = arith.index_cast %swap3A_805 : i32 to index
      %swap3A_807 = arith.constant 0 : index
      %swap3A_808 = tpu.vector_load %arg12[%swap3A_806, %swap3A_807] {strides = array<i32>} : memref<128x32xf32, #tpu.memory_space<vmem>>, vector<16xf32>,
      tpu.vector_store %arg12[%swap3A_806, %swap3A_807], %get3A_804 {strides = array<i32>} : memref<128x32xf32, #tpu.memory_space<vmem>>, vector<16xf32>,
      %get3A_809 = arith.constant 10 : i32
      %get3A_810 = arith.index_cast %get3A_809 : i32 to index
      %get3A_811 = arith.constant 48 : index
      %get3A_812 = tpu.vector_load %arg10[%get3A_810, %get3A_811] {strides = array<i32>} : memref<32x128xf32, #tpu.memory_space<vmem>>, vector<16xf32>,
      %swap3A_813 = arith.constant 41 : i32
      %swap3A_814 = arith.index_cast %swap3A_813 : i32 to index
      %swap3A_815 = arith.constant 16 : index
      %swap3A_816 = tpu.vector_load %arg12[%swap3A_814, %swap3A_815] {strides = array<i32>} : memref<128x32xf32, #tpu.memory_space<vmem>>, vector<16xf32>,
      tpu.vector_store %arg12[%swap3A_814, %swap3A_815], %get3A_812 {strides = array<i32>} : memref<128x32xf32, #tpu.memory_space<vmem>>, vector<16xf32>,
      %get3A_817 = arith.constant 10 : i32
      %get3A_818 = arith.index_cast %get3A_817 : i32 to index
      %get3A_819 = arith.constant 64 : index
      %get3A_820 = tpu.vector_load %arg10[%get3A_818, %get3A_819] {strides = array<i32>} : memref<32x128xf32, #tpu.memory_space<vmem>>, vector<16xf32>,
      %swap3A_821 = arith.constant 42 : i32
      %swap3A_822 = arith.index_cast %swap3A_821 : i32 to index
      %swap3A_823 = arith.constant 0 : index
      %swap3A_824 = tpu.vector_load %arg12[%swap3A_822, %swap3A_823] {strides = array<i32>} : memref<128x32xf32, #tpu.memory_space<vmem>>, vector<16xf32>,
      tpu.vector_store %arg12[%swap3A_822, %swap3A_823], %get3A_820 {strides = array<i32>} : memref<128x32xf32, #tpu.memory_space<vmem>>, vector<16xf32>,
      %get3A_825 = arith.constant 10 : i32
      %get3A_826 = arith.index_cast %get3A_825 : i32 to index
      %get3A_827 = arith.constant 80 : index
      %get3A_828 = tpu.vector_load %arg10[%get3A_826, %get3A_827] {strides = array<i32>} : memref<32x128xf32, #tpu.memory_space<vmem>>, vector<16xf32>,
      %swap3A_829 = arith.constant 42 : i32
      %swap3A_830 = arith.index_cast %swap3A_829 : i32 to index
      %swap3A_831 = arith.constant 16 : index
      %swap3A_832 = tpu.vector_load %arg12[%swap3A_830, %swap3A_831] {strides = array<i32>} : memref<128x32xf32, #tpu.memory_space<vmem>>, vector<16xf32>,
      tpu.vector_store %arg12[%swap3A_830, %swap3A_831], %get3A_828 {strides = array<i32>} : memref<128x32xf32, #tpu.memory_space<vmem>>, vector<16xf32>,
      %get3A_833 = arith.constant 10 : i32
      %get3A_834 = arith.index_cast %get3A_833 : i32 to index
      %get3A_835 = arith.constant 96 : index
      %get3A_836 = tpu.vector_load %arg10[%get3A_834, %get3A_835] {strides = array<i32>} : memref<32x128xf32, #tpu.memory_space<vmem>>, vector<16xf32>,
      %swap3A_837 = arith.constant 43 : i32
      %swap3A_838 = arith.index_cast %swap3A_837 : i32 to index
      %swap3A_839 = arith.constant 0 : index
      %swap3A_840 = tpu.vector_load %arg12[%swap3A_838, %swap3A_839] {strides = array<i32>} : memref<128x32xf32, #tpu.memory_space<vmem>>, vector<16xf32>,
      tpu.vector_store %arg12[%swap3A_838, %swap3A_839], %get3A_836 {strides = array<i32>} : memref<128x32xf32, #tpu.memory_space<vmem>>, vector<16xf32>,
      %get3A_841 = arith.constant 10 : i32
      %get3A_842 = arith.index_cast %get3A_841 : i32 to index
      %get3A_843 = arith.constant 112 : index
      %get3A_844 = tpu.vector_load %arg10[%get3A_842, %get3A_843] {strides = array<i32>} : memref<32x128xf32, #tpu.memory_space<vmem>>, vector<16xf32>,
      %swap3A_845 = arith.constant 43 : i32
      %swap3A_846 = arith.index_cast %swap3A_845 : i32 to index
      %swap3A_847 = arith.constant 16 : index
      %swap3A_848 = tpu.vector_load %arg12[%swap3A_846, %swap3A_847] {strides = array<i32>} : memref<128x32xf32, #tpu.memory_space<vmem>>, vector<16xf32>,
      tpu.vector_store %arg12[%swap3A_846, %swap3A_847], %get3A_844 {strides = array<i32>} : memref<128x32xf32, #tpu.memory_space<vmem>>, vector<16xf32>,
      %get3A_849 = arith.constant 11 : i32
      %get3A_850 = arith.index_cast %get3A_849 : i32 to index
      %get3A_851 = arith.constant 0 : index
      %get3A_852 = tpu.vector_load %arg10[%get3A_850, %get3A_851] {strides = array<i32>} : memref<32x128xf32, #tpu.memory_space<vmem>>, vector<16xf32>,
      %swap3A_853 = arith.constant 44 : i32
      %swap3A_854 = arith.index_cast %swap3A_853 : i32 to index
      %swap3A_855 = arith.constant 0 : index
      %swap3A_856 = tpu.vector_load %arg12[%swap3A_854, %swap3A_855] {strides = array<i32>} : memref<128x32xf32, #tpu.memory_space<vmem>>, vector<16xf32>,
      tpu.vector_store %arg12[%swap3A_854, %swap3A_855], %get3A_852 {strides = array<i32>} : memref<128x32xf32, #tpu.memory_space<vmem>>, vector<16xf32>,
      %get3A_857 = arith.constant 11 : i32
      %get3A_858 = arith.index_cast %get3A_857 : i32 to index
      %get3A_859 = arith.constant 16 : index
      %get3A_860 = tpu.vector_load %arg10[%get3A_858, %get3A_859] {strides = array<i32>} : memref<32x128xf32, #tpu.memory_space<vmem>>, vector<16xf32>,
      %swap3A_861 = arith.constant 44 : i32
      %swap3A_862 = arith.index_cast %swap3A_861 : i32 to index
      %swap3A_863 = arith.constant 16 : index
      %swap3A_864 = tpu.vector_load %arg12[%swap3A_862, %swap3A_863] {strides = array<i32>} : memref<128x32xf32, #tpu.memory_space<vmem>>, vector<16xf32>,
      tpu.vector_store %arg12[%swap3A_862, %swap3A_863], %get3A_860 {strides = array<i32>} : memref<128x32xf32, #tpu.memory_space<vmem>>, vector<16xf32>,
      %get3A_865 = arith.constant 11 : i32
      %get3A_866 = arith.index_cast %get3A_865 : i32 to index
      %get3A_867 = arith.constant 32 : index
      %get3A_868 = tpu.vector_load %arg10[%get3A_866, %get3A_867] {strides = array<i32>} : memref<32x128xf32, #tpu.memory_space<vmem>>, vector<16xf32>,
      %swap3A_869 = arith.constant 45 : i32
      %swap3A_870 = arith.index_cast %swap3A_869 : i32 to index
      %swap3A_871 = arith.constant 0 : index
      %swap3A_872 = tpu.vector_load %arg12[%swap3A_870, %swap3A_871] {strides = array<i32>} : memref<128x32xf32, #tpu.memory_space<vmem>>, vector<16xf32>,
      tpu.vector_store %arg12[%swap3A_870, %swap3A_871], %get3A_868 {strides = array<i32>} : memref<128x32xf32, #tpu.memory_space<vmem>>, vector<16xf32>,
      %get3A_873 = arith.constant 11 : i32
      %get3A_874 = arith.index_cast %get3A_873 : i32 to index
      %get3A_875 = arith.constant 48 : index
      %get3A_876 = tpu.vector_load %arg10[%get3A_874, %get3A_875] {strides = array<i32>} : memref<32x128xf32, #tpu.memory_space<vmem>>, vector<16xf32>,
      %swap3A_877 = arith.constant 45 : i32
      %swap3A_878 = arith.index_cast %swap3A_877 : i32 to index
      %swap3A_879 = arith.constant 16 : index
      %swap3A_880 = tpu.vector_load %arg12[%swap3A_878, %swap3A_879] {strides = array<i32>} : memref<128x32xf32, #tpu.memory_space<vmem>>, vector<16xf32>,
      tpu.vector_store %arg12[%swap3A_878, %swap3A_879], %get3A_876 {strides = array<i32>} : memref<128x32xf32, #tpu.memory_space<vmem>>, vector<16xf32>,
      %get3A_881 = arith.constant 11 : i32
      %get3A_882 = arith.index_cast %get3A_881 : i32 to index
      %get3A_883 = arith.constant 64 : index
      %get3A_884 = tpu.vector_load %arg10[%get3A_882, %get3A_883] {strides = array<i32>} : memref<32x128xf32, #tpu.memory_space<vmem>>, vector<16xf32>,
      %swap3A_885 = arith.constant 46 : i32
      %swap3A_886 = arith.index_cast %swap3A_885 : i32 to index
      %swap3A_887 = arith.constant 0 : index
      %swap3A_888 = tpu.vector_load %arg12[%swap3A_886, %swap3A_887] {strides = array<i32>} : memref<128x32xf32, #tpu.memory_space<vmem>>, vector<16xf32>,
      tpu.vector_store %arg12[%swap3A_886, %swap3A_887], %get3A_884 {strides = array<i32>} : memref<128x32xf32, #tpu.memory_space<vmem>>, vector<16xf32>,
      %get3A_889 = arith.constant 11 : i32
      %get3A_890 = arith.index_cast %get3A_889 : i32 to index
      %get3A_891 = arith.constant 80 : index
      %get3A_892 = tpu.vector_load %arg10[%get3A_890, %get3A_891] {strides = array<i32>} : memref<32x128xf32, #tpu.memory_space<vmem>>, vector<16xf32>,
      %swap3A_893 = arith.constant 46 : i32
      %swap3A_894 = arith.index_cast %swap3A_893 : i32 to index
      %swap3A_895 = arith.constant 16 : index
      %swap3A_896 = tpu.vector_load %arg12[%swap3A_894, %swap3A_895] {strides = array<i32>} : memref<128x32xf32, #tpu.memory_space<vmem>>, vector<16xf32>,
      tpu.vector_store %arg12[%swap3A_894, %swap3A_895], %get3A_892 {strides = array<i32>} : memref<128x32xf32, #tpu.memory_space<vmem>>, vector<16xf32>,
      %get3A_897 = arith.constant 11 : i32
      %get3A_898 = arith.index_cast %get3A_897 : i32 to index
      %get3A_899 = arith.constant 96 : index
      %get3A_900 = tpu.vector_load %arg10[%get3A_898, %get3A_899] {strides = array<i32>} : memref<32x128xf32, #tpu.memory_space<vmem>>, vector<16xf32>,
      %swap3A_901 = arith.constant 47 : i32
      %swap3A_902 = arith.index_cast %swap3A_901 : i32 to index
      %swap3A_903 = arith.constant 0 : index
      %swap3A_904 = tpu.vector_load %arg12[%swap3A_902, %swap3A_903] {strides = array<i32>} : memref<128x32xf32, #tpu.memory_space<vmem>>, vector<16xf32>,
      tpu.vector_store %arg12[%swap3A_902, %swap3A_903], %get3A_900 {strides = array<i32>} : memref<128x32xf32, #tpu.memory_space<vmem>>, vector<16xf32>,
      %get3A_905 = arith.constant 11 : i32
      %get3A_906 = arith.index_cast %get3A_905 : i32 to index
      %get3A_907 = arith.constant 112 : index
      %get3A_908 = tpu.vector_load %arg10[%get3A_906, %get3A_907] {strides = array<i32>} : memref<32x128xf32, #tpu.memory_space<vmem>>, vector<16xf32>,
      %swap3A_909 = arith.constant 47 : i32
      %swap3A_910 = arith.index_cast %swap3A_909 : i32 to index
      %swap3A_911 = arith.constant 16 : index
      %swap3A_912 = tpu.vector_load %arg12[%swap3A_910, %swap3A_911] {strides = array<i32>} : memref<128x32xf32, #tpu.memory_space<vmem>>, vector<16xf32>,
      tpu.vector_store %arg12[%swap3A_910, %swap3A_911], %get3A_908 {strides = array<i32>} : memref<128x32xf32, #tpu.memory_space<vmem>>, vector<16xf32>,
      %get3A_913 = arith.constant 12 : i32
      %get3A_914 = arith.index_cast %get3A_913 : i32 to index
      %get3A_915 = arith.constant 0 : index
      %get3A_916 = tpu.vector_load %arg10[%get3A_914, %get3A_915] {strides = array<i32>} : memref<32x128xf32, #tpu.memory_space<vmem>>, vector<16xf32>,
      %swap3A_917 = arith.constant 48 : i32
      %swap3A_918 = arith.index_cast %swap3A_917 : i32 to index
      %swap3A_919 = arith.constant 0 : index
      %swap3A_920 = tpu.vector_load %arg12[%swap3A_918, %swap3A_919] {strides = array<i32>} : memref<128x32xf32, #tpu.memory_space<vmem>>, vector<16xf32>,
      tpu.vector_store %arg12[%swap3A_918, %swap3A_919], %get3A_916 {strides = array<i32>} : memref<128x32xf32, #tpu.memory_space<vmem>>, vector<16xf32>,
      %get3A_921 = arith.constant 12 : i32
      %get3A_922 = arith.index_cast %get3A_921 : i32 to index
      %get3A_923 = arith.constant 16 : index
      %get3A_924 = tpu.vector_load %arg10[%get3A_922, %get3A_923] {strides = array<i32>} : memref<32x128xf32, #tpu.memory_space<vmem>>, vector<16xf32>,
      %swap3A_925 = arith.constant 48 : i32
      %swap3A_926 = arith.index_cast %swap3A_925 : i32 to index
      %swap3A_927 = arith.constant 16 : index
      %swap3A_928 = tpu.vector_load %arg12[%swap3A_926, %swap3A_927] {strides = array<i32>} : memref<128x32xf32, #tpu.memory_space<vmem>>, vector<16xf32>,
      tpu.vector_store %arg12[%swap3A_926, %swap3A_927], %get3A_924 {strides = array<i32>} : memref<128x32xf32, #tpu.memory_space<vmem>>, vector<16xf32>,
      %get3A_929 = arith.constant 12 : i32
      %get3A_930 = arith.index_cast %get3A_929 : i32 to index
      %get3A_931 = arith.constant 32 : index
      %get3A_932 = tpu.vector_load %arg10[%get3A_930, %get3A_931] {strides = array<i32>} : memref<32x128xf32, #tpu.memory_space<vmem>>, vector<16xf32>,
      %swap3A_933 = arith.constant 49 : i32
      %swap3A_934 = arith.index_cast %swap3A_933 : i32 to index
      %swap3A_935 = arith.constant 0 : index
      %swap3A_936 = tpu.vector_load %arg12[%swap3A_934, %swap3A_935] {strides = array<i32>} : memref<128x32xf32, #tpu.memory_space<vmem>>, vector<16xf32>,
      tpu.vector_store %arg12[%swap3A_934, %swap3A_935], %get3A_932 {strides = array<i32>} : memref<128x32xf32, #tpu.memory_space<vmem>>, vector<16xf32>,
      %get3A_937 = arith.constant 12 : i32
      %get3A_938 = arith.index_cast %get3A_937 : i32 to index
      %get3A_939 = arith.constant 48 : index
      %get3A_940 = tpu.vector_load %arg10[%get3A_938, %get3A_939] {strides = array<i32>} : memref<32x128xf32, #tpu.memory_space<vmem>>, vector<16xf32>,
      %swap3A_941 = arith.constant 49 : i32
      %swap3A_942 = arith.index_cast %swap3A_941 : i32 to index
      %swap3A_943 = arith.constant 16 : index
      %swap3A_944 = tpu.vector_load %arg12[%swap3A_942, %swap3A_943] {strides = array<i32>} : memref<128x32xf32, #tpu.memory_space<vmem>>, vector<16xf32>,
      tpu.vector_store %arg12[%swap3A_942, %swap3A_943], %get3A_940 {strides = array<i32>} : memref<128x32xf32, #tpu.memory_space<vmem>>, vector<16xf32>,
      %get3A_945 = arith.constant 12 : i32
      %get3A_946 = arith.index_cast %get3A_945 : i32 to index
      %get3A_947 = arith.constant 64 : index
      %get3A_948 = tpu.vector_load %arg10[%get3A_946, %get3A_947] {strides = array<i32>} : memref<32x128xf32, #tpu.memory_space<vmem>>, vector<16xf32>,
      %swap3A_949 = arith.constant 50 : i32
      %swap3A_950 = arith.index_cast %swap3A_949 : i32 to index
      %swap3A_951 = arith.constant 0 : index
      %swap3A_952 = tpu.vector_load %arg12[%swap3A_950, %swap3A_951] {strides = array<i32>} : memref<128x32xf32, #tpu.memory_space<vmem>>, vector<16xf32>,
      tpu.vector_store %arg12[%swap3A_950, %swap3A_951], %get3A_948 {strides = array<i32>} : memref<128x32xf32, #tpu.memory_space<vmem>>, vector<16xf32>,
      %get3A_953 = arith.constant 12 : i32
      %get3A_954 = arith.index_cast %get3A_953 : i32 to index
      %get3A_955 = arith.constant 80 : index
      %get3A_956 = tpu.vector_load %arg10[%get3A_954, %get3A_955] {strides = array<i32>} : memref<32x128xf32, #tpu.memory_space<vmem>>, vector<16xf32>,
      %swap3A_957 = arith.constant 50 : i32
      %swap3A_958 = arith.index_cast %swap3A_957 : i32 to index
      %swap3A_959 = arith.constant 16 : index
      %swap3A_960 = tpu.vector_load %arg12[%swap3A_958, %swap3A_959] {strides = array<i32>} : memref<128x32xf32, #tpu.memory_space<vmem>>, vector<16xf32>,
      tpu.vector_store %arg12[%swap3A_958, %swap3A_959], %get3A_956 {strides = array<i32>} : memref<128x32xf32, #tpu.memory_space<vmem>>, vector<16xf32>,
      %get3A_961 = arith.constant 12 : i32
      %get3A_962 = arith.index_cast %get3A_961 : i32 to index
      %get3A_963 = arith.constant 96 : index
      %get3A_964 = tpu.vector_load %arg10[%get3A_962, %get3A_963] {strides = array<i32>} : memref<32x128xf32, #tpu.memory_space<vmem>>, vector<16xf32>,
      %swap3A_965 = arith.constant 51 : i32
      %swap3A_966 = arith.index_cast %swap3A_965 : i32 to index
      %swap3A_967 = arith.constant 0 : index
      %swap3A_968 = tpu.vector_load %arg12[%swap3A_966, %swap3A_967] {strides = array<i32>} : memref<128x32xf32, #tpu.memory_space<vmem>>, vector<16xf32>,
      tpu.vector_store %arg12[%swap3A_966, %swap3A_967], %get3A_964 {strides = array<i32>} : memref<128x32xf32, #tpu.memory_space<vmem>>, vector<16xf32>,
      %get3A_969 = arith.constant 12 : i32
      %get3A_970 = arith.index_cast %get3A_969 : i32 to index
      %get3A_971 = arith.constant 112 : index
      %get3A_972 = tpu.vector_load %arg10[%get3A_970, %get3A_971] {strides = array<i32>} : memref<32x128xf32, #tpu.memory_space<vmem>>, vector<16xf32>,
      %swap3A_973 = arith.constant 51 : i32
      %swap3A_974 = arith.index_cast %swap3A_973 : i32 to index
      %swap3A_975 = arith.constant 16 : index
      %swap3A_976 = tpu.vector_load %arg12[%swap3A_974, %swap3A_975] {strides = array<i32>} : memref<128x32xf32, #tpu.memory_space<vmem>>, vector<16xf32>,
      tpu.vector_store %arg12[%swap3A_974, %swap3A_975], %get3A_972 {strides = array<i32>} : memref<128x32xf32, #tpu.memory_space<vmem>>, vector<16xf32>,
      %get3A_977 = arith.constant 13 : i32
      %get3A_978 = arith.index_cast %get3A_977 : i32 to index
      %get3A_979 = arith.constant 0 : index
      %get3A_980 = tpu.vector_load %arg10[%get3A_978, %get3A_979] {strides = array<i32>} : memref<32x128xf32, #tpu.memory_space<vmem>>, vector<16xf32>,
      %swap3A_981 = arith.constant 52 : i32
      %swap3A_982 = arith.index_cast %swap3A_981 : i32 to index
      %swap3A_983 = arith.constant 0 : index
      %swap3A_984 = tpu.vector_load %arg12[%swap3A_982, %swap3A_983] {strides = array<i32>} : memref<128x32xf32, #tpu.memory_space<vmem>>, vector<16xf32>,
      tpu.vector_store %arg12[%swap3A_982, %swap3A_983], %get3A_980 {strides = array<i32>} : memref<128x32xf32, #tpu.memory_space<vmem>>, vector<16xf32>,
      %get3A_985 = arith.constant 13 : i32
      %get3A_986 = arith.index_cast %get3A_985 : i32 to index
      %get3A_987 = arith.constant 16 : index
      %get3A_988 = tpu.vector_load %arg10[%get3A_986, %get3A_987] {strides = array<i32>} : memref<32x128xf32, #tpu.memory_space<vmem>>, vector<16xf32>,
      %swap3A_989 = arith.constant 52 : i32
      %swap3A_990 = arith.index_cast %swap3A_989 : i32 to index
      %swap3A_991 = arith.constant 16 : index
      %swap3A_992 = tpu.vector_load %arg12[%swap3A_990, %swap3A_991] {strides = array<i32>} : memref<128x32xf32, #tpu.memory_space<vmem>>, vector<16xf32>,
      tpu.vector_store %arg12[%swap3A_990, %swap3A_991], %get3A_988 {strides = array<i32>} : memref<128x32xf32, #tpu.memory_space<vmem>>, vector<16xf32>,
      %get3A_993 = arith.constant 13 : i32
      %get3A_994 = arith.index_cast %get3A_993 : i32 to index
      %get3A_995 = arith.constant 32 : index
      %get3A_996 = tpu.vector_load %arg10[%get3A_994, %get3A_995] {strides = array<i32>} : memref<32x128xf32, #tpu.memory_space<vmem>>, vector<16xf32>,
      %swap3A_997 = arith.constant 53 : i32
      %swap3A_998 = arith.index_cast %swap3A_997 : i32 to index
      %swap3A_999 = arith.constant 0 : index
      %swap3A_1000 = tpu.vector_load %arg12[%swap3A_998, %swap3A_999] {strides = array<i32>} : memref<128x32xf32, #tpu.memory_space<vmem>>, vector<16xf32>,
      tpu.vector_store %arg12[%swap3A_998, %swap3A_999], %get3A_996 {strides = array<i32>} : memref<128x32xf32, #tpu.memory_space<vmem>>, vector<16xf32>,
      %get3A_1001 = arith.constant 13 : i32
      %get3A_1002 = arith.index_cast %get3A_1001 : i32 to index
      %get3A_1003 = arith.constant 48 : index
      %get3A_1004 = tpu.vector_load %arg10[%get3A_1002, %get3A_1003] {strides = array<i32>} : memref<32x128xf32, #tpu.memory_space<vmem>>, vector<16xf32>,
      %swap3A_1005 = arith.constant 53 : i32
      %swap3A_1006 = arith.index_cast %swap3A_1005 : i32 to index
      %swap3A_1007 = arith.constant 16 : index
      %swap3A_1008 = tpu.vector_load %arg12[%swap3A_1006, %swap3A_1007] {strides = array<i32>} : memref<128x32xf32, #tpu.memory_space<vmem>>, vector<16xf32>,
      tpu.vector_store %arg12[%swap3A_1006, %swap3A_1007], %get3A_1004 {strides = array<i32>} : memref<128x32xf32, #tpu.memory_space<vmem>>, vector<16xf32>,
      %get3A_1009 = arith.constant 13 : i32
      %get3A_1010 = arith.index_cast %get3A_1009 : i32 to index
      %get3A_1011 = arith.constant 64 : index
      %get3A_1012 = tpu.vector_load %arg10[%get3A_1010, %get3A_1011] {strides = array<i32>} : memref<32x128xf32, #tpu.memory_space<vmem>>, vector<16xf32>,
      %swap3A_1013 = arith.constant 54 : i32
      %swap3A_1014 = arith.index_cast %swap3A_1013 : i32 to index
      %swap3A_1015 = arith.constant 0 : index
      %swap3A_1016 = tpu.vector_load %arg12[%swap3A_1014, %swap3A_1015] {strides = array<i32>} : memref<128x32xf32, #tpu.memory_space<vmem>>, vector<16xf32>,
      tpu.vector_store %arg12[%swap3A_1014, %swap3A_1015], %get3A_1012 {strides = array<i32>} : memref<128x32xf32, #tpu.memory_space<vmem>>, vector<16xf32>,
      %get3A_1017 = arith.constant 13 : i32
      %get3A_1018 = arith.index_cast %get3A_1017 : i32 to index
      %get3A_1019 = arith.constant 80 : index
      %get3A_1020 = tpu.vector_load %arg10[%get3A_1018, %get3A_1019] {strides = array<i32>} : memref<32x128xf32, #tpu.memory_space<vmem>>, vector<16xf32>,
      %swap3A_1021 = arith.constant 54 : i32
      %swap3A_1022 = arith.index_cast %swap3A_1021 : i32 to index
      %swap3A_1023 = arith.constant 16 : index
      %swap3A_1024 = tpu.vector_load %arg12[%swap3A_1022, %swap3A_1023] {strides = array<i32>} : memref<128x32xf32, #tpu.memory_space<vmem>>, vector<16xf32>,
      tpu.vector_store %arg12[%swap3A_1022, %swap3A_1023], %get3A_1020 {strides = array<i32>} : memref<128x32xf32, #tpu.memory_space<vmem>>, vector<16xf32>,
      %get3A_1025 = arith.constant 13 : i32
      %get3A_1026 = arith.index_cast %get3A_1025 : i32 to index
      %get3A_1027 = arith.constant 96 : index
      %get3A_1028 = tpu.vector_load %arg10[%get3A_1026, %get3A_1027] {strides = array<i32>} : memref<32x128xf32, #tpu.memory_space<vmem>>, vector<16xf32>,
      %swap3A_1029 = arith.constant 55 : i32
      %swap3A_1030 = arith.index_cast %swap3A_1029 : i32 to index
      %swap3A_1031 = arith.constant 0 : index
      %swap3A_1032 = tpu.vector_load %arg12[%swap3A_1030, %swap3A_1031] {strides = array<i32>} : memref<128x32xf32, #tpu.memory_space<vmem>>, vector<16xf32>,
      tpu.vector_store %arg12[%swap3A_1030, %swap3A_1031], %get3A_1028 {strides = array<i32>} : memref<128x32xf32, #tpu.memory_space<vmem>>, vector<16xf32>,
      %get3A_1033 = arith.constant 13 : i32
      %get3A_1034 = arith.index_cast %get3A_1033 : i32 to index
      %get3A_1035 = arith.constant 112 : index
      %get3A_1036 = tpu.vector_load %arg10[%get3A_1034, %get3A_1035] {strides = array<i32>} : memref<32x128xf32, #tpu.memory_space<vmem>>, vector<16xf32>,
      %swap3A_1037 = arith.constant 55 : i32
      %swap3A_1038 = arith.index_cast %swap3A_1037 : i32 to index
      %swap3A_1039 = arith.constant 16 : index
      %swap3A_1040 = tpu.vector_load %arg12[%swap3A_1038, %swap3A_1039] {strides = array<i32>} : memref<128x32xf32, #tpu.memory_space<vmem>>, vector<16xf32>,
      tpu.vector_store %arg12[%swap3A_1038, %swap3A_1039], %get3A_1036 {strides = array<i32>} : memref<128x32xf32, #tpu.memory_space<vmem>>, vector<16xf32>,
      %get3A_1041 = arith.constant 14 : i32
      %get3A_1042 = arith.index_cast %get3A_1041 : i32 to index
      %get3A_1043 = arith.constant 0 : index
      %get3A_1044 = tpu.vector_load %arg10[%get3A_1042, %get3A_1043] {strides = array<i32>} : memref<32x128xf32, #tpu.memory_space<vmem>>, vector<16xf32>,
      %swap3A_1045 = arith.constant 56 : i32
      %swap3A_1046 = arith.index_cast %swap3A_1045 : i32 to index
      %swap3A_1047 = arith.constant 0 : index
      %swap3A_1048 = tpu.vector_load %arg12[%swap3A_1046, %swap3A_1047] {strides = array<i32>} : memref<128x32xf32, #tpu.memory_space<vmem>>, vector<16xf32>,
      tpu.vector_store %arg12[%swap3A_1046, %swap3A_1047], %get3A_1044 {strides = array<i32>} : memref<128x32xf32, #tpu.memory_space<vmem>>, vector<16xf32>,
      %get3A_1049 = arith.constant 14 : i32
      %get3A_1050 = arith.index_cast %get3A_1049 : i32 to index
      %get3A_1051 = arith.constant 16 : index
      %get3A_1052 = tpu.vector_load %arg10[%get3A_1050, %get3A_1051] {strides = array<i32>} : memref<32x128xf32, #tpu.memory_space<vmem>>, vector<16xf32>,
      %swap3A_1053 = arith.constant 56 : i32
      %swap3A_1054 = arith.index_cast %swap3A_1053 : i32 to index
      %swap3A_1055 = arith.constant 16 : index
      %swap3A_1056 = tpu.vector_load %arg12[%swap3A_1054, %swap3A_1055] {strides = array<i32>} : memref<128x32xf32, #tpu.memory_space<vmem>>, vector<16xf32>,
      tpu.vector_store %arg12[%swap3A_1054, %swap3A_1055], %get3A_1052 {strides = array<i32>} : memref<128x32xf32, #tpu.memory_space<vmem>>, vector<16xf32>,
      %get3A_1057 = arith.constant 14 : i32
      %get3A_1058 = arith.index_cast %get3A_1057 : i32 to index
      %get3A_1059 = arith.constant 32 : index
      %get3A_1060 = tpu.vector_load %arg10[%get3A_1058, %get3A_1059] {strides = array<i32>} : memref<32x128xf32, #tpu.memory_space<vmem>>, vector<16xf32>,
      %swap3A_1061 = arith.constant 57 : i32
      %swap3A_1062 = arith.index_cast %swap3A_1061 : i32 to index
      %swap3A_1063 = arith.constant 0 : index
      %swap3A_1064 = tpu.vector_load %arg12[%swap3A_1062, %swap3A_1063] {strides = array<i32>} : memref<128x32xf32, #tpu.memory_space<vmem>>, vector<16xf32>,
      tpu.vector_store %arg12[%swap3A_1062, %swap3A_1063], %get3A_1060 {strides = array<i32>} : memref<128x32xf32, #tpu.memory_space<vmem>>, vector<16xf32>,
      %get3A_1065 = arith.constant 14 : i32
      %get3A_1066 = arith.index_cast %get3A_1065 : i32 to index
      %get3A_1067 = arith.constant 48 : index
      %get3A_1068 = tpu.vector_load %arg10[%get3A_1066, %get3A_1067] {strides = array<i32>} : memref<32x128xf32, #tpu.memory_space<vmem>>, vector<16xf32>,
      %swap3A_1069 = arith.constant 57 : i32
      %swap3A_1070 = arith.index_cast %swap3A_1069 : i32 to index
      %swap3A_1071 = arith.constant 16 : index
      %swap3A_1072 = tpu.vector_load %arg12[%swap3A_1070, %swap3A_1071] {strides = array<i32>} : memref<128x32xf32, #tpu.memory_space<vmem>>, vector<16xf32>,
      tpu.vector_store %arg12[%swap3A_1070, %swap3A_1071], %get3A_1068 {strides = array<i32>} : memref<128x32xf32, #tpu.memory_space<vmem>>, vector<16xf32>,
      %get3A_1073 = arith.constant 14 : i32
      %get3A_1074 = arith.index_cast %get3A_1073 : i32 to index
      %get3A_1075 = arith.constant 64 : index
      %get3A_1076 = tpu.vector_load %arg10[%get3A_1074, %get3A_1075] {strides = array<i32>} : memref<32x128xf32, #tpu.memory_space<vmem>>, vector<16xf32>,
      %swap3A_1077 = arith.constant 58 : i32
      %swap3A_1078 = arith.index_cast %swap3A_1077 : i32 to index
      %swap3A_1079 = arith.constant 0 : index
      %swap3A_1080 = tpu.vector_load %arg12[%swap3A_1078, %swap3A_1079] {strides = array<i32>} : memref<128x32xf32, #tpu.memory_space<vmem>>, vector<16xf32>,
      tpu.vector_store %arg12[%swap3A_1078, %swap3A_1079], %get3A_1076 {strides = array<i32>} : memref<128x32xf32, #tpu.memory_space<vmem>>, vector<16xf32>,
      %get3A_1081 = arith.constant 14 : i32
      %get3A_1082 = arith.index_cast %get3A_1081 : i32 to index
      %get3A_1083 = arith.constant 80 : index
      %get3A_1084 = tpu.vector_load %arg10[%get3A_1082, %get3A_1083] {strides = array<i32>} : memref<32x128xf32, #tpu.memory_space<vmem>>, vector<16xf32>,
      %swap3A_1085 = arith.constant 58 : i32
      %swap3A_1086 = arith.index_cast %swap3A_1085 : i32 to index
      %swap3A_1087 = arith.constant 16 : index
      %swap3A_1088 = tpu.vector_load %arg12[%swap3A_1086, %swap3A_1087] {strides = array<i32>} : memref<128x32xf32, #tpu.memory_space<vmem>>, vector<16xf32>,
      tpu.vector_store %arg12[%swap3A_1086, %swap3A_1087], %get3A_1084 {strides = array<i32>} : memref<128x32xf32, #tpu.memory_space<vmem>>, vector<16xf32>,
      %get3A_1089 = arith.constant 14 : i32
      %get3A_1090 = arith.index_cast %get3A_1089 : i32 to index
      %get3A_1091 = arith.constant 96 : index
      %get3A_1092 = tpu.vector_load %arg10[%get3A_1090, %get3A_1091] {strides = array<i32>} : memref<32x128xf32, #tpu.memory_space<vmem>>, vector<16xf32>,
      %swap3A_1093 = arith.constant 59 : i32
      %swap3A_1094 = arith.index_cast %swap3A_1093 : i32 to index
      %swap3A_1095 = arith.constant 0 : index
      %swap3A_1096 = tpu.vector_load %arg12[%swap3A_1094, %swap3A_1095] {strides = array<i32>} : memref<128x32xf32, #tpu.memory_space<vmem>>, vector<16xf32>,
      tpu.vector_store %arg12[%swap3A_1094, %swap3A_1095], %get3A_1092 {strides = array<i32>} : memref<128x32xf32, #tpu.memory_space<vmem>>, vector<16xf32>,
      %get3A_1097 = arith.constant 14 : i32
      %get3A_1098 = arith.index_cast %get3A_1097 : i32 to index
      %get3A_1099 = arith.constant 112 : index
      %get3A_1100 = tpu.vector_load %arg10[%get3A_1098, %get3A_1099] {strides = array<i32>} : memref<32x128xf32, #tpu.memory_space<vmem>>, vector<16xf32>,
      %swap3A_1101 = arith.constant 59 : i32
      %swap3A_1102 = arith.index_cast %swap3A_1101 : i32 to index
      %swap3A_1103 = arith.constant 16 : index
      %swap3A_1104 = tpu.vector_load %arg12[%swap3A_1102, %swap3A_1103] {strides = array<i32>} : memref<128x32xf32, #tpu.memory_space<vmem>>, vector<16xf32>,
      tpu.vector_store %arg12[%swap3A_1102, %swap3A_1103], %get3A_1100 {strides = array<i32>} : memref<128x32xf32, #tpu.memory_space<vmem>>, vector<16xf32>,
      %get3A_1105 = arith.constant 15 : i32
      %get3A_1106 = arith.index_cast %get3A_1105 : i32 to index
      %get3A_1107 = arith.constant 0 : index
      %get3A_1108 = tpu.vector_load %arg10[%get3A_1106, %get3A_1107] {strides = array<i32>} : memref<32x128xf32, #tpu.memory_space<vmem>>, vector<16xf32>,
      %swap3A_1109 = arith.constant 60 : i32
      %swap3A_1110 = arith.index_cast %swap3A_1109 : i32 to index
      %swap3A_1111 = arith.constant 0 : index
      %swap3A_1112 = tpu.vector_load %arg12[%swap3A_1110, %swap3A_1111] {strides = array<i32>} : memref<128x32xf32, #tpu.memory_space<vmem>>, vector<16xf32>,
      tpu.vector_store %arg12[%swap3A_1110, %swap3A_1111], %get3A_1108 {strides = array<i32>} : memref<128x32xf32, #tpu.memory_space<vmem>>, vector<16xf32>,
      %get3A_1113 = arith.constant 15 : i32
      %get3A_1114 = arith.index_cast %get3A_1113 : i32 to index
      %get3A_1115 = arith.constant 16 : index
      %get3A_1116 = tpu.vector_load %arg10[%get3A_1114, %get3A_1115] {strides = array<i32>} : memref<32x128xf32, #tpu.memory_space<vmem>>, vector<16xf32>,
      %swap3A_1117 = arith.constant 60 : i32
      %swap3A_1118 = arith.index_cast %swap3A_1117 : i32 to index
      %swap3A_1119 = arith.constant 16 : index
      %swap3A_1120 = tpu.vector_load %arg12[%swap3A_1118, %swap3A_1119] {strides = array<i32>} : memref<128x32xf32, #tpu.memory_space<vmem>>, vector<16xf32>,
      tpu.vector_store %arg12[%swap3A_1118, %swap3A_1119], %get3A_1116 {strides = array<i32>} : memref<128x32xf32, #tpu.memory_space<vmem>>, vector<16xf32>,
      %get3A_1121 = arith.constant 15 : i32
      %get3A_1122 = arith.index_cast %get3A_1121 : i32 to index
      %get3A_1123 = arith.constant 32 : index
      %get3A_1124 = tpu.vector_load %arg10[%get3A_1122, %get3A_1123] {strides = array<i32>} : memref<32x128xf32, #tpu.memory_space<vmem>>, vector<16xf32>,
      %swap3A_1125 = arith.constant 61 : i32
      %swap3A_1126 = arith.index_cast %swap3A_1125 : i32 to index
      %swap3A_1127 = arith.constant 0 : index
      %swap3A_1128 = tpu.vector_load %arg12[%swap3A_1126, %swap3A_1127] {strides = array<i32>} : memref<128x32xf32, #tpu.memory_space<vmem>>, vector<16xf32>,
      tpu.vector_store %arg12[%swap3A_1126, %swap3A_1127], %get3A_1124 {strides = array<i32>} : memref<128x32xf32, #tpu.memory_space<vmem>>, vector<16xf32>,
      %get3A_1129 = arith.constant 15 : i32
      %get3A_1130 = arith.index_cast %get3A_1129 : i32 to index
      %get3A_1131 = arith.constant 48 : index
      %get3A_1132 = tpu.vector_load %arg10[%get3A_1130, %get3A_1131] {strides = array<i32>} : memref<32x128xf32, #tpu.memory_space<vmem>>, vector<16xf32>,
      %swap3A_1133 = arith.constant 61 : i32
      %swap3A_1134 = arith.index_cast %swap3A_1133 : i32 to index
      %swap3A_1135 = arith.constant 16 : index
      %swap3A_1136 = tpu.vector_load %arg12[%swap3A_1134, %swap3A_1135] {strides = array<i32>} : memref<128x32xf32, #tpu.memory_space<vmem>>, vector<16xf32>,
      tpu.vector_store %arg12[%swap3A_1134, %swap3A_1135], %get3A_1132 {strides = array<i32>} : memref<128x32xf32, #tpu.memory_space<vmem>>, vector<16xf32>,
      %get3A_1137 = arith.constant 15 : i32
      %get3A_1138 = arith.index_cast %get3A_1137 : i32 to index
      %get3A_1139 = arith.constant 64 : index
      %get3A_1140 = tpu.vector_load %arg10[%get3A_1138, %get3A_1139] {strides = array<i32>} : memref<32x128xf32, #tpu.memory_space<vmem>>, vector<16xf32>,
      %swap3A_1141 = arith.constant 62 : i32
      %swap3A_1142 = arith.index_cast %swap3A_1141 : i32 to index
      %swap3A_1143 = arith.constant 0 : index
      %swap3A_1144 = tpu.vector_load %arg12[%swap3A_1142, %swap3A_1143] {strides = array<i32>} : memref<128x32xf32, #tpu.memory_space<vmem>>, vector<16xf32>,
      tpu.vector_store %arg12[%swap3A_1142, %swap3A_1143], %get3A_1140 {strides = array<i32>} : memref<128x32xf32, #tpu.memory_space<vmem>>, vector<16xf32>,
      %get3A_1145 = arith.constant 15 : i32
      %get3A_1146 = arith.index_cast %get3A_1145 : i32 to index
      %get3A_1147 = arith.constant 80 : index
      %get3A_1148 = tpu.vector_load %arg10[%get3A_1146, %get3A_1147] {strides = array<i32>} : memref<32x128xf32, #tpu.memory_space<vmem>>, vector<16xf32>,
      %swap3A_1149 = arith.constant 62 : i32
      %swap3A_1150 = arith.index_cast %swap3A_1149 : i32 to index
      %swap3A_1151 = arith.constant 16 : index
      %swap3A_1152 = tpu.vector_load %arg12[%swap3A_1150, %swap3A_1151] {strides = array<i32>} : memref<128x32xf32, #tpu.memory_space<vmem>>, vector<16xf32>,
      tpu.vector_store %arg12[%swap3A_1150, %swap3A_1151], %get3A_1148 {strides = array<i32>} : memref<128x32xf32, #tpu.memory_space<vmem>>, vector<16xf32>,
      %get3A_1153 = arith.constant 15 : i32
      %get3A_1154 = arith.index_cast %get3A_1153 : i32 to index
      %get3A_1155 = arith.constant 96 : index
      %get3A_1156 = tpu.vector_load %arg10[%get3A_1154, %get3A_1155] {strides = array<i32>} : memref<32x128xf32, #tpu.memory_space<vmem>>, vector<16xf32>,
      %swap3A_1157 = arith.constant 63 : i32
      %swap3A_1158 = arith.index_cast %swap3A_1157 : i32 to index
      %swap3A_1159 = arith.constant 0 : index
      %swap3A_1160 = tpu.vector_load %arg12[%swap3A_1158, %swap3A_1159] {strides = array<i32>} : memref<128x32xf32, #tpu.memory_space<vmem>>, vector<16xf32>,
      tpu.vector_store %arg12[%swap3A_1158, %swap3A_1159], %get3A_1156 {strides = array<i32>} : memref<128x32xf32, #tpu.memory_space<vmem>>, vector<16xf32>,
      %get3A_1161 = arith.constant 15 : i32
      %get3A_1162 = arith.index_cast %get3A_1161 : i32 to index
      %get3A_1163 = arith.constant 112 : index
      %get3A_1164 = tpu.vector_load %arg10[%get3A_1162, %get3A_1163] {strides = array<i32>} : memref<32x128xf32, #tpu.memory_space<vmem>>, vector<16xf32>,
      %swap3A_1165 = arith.constant 63 : i32
      %swap3A_1166 = arith.index_cast %swap3A_1165 : i32 to index
      %swap3A_1167 = arith.constant 16 : index
      %swap3A_1168 = tpu.vector_load %arg12[%swap3A_1166, %swap3A_1167] {strides = array<i32>} : memref<128x32xf32, #tpu.memory_space<vmem>>, vector<16xf32>,
      tpu.vector_store %arg12[%swap3A_1166, %swap3A_1167], %get3A_1164 {strides = array<i32>} : memref<128x32xf32, #tpu.memory_space<vmem>>, vector<16xf32>,
      "tpu.region"() ({
        %run_scoped3A_1169 = tpu.sem_alloc : memref<!tpu.dma_semaphore, #tpu.memory_space<semaphore_mem>>
        %dma_start3A_1170 = arith.constant 0 : i32
        %dma_start3A_1171 = arith.constant 0 : i32
        %dma_start3A_1172 = tpu.memref_slice %arg12[%dma_start3A_1170, %dma_start3A_1171] : memref<128x32xf32, #tpu.memory_space<vmem>> -> memref<64x32xf32, #tpu.memory_space<vmem>>
        %dma_start3A_1173 = arith.constant 999936 : i32
        %dma_start3A_1174 = arith.constant 0 : i32
        %dma_start3A_1175 = tpu.memref_slice %arg6[%dma_start3A_1173, %dma_start3A_1174] : memref<1000000x32xf32, #tpu.memory_space<hbm>> -> memref<64x32xf32, #tpu.memory_space<hbm>>
        %dma_start3A_1176 = arith.constant 999936 : i32
        %dma_start3A_1177 = arith.constant 0 : i32
        %dma_start3A_1178 = tpu.memref_slice %arg6[%dma_start3A_1176, %dma_start3A_1177] : memref<1000000x32xf32, #tpu.memory_space<hbm>> -> memref<64x32xf32, #tpu.memory_space<hbm>>
        %dma_start3A_1179 = arith.constant 0 : i32
        %dma_start3A_1180 = arith.constant 0 : i32
        %dma_start3A_1181 = tpu.memref_slice %arg12[%dma_start3A_1179, %dma_start3A_1180] : memref<128x32xf32, #tpu.memory_space<vmem>> -> memref<64x32xf32, #tpu.memory_space<vmem>>
        tpu.enqueue_dma source(%dma_start3A_1181 : memref<64x32xf32, #tpu.memory_space<vmem>>) target(%dma_start3A_1178 : memref<64x32xf32, #tpu.memory_space<hbm>>) target_semaphore(%run_scoped3A_1169 : memref<!tpu.dma_semaphore, #tpu.memory_space<semaphore_mem>>)
        %dma_wait3A_1182 = arith.constant 0 : i32
        %dma_wait3A_1183 = arith.constant 0 : i32
        %dma_wait3A_1184 = tpu.memref_slice %arg12[%dma_wait3A_1182, %dma_wait3A_1183] : memref<128x32xf32, #tpu.memory_space<vmem>> -> memref<64x32xf32, #tpu.memory_space<vmem>>
        %dma_wait3A_1185 = arith.constant 999936 : i32
        %dma_wait3A_1186 = arith.constant 0 : i32
        %dma_wait3A_1187 = tpu.memref_slice %arg6[%dma_wait3A_1185, %dma_wait3A_1186] : memref<1000000x32xf32, #tpu.memory_space<hbm>> -> memref<64x32xf32, #tpu.memory_space<hbm>>
        %dma_wait3A_1188 = arith.constant 999936 : i32
        %dma_wait3A_1189 = arith.constant 0 : i32
        %dma_wait3A_1190 = tpu.memref_slice %arg6[%dma_wait3A_1188, %dma_wait3A_1189] : memref<1000000x32xf32, #tpu.memory_space<hbm>> -> memref<64x32xf32, #tpu.memory_space<hbm>>
        %dma_wait3A_1191 = arith.constant 0 : i32
        %dma_wait3A_1192 = arith.constant 0 : i32
        %dma_wait3A_1193 = tpu.memref_slice %arg12[%dma_wait3A_1191, %dma_wait3A_1192] : memref<128x32xf32, #tpu.memory_space<vmem>> -> memref<64x32xf32, #tpu.memory_space<vmem>>
        tpu.wait_dma2 semaphore(%run_scoped3A_1169 : memref<!tpu.dma_semaphore, #tpu.memory_space<semaphore_mem>>) src(%dma_wait3A_1193 : memref<64x32xf32, #tpu.memory_space<vmem>>) dst(%dma_wait3A_1190 : memref<64x32xf32, #tpu.memory_space<hbm>>)
        tpu.yield
      }) : () -> ()
    } else {
    }
    %barrier3A = arith.constant 0 : index
    tpu.barrier barrier_id(%barrier3A)
    %eq3A_53 = arith.constant 0 : i32
    %eq3A_54 = arith.cmpi eq, %arg1, %eq3A_53 : i32
    %convert_element_type3A_55 = arith.extui %eq3A_54 : i1 to i32
    %cond3A_56 = arith.constant 0 : i32
    %cond3A_57 = arith.cmpi ne, %convert_element_type3A_55, %cond3A_56 : i32
    scf.if %cond3A_57 {
      %broadcast_in_dim3A = arith.constant 1554731435 : i32
      %broadcast_in_dim3A_147 = vector.broadcast %broadcast_in_dim3A : i32 to vector<16xi32>
      %swap3A = arith.constant 0 : index
      %swap3A_148 = tpu.vector_load %arg9[%swap3A] {strides = array<i32>} : memref<16xi32, #tpu.memory_space<vmem>>, vector<16xi32>,
      tpu.vector_store %arg9[%swap3A], %broadcast_in_dim3A_147 {strides = array<i32>} : memref<16xi32, #tpu.memory_space<vmem>>, vector<16xi32>,
      "tpu.region"() ({
        %run_scoped3A_151 = tpu.sem_alloc : memref<!tpu.dma_semaphore, #tpu.memory_space<semaphore_mem>>
        %dma_start3A_152 = arith.constant 0 : i32
        %dma_start3A_153 = tpu.memref_slice %arg7[%arg0, %dma_start3A_152] : memref<2x16xi32, #tpu.memory_space<hbm>> -> memref<1x16xi32, #tpu.memory_space<hbm>>
        %dma_start3A_154 = tpu.memref_squeeze %dma_start3A_153 : memref<1x16xi32, #tpu.memory_space<hbm>> -> memref<16xi32, #tpu.memory_space<hbm>>
        %dma_start3A_155 = arith.constant 0 : i32
        %dma_start3A_156 = tpu.memref_slice %arg7[%arg0, %dma_start3A_155] : memref<2x16xi32, #tpu.memory_space<hbm>> -> memref<1x16xi32, #tpu.memory_space<hbm>>
        %dma_start3A_157 = tpu.memref_squeeze %dma_start3A_156 : memref<1x16xi32, #tpu.memory_space<hbm>> -> memref<16xi32, #tpu.memory_space<hbm>>
        tpu.enqueue_dma source(%arg9 : memref<16xi32, #tpu.memory_space<vmem>>) target(%dma_start3A_157 : memref<16xi32, #tpu.memory_space<hbm>>) target_semaphore(%run_scoped3A_151 : memref<!tpu.dma_semaphore, #tpu.memory_space<semaphore_mem>>)
        %dma_wait3A_158 = arith.constant 0 : i32
        %dma_wait3A_159 = tpu.memref_slice %arg7[%arg0, %dma_wait3A_158] : memref<2x16xi32, #tpu.memory_space<hbm>> -> memref<1x16xi32, #tpu.memory_space<hbm>>
        %dma_wait3A_160 = tpu.memref_squeeze %dma_wait3A_159 : memref<1x16xi32, #tpu.memory_space<hbm>> -> memref<16xi32, #tpu.memory_space<hbm>>
        %dma_wait3A_161 = arith.constant 0 : i32
        %dma_wait3A_162 = tpu.memref_slice %arg7[%arg0, %dma_wait3A_161] : memref<2x16xi32, #tpu.memory_space<hbm>> -> memref<1x16xi32, #tpu.memory_space<hbm>>
        %dma_wait3A_163 = tpu.memref_squeeze %dma_wait3A_162 : memref<1x16xi32, #tpu.memory_space<hbm>> -> memref<16xi32, #tpu.memory_space<hbm>>
        tpu.wait_dma2 semaphore(%run_scoped3A_151 : memref<!tpu.dma_semaphore, #tpu.memory_space<semaphore_mem>>) src(%arg9 : memref<16xi32, #tpu.memory_space<vmem>>) dst(%dma_wait3A_163 : memref<16xi32, #tpu.memory_space<hbm>>)
        tpu.yield
      }) : () -> ()
      %while3A = arith.constant 0 : i32
      %while3A_149 = arith.constant false
      %while3A_150:2 = scf.while (%while3A_151 = %while3A, %while3A_152 = %while3A_149) : (i32, i1) -> (i32, i1) {
        %lt3A_153 = arith.constant 200000 : i32
        %lt3A_154 = arith.cmpi slt, %while3A_151, %lt3A_153 : i32
        %not3A = arith.constant true
        %not3A_155 = arith.xori %while3A_152, %not3A : i1
        %and3A = arith.andi %lt3A_154, %not3A_155 : i1
        scf.condition(%and3A) %while3A_151, %while3A_152 : i32, i1
      } do {
      ^bb0(%while3A_151: i32, %while3A_152: i1):
        %sub3A = arith.constant 1 : i32
        %sub3A_153 = arith.subi %sub3A, %arg0 : i32
        "tpu.region"() ({
          %run_scoped3A_166 = tpu.sem_alloc : memref<!tpu.dma_semaphore, #tpu.memory_space<semaphore_mem>>
          %dma_start3A_167 = arith.constant 0 : i32
          %dma_start3A_168 = tpu.memref_slice %arg7[%sub3A_153, %dma_start3A_167] : memref<2x16xi32, #tpu.memory_space<hbm>> -> memref<1x16xi32, #tpu.memory_space<hbm>>
          %dma_start3A_169 = tpu.memref_squeeze %dma_start3A_168 : memref<1x16xi32, #tpu.memory_space<hbm>> -> memref<16xi32, #tpu.memory_space<hbm>>
          %dma_start3A_170 = arith.constant 0 : i32
          %dma_start3A_171 = tpu.memref_slice %arg7[%sub3A_153, %dma_start3A_170] : memref<2x16xi32, #tpu.memory_space<hbm>> -> memref<1x16xi32, #tpu.memory_space<hbm>>
          %dma_start3A_172 = tpu.memref_squeeze %dma_start3A_171 : memref<1x16xi32, #tpu.memory_space<hbm>> -> memref<16xi32, #tpu.memory_space<hbm>>
          tpu.enqueue_dma source(%dma_start3A_172 : memref<16xi32, #tpu.memory_space<hbm>>) target(%arg9 : memref<16xi32, #tpu.memory_space<vmem>>) target_semaphore(%run_scoped3A_166 : memref<!tpu.dma_semaphore, #tpu.memory_space<semaphore_mem>>)
          %dma_wait3A_173 = arith.constant 0 : i32
          %dma_wait3A_174 = tpu.memref_slice %arg7[%sub3A_153, %dma_wait3A_173] : memref<2x16xi32, #tpu.memory_space<hbm>> -> memref<1x16xi32, #tpu.memory_space<hbm>>
          %dma_wait3A_175 = tpu.memref_squeeze %dma_wait3A_174 : memref<1x16xi32, #tpu.memory_space<hbm>> -> memref<16xi32, #tpu.memory_space<hbm>>
          %dma_wait3A_176 = arith.constant 0 : i32
          %dma_wait3A_177 = tpu.memref_slice %arg7[%sub3A_153, %dma_wait3A_176] : memref<2x16xi32, #tpu.memory_space<hbm>> -> memref<1x16xi32, #tpu.memory_space<hbm>>
          %dma_wait3A_178 = tpu.memref_squeeze %dma_wait3A_177 : memref<1x16xi32, #tpu.memory_space<hbm>> -> memref<16xi32, #tpu.memory_space<hbm>>
          tpu.wait_dma2 semaphore(%run_scoped3A_166 : memref<!tpu.dma_semaphore, #tpu.memory_space<semaphore_mem>>) src(%dma_wait3A_178 : memref<16xi32, #tpu.memory_space<hbm>>) dst(%arg9 : memref<16xi32, #tpu.memory_space<vmem>>)
          tpu.yield
        }) : () -> ()
        %get3A = arith.constant 0 : index
        %get3A_154 = tpu.vector_load %arg9[%get3A] {strides = array<i32>} : memref<16xi32, #tpu.memory_space<vmem>>, vector<16xi32>,
        %eq3A_155 = arith.constant 1554731435 : i32
        %eq3A_156 = vector.broadcast %eq3A_155 : i32 to vector<16xi32>
        %eq3A_157 = arith.cmpi eq, %get3A_154, %eq3A_156 : vector<16xi32>
        %convert_element_type3A_158 = arith.extui %eq3A_157 : vector<16xi1> to vector<16xi32>
        %reduce_sum3A = arith.constant true
        %reduce_sum3A_159 = vector.broadcast %reduce_sum3A : i1 to vector<16xi1>
        %reduce_sum3A_160 = tpu.scan <sum>, %convert_element_type3A_158 masked %reduce_sum3A_159 : vector<16xi32>, vector<16xi1> -> vector<16xi32>
        %reduce_sum3A_161 = vector.extract %reduce_sum3A_160[15] : i32 from vector<16xi32>
        %add3A_162 = arith.constant 1 : i32
        %add3A_163 = arith.addi %while3A_151, %add3A_162 : i32
        %eq3A_164 = arith.constant 16 : i32
        %eq3A_165 = arith.cmpi eq, %reduce_sum3A_161, %eq3A_164 : i32
        scf.yield %add3A_163, %eq3A_165 : i32, i1
      }
    } else {
    }
    %barrier3A_58 = arith.constant 0 : index
    tpu.barrier barrier_id(%barrier3A_58)
    %run_scoped3A = arith.constant 0 : i32
    %run_scoped3A_59 = arith.constant 0 : i32
    %run_scoped3A_60 = arith.constant 0 : i32
    "tpu.region"() ({
      %run_scoped3A_147 = tpu.sem_alloc : memref<!tpu.dma_semaphore, #tpu.memory_space<semaphore_mem>>
      %dma_start3A_148 = arith.constant 0 : i32
      %dma_start3A_149 = tpu.memref_slice %arg14[%run_scoped3A_60, %dma_start3A_148] : memref<1x128xi32, #tpu.memory_space<vmem>> -> memref<1x128xi32, #tpu.memory_space<vmem>>
      %dma_start3A_150 = tpu.memref_squeeze %dma_start3A_149 : memref<1x128xi32, #tpu.memory_space<vmem>> -> memref<128xi32, #tpu.memory_space<vmem>>
      %dma_start3A_151 = arith.constant 0 : i32
      %dma_start3A_152 = tpu.memref_slice %arg2[%run_scoped3A, %add3A, %run_scoped3A_59, %dma_start3A_151] : memref<25x32x8x128xi32, #tpu.memory_space<hbm>> -> memref<1x1x1x128xi32, #tpu.memory_space<hbm>>
      %dma_start3A_153 = tpu.memref_squeeze %dma_start3A_152 : memref<1x1x1x128xi32, #tpu.memory_space<hbm>> -> memref<128xi32, #tpu.memory_space<hbm>>
      %dma_start3A_154 = arith.constant 0 : i32
      %dma_start3A_155 = tpu.memref_slice %arg14[%run_scoped3A_60, %dma_start3A_154] : memref<1x128xi32, #tpu.memory_space<vmem>> -> memref<1x128xi32, #tpu.memory_space<vmem>>
      %dma_start3A_156 = tpu.memref_squeeze %dma_start3A_155 : memref<1x128xi32, #tpu.memory_space<vmem>> -> memref<128xi32, #tpu.memory_space<vmem>>
      %dma_start3A_157 = arith.constant 0 : i32
      %dma_start3A_158 = tpu.memref_slice %arg2[%run_scoped3A, %add3A, %run_scoped3A_59, %dma_start3A_157] : memref<25x32x8x128xi32, #tpu.memory_space<hbm>> -> memref<1x1x1x128xi32, #tpu.memory_space<hbm>>
      %dma_start3A_159 = tpu.memref_squeeze %dma_start3A_158 : memref<1x1x1x128xi32, #tpu.memory_space<hbm>> -> memref<128xi32, #tpu.memory_space<hbm>>
      tpu.enqueue_dma source(%dma_start3A_159 : memref<128xi32, #tpu.memory_space<hbm>>) target(%dma_start3A_156 : memref<128xi32, #tpu.memory_space<vmem>>) target_semaphore(%run_scoped3A_147 : memref<!tpu.dma_semaphore, #tpu.memory_space<semaphore_mem>>)
      %dma_wait3A_160 = arith.constant 0 : i32
      %dma_wait3A_161 = tpu.memref_slice %arg14[%run_scoped3A_60, %dma_wait3A_160] : memref<1x128xi32, #tpu.memory_space<vmem>> -> memref<1x128xi32, #tpu.memory_space<vmem>>
      %dma_wait3A_162 = tpu.memref_squeeze %dma_wait3A_161 : memref<1x128xi32, #tpu.memory_space<vmem>> -> memref<128xi32, #tpu.memory_space<vmem>>
      %dma_wait3A_163 = arith.constant 0 : i32
      %dma_wait3A_164 = tpu.memref_slice %arg2[%run_scoped3A, %add3A, %run_scoped3A_59, %dma_wait3A_163] : memref<25x32x8x128xi32, #tpu.memory_space<hbm>> -> memref<1x1x1x128xi32, #tpu.memory_space<hbm>>
      %dma_wait3A_165 = tpu.memref_squeeze %dma_wait3A_164 : memref<1x1x1x128xi32, #tpu.memory_space<hbm>> -> memref<128xi32, #tpu.memory_space<hbm>>
      %dma_wait3A_166 = arith.constant 0 : i32
      %dma_wait3A_167 = tpu.memref_slice %arg14[%run_scoped3A_60, %dma_wait3A_166] : memref<1x128xi32, #tpu.memory_space<vmem>> -> memref<1x128xi32, #tpu.memory_space<vmem>>
      %dma_wait3A_168 = tpu.memref_squeeze %dma_wait3A_167 : memref<1x128xi32, #tpu.memory_space<vmem>> -> memref<128xi32, #tpu.memory_space<vmem>>
      %dma_wait3A_169 = arith.constant 0 : i32
      %dma_wait3A_170 = tpu.memref_slice %arg2[%run_scoped3A, %add3A, %run_scoped3A_59, %dma_wait3A_169] : memref<25x32x8x128xi32, #tpu.memory_space<hbm>> -> memref<1x1x1x128xi32, #tpu.memory_space<hbm>>
      %dma_wait3A_171 = tpu.memref_squeeze %dma_wait3A_170 : memref<1x1x1x128xi32, #tpu.memory_space<hbm>> -> memref<128xi32, #tpu.memory_space<hbm>>
      tpu.wait_dma2 semaphore(%run_scoped3A_147 : memref<!tpu.dma_semaphore, #tpu.memory_space<semaphore_mem>>) src(%dma_wait3A_171 : memref<128xi32, #tpu.memory_space<hbm>>) dst(%dma_wait3A_168 : memref<128xi32, #tpu.memory_space<vmem>>)
      tpu.yield
    }) : () -> ()
    %dma_start3A_61 = arith.constant 0 : i32
    %dma_start3A_62 = arith.constant 0 : i32
    %dma_start3A_63 = tpu.memref_slice %arg14[%dma_start3A_61, %dma_start3A_62] : memref<1x128xi32, #tpu.memory_space<vmem>> -> memref<1x128xi32, #tpu.memory_space<vmem>>
    %dma_start3A_64 = tpu.memref_squeeze %dma_start3A_63 : memref<1x128xi32, #tpu.memory_space<vmem>> -> memref<128xi32, #tpu.memory_space<vmem>>
    %dma_start3A_65 = arith.constant 0 : i32
    %dma_start3A_66 = arith.constant 0 : i32
    %dma_start3A_67 = tpu.memref_slice %arg6[%dma_start3A_65, %dma_start3A_66] : memref<1000000x32xf32, #tpu.memory_space<hbm>> -> memref<1000000x32xf32, #tpu.memory_space<hbm>>
    tpu.enqueue_indirect_dma source(%dma_start3A_67 : memref<1000000x32xf32, #tpu.memory_space<hbm>>) target(%arg18 : memref<128x32xf32, #tpu.memory_space<vmem>>) offsets(%dma_start3A_64 : memref<128xi32, #tpu.memory_space<vmem>>) semaphore(%arg34 : memref<!tpu.dma_semaphore, #tpu.memory_space<semaphore_mem>>)
    %run_scoped3A_68 = arith.constant 0 : i32
    %run_scoped3A_69 = arith.constant 1 : i32
    %run_scoped3A_70 = arith.constant 0 : i32
    "tpu.region"() ({
      %run_scoped3A_147 = tpu.sem_alloc : memref<!tpu.dma_semaphore, #tpu.memory_space<semaphore_mem>>
      %dma_start3A_148 = arith.constant 0 : i32
      %dma_start3A_149 = tpu.memref_slice %arg15[%run_scoped3A_70, %dma_start3A_148] : memref<1x128xi32, #tpu.memory_space<vmem>> -> memref<1x128xi32, #tpu.memory_space<vmem>>
      %dma_start3A_150 = tpu.memref_squeeze %dma_start3A_149 : memref<1x128xi32, #tpu.memory_space<vmem>> -> memref<128xi32, #tpu.memory_space<vmem>>
      %dma_start3A_151 = arith.constant 0 : i32
      %dma_start3A_152 = tpu.memref_slice %arg2[%run_scoped3A_68, %add3A, %run_scoped3A_69, %dma_start3A_151] : memref<25x32x8x128xi32, #tpu.memory_space<hbm>> -> memref<1x1x1x128xi32, #tpu.memory_space<hbm>>
      %dma_start3A_153 = tpu.memref_squeeze %dma_start3A_152 : memref<1x1x1x128xi32, #tpu.memory_space<hbm>> -> memref<128xi32, #tpu.memory_space<hbm>>
      %dma_start3A_154 = arith.constant 0 : i32
      %dma_start3A_155 = tpu.memref_slice %arg15[%run_scoped3A_70, %dma_start3A_154] : memref<1x128xi32, #tpu.memory_space<vmem>> -> memref<1x128xi32, #tpu.memory_space<vmem>>
      %dma_start3A_156 = tpu.memref_squeeze %dma_start3A_155 : memref<1x128xi32, #tpu.memory_space<vmem>> -> memref<128xi32, #tpu.memory_space<vmem>>
      %dma_start3A_157 = arith.constant 0 : i32
      %dma_start3A_158 = tpu.memref_slice %arg2[%run_scoped3A_68, %add3A, %run_scoped3A_69, %dma_start3A_157] : memref<25x32x8x128xi32, #tpu.memory_space<hbm>> -> memref<1x1x1x128xi32, #tpu.memory_space<hbm>>
      %dma_start3A_159 = tpu.memref_squeeze %dma_start3A_158 : memref<1x1x1x128xi32, #tpu.memory_space<hbm>> -> memref<128xi32, #tpu.memory_space<hbm>>
      tpu.enqueue_dma source(%dma_start3A_159 : memref<128xi32, #tpu.memory_space<hbm>>) target(%dma_start3A_156 : memref<128xi32, #tpu.memory_space<vmem>>) target_semaphore(%run_scoped3A_147 : memref<!tpu.dma_semaphore, #tpu.memory_space<semaphore_mem>>)
      %dma_wait3A_160 = arith.constant 0 : i32
      %dma_wait3A_161 = tpu.memref_slice %arg15[%run_scoped3A_70, %dma_wait3A_160] : memref<1x128xi32, #tpu.memory_space<vmem>> -> memref<1x128xi32, #tpu.memory_space<vmem>>
      %dma_wait3A_162 = tpu.memref_squeeze %dma_wait3A_161 : memref<1x128xi32, #tpu.memory_space<vmem>> -> memref<128xi32, #tpu.memory_space<vmem>>
      %dma_wait3A_163 = arith.constant 0 : i32
      %dma_wait3A_164 = tpu.memref_slice %arg2[%run_scoped3A_68, %add3A, %run_scoped3A_69, %dma_wait3A_163] : memref<25x32x8x128xi32, #tpu.memory_space<hbm>> -> memref<1x1x1x128xi32, #tpu.memory_space<hbm>>
      %dma_wait3A_165 = tpu.memref_squeeze %dma_wait3A_164 : memref<1x1x1x128xi32, #tpu.memory_space<hbm>> -> memref<128xi32, #tpu.memory_space<hbm>>
      %dma_wait3A_166 = arith.constant 0 : i32
      %dma_wait3A_167 = tpu.memref_slice %arg15[%run_scoped3A_70, %dma_wait3A_166] : memref<1x128xi32, #tpu.memory_space<vmem>> -> memref<1x128xi32, #tpu.memory_space<vmem>>
      %dma_wait3A_168 = tpu.memref_squeeze %dma_wait3A_167 : memref<1x128xi32, #tpu.memory_space<vmem>> -> memref<128xi32, #tpu.memory_space<vmem>>
      %dma_wait3A_169 = arith.constant 0 : i32
      %dma_wait3A_170 = tpu.memref_slice %arg2[%run_scoped3A_68, %add3A, %run_scoped3A_69, %dma_wait3A_169] : memref<25x32x8x128xi32, #tpu.memory_space<hbm>> -> memref<1x1x1x128xi32, #tpu.memory_space<hbm>>
      %dma_wait3A_171 = tpu.memref_squeeze %dma_wait3A_170 : memref<1x1x1x128xi32, #tpu.memory_space<hbm>> -> memref<128xi32, #tpu.memory_space<hbm>>
      tpu.wait_dma2 semaphore(%run_scoped3A_147 : memref<!tpu.dma_semaphore, #tpu.memory_space<semaphore_mem>>) src(%dma_wait3A_171 : memref<128xi32, #tpu.memory_space<hbm>>) dst(%dma_wait3A_168 : memref<128xi32, #tpu.memory_space<vmem>>)
      tpu.yield
    }) : () -> ()
    %dma_start3A_71 = arith.constant 0 : i32
    %dma_start3A_72 = arith.constant 0 : i32
    %dma_start3A_73 = tpu.memref_slice %arg15[%dma_start3A_71, %dma_start3A_72] : memref<1x128xi32, #tpu.memory_space<vmem>> -> memref<1x128xi32, #tpu.memory_space<vmem>>
    %dma_start3A_74 = tpu.memref_squeeze %dma_start3A_73 : memref<1x128xi32, #tpu.memory_space<vmem>> -> memref<128xi32, #tpu.memory_space<vmem>>
    %dma_start3A_75 = arith.constant 0 : i32
    %dma_start3A_76 = arith.constant 0 : i32
    %dma_start3A_77 = tpu.memref_slice %arg6[%dma_start3A_75, %dma_start3A_76] : memref<1000000x32xf32, #tpu.memory_space<hbm>> -> memref<1000000x32xf32, #tpu.memory_space<hbm>>
    tpu.enqueue_indirect_dma source(%dma_start3A_77 : memref<1000000x32xf32, #tpu.memory_space<hbm>>) target(%arg19 : memref<128x32xf32, #tpu.memory_space<vmem>>) offsets(%dma_start3A_74 : memref<128xi32, #tpu.memory_space<vmem>>) semaphore(%arg35 : memref<!tpu.dma_semaphore, #tpu.memory_space<semaphore_mem>>)
    %run_scoped3A_78 = arith.constant 0 : i32
    %run_scoped3A_79 = arith.constant 2 : i32
    %run_scoped3A_80 = arith.constant 0 : i32
    "tpu.region"() ({
      %run_scoped3A_147 = tpu.sem_alloc : memref<!tpu.dma_semaphore, #tpu.memory_space<semaphore_mem>>
      %dma_start3A_148 = arith.constant 0 : i32
      %dma_start3A_149 = tpu.memref_slice %arg16[%run_scoped3A_80, %dma_start3A_148] : memref<1x128xi32, #tpu.memory_space<vmem>> -> memref<1x128xi32, #tpu.memory_space<vmem>>
      %dma_start3A_150 = tpu.memref_squeeze %dma_start3A_149 : memref<1x128xi32, #tpu.memory_space<vmem>> -> memref<128xi32, #tpu.memory_space<vmem>>
      %dma_start3A_151 = arith.constant 0 : i32
      %dma_start3A_152 = tpu.memref_slice %arg2[%run_scoped3A_78, %add3A, %run_scoped3A_79, %dma_start3A_151] : memref<25x32x8x128xi32, #tpu.memory_space<hbm>> -> memref<1x1x1x128xi32, #tpu.memory_space<hbm>>
      %dma_start3A_153 = tpu.memref_squeeze %dma_start3A_152 : memref<1x1x1x128xi32, #tpu.memory_space<hbm>> -> memref<128xi32, #tpu.memory_space<hbm>>
      %dma_start3A_154 = arith.constant 0 : i32
      %dma_start3A_155 = tpu.memref_slice %arg16[%run_scoped3A_80, %dma_start3A_154] : memref<1x128xi32, #tpu.memory_space<vmem>> -> memref<1x128xi32, #tpu.memory_space<vmem>>
      %dma_start3A_156 = tpu.memref_squeeze %dma_start3A_155 : memref<1x128xi32, #tpu.memory_space<vmem>> -> memref<128xi32, #tpu.memory_space<vmem>>
      %dma_start3A_157 = arith.constant 0 : i32
      %dma_start3A_158 = tpu.memref_slice %arg2[%run_scoped3A_78, %add3A, %run_scoped3A_79, %dma_start3A_157] : memref<25x32x8x128xi32, #tpu.memory_space<hbm>> -> memref<1x1x1x128xi32, #tpu.memory_space<hbm>>
      %dma_start3A_159 = tpu.memref_squeeze %dma_start3A_158 : memref<1x1x1x128xi32, #tpu.memory_space<hbm>> -> memref<128xi32, #tpu.memory_space<hbm>>
      tpu.enqueue_dma source(%dma_start3A_159 : memref<128xi32, #tpu.memory_space<hbm>>) target(%dma_start3A_156 : memref<128xi32, #tpu.memory_space<vmem>>) target_semaphore(%run_scoped3A_147 : memref<!tpu.dma_semaphore, #tpu.memory_space<semaphore_mem>>)
      %dma_wait3A_160 = arith.constant 0 : i32
      %dma_wait3A_161 = tpu.memref_slice %arg16[%run_scoped3A_80, %dma_wait3A_160] : memref<1x128xi32, #tpu.memory_space<vmem>> -> memref<1x128xi32, #tpu.memory_space<vmem>>
      %dma_wait3A_162 = tpu.memref_squeeze %dma_wait3A_161 : memref<1x128xi32, #tpu.memory_space<vmem>> -> memref<128xi32, #tpu.memory_space<vmem>>
      %dma_wait3A_163 = arith.constant 0 : i32
      %dma_wait3A_164 = tpu.memref_slice %arg2[%run_scoped3A_78, %add3A, %run_scoped3A_79, %dma_wait3A_163] : memref<25x32x8x128xi32, #tpu.memory_space<hbm>> -> memref<1x1x1x128xi32, #tpu.memory_space<hbm>>
      %dma_wait3A_165 = tpu.memref_squeeze %dma_wait3A_164 : memref<1x1x1x128xi32, #tpu.memory_space<hbm>> -> memref<128xi32, #tpu.memory_space<hbm>>
      %dma_wait3A_166 = arith.constant 0 : i32
      %dma_wait3A_167 = tpu.memref_slice %arg16[%run_scoped3A_80, %dma_wait3A_166] : memref<1x128xi32, #tpu.memory_space<vmem>> -> memref<1x128xi32, #tpu.memory_space<vmem>>
      %dma_wait3A_168 = tpu.memref_squeeze %dma_wait3A_167 : memref<1x128xi32, #tpu.memory_space<vmem>> -> memref<128xi32, #tpu.memory_space<vmem>>
      %dma_wait3A_169 = arith.constant 0 : i32
      %dma_wait3A_170 = tpu.memref_slice %arg2[%run_scoped3A_78, %add3A, %run_scoped3A_79, %dma_wait3A_169] : memref<25x32x8x128xi32, #tpu.memory_space<hbm>> -> memref<1x1x1x128xi32, #tpu.memory_space<hbm>>
      %dma_wait3A_171 = tpu.memref_squeeze %dma_wait3A_170 : memref<1x1x1x128xi32, #tpu.memory_space<hbm>> -> memref<128xi32, #tpu.memory_space<hbm>>
      tpu.wait_dma2 semaphore(%run_scoped3A_147 : memref<!tpu.dma_semaphore, #tpu.memory_space<semaphore_mem>>) src(%dma_wait3A_171 : memref<128xi32, #tpu.memory_space<hbm>>) dst(%dma_wait3A_168 : memref<128xi32, #tpu.memory_space<vmem>>)
      tpu.yield
    }) : () -> ()
    %dma_start3A_81 = arith.constant 0 : i32
    %dma_start3A_82 = arith.constant 0 : i32
    %dma_start3A_83 = tpu.memref_slice %arg16[%dma_start3A_81, %dma_start3A_82] : memref<1x128xi32, #tpu.memory_space<vmem>> -> memref<1x128xi32, #tpu.memory_space<vmem>>
    %dma_start3A_84 = tpu.memref_squeeze %dma_start3A_83 : memref<1x128xi32, #tpu.memory_space<vmem>> -> memref<128xi32, #tpu.memory_space<vmem>>
    %dma_start3A_85 = arith.constant 0 : i32
    %dma_start3A_86 = arith.constant 0 : i32
    %dma_start3A_87 = tpu.memref_slice %arg6[%dma_start3A_85, %dma_start3A_86] : memref<1000000x32xf32, #tpu.memory_space<hbm>> -> memref<1000000x32xf32, #tpu.memory_space<hbm>>
    tpu.enqueue_indirect_dma source(%dma_start3A_87 : memref<1000000x32xf32, #tpu.memory_space<hbm>>) target(%arg20 : memref<128x32xf32, #tpu.memory_space<vmem>>) offsets(%dma_start3A_84 : memref<128xi32, #tpu.memory_space<vmem>>) semaphore(%arg36 : memref<!tpu.dma_semaphore, #tpu.memory_space<semaphore_mem>>)
    %run_scoped3A_88 = arith.constant 0 : i32
    %run_scoped3A_89 = arith.constant 3 : i32
    %run_scoped3A_90 = arith.constant 0 : i32
    "tpu.region"() ({
      %run_scoped3A_147 = tpu.sem_alloc : memref<!tpu.dma_semaphore, #tpu.memory_space<semaphore_mem>>
      %dma_start3A_148 = arith.constant 0 : i32
      %dma_start3A_149 = tpu.memref_slice %arg17[%run_scoped3A_90, %dma_start3A_148] : memref<1x128xi32, #tpu.memory_space<vmem>> -> memref<1x128xi32, #tpu.memory_space<vmem>>
      %dma_start3A_150 = tpu.memref_squeeze %dma_start3A_149 : memref<1x128xi32, #tpu.memory_space<vmem>> -> memref<128xi32, #tpu.memory_space<vmem>>
      %dma_start3A_151 = arith.constant 0 : i32
      %dma_start3A_152 = tpu.memref_slice %arg2[%run_scoped3A_88, %add3A, %run_scoped3A_89, %dma_start3A_151] : memref<25x32x8x128xi32, #tpu.memory_space<hbm>> -> memref<1x1x1x128xi32, #tpu.memory_space<hbm>>
      %dma_start3A_153 = tpu.memref_squeeze %dma_start3A_152 : memref<1x1x1x128xi32, #tpu.memory_space<hbm>> -> memref<128xi32, #tpu.memory_space<hbm>>
      %dma_start3A_154 = arith.constant 0 : i32
      %dma_start3A_155 = tpu.memref_slice %arg17[%run_scoped3A_90, %dma_start3A_154] : memref<1x128xi32, #tpu.memory_space<vmem>> -> memref<1x128xi32, #tpu.memory_space<vmem>>
      %dma_start3A_156 = tpu.memref_squeeze %dma_start3A_155 : memref<1x128xi32, #tpu.memory_space<vmem>> -> memref<128xi32, #tpu.memory_space<vmem>>
      %dma_start3A_157 = arith.constant 0 : i32
      %dma_start3A_158 = tpu.memref_slice %arg2[%run_scoped3A_88, %add3A, %run_scoped3A_89, %dma_start3A_157] : memref<25x32x8x128xi32, #tpu.memory_space<hbm>> -> memref<1x1x1x128xi32, #tpu.memory_space<hbm>>
      %dma_start3A_159 = tpu.memref_squeeze %dma_start3A_158 : memref<1x1x1x128xi32, #tpu.memory_space<hbm>> -> memref<128xi32, #tpu.memory_space<hbm>>
      tpu.enqueue_dma source(%dma_start3A_159 : memref<128xi32, #tpu.memory_space<hbm>>) target(%dma_start3A_156 : memref<128xi32, #tpu.memory_space<vmem>>) target_semaphore(%run_scoped3A_147 : memref<!tpu.dma_semaphore, #tpu.memory_space<semaphore_mem>>)
      %dma_wait3A_160 = arith.constant 0 : i32
      %dma_wait3A_161 = tpu.memref_slice %arg17[%run_scoped3A_90, %dma_wait3A_160] : memref<1x128xi32, #tpu.memory_space<vmem>> -> memref<1x128xi32, #tpu.memory_space<vmem>>
      %dma_wait3A_162 = tpu.memref_squeeze %dma_wait3A_161 : memref<1x128xi32, #tpu.memory_space<vmem>> -> memref<128xi32, #tpu.memory_space<vmem>>
      %dma_wait3A_163 = arith.constant 0 : i32
      %dma_wait3A_164 = tpu.memref_slice %arg2[%run_scoped3A_88, %add3A, %run_scoped3A_89, %dma_wait3A_163] : memref<25x32x8x128xi32, #tpu.memory_space<hbm>> -> memref<1x1x1x128xi32, #tpu.memory_space<hbm>>
      %dma_wait3A_165 = tpu.memref_squeeze %dma_wait3A_164 : memref<1x1x1x128xi32, #tpu.memory_space<hbm>> -> memref<128xi32, #tpu.memory_space<hbm>>
      %dma_wait3A_166 = arith.constant 0 : i32
      %dma_wait3A_167 = tpu.memref_slice %arg17[%run_scoped3A_90, %dma_wait3A_166] : memref<1x128xi32, #tpu.memory_space<vmem>> -> memref<1x128xi32, #tpu.memory_space<vmem>>
      %dma_wait3A_168 = tpu.memref_squeeze %dma_wait3A_167 : memref<1x128xi32, #tpu.memory_space<vmem>> -> memref<128xi32, #tpu.memory_space<vmem>>
      %dma_wait3A_169 = arith.constant 0 : i32
      %dma_wait3A_170 = tpu.memref_slice %arg2[%run_scoped3A_88, %add3A, %run_scoped3A_89, %dma_wait3A_169] : memref<25x32x8x128xi32, #tpu.memory_space<hbm>> -> memref<1x1x1x128xi32, #tpu.memory_space<hbm>>
      %dma_wait3A_171 = tpu.memref_squeeze %dma_wait3A_170 : memref<1x1x1x128xi32, #tpu.memory_space<hbm>> -> memref<128xi32, #tpu.memory_space<hbm>>
      tpu.wait_dma2 semaphore(%run_scoped3A_147 : memref<!tpu.dma_semaphore, #tpu.memory_space<semaphore_mem>>) src(%dma_wait3A_171 : memref<128xi32, #tpu.memory_space<hbm>>) dst(%dma_wait3A_168 : memref<128xi32, #tpu.memory_space<vmem>>)
      tpu.yield
    }) : () -> ()
    %dma_start3A_91 = arith.constant 0 : i32
    %dma_start3A_92 = arith.constant 0 : i32
    %dma_start3A_93 = tpu.memref_slice %arg17[%dma_start3A_91, %dma_start3A_92] : memref<1x128xi32, #tpu.memory_space<vmem>> -> memref<1x128xi32, #tpu.memory_space<vmem>>
    %dma_start3A_94 = tpu.memref_squeeze %dma_start3A_93 : memref<1x128xi32, #tpu.memory_space<vmem>> -> memref<128xi32, #tpu.memory_space<vmem>>
    %dma_start3A_95 = arith.constant 0 : i32
    %dma_start3A_96 = arith.constant 0 : i32
    %dma_start3A_97 = tpu.memref_slice %arg6[%dma_start3A_95, %dma_start3A_96] : memref<1000000x32xf32, #tpu.memory_space<hbm>> -> memref<1000000x32xf32, #tpu.memory_space<hbm>>
    tpu.enqueue_indirect_dma source(%dma_start3A_97 : memref<1000000x32xf32, #tpu.memory_space<hbm>>) target(%arg21 : memref<128x32xf32, #tpu.memory_space<vmem>>) offsets(%dma_start3A_94 : memref<128xi32, #tpu.memory_space<vmem>>) semaphore(%arg37 : memref<!tpu.dma_semaphore, #tpu.memory_space<semaphore_mem>>)
    %scan3A_98 = arith.constant 0 : i32
    %scan3A_99 = arith.constant 50 : i32
    %scan3A_100 = arith.addi %scan3A_98, %scan3A_99 : i32
    %scan3A_101 = arith.constant 1 : i32
    scf.for %scan3A_147 = %scan3A_98 to %scan3A_100 step %scan3A_101  : i32 {
      %mul3A_148 = arith.constant 1 : i32
      %mul3A_149 = arith.muli %scan3A_147, %mul3A_148 : i32
      %add3A_150 = arith.constant 0 : i32
      %add3A_151 = arith.addi %add3A_150, %mul3A_149 : i32
      %mul3A_152 = arith.constant 4 : i32
      %mul3A_153 = arith.muli %add3A_151, %mul3A_152 : i32
      %add3A_154 = arith.constant 0 : i32
      %add3A_155 = arith.addi %mul3A_153, %add3A_154 : i32
      %dma_wait3A_156 = arith.constant 0 : i32
      %dma_wait3A_157 = arith.constant 0 : i32
      %dma_wait3A_158 = tpu.memref_slice %arg14[%dma_wait3A_156, %dma_wait3A_157] : memref<1x128xi32, #tpu.memory_space<vmem>> -> memref<1x128xi32, #tpu.memory_space<vmem>>
      %dma_wait3A_159 = tpu.memref_squeeze %dma_wait3A_158 : memref<1x128xi32, #tpu.memory_space<vmem>> -> memref<128xi32, #tpu.memory_space<vmem>>
      %dma_wait3A_160 = arith.constant 0 : i32
      %dma_wait3A_161 = arith.constant 0 : i32
      %dma_wait3A_162 = tpu.memref_slice %arg6[%dma_wait3A_160, %dma_wait3A_161] : memref<1000000x32xf32, #tpu.memory_space<hbm>> -> memref<1000000x32xf32, #tpu.memory_space<hbm>>
      tpu.wait_indirect_dma semaphore(%arg34 : memref<!tpu.dma_semaphore, #tpu.memory_space<semaphore_mem>>) src(%dma_wait3A_162 : memref<1000000x32xf32, #tpu.memory_space<hbm>>) dst(%arg18 : memref<128x32xf32, #tpu.memory_space<vmem>>)
      %ge3A = arith.constant 1 : i32
      %ge3A_163 = arith.cmpi sge, %add3A_151, %ge3A : i32
      %convert_element_type3A_164 = arith.extui %ge3A_163 : i1 to i32
      %cond3A_165 = arith.constant 0 : i32
      %cond3A_166 = arith.cmpi ne, %convert_element_type3A_164, %cond3A_165 : i32
      scf.if %cond3A_166 {
        %sub3A = arith.constant 4 : i32
        %sub3A_315 = arith.subi %add3A_155, %sub3A : i32
        %dma_wait3A_316 = arith.constant 0 : i32
        %dma_wait3A_317 = arith.constant 0 : i32
        %dma_wait3A_318 = arith.constant 0 : i32
        %dma_wait3A_319 = tpu.memref_slice %arg5[%sub3A_315, %dma_wait3A_316, %add3A, %dma_wait3A_317, %dma_wait3A_318] : memref<200x4x32x8x128xf32, #tpu.memory_space<hbm>> -> memref<1x4x1x8x128xf32, #tpu.memory_space<hbm>>
        %dma_wait3A_320 = tpu.memref_squeeze %dma_wait3A_319 : memref<1x4x1x8x128xf32, #tpu.memory_space<hbm>> -> memref<4x8x128xf32, #tpu.memory_space<hbm>>
        %dma_wait3A_321 = arith.constant 0 : i32
        %dma_wait3A_322 = arith.constant 0 : i32
        %dma_wait3A_323 = arith.constant 0 : i32
        %dma_wait3A_324 = tpu.memref_slice %arg5[%sub3A_315, %dma_wait3A_321, %add3A, %dma_wait3A_322, %dma_wait3A_323] : memref<200x4x32x8x128xf32, #tpu.memory_space<hbm>> -> memref<1x4x1x8x128xf32, #tpu.memory_space<hbm>>
        %dma_wait3A_325 = tpu.memref_squeeze %dma_wait3A_324 : memref<1x4x1x8x128xf32, #tpu.memory_space<hbm>> -> memref<4x8x128xf32, #tpu.memory_space<hbm>>
        tpu.wait_dma2 semaphore(%arg38 : memref<!tpu.dma_semaphore, #tpu.memory_space<semaphore_mem>>) src(%arg22 : memref<4x8x128xf32, #tpu.memory_space<vmem>>) dst(%dma_wait3A_325 : memref<4x8x128xf32, #tpu.memory_space<hbm>>)
      } else {
      }
      %lt3A_167 = arith.constant 49 : i32
      %lt3A_168 = arith.cmpi slt, %add3A_151, %lt3A_167 : i32
      %convert_element_type3A_169 = arith.extui %lt3A_168 : i1 to i32
      %cond3A_170 = arith.constant 0 : i32
      %cond3A_171 = arith.cmpi ne, %convert_element_type3A_169, %cond3A_170 : i32
      scf.if %cond3A_171 {
        %add3A_315 = arith.constant 4 : i32
        %add3A_316 = arith.addi %add3A_155, %add3A_315 : i32
        %jit3A = arith.constant 8 : i32
        %div3A = arith.divsi %add3A_316, %jit3A : i32
        %sign3A = arith.constant 0 : i32
        %sign3A_317 = arith.cmpi sgt, %add3A_316, %sign3A : i32
        %sign3A_318 = arith.extui %sign3A_317 : i1 to i32
        %sign3A_319 = arith.constant 0 : i32
        %sign3A_320 = arith.cmpi slt, %add3A_316, %sign3A_319 : i32
        %sign3A_321 = arith.extui %sign3A_320 : i1 to i32
        %sign3A_322 = arith.subi %sign3A_318, %sign3A_321 : i32
        %sign3A_323 = arith.constant 0 : i32
        %sign3A_324 = arith.cmpi sgt, %jit3A, %sign3A_323 : i32
        %sign3A_325 = arith.extui %sign3A_324 : i1 to i32
        %sign3A_326 = arith.constant 0 : i32
        %sign3A_327 = arith.cmpi slt, %jit3A, %sign3A_326 : i32
        %sign3A_328 = arith.extui %sign3A_327 : i1 to i32
        %sign3A_329 = arith.subi %sign3A_325, %sign3A_328 : i32
        %ne3A = arith.cmpi ne, %sign3A_322, %sign3A_329 : i32
        %rem3A = arith.remsi %add3A_316, %jit3A : i32
        %ne3A_330 = arith.constant 0 : i32
        %ne3A_331 = arith.cmpi ne, %rem3A, %ne3A_330 : i32
        %and3A = arith.andi %ne3A, %ne3A_331 : i1
        %sub3A = arith.constant 1 : i32
        %sub3A_332 = arith.subi %div3A, %sub3A : i32
        %select_n3A = arith.select %and3A, %sub3A_332, %div3A : i32
        %jit3A_333 = arith.constant 8 : i32
        %eq3A_334 = arith.constant 0 : i32
        %eq3A_335 = arith.cmpi eq, %jit3A_333, %eq3A_334 : i32
        %jit3A_336 = arith.constant 1 : i32
        %select_n3A_337 = arith.select %eq3A_335, %jit3A_336, %jit3A_333 : i32
        %rem3A_338 = arith.remsi %add3A_316, %select_n3A_337 : i32
        %ne3A_339 = arith.constant 0 : i32
        %ne3A_340 = arith.cmpi ne, %rem3A_338, %ne3A_339 : i32
        %lt3A_341 = arith.constant 0 : i32
        %lt3A_342 = arith.cmpi slt, %rem3A_338, %lt3A_341 : i32
        %lt3A_343 = arith.constant 0 : i32
        %lt3A_344 = arith.cmpi slt, %select_n3A_337, %lt3A_343 : i32
        %ne3A_345 = arith.xori %lt3A_342, %lt3A_344 : i1
        %and3A_346 = arith.andi %ne3A_345, %ne3A_340 : i1
        %add3A_347 = arith.addi %rem3A_338, %select_n3A_337 : i32
        %select_n3A_348 = arith.select %and3A_346, %add3A_347, %rem3A_338 : i32
        %dma_start3A_349 = arith.constant 0 : i32
        %dma_start3A_350 = arith.constant 0 : i32
        %dma_start3A_351 = tpu.memref_slice %arg14[%dma_start3A_349, %dma_start3A_350] : memref<1x128xi32, #tpu.memory_space<vmem>> -> memref<1x128xi32, #tpu.memory_space<vmem>>
        %dma_start3A_352 = tpu.memref_squeeze %dma_start3A_351 : memref<1x128xi32, #tpu.memory_space<vmem>> -> memref<128xi32, #tpu.memory_space<vmem>>
        %dma_start3A_353 = arith.constant 0 : i32
        %dma_start3A_354 = tpu.memref_slice %arg2[%select_n3A, %add3A, %select_n3A_348, %dma_start3A_353] : memref<25x32x8x128xi32, #tpu.memory_space<hbm>> -> memref<1x1x1x128xi32, #tpu.memory_space<hbm>>
        %dma_start3A_355 = tpu.memref_squeeze %dma_start3A_354 : memref<1x1x1x128xi32, #tpu.memory_space<hbm>> -> memref<128xi32, #tpu.memory_space<hbm>>
        %dma_start3A_356 = arith.constant 0 : i32
        %dma_start3A_357 = tpu.memref_slice %arg14[%dma_start3A_349, %dma_start3A_356] : memref<1x128xi32, #tpu.memory_space<vmem>> -> memref<1x128xi32, #tpu.memory_space<vmem>>
        %dma_start3A_358 = tpu.memref_squeeze %dma_start3A_357 : memref<1x128xi32, #tpu.memory_space<vmem>> -> memref<128xi32, #tpu.memory_space<vmem>>
        %dma_start3A_359 = arith.constant 0 : i32
        %dma_start3A_360 = tpu.memref_slice %arg2[%select_n3A, %add3A, %select_n3A_348, %dma_start3A_359] : memref<25x32x8x128xi32, #tpu.memory_space<hbm>> -> memref<1x1x1x128xi32, #tpu.memory_space<hbm>>
        %dma_start3A_361 = tpu.memref_squeeze %dma_start3A_360 : memref<1x1x1x128xi32, #tpu.memory_space<hbm>> -> memref<128xi32, #tpu.memory_space<hbm>>
        tpu.enqueue_dma source(%dma_start3A_361 : memref<128xi32, #tpu.memory_space<hbm>>) target(%dma_start3A_358 : memref<128xi32, #tpu.memory_space<vmem>>) target_semaphore(%arg30 : memref<!tpu.dma_semaphore, #tpu.memory_space<semaphore_mem>>)
      } else {
      }
      %scan3A_172 = arith.constant 0 : i32
      %scan3A_173 = arith.constant 32 : i32
      %scan3A_174 = arith.addi %scan3A_172, %scan3A_173 : i32
      %scan3A_175 = arith.constant 4 : i32
      scf.for %scan3A_315 = %scan3A_172 to %scan3A_174 step %scan3A_175  : i32 {
        %mul3A_316 = arith.constant 1 : i32
        %mul3A_317 = arith.muli %scan3A_315, %mul3A_316 : i32
        %add3A_318 = arith.constant 0 : i32
        %add3A_319 = arith.addi %add3A_318, %mul3A_317 : i32
        %get3A = arith.index_cast %add3A_319 : i32 to index
        %get3A_320 = arith.constant 0 : index
        %get3A_321 = tpu.vector_load %arg8[%get3A, %get3A_320] {strides = array<i32>} : memref<32x16xi32, #tpu.memory_space<vmem>>, vector<16xi32>,
        %shift_right_arithmetic3A = arith.constant 3 : i32
        %shift_right_arithmetic3A_322 = vector.broadcast %shift_right_arithmetic3A : i32 to vector<16xi32>
        %shift_right_arithmetic3A_323 = arith.shrsi %get3A_321, %shift_right_arithmetic3A_322 : vector<16xi32>
        %and3A = arith.constant 7 : i32
        %and3A_324 = vector.broadcast %and3A : i32 to vector<16xi32>
        %and3A_325 = arith.andi %get3A_321, %and3A_324 : vector<16xi32>
        %add3A_326 = arith.constant 0 : i32
        %add3A_327 = vector.broadcast %add3A_326 : i32 to vector<16xi32>
        %add3A_328 = arith.addi %iota3A, %add3A_327 : vector<16xi32>
        %gather3A = tpu.vector_load_idx %arg18[%add3A_328, %get3A_321] : memref<128x32xf32, #tpu.memory_space<vmem>>[vector<16xi32>, vector<16xi32>], vector<16xf32>,
        %mul3A_329 = arith.constant 5.65685415 : f32
        %mul3A_330 = vector.broadcast %mul3A_329 : f32 to vector<16xf32>
        %mul3A_331 = arith.mulf %gather3A, %mul3A_330 : vector<16xf32>
        tpu.vector_store_idx %arg22[%shift_right_arithmetic3A_323, %and3A_325, %add3A_328], %mul3A_331 : memref<4x8x128xf32, #tpu.memory_space<vmem>>[vector<16xi32>, vector<16xi32>, vector<16xi32>], vector<16xf32>,
        %add3A_332 = arith.constant 16 : i32
        %add3A_333 = vector.broadcast %add3A_332 : i32 to vector<16xi32>
        %add3A_334 = arith.addi %iota3A, %add3A_333 : vector<16xi32>
        %gather3A_335 = tpu.vector_load_idx %arg18[%add3A_334, %get3A_321] : memref<128x32xf32, #tpu.memory_space<vmem>>[vector<16xi32>, vector<16xi32>], vector<16xf32>,
        %mul3A_336 = arith.constant 5.65685415 : f32
        %mul3A_337 = vector.broadcast %mul3A_336 : f32 to vector<16xf32>
        %mul3A_338 = arith.mulf %gather3A_335, %mul3A_337 : vector<16xf32>
        tpu.vector_store_idx %arg22[%shift_right_arithmetic3A_323, %and3A_325, %add3A_334], %mul3A_338 : memref<4x8x128xf32, #tpu.memory_space<vmem>>[vector<16xi32>, vector<16xi32>, vector<16xi32>], vector<16xf32>,
        %add3A_339 = arith.constant 32 : i32
        %add3A_340 = vector.broadcast %add3A_339 : i32 to vector<16xi32>
        %add3A_341 = arith.addi %iota3A, %add3A_340 : vector<16xi32>
        %gather3A_342 = tpu.vector_load_idx %arg18[%add3A_341, %get3A_321] : memref<128x32xf32, #tpu.memory_space<vmem>>[vector<16xi32>, vector<16xi32>], vector<16xf32>,
        %mul3A_343 = arith.constant 5.65685415 : f32
        %mul3A_344 = vector.broadcast %mul3A_343 : f32 to vector<16xf32>
        %mul3A_345 = arith.mulf %gather3A_342, %mul3A_344 : vector<16xf32>
        tpu.vector_store_idx %arg22[%shift_right_arithmetic3A_323, %and3A_325, %add3A_341], %mul3A_345 : memref<4x8x128xf32, #tpu.memory_space<vmem>>[vector<16xi32>, vector<16xi32>, vector<16xi32>], vector<16xf32>,
        %add3A_346 = arith.constant 48 : i32
        %add3A_347 = vector.broadcast %add3A_346 : i32 to vector<16xi32>
        %add3A_348 = arith.addi %iota3A, %add3A_347 : vector<16xi32>
        %gather3A_349 = tpu.vector_load_idx %arg18[%add3A_348, %get3A_321] : memref<128x32xf32, #tpu.memory_space<vmem>>[vector<16xi32>, vector<16xi32>], vector<16xf32>,
        %mul3A_350 = arith.constant 5.65685415 : f32
        %mul3A_351 = vector.broadcast %mul3A_350 : f32 to vector<16xf32>
        %mul3A_352 = arith.mulf %gather3A_349, %mul3A_351 : vector<16xf32>
        tpu.vector_store_idx %arg22[%shift_right_arithmetic3A_323, %and3A_325, %add3A_348], %mul3A_352 : memref<4x8x128xf32, #tpu.memory_space<vmem>>[vector<16xi32>, vector<16xi32>, vector<16xi32>], vector<16xf32>,
        %add3A_353 = arith.constant 64 : i32
        %add3A_354 = vector.broadcast %add3A_353 : i32 to vector<16xi32>
        %add3A_355 = arith.addi %iota3A, %add3A_354 : vector<16xi32>
        %gather3A_356 = tpu.vector_load_idx %arg18[%add3A_355, %get3A_321] : memref<128x32xf32, #tpu.memory_space<vmem>>[vector<16xi32>, vector<16xi32>], vector<16xf32>,
        %mul3A_357 = arith.constant 5.65685415 : f32
        %mul3A_358 = vector.broadcast %mul3A_357 : f32 to vector<16xf32>
        %mul3A_359 = arith.mulf %gather3A_356, %mul3A_358 : vector<16xf32>
        tpu.vector_store_idx %arg22[%shift_right_arithmetic3A_323, %and3A_325, %add3A_355], %mul3A_359 : memref<4x8x128xf32, #tpu.memory_space<vmem>>[vector<16xi32>, vector<16xi32>, vector<16xi32>], vector<16xf32>,
        %add3A_360 = arith.constant 80 : i32
        %add3A_361 = vector.broadcast %add3A_360 : i32 to vector<16xi32>
        %add3A_362 = arith.addi %iota3A, %add3A_361 : vector<16xi32>
        %gather3A_363 = tpu.vector_load_idx %arg18[%add3A_362, %get3A_321] : memref<128x32xf32, #tpu.memory_space<vmem>>[vector<16xi32>, vector<16xi32>], vector<16xf32>,
        %mul3A_364 = arith.constant 5.65685415 : f32
        %mul3A_365 = vector.broadcast %mul3A_364 : f32 to vector<16xf32>
        %mul3A_366 = arith.mulf %gather3A_363, %mul3A_365 : vector<16xf32>
        tpu.vector_store_idx %arg22[%shift_right_arithmetic3A_323, %and3A_325, %add3A_362], %mul3A_366 : memref<4x8x128xf32, #tpu.memory_space<vmem>>[vector<16xi32>, vector<16xi32>, vector<16xi32>], vector<16xf32>,
        %add3A_367 = arith.constant 96 : i32
        %add3A_368 = vector.broadcast %add3A_367 : i32 to vector<16xi32>
        %add3A_369 = arith.addi %iota3A, %add3A_368 : vector<16xi32>
        %gather3A_370 = tpu.vector_load_idx %arg18[%add3A_369, %get3A_321] : memref<128x32xf32, #tpu.memory_space<vmem>>[vector<16xi32>, vector<16xi32>], vector<16xf32>,
        %mul3A_371 = arith.constant 5.65685415 : f32
        %mul3A_372 = vector.broadcast %mul3A_371 : f32 to vector<16xf32>
        %mul3A_373 = arith.mulf %gather3A_370, %mul3A_372 : vector<16xf32>
        tpu.vector_store_idx %arg22[%shift_right_arithmetic3A_323, %and3A_325, %add3A_369], %mul3A_373 : memref<4x8x128xf32, #tpu.memory_space<vmem>>[vector<16xi32>, vector<16xi32>, vector<16xi32>], vector<16xf32>,
        %add3A_374 = arith.constant 112 : i32
        %add3A_375 = vector.broadcast %add3A_374 : i32 to vector<16xi32>
        %add3A_376 = arith.addi %iota3A, %add3A_375 : vector<16xi32>
        %gather3A_377 = tpu.vector_load_idx %arg18[%add3A_376, %get3A_321] : memref<128x32xf32, #tpu.memory_space<vmem>>[vector<16xi32>, vector<16xi32>], vector<16xf32>,
        %mul3A_378 = arith.constant 5.65685415 : f32
        %mul3A_379 = vector.broadcast %mul3A_378 : f32 to vector<16xf32>
        %mul3A_380 = arith.mulf %gather3A_377, %mul3A_379 : vector<16xf32>
        tpu.vector_store_idx %arg22[%shift_right_arithmetic3A_323, %and3A_325, %add3A_376], %mul3A_380 : memref<4x8x128xf32, #tpu.memory_space<vmem>>[vector<16xi32>, vector<16xi32>, vector<16xi32>], vector<16xf32>,
        %scan3A_381 = arith.constant 1 : i32
        %scan3A_382 = arith.addi %scan3A_315, %scan3A_381 : i32
        %mul3A_383 = arith.constant 1 : i32
        %mul3A_384 = arith.muli %scan3A_382, %mul3A_383 : i32
        %add3A_385 = arith.constant 0 : i32
        %add3A_386 = arith.addi %add3A_385, %mul3A_384 : i32
        %get3A_387 = arith.index_cast %add3A_386 : i32 to index
        %get3A_388 = arith.constant 0 : index
        %get3A_389 = tpu.vector_load %arg8[%get3A_387, %get3A_388] {strides = array<i32>} : memref<32x16xi32, #tpu.memory_space<vmem>>, vector<16xi32>,
        %shift_right_arithmetic3A_390 = arith.constant 3 : i32
        %shift_right_arithmetic3A_391 = vector.broadcast %shift_right_arithmetic3A_390 : i32 to vector<16xi32>
        %shift_right_arithmetic3A_392 = arith.shrsi %get3A_389, %shift_right_arithmetic3A_391 : vector<16xi32>
        %and3A_393 = arith.constant 7 : i32
        %and3A_394 = vector.broadcast %and3A_393 : i32 to vector<16xi32>
        %and3A_395 = arith.andi %get3A_389, %and3A_394 : vector<16xi32>
        %add3A_396 = arith.constant 0 : i32
        %add3A_397 = vector.broadcast %add3A_396 : i32 to vector<16xi32>
        %add3A_398 = arith.addi %iota3A, %add3A_397 : vector<16xi32>
        %gather3A_399 = tpu.vector_load_idx %arg18[%add3A_398, %get3A_389] : memref<128x32xf32, #tpu.memory_space<vmem>>[vector<16xi32>, vector<16xi32>], vector<16xf32>,
        %mul3A_400 = arith.constant 5.65685415 : f32
        %mul3A_401 = vector.broadcast %mul3A_400 : f32 to vector<16xf32>
        %mul3A_402 = arith.mulf %gather3A_399, %mul3A_401 : vector<16xf32>
        tpu.vector_store_idx %arg22[%shift_right_arithmetic3A_392, %and3A_395, %add3A_398], %mul3A_402 : memref<4x8x128xf32, #tpu.memory_space<vmem>>[vector<16xi32>, vector<16xi32>, vector<16xi32>], vector<16xf32>,
        %add3A_403 = arith.constant 16 : i32
        %add3A_404 = vector.broadcast %add3A_403 : i32 to vector<16xi32>
        %add3A_405 = arith.addi %iota3A, %add3A_404 : vector<16xi32>
        %gather3A_406 = tpu.vector_load_idx %arg18[%add3A_405, %get3A_389] : memref<128x32xf32, #tpu.memory_space<vmem>>[vector<16xi32>, vector<16xi32>], vector<16xf32>,
        %mul3A_407 = arith.constant 5.65685415 : f32
        %mul3A_408 = vector.broadcast %mul3A_407 : f32 to vector<16xf32>
        %mul3A_409 = arith.mulf %gather3A_406, %mul3A_408 : vector<16xf32>
        tpu.vector_store_idx %arg22[%shift_right_arithmetic3A_392, %and3A_395, %add3A_405], %mul3A_409 : memref<4x8x128xf32, #tpu.memory_space<vmem>>[vector<16xi32>, vector<16xi32>, vector<16xi32>], vector<16xf32>,
        %add3A_410 = arith.constant 32 : i32
        %add3A_411 = vector.broadcast %add3A_410 : i32 to vector<16xi32>
        %add3A_412 = arith.addi %iota3A, %add3A_411 : vector<16xi32>
        %gather3A_413 = tpu.vector_load_idx %arg18[%add3A_412, %get3A_389] : memref<128x32xf32, #tpu.memory_space<vmem>>[vector<16xi32>, vector<16xi32>], vector<16xf32>,
        %mul3A_414 = arith.constant 5.65685415 : f32
        %mul3A_415 = vector.broadcast %mul3A_414 : f32 to vector<16xf32>
        %mul3A_416 = arith.mulf %gather3A_413, %mul3A_415 : vector<16xf32>
        tpu.vector_store_idx %arg22[%shift_right_arithmetic3A_392, %and3A_395, %add3A_412], %mul3A_416 : memref<4x8x128xf32, #tpu.memory_space<vmem>>[vector<16xi32>, vector<16xi32>, vector<16xi32>], vector<16xf32>,
        %add3A_417 = arith.constant 48 : i32
        %add3A_418 = vector.broadcast %add3A_417 : i32 to vector<16xi32>
        %add3A_419 = arith.addi %iota3A, %add3A_418 : vector<16xi32>
        %gather3A_420 = tpu.vector_load_idx %arg18[%add3A_419, %get3A_389] : memref<128x32xf32, #tpu.memory_space<vmem>>[vector<16xi32>, vector<16xi32>], vector<16xf32>,
        %mul3A_421 = arith.constant 5.65685415 : f32
        %mul3A_422 = vector.broadcast %mul3A_421 : f32 to vector<16xf32>
        %mul3A_423 = arith.mulf %gather3A_420, %mul3A_422 : vector<16xf32>
        tpu.vector_store_idx %arg22[%shift_right_arithmetic3A_392, %and3A_395, %add3A_419], %mul3A_423 : memref<4x8x128xf32, #tpu.memory_space<vmem>>[vector<16xi32>, vector<16xi32>, vector<16xi32>], vector<16xf32>,
        %add3A_424 = arith.constant 64 : i32
        %add3A_425 = vector.broadcast %add3A_424 : i32 to vector<16xi32>
        %add3A_426 = arith.addi %iota3A, %add3A_425 : vector<16xi32>
        %gather3A_427 = tpu.vector_load_idx %arg18[%add3A_426, %get3A_389] : memref<128x32xf32, #tpu.memory_space<vmem>>[vector<16xi32>, vector<16xi32>], vector<16xf32>,
        %mul3A_428 = arith.constant 5.65685415 : f32
        %mul3A_429 = vector.broadcast %mul3A_428 : f32 to vector<16xf32>
        %mul3A_430 = arith.mulf %gather3A_427, %mul3A_429 : vector<16xf32>
        tpu.vector_store_idx %arg22[%shift_right_arithmetic3A_392, %and3A_395, %add3A_426], %mul3A_430 : memref<4x8x128xf32, #tpu.memory_space<vmem>>[vector<16xi32>, vector<16xi32>, vector<16xi32>], vector<16xf32>,
        %add3A_431 = arith.constant 80 : i32
        %add3A_432 = vector.broadcast %add3A_431 : i32 to vector<16xi32>
        %add3A_433 = arith.addi %iota3A, %add3A_432 : vector<16xi32>
        %gather3A_434 = tpu.vector_load_idx %arg18[%add3A_433, %get3A_389] : memref<128x32xf32, #tpu.memory_space<vmem>>[vector<16xi32>, vector<16xi32>], vector<16xf32>,
        %mul3A_435 = arith.constant 5.65685415 : f32
        %mul3A_436 = vector.broadcast %mul3A_435 : f32 to vector<16xf32>
        %mul3A_437 = arith.mulf %gather3A_434, %mul3A_436 : vector<16xf32>
        tpu.vector_store_idx %arg22[%shift_right_arithmetic3A_392, %and3A_395, %add3A_433], %mul3A_437 : memref<4x8x128xf32, #tpu.memory_space<vmem>>[vector<16xi32>, vector<16xi32>, vector<16xi32>], vector<16xf32>,
        %add3A_438 = arith.constant 96 : i32
        %add3A_439 = vector.broadcast %add3A_438 : i32 to vector<16xi32>
        %add3A_440 = arith.addi %iota3A, %add3A_439 : vector<16xi32>
        %gather3A_441 = tpu.vector_load_idx %arg18[%add3A_440, %get3A_389] : memref<128x32xf32, #tpu.memory_space<vmem>>[vector<16xi32>, vector<16xi32>], vector<16xf32>,
        %mul3A_442 = arith.constant 5.65685415 : f32
        %mul3A_443 = vector.broadcast %mul3A_442 : f32 to vector<16xf32>
        %mul3A_444 = arith.mulf %gather3A_441, %mul3A_443 : vector<16xf32>
        tpu.vector_store_idx %arg22[%shift_right_arithmetic3A_392, %and3A_395, %add3A_440], %mul3A_444 : memref<4x8x128xf32, #tpu.memory_space<vmem>>[vector<16xi32>, vector<16xi32>, vector<16xi32>], vector<16xf32>,
        %add3A_445 = arith.constant 112 : i32
        %add3A_446 = vector.broadcast %add3A_445 : i32 to vector<16xi32>
        %add3A_447 = arith.addi %iota3A, %add3A_446 : vector<16xi32>
        %gather3A_448 = tpu.vector_load_idx %arg18[%add3A_447, %get3A_389] : memref<128x32xf32, #tpu.memory_space<vmem>>[vector<16xi32>, vector<16xi32>], vector<16xf32>,
        %mul3A_449 = arith.constant 5.65685415 : f32
        %mul3A_450 = vector.broadcast %mul3A_449 : f32 to vector<16xf32>
        %mul3A_451 = arith.mulf %gather3A_448, %mul3A_450 : vector<16xf32>
        tpu.vector_store_idx %arg22[%shift_right_arithmetic3A_392, %and3A_395, %add3A_447], %mul3A_451 : memref<4x8x128xf32, #tpu.memory_space<vmem>>[vector<16xi32>, vector<16xi32>, vector<16xi32>], vector<16xf32>,
        %scan3A_452 = arith.constant 2 : i32
        %scan3A_453 = arith.addi %scan3A_315, %scan3A_452 : i32
        %mul3A_454 = arith.constant 1 : i32
        %mul3A_455 = arith.muli %scan3A_453, %mul3A_454 : i32
        %add3A_456 = arith.constant 0 : i32
        %add3A_457 = arith.addi %add3A_456, %mul3A_455 : i32
        %get3A_458 = arith.index_cast %add3A_457 : i32 to index
        %get3A_459 = arith.constant 0 : index
        %get3A_460 = tpu.vector_load %arg8[%get3A_458, %get3A_459] {strides = array<i32>} : memref<32x16xi32, #tpu.memory_space<vmem>>, vector<16xi32>,
        %shift_right_arithmetic3A_461 = arith.constant 3 : i32
        %shift_right_arithmetic3A_462 = vector.broadcast %shift_right_arithmetic3A_461 : i32 to vector<16xi32>
        %shift_right_arithmetic3A_463 = arith.shrsi %get3A_460, %shift_right_arithmetic3A_462 : vector<16xi32>
        %and3A_464 = arith.constant 7 : i32
        %and3A_465 = vector.broadcast %and3A_464 : i32 to vector<16xi32>
        %and3A_466 = arith.andi %get3A_460, %and3A_465 : vector<16xi32>
        %add3A_467 = arith.constant 0 : i32
        %add3A_468 = vector.broadcast %add3A_467 : i32 to vector<16xi32>
        %add3A_469 = arith.addi %iota3A, %add3A_468 : vector<16xi32>
        %gather3A_470 = tpu.vector_load_idx %arg18[%add3A_469, %get3A_460] : memref<128x32xf32, #tpu.memory_space<vmem>>[vector<16xi32>, vector<16xi32>], vector<16xf32>,
        %mul3A_471 = arith.constant 5.65685415 : f32
        %mul3A_472 = vector.broadcast %mul3A_471 : f32 to vector<16xf32>
        %mul3A_473 = arith.mulf %gather3A_470, %mul3A_472 : vector<16xf32>
        tpu.vector_store_idx %arg22[%shift_right_arithmetic3A_463, %and3A_466, %add3A_469], %mul3A_473 : memref<4x8x128xf32, #tpu.memory_space<vmem>>[vector<16xi32>, vector<16xi32>, vector<16xi32>], vector<16xf32>,
        %add3A_474 = arith.constant 16 : i32
        %add3A_475 = vector.broadcast %add3A_474 : i32 to vector<16xi32>
        %add3A_476 = arith.addi %iota3A, %add3A_475 : vector<16xi32>
        %gather3A_477 = tpu.vector_load_idx %arg18[%add3A_476, %get3A_460] : memref<128x32xf32, #tpu.memory_space<vmem>>[vector<16xi32>, vector<16xi32>], vector<16xf32>,
        %mul3A_478 = arith.constant 5.65685415 : f32
        %mul3A_479 = vector.broadcast %mul3A_478 : f32 to vector<16xf32>
        %mul3A_480 = arith.mulf %gather3A_477, %mul3A_479 : vector<16xf32>
        tpu.vector_store_idx %arg22[%shift_right_arithmetic3A_463, %and3A_466, %add3A_476], %mul3A_480 : memref<4x8x128xf32, #tpu.memory_space<vmem>>[vector<16xi32>, vector<16xi32>, vector<16xi32>], vector<16xf32>,
        %add3A_481 = arith.constant 32 : i32
        %add3A_482 = vector.broadcast %add3A_481 : i32 to vector<16xi32>
        %add3A_483 = arith.addi %iota3A, %add3A_482 : vector<16xi32>
        %gather3A_484 = tpu.vector_load_idx %arg18[%add3A_483, %get3A_460] : memref<128x32xf32, #tpu.memory_space<vmem>>[vector<16xi32>, vector<16xi32>], vector<16xf32>,
        %mul3A_485 = arith.constant 5.65685415 : f32
        %mul3A_486 = vector.broadcast %mul3A_485 : f32 to vector<16xf32>
        %mul3A_487 = arith.mulf %gather3A_484, %mul3A_486 : vector<16xf32>
        tpu.vector_store_idx %arg22[%shift_right_arithmetic3A_463, %and3A_466, %add3A_483], %mul3A_487 : memref<4x8x128xf32, #tpu.memory_space<vmem>>[vector<16xi32>, vector<16xi32>, vector<16xi32>], vector<16xf32>,
        %add3A_488 = arith.constant 48 : i32
        %add3A_489 = vector.broadcast %add3A_488 : i32 to vector<16xi32>
        %add3A_490 = arith.addi %iota3A, %add3A_489 : vector<16xi32>
        %gather3A_491 = tpu.vector_load_idx %arg18[%add3A_490, %get3A_460] : memref<128x32xf32, #tpu.memory_space<vmem>>[vector<16xi32>, vector<16xi32>], vector<16xf32>,
        %mul3A_492 = arith.constant 5.65685415 : f32
        %mul3A_493 = vector.broadcast %mul3A_492 : f32 to vector<16xf32>
        %mul3A_494 = arith.mulf %gather3A_491, %mul3A_493 : vector<16xf32>
        tpu.vector_store_idx %arg22[%shift_right_arithmetic3A_463, %and3A_466, %add3A_490], %mul3A_494 : memref<4x8x128xf32, #tpu.memory_space<vmem>>[vector<16xi32>, vector<16xi32>, vector<16xi32>], vector<16xf32>,
        %add3A_495 = arith.constant 64 : i32
        %add3A_496 = vector.broadcast %add3A_495 : i32 to vector<16xi32>
        %add3A_497 = arith.addi %iota3A, %add3A_496 : vector<16xi32>
        %gather3A_498 = tpu.vector_load_idx %arg18[%add3A_497, %get3A_460] : memref<128x32xf32, #tpu.memory_space<vmem>>[vector<16xi32>, vector<16xi32>], vector<16xf32>,
        %mul3A_499 = arith.constant 5.65685415 : f32
        %mul3A_500 = vector.broadcast %mul3A_499 : f32 to vector<16xf32>
        %mul3A_501 = arith.mulf %gather3A_498, %mul3A_500 : vector<16xf32>
        tpu.vector_store_idx %arg22[%shift_right_arithmetic3A_463, %and3A_466, %add3A_497], %mul3A_501 : memref<4x8x128xf32, #tpu.memory_space<vmem>>[vector<16xi32>, vector<16xi32>, vector<16xi32>], vector<16xf32>,
        %add3A_502 = arith.constant 80 : i32
        %add3A_503 = vector.broadcast %add3A_502 : i32 to vector<16xi32>
        %add3A_504 = arith.addi %iota3A, %add3A_503 : vector<16xi32>
        %gather3A_505 = tpu.vector_load_idx %arg18[%add3A_504, %get3A_460] : memref<128x32xf32, #tpu.memory_space<vmem>>[vector<16xi32>, vector<16xi32>], vector<16xf32>,
        %mul3A_506 = arith.constant 5.65685415 : f32
        %mul3A_507 = vector.broadcast %mul3A_506 : f32 to vector<16xf32>
        %mul3A_508 = arith.mulf %gather3A_505, %mul3A_507 : vector<16xf32>
        tpu.vector_store_idx %arg22[%shift_right_arithmetic3A_463, %and3A_466, %add3A_504], %mul3A_508 : memref<4x8x128xf32, #tpu.memory_space<vmem>>[vector<16xi32>, vector<16xi32>, vector<16xi32>], vector<16xf32>,
        %add3A_509 = arith.constant 96 : i32
        %add3A_510 = vector.broadcast %add3A_509 : i32 to vector<16xi32>
        %add3A_511 = arith.addi %iota3A, %add3A_510 : vector<16xi32>
        %gather3A_512 = tpu.vector_load_idx %arg18[%add3A_511, %get3A_460] : memref<128x32xf32, #tpu.memory_space<vmem>>[vector<16xi32>, vector<16xi32>], vector<16xf32>,
        %mul3A_513 = arith.constant 5.65685415 : f32
        %mul3A_514 = vector.broadcast %mul3A_513 : f32 to vector<16xf32>
        %mul3A_515 = arith.mulf %gather3A_512, %mul3A_514 : vector<16xf32>
        tpu.vector_store_idx %arg22[%shift_right_arithmetic3A_463, %and3A_466, %add3A_511], %mul3A_515 : memref<4x8x128xf32, #tpu.memory_space<vmem>>[vector<16xi32>, vector<16xi32>, vector<16xi32>], vector<16xf32>,
        %add3A_516 = arith.constant 112 : i32
        %add3A_517 = vector.broadcast %add3A_516 : i32 to vector<16xi32>
        %add3A_518 = arith.addi %iota3A, %add3A_517 : vector<16xi32>
        %gather3A_519 = tpu.vector_load_idx %arg18[%add3A_518, %get3A_460] : memref<128x32xf32, #tpu.memory_space<vmem>>[vector<16xi32>, vector<16xi32>], vector<16xf32>,
        %mul3A_520 = arith.constant 5.65685415 : f32
        %mul3A_521 = vector.broadcast %mul3A_520 : f32 to vector<16xf32>
        %mul3A_522 = arith.mulf %gather3A_519, %mul3A_521 : vector<16xf32>
        tpu.vector_store_idx %arg22[%shift_right_arithmetic3A_463, %and3A_466, %add3A_518], %mul3A_522 : memref<4x8x128xf32, #tpu.memory_space<vmem>>[vector<16xi32>, vector<16xi32>, vector<16xi32>], vector<16xf32>,
        %scan3A_523 = arith.constant 3 : i32
        %scan3A_524 = arith.addi %scan3A_315, %scan3A_523 : i32
        %mul3A_525 = arith.constant 1 : i32
        %mul3A_526 = arith.muli %scan3A_524, %mul3A_525 : i32
        %add3A_527 = arith.constant 0 : i32
        %add3A_528 = arith.addi %add3A_527, %mul3A_526 : i32
        %get3A_529 = arith.index_cast %add3A_528 : i32 to index
        %get3A_530 = arith.constant 0 : index
        %get3A_531 = tpu.vector_load %arg8[%get3A_529, %get3A_530] {strides = array<i32>} : memref<32x16xi32, #tpu.memory_space<vmem>>, vector<16xi32>,
        %shift_right_arithmetic3A_532 = arith.constant 3 : i32
        %shift_right_arithmetic3A_533 = vector.broadcast %shift_right_arithmetic3A_532 : i32 to vector<16xi32>
        %shift_right_arithmetic3A_534 = arith.shrsi %get3A_531, %shift_right_arithmetic3A_533 : vector<16xi32>
        %and3A_535 = arith.constant 7 : i32
        %and3A_536 = vector.broadcast %and3A_535 : i32 to vector<16xi32>
        %and3A_537 = arith.andi %get3A_531, %and3A_536 : vector<16xi32>
        %add3A_538 = arith.constant 0 : i32
        %add3A_539 = vector.broadcast %add3A_538 : i32 to vector<16xi32>
        %add3A_540 = arith.addi %iota3A, %add3A_539 : vector<16xi32>
        %gather3A_541 = tpu.vector_load_idx %arg18[%add3A_540, %get3A_531] : memref<128x32xf32, #tpu.memory_space<vmem>>[vector<16xi32>, vector<16xi32>], vector<16xf32>,
        %mul3A_542 = arith.constant 5.65685415 : f32
        %mul3A_543 = vector.broadcast %mul3A_542 : f32 to vector<16xf32>
        %mul3A_544 = arith.mulf %gather3A_541, %mul3A_543 : vector<16xf32>
        tpu.vector_store_idx %arg22[%shift_right_arithmetic3A_534, %and3A_537, %add3A_540], %mul3A_544 : memref<4x8x128xf32, #tpu.memory_space<vmem>>[vector<16xi32>, vector<16xi32>, vector<16xi32>], vector<16xf32>,
        %add3A_545 = arith.constant 16 : i32
        %add3A_546 = vector.broadcast %add3A_545 : i32 to vector<16xi32>
        %add3A_547 = arith.addi %iota3A, %add3A_546 : vector<16xi32>
        %gather3A_548 = tpu.vector_load_idx %arg18[%add3A_547, %get3A_531] : memref<128x32xf32, #tpu.memory_space<vmem>>[vector<16xi32>, vector<16xi32>], vector<16xf32>,
        %mul3A_549 = arith.constant 5.65685415 : f32
        %mul3A_550 = vector.broadcast %mul3A_549 : f32 to vector<16xf32>
        %mul3A_551 = arith.mulf %gather3A_548, %mul3A_550 : vector<16xf32>
        tpu.vector_store_idx %arg22[%shift_right_arithmetic3A_534, %and3A_537, %add3A_547], %mul3A_551 : memref<4x8x128xf32, #tpu.memory_space<vmem>>[vector<16xi32>, vector<16xi32>, vector<16xi32>], vector<16xf32>,
        %add3A_552 = arith.constant 32 : i32
        %add3A_553 = vector.broadcast %add3A_552 : i32 to vector<16xi32>
        %add3A_554 = arith.addi %iota3A, %add3A_553 : vector<16xi32>
        %gather3A_555 = tpu.vector_load_idx %arg18[%add3A_554, %get3A_531] : memref<128x32xf32, #tpu.memory_space<vmem>>[vector<16xi32>, vector<16xi32>], vector<16xf32>,
        %mul3A_556 = arith.constant 5.65685415 : f32
        %mul3A_557 = vector.broadcast %mul3A_556 : f32 to vector<16xf32>
        %mul3A_558 = arith.mulf %gather3A_555, %mul3A_557 : vector<16xf32>
        tpu.vector_store_idx %arg22[%shift_right_arithmetic3A_534, %and3A_537, %add3A_554], %mul3A_558 : memref<4x8x128xf32, #tpu.memory_space<vmem>>[vector<16xi32>, vector<16xi32>, vector<16xi32>], vector<16xf32>,
        %add3A_559 = arith.constant 48 : i32
        %add3A_560 = vector.broadcast %add3A_559 : i32 to vector<16xi32>
        %add3A_561 = arith.addi %iota3A, %add3A_560 : vector<16xi32>
        %gather3A_562 = tpu.vector_load_idx %arg18[%add3A_561, %get3A_531] : memref<128x32xf32, #tpu.memory_space<vmem>>[vector<16xi32>, vector<16xi32>], vector<16xf32>,
        %mul3A_563 = arith.constant 5.65685415 : f32
        %mul3A_564 = vector.broadcast %mul3A_563 : f32 to vector<16xf32>
        %mul3A_565 = arith.mulf %gather3A_562, %mul3A_564 : vector<16xf32>
        tpu.vector_store_idx %arg22[%shift_right_arithmetic3A_534, %and3A_537, %add3A_561], %mul3A_565 : memref<4x8x128xf32, #tpu.memory_space<vmem>>[vector<16xi32>, vector<16xi32>, vector<16xi32>], vector<16xf32>,
        %add3A_566 = arith.constant 64 : i32
        %add3A_567 = vector.broadcast %add3A_566 : i32 to vector<16xi32>
        %add3A_568 = arith.addi %iota3A, %add3A_567 : vector<16xi32>
        %gather3A_569 = tpu.vector_load_idx %arg18[%add3A_568, %get3A_531] : memref<128x32xf32, #tpu.memory_space<vmem>>[vector<16xi32>, vector<16xi32>], vector<16xf32>,
        %mul3A_570 = arith.constant 5.65685415 : f32
        %mul3A_571 = vector.broadcast %mul3A_570 : f32 to vector<16xf32>
        %mul3A_572 = arith.mulf %gather3A_569, %mul3A_571 : vector<16xf32>
        tpu.vector_store_idx %arg22[%shift_right_arithmetic3A_534, %and3A_537, %add3A_568], %mul3A_572 : memref<4x8x128xf32, #tpu.memory_space<vmem>>[vector<16xi32>, vector<16xi32>, vector<16xi32>], vector<16xf32>,
        %add3A_573 = arith.constant 80 : i32
        %add3A_574 = vector.broadcast %add3A_573 : i32 to vector<16xi32>
        %add3A_575 = arith.addi %iota3A, %add3A_574 : vector<16xi32>
        %gather3A_576 = tpu.vector_load_idx %arg18[%add3A_575, %get3A_531] : memref<128x32xf32, #tpu.memory_space<vmem>>[vector<16xi32>, vector<16xi32>], vector<16xf32>,
        %mul3A_577 = arith.constant 5.65685415 : f32
        %mul3A_578 = vector.broadcast %mul3A_577 : f32 to vector<16xf32>
        %mul3A_579 = arith.mulf %gather3A_576, %mul3A_578 : vector<16xf32>
        tpu.vector_store_idx %arg22[%shift_right_arithmetic3A_534, %and3A_537, %add3A_575], %mul3A_579 : memref<4x8x128xf32, #tpu.memory_space<vmem>>[vector<16xi32>, vector<16xi32>, vector<16xi32>], vector<16xf32>,
        %add3A_580 = arith.constant 96 : i32
        %add3A_581 = vector.broadcast %add3A_580 : i32 to vector<16xi32>
        %add3A_582 = arith.addi %iota3A, %add3A_581 : vector<16xi32>
        %gather3A_583 = tpu.vector_load_idx %arg18[%add3A_582, %get3A_531] : memref<128x32xf32, #tpu.memory_space<vmem>>[vector<16xi32>, vector<16xi32>], vector<16xf32>,
        %mul3A_584 = arith.constant 5.65685415 : f32
        %mul3A_585 = vector.broadcast %mul3A_584 : f32 to vector<16xf32>
        %mul3A_586 = arith.mulf %gather3A_583, %mul3A_585 : vector<16xf32>
        tpu.vector_store_idx %arg22[%shift_right_arithmetic3A_534, %and3A_537, %add3A_582], %mul3A_586 : memref<4x8x128xf32, #tpu.memory_space<vmem>>[vector<16xi32>, vector<16xi32>, vector<16xi32>], vector<16xf32>,
        %add3A_587 = arith.constant 112 : i32
        %add3A_588 = vector.broadcast %add3A_587 : i32 to vector<16xi32>
        %add3A_589 = arith.addi %iota3A, %add3A_588 : vector<16xi32>
        %gather3A_590 = tpu.vector_load_idx %arg18[%add3A_589, %get3A_531] : memref<128x32xf32, #tpu.memory_space<vmem>>[vector<16xi32>, vector<16xi32>], vector<16xf32>,
        %mul3A_591 = arith.constant 5.65685415 : f32
        %mul3A_592 = vector.broadcast %mul3A_591 : f32 to vector<16xf32>
        %mul3A_593 = arith.mulf %gather3A_590, %mul3A_592 : vector<16xf32>
        tpu.vector_store_idx %arg22[%shift_right_arithmetic3A_534, %and3A_537, %add3A_589], %mul3A_593 : memref<4x8x128xf32, #tpu.memory_space<vmem>>[vector<16xi32>, vector<16xi32>, vector<16xi32>], vector<16xf32>,
      }
      %scan3A_176 = arith.constant 32 : i32
      %lt3A_177 = arith.constant 49 : i32
      %lt3A_178 = arith.cmpi slt, %add3A_151, %lt3A_177 : i32
      %convert_element_type3A_179 = arith.extui %lt3A_178 : i1 to i32
      %cond3A_180 = arith.constant 0 : i32
      %cond3A_181 = arith.cmpi ne, %convert_element_type3A_179, %cond3A_180 : i32
      scf.if %cond3A_181 {
        %add3A_315 = arith.constant 4 : i32
        %add3A_316 = arith.addi %add3A_155, %add3A_315 : i32
        %jit3A = arith.constant 8 : i32
        %div3A = arith.divsi %add3A_316, %jit3A : i32
        %sign3A = arith.constant 0 : i32
        %sign3A_317 = arith.cmpi sgt, %add3A_316, %sign3A : i32
        %sign3A_318 = arith.extui %sign3A_317 : i1 to i32
        %sign3A_319 = arith.constant 0 : i32
        %sign3A_320 = arith.cmpi slt, %add3A_316, %sign3A_319 : i32
        %sign3A_321 = arith.extui %sign3A_320 : i1 to i32
        %sign3A_322 = arith.subi %sign3A_318, %sign3A_321 : i32
        %sign3A_323 = arith.constant 0 : i32
        %sign3A_324 = arith.cmpi sgt, %jit3A, %sign3A_323 : i32
        %sign3A_325 = arith.extui %sign3A_324 : i1 to i32
        %sign3A_326 = arith.constant 0 : i32
        %sign3A_327 = arith.cmpi slt, %jit3A, %sign3A_326 : i32
        %sign3A_328 = arith.extui %sign3A_327 : i1 to i32
        %sign3A_329 = arith.subi %sign3A_325, %sign3A_328 : i32
        %ne3A = arith.cmpi ne, %sign3A_322, %sign3A_329 : i32
        %rem3A = arith.remsi %add3A_316, %jit3A : i32
        %ne3A_330 = arith.constant 0 : i32
        %ne3A_331 = arith.cmpi ne, %rem3A, %ne3A_330 : i32
        %and3A = arith.andi %ne3A, %ne3A_331 : i1
        %sub3A = arith.constant 1 : i32
        %sub3A_332 = arith.subi %div3A, %sub3A : i32
        %select_n3A = arith.select %and3A, %sub3A_332, %div3A : i32
        %jit3A_333 = arith.constant 8 : i32
        %eq3A_334 = arith.constant 0 : i32
        %eq3A_335 = arith.cmpi eq, %jit3A_333, %eq3A_334 : i32
        %jit3A_336 = arith.constant 1 : i32
        %select_n3A_337 = arith.select %eq3A_335, %jit3A_336, %jit3A_333 : i32
        %rem3A_338 = arith.remsi %add3A_316, %select_n3A_337 : i32
        %ne3A_339 = arith.constant 0 : i32
        %ne3A_340 = arith.cmpi ne, %rem3A_338, %ne3A_339 : i32
        %lt3A_341 = arith.constant 0 : i32
        %lt3A_342 = arith.cmpi slt, %rem3A_338, %lt3A_341 : i32
        %lt3A_343 = arith.constant 0 : i32
        %lt3A_344 = arith.cmpi slt, %select_n3A_337, %lt3A_343 : i32
        %ne3A_345 = arith.xori %lt3A_342, %lt3A_344 : i1
        %and3A_346 = arith.andi %ne3A_345, %ne3A_340 : i1
        %add3A_347 = arith.addi %rem3A_338, %select_n3A_337 : i32
        %select_n3A_348 = arith.select %and3A_346, %add3A_347, %rem3A_338 : i32
        %dma_wait3A_349 = arith.constant 0 : i32
        %dma_wait3A_350 = arith.constant 0 : i32
        %dma_wait3A_351 = tpu.memref_slice %arg14[%dma_wait3A_349, %dma_wait3A_350] : memref<1x128xi32, #tpu.memory_space<vmem>> -> memref<1x128xi32, #tpu.memory_space<vmem>>
        %dma_wait3A_352 = tpu.memref_squeeze %dma_wait3A_351 : memref<1x128xi32, #tpu.memory_space<vmem>> -> memref<128xi32, #tpu.memory_space<vmem>>
        %dma_wait3A_353 = arith.constant 0 : i32
        %dma_wait3A_354 = tpu.memref_slice %arg2[%select_n3A, %add3A, %select_n3A_348, %dma_wait3A_353] : memref<25x32x8x128xi32, #tpu.memory_space<hbm>> -> memref<1x1x1x128xi32, #tpu.memory_space<hbm>>
        %dma_wait3A_355 = tpu.memref_squeeze %dma_wait3A_354 : memref<1x1x1x128xi32, #tpu.memory_space<hbm>> -> memref<128xi32, #tpu.memory_space<hbm>>
        %dma_wait3A_356 = arith.constant 0 : i32
        %dma_wait3A_357 = tpu.memref_slice %arg14[%dma_wait3A_349, %dma_wait3A_356] : memref<1x128xi32, #tpu.memory_space<vmem>> -> memref<1x128xi32, #tpu.memory_space<vmem>>
        %dma_wait3A_358 = tpu.memref_squeeze %dma_wait3A_357 : memref<1x128xi32, #tpu.memory_space<vmem>> -> memref<128xi32, #tpu.memory_space<vmem>>
        %dma_wait3A_359 = arith.constant 0 : i32
        %dma_wait3A_360 = tpu.memref_slice %arg2[%select_n3A, %add3A, %select_n3A_348, %dma_wait3A_359] : memref<25x32x8x128xi32, #tpu.memory_space<hbm>> -> memref<1x1x1x128xi32, #tpu.memory_space<hbm>>
        %dma_wait3A_361 = tpu.memref_squeeze %dma_wait3A_360 : memref<1x1x1x128xi32, #tpu.memory_space<hbm>> -> memref<128xi32, #tpu.memory_space<hbm>>
        tpu.wait_dma2 semaphore(%arg30 : memref<!tpu.dma_semaphore, #tpu.memory_space<semaphore_mem>>) src(%dma_wait3A_361 : memref<128xi32, #tpu.memory_space<hbm>>) dst(%dma_wait3A_358 : memref<128xi32, #tpu.memory_space<vmem>>)
        %dma_start3A_362 = arith.constant 0 : i32
        %dma_start3A_363 = arith.constant 0 : i32
        %dma_start3A_364 = tpu.memref_slice %arg14[%dma_start3A_362, %dma_start3A_363] : memref<1x128xi32, #tpu.memory_space<vmem>> -> memref<1x128xi32, #tpu.memory_space<vmem>>
        %dma_start3A_365 = tpu.memref_squeeze %dma_start3A_364 : memref<1x128xi32, #tpu.memory_space<vmem>> -> memref<128xi32, #tpu.memory_space<vmem>>
        %dma_start3A_366 = arith.constant 0 : i32
        %dma_start3A_367 = arith.constant 0 : i32
        %dma_start3A_368 = tpu.memref_slice %arg6[%dma_start3A_366, %dma_start3A_367] : memref<1000000x32xf32, #tpu.memory_space<hbm>> -> memref<1000000x32xf32, #tpu.memory_space<hbm>>
        tpu.enqueue_indirect_dma source(%dma_start3A_368 : memref<1000000x32xf32, #tpu.memory_space<hbm>>) target(%arg18 : memref<128x32xf32, #tpu.memory_space<vmem>>) offsets(%dma_start3A_365 : memref<128xi32, #tpu.memory_space<vmem>>) semaphore(%arg34 : memref<!tpu.dma_semaphore, #tpu.memory_space<semaphore_mem>>)
      } else {
      }
      %dma_start3A_182 = arith.constant 0 : i32
      %dma_start3A_183 = arith.constant 0 : i32
      %dma_start3A_184 = arith.constant 0 : i32
      %dma_start3A_185 = tpu.memref_slice %arg5[%add3A_155, %dma_start3A_182, %add3A, %dma_start3A_183, %dma_start3A_184] : memref<200x4x32x8x128xf32, #tpu.memory_space<hbm>> -> memref<1x4x1x8x128xf32, #tpu.memory_space<hbm>>
      %dma_start3A_186 = tpu.memref_squeeze %dma_start3A_185 : memref<1x4x1x8x128xf32, #tpu.memory_space<hbm>> -> memref<4x8x128xf32, #tpu.memory_space<hbm>>
      %dma_start3A_187 = arith.constant 0 : i32
      %dma_start3A_188 = arith.constant 0 : i32
      %dma_start3A_189 = arith.constant 0 : i32
      %dma_start3A_190 = tpu.memref_slice %arg5[%add3A_155, %dma_start3A_187, %add3A, %dma_start3A_188, %dma_start3A_189] : memref<200x4x32x8x128xf32, #tpu.memory_space<hbm>> -> memref<1x4x1x8x128xf32, #tpu.memory_space<hbm>>
      %dma_start3A_191 = tpu.memref_squeeze %dma_start3A_190 : memref<1x4x1x8x128xf32, #tpu.memory_space<hbm>> -> memref<4x8x128xf32, #tpu.memory_space<hbm>>
      tpu.enqueue_dma source(%arg22 : memref<4x8x128xf32, #tpu.memory_space<vmem>>) target(%dma_start3A_191 : memref<4x8x128xf32, #tpu.memory_space<hbm>>) target_semaphore(%arg38 : memref<!tpu.dma_semaphore, #tpu.memory_space<semaphore_mem>>)
      %mul3A_192 = arith.constant 4 : i32
      %mul3A_193 = arith.muli %add3A_151, %mul3A_192 : i32
      %add3A_194 = arith.constant 1 : i32
      %add3A_195 = arith.addi %mul3A_193, %add3A_194 : i32
      %dma_wait3A_196 = arith.constant 0 : i32
      %dma_wait3A_197 = arith.constant 0 : i32
      %dma_wait3A_198 = tpu.memref_slice %arg15[%dma_wait3A_196, %dma_wait3A_197] : memref<1x128xi32, #tpu.memory_space<vmem>> -> memref<1x128xi32, #tpu.memory_space<vmem>>
      %dma_wait3A_199 = tpu.memref_squeeze %dma_wait3A_198 : memref<1x128xi32, #tpu.memory_space<vmem>> -> memref<128xi32, #tpu.memory_space<vmem>>
      %dma_wait3A_200 = arith.constant 0 : i32
      %dma_wait3A_201 = arith.constant 0 : i32
      %dma_wait3A_202 = tpu.memref_slice %arg6[%dma_wait3A_200, %dma_wait3A_201] : memref<1000000x32xf32, #tpu.memory_space<hbm>> -> memref<1000000x32xf32, #tpu.memory_space<hbm>>
      tpu.wait_indirect_dma semaphore(%arg35 : memref<!tpu.dma_semaphore, #tpu.memory_space<semaphore_mem>>) src(%dma_wait3A_202 : memref<1000000x32xf32, #tpu.memory_space<hbm>>) dst(%arg19 : memref<128x32xf32, #tpu.memory_space<vmem>>)
      %ge3A_203 = arith.constant 1 : i32
      %ge3A_204 = arith.cmpi sge, %add3A_151, %ge3A_203 : i32
      %convert_element_type3A_205 = arith.extui %ge3A_204 : i1 to i32
      %cond3A_206 = arith.constant 0 : i32
      %cond3A_207 = arith.cmpi ne, %convert_element_type3A_205, %cond3A_206 : i32
      scf.if %cond3A_207 {
        %sub3A = arith.constant 4 : i32
        %sub3A_315 = arith.subi %add3A_195, %sub3A : i32
        %dma_wait3A_316 = arith.constant 0 : i32
        %dma_wait3A_317 = arith.constant 0 : i32
        %dma_wait3A_318 = arith.constant 0 : i32
        %dma_wait3A_319 = tpu.memref_slice %arg5[%sub3A_315, %dma_wait3A_316, %add3A, %dma_wait3A_317, %dma_wait3A_318] : memref<200x4x32x8x128xf32, #tpu.memory_space<hbm>> -> memref<1x4x1x8x128xf32, #tpu.memory_space<hbm>>
        %dma_wait3A_320 = tpu.memref_squeeze %dma_wait3A_319 : memref<1x4x1x8x128xf32, #tpu.memory_space<hbm>> -> memref<4x8x128xf32, #tpu.memory_space<hbm>>
        %dma_wait3A_321 = arith.constant 0 : i32
        %dma_wait3A_322 = arith.constant 0 : i32
        %dma_wait3A_323 = arith.constant 0 : i32
        %dma_wait3A_324 = tpu.memref_slice %arg5[%sub3A_315, %dma_wait3A_321, %add3A, %dma_wait3A_322, %dma_wait3A_323] : memref<200x4x32x8x128xf32, #tpu.memory_space<hbm>> -> memref<1x4x1x8x128xf32, #tpu.memory_space<hbm>>
        %dma_wait3A_325 = tpu.memref_squeeze %dma_wait3A_324 : memref<1x4x1x8x128xf32, #tpu.memory_space<hbm>> -> memref<4x8x128xf32, #tpu.memory_space<hbm>>
        tpu.wait_dma2 semaphore(%arg39 : memref<!tpu.dma_semaphore, #tpu.memory_space<semaphore_mem>>) src(%arg23 : memref<4x8x128xf32, #tpu.memory_space<vmem>>) dst(%dma_wait3A_325 : memref<4x8x128xf32, #tpu.memory_space<hbm>>)
      } else {
      }
      %lt3A_208 = arith.constant 49 : i32
      %lt3A_209 = arith.cmpi slt, %add3A_151, %lt3A_208 : i32
      %convert_element_type3A_210 = arith.extui %lt3A_209 : i1 to i32
      %cond3A_211 = arith.constant 0 : i32
      %cond3A_212 = arith.cmpi ne, %convert_element_type3A_210, %cond3A_211 : i32
      scf.if %cond3A_212 {
        %add3A_315 = arith.constant 4 : i32
        %add3A_316 = arith.addi %add3A_195, %add3A_315 : i32
        %jit3A = arith.constant 8 : i32
        %div3A = arith.divsi %add3A_316, %jit3A : i32
        %sign3A = arith.constant 0 : i32
        %sign3A_317 = arith.cmpi sgt, %add3A_316, %sign3A : i32
        %sign3A_318 = arith.extui %sign3A_317 : i1 to i32
        %sign3A_319 = arith.constant 0 : i32
        %sign3A_320 = arith.cmpi slt, %add3A_316, %sign3A_319 : i32
        %sign3A_321 = arith.extui %sign3A_320 : i1 to i32
        %sign3A_322 = arith.subi %sign3A_318, %sign3A_321 : i32
        %sign3A_323 = arith.constant 0 : i32
        %sign3A_324 = arith.cmpi sgt, %jit3A, %sign3A_323 : i32
        %sign3A_325 = arith.extui %sign3A_324 : i1 to i32
        %sign3A_326 = arith.constant 0 : i32
        %sign3A_327 = arith.cmpi slt, %jit3A, %sign3A_326 : i32
        %sign3A_328 = arith.extui %sign3A_327 : i1 to i32
        %sign3A_329 = arith.subi %sign3A_325, %sign3A_328 : i32
        %ne3A = arith.cmpi ne, %sign3A_322, %sign3A_329 : i32
        %rem3A = arith.remsi %add3A_316, %jit3A : i32
        %ne3A_330 = arith.constant 0 : i32
        %ne3A_331 = arith.cmpi ne, %rem3A, %ne3A_330 : i32
        %and3A = arith.andi %ne3A, %ne3A_331 : i1
        %sub3A = arith.constant 1 : i32
        %sub3A_332 = arith.subi %div3A, %sub3A : i32
        %select_n3A = arith.select %and3A, %sub3A_332, %div3A : i32
        %jit3A_333 = arith.constant 8 : i32
        %eq3A_334 = arith.constant 0 : i32
        %eq3A_335 = arith.cmpi eq, %jit3A_333, %eq3A_334 : i32
        %jit3A_336 = arith.constant 1 : i32
        %select_n3A_337 = arith.select %eq3A_335, %jit3A_336, %jit3A_333 : i32
        %rem3A_338 = arith.remsi %add3A_316, %select_n3A_337 : i32
        %ne3A_339 = arith.constant 0 : i32
        %ne3A_340 = arith.cmpi ne, %rem3A_338, %ne3A_339 : i32
        %lt3A_341 = arith.constant 0 : i32
        %lt3A_342 = arith.cmpi slt, %rem3A_338, %lt3A_341 : i32
        %lt3A_343 = arith.constant 0 : i32
        %lt3A_344 = arith.cmpi slt, %select_n3A_337, %lt3A_343 : i32
        %ne3A_345 = arith.xori %lt3A_342, %lt3A_344 : i1
        %and3A_346 = arith.andi %ne3A_345, %ne3A_340 : i1
        %add3A_347 = arith.addi %rem3A_338, %select_n3A_337 : i32
        %select_n3A_348 = arith.select %and3A_346, %add3A_347, %rem3A_338 : i32
        %dma_start3A_349 = arith.constant 0 : i32
        %dma_start3A_350 = arith.constant 0 : i32
        %dma_start3A_351 = tpu.memref_slice %arg15[%dma_start3A_349, %dma_start3A_350] : memref<1x128xi32, #tpu.memory_space<vmem>> -> memref<1x128xi32, #tpu.memory_space<vmem>>
        %dma_start3A_352 = tpu.memref_squeeze %dma_start3A_351 : memref<1x128xi32, #tpu.memory_space<vmem>> -> memref<128xi32, #tpu.memory_space<vmem>>
        %dma_start3A_353 = arith.constant 0 : i32
        %dma_start3A_354 = tpu.memref_slice %arg2[%select_n3A, %add3A, %select_n3A_348, %dma_start3A_353] : memref<25x32x8x128xi32, #tpu.memory_space<hbm>> -> memref<1x1x1x128xi32, #tpu.memory_space<hbm>>
        %dma_start3A_355 = tpu.memref_squeeze %dma_start3A_354 : memref<1x1x1x128xi32, #tpu.memory_space<hbm>> -> memref<128xi32, #tpu.memory_space<hbm>>
        %dma_start3A_356 = arith.constant 0 : i32
        %dma_start3A_357 = tpu.memref_slice %arg15[%dma_start3A_349, %dma_start3A_356] : memref<1x128xi32, #tpu.memory_space<vmem>> -> memref<1x128xi32, #tpu.memory_space<vmem>>
        %dma_start3A_358 = tpu.memref_squeeze %dma_start3A_357 : memref<1x128xi32, #tpu.memory_space<vmem>> -> memref<128xi32, #tpu.memory_space<vmem>>
        %dma_start3A_359 = arith.constant 0 : i32
        %dma_start3A_360 = tpu.memref_slice %arg2[%select_n3A, %add3A, %select_n3A_348, %dma_start3A_359] : memref<25x32x8x128xi32, #tpu.memory_space<hbm>> -> memref<1x1x1x128xi32, #tpu.memory_space<hbm>>
        %dma_start3A_361 = tpu.memref_squeeze %dma_start3A_360 : memref<1x1x1x128xi32, #tpu.memory_space<hbm>> -> memref<128xi32, #tpu.memory_space<hbm>>
        tpu.enqueue_dma source(%dma_start3A_361 : memref<128xi32, #tpu.memory_space<hbm>>) target(%dma_start3A_358 : memref<128xi32, #tpu.memory_space<vmem>>) target_semaphore(%arg31 : memref<!tpu.dma_semaphore, #tpu.memory_space<semaphore_mem>>)
      } else {
      }
      %scan3A_213 = arith.constant 0 : i32
      %scan3A_214 = arith.constant 32 : i32
      %scan3A_215 = arith.addi %scan3A_213, %scan3A_214 : i32
      %scan3A_216 = arith.constant 4 : i32
      scf.for %scan3A_315 = %scan3A_213 to %scan3A_215 step %scan3A_216  : i32 {
        %mul3A_316 = arith.constant 1 : i32
        %mul3A_317 = arith.muli %scan3A_315, %mul3A_316 : i32
        %add3A_318 = arith.constant 0 : i32
        %add3A_319 = arith.addi %add3A_318, %mul3A_317 : i32
        %get3A = arith.index_cast %add3A_319 : i32 to index
        %get3A_320 = arith.constant 0 : index
        %get3A_321 = tpu.vector_load %arg8[%get3A, %get3A_320] {strides = array<i32>} : memref<32x16xi32, #tpu.memory_space<vmem>>, vector<16xi32>,
        %shift_right_arithmetic3A = arith.constant 3 : i32
        %shift_right_arithmetic3A_322 = vector.broadcast %shift_right_arithmetic3A : i32 to vector<16xi32>
        %shift_right_arithmetic3A_323 = arith.shrsi %get3A_321, %shift_right_arithmetic3A_322 : vector<16xi32>
        %and3A = arith.constant 7 : i32
        %and3A_324 = vector.broadcast %and3A : i32 to vector<16xi32>
        %and3A_325 = arith.andi %get3A_321, %and3A_324 : vector<16xi32>
        %add3A_326 = arith.constant 0 : i32
        %add3A_327 = vector.broadcast %add3A_326 : i32 to vector<16xi32>
        %add3A_328 = arith.addi %iota3A, %add3A_327 : vector<16xi32>
        %gather3A = tpu.vector_load_idx %arg19[%add3A_328, %get3A_321] : memref<128x32xf32, #tpu.memory_space<vmem>>[vector<16xi32>, vector<16xi32>], vector<16xf32>,
        %mul3A_329 = arith.constant 5.65685415 : f32
        %mul3A_330 = vector.broadcast %mul3A_329 : f32 to vector<16xf32>
        %mul3A_331 = arith.mulf %gather3A, %mul3A_330 : vector<16xf32>
        tpu.vector_store_idx %arg23[%shift_right_arithmetic3A_323, %and3A_325, %add3A_328], %mul3A_331 : memref<4x8x128xf32, #tpu.memory_space<vmem>>[vector<16xi32>, vector<16xi32>, vector<16xi32>], vector<16xf32>,
        %add3A_332 = arith.constant 16 : i32
        %add3A_333 = vector.broadcast %add3A_332 : i32 to vector<16xi32>
        %add3A_334 = arith.addi %iota3A, %add3A_333 : vector<16xi32>
        %gather3A_335 = tpu.vector_load_idx %arg19[%add3A_334, %get3A_321] : memref<128x32xf32, #tpu.memory_space<vmem>>[vector<16xi32>, vector<16xi32>], vector<16xf32>,
        %mul3A_336 = arith.constant 5.65685415 : f32
        %mul3A_337 = vector.broadcast %mul3A_336 : f32 to vector<16xf32>
        %mul3A_338 = arith.mulf %gather3A_335, %mul3A_337 : vector<16xf32>
        tpu.vector_store_idx %arg23[%shift_right_arithmetic3A_323, %and3A_325, %add3A_334], %mul3A_338 : memref<4x8x128xf32, #tpu.memory_space<vmem>>[vector<16xi32>, vector<16xi32>, vector<16xi32>], vector<16xf32>,
        %add3A_339 = arith.constant 32 : i32
        %add3A_340 = vector.broadcast %add3A_339 : i32 to vector<16xi32>
        %add3A_341 = arith.addi %iota3A, %add3A_340 : vector<16xi32>
        %gather3A_342 = tpu.vector_load_idx %arg19[%add3A_341, %get3A_321] : memref<128x32xf32, #tpu.memory_space<vmem>>[vector<16xi32>, vector<16xi32>], vector<16xf32>,
        %mul3A_343 = arith.constant 5.65685415 : f32
        %mul3A_344 = vector.broadcast %mul3A_343 : f32 to vector<16xf32>
        %mul3A_345 = arith.mulf %gather3A_342, %mul3A_344 : vector<16xf32>
        tpu.vector_store_idx %arg23[%shift_right_arithmetic3A_323, %and3A_325, %add3A_341], %mul3A_345 : memref<4x8x128xf32, #tpu.memory_space<vmem>>[vector<16xi32>, vector<16xi32>, vector<16xi32>], vector<16xf32>,
        %add3A_346 = arith.constant 48 : i32
        %add3A_347 = vector.broadcast %add3A_346 : i32 to vector<16xi32>
        %add3A_348 = arith.addi %iota3A, %add3A_347 : vector<16xi32>
        %gather3A_349 = tpu.vector_load_idx %arg19[%add3A_348, %get3A_321] : memref<128x32xf32, #tpu.memory_space<vmem>>[vector<16xi32>, vector<16xi32>], vector<16xf32>,
        %mul3A_350 = arith.constant 5.65685415 : f32
        %mul3A_351 = vector.broadcast %mul3A_350 : f32 to vector<16xf32>
        %mul3A_352 = arith.mulf %gather3A_349, %mul3A_351 : vector<16xf32>
        tpu.vector_store_idx %arg23[%shift_right_arithmetic3A_323, %and3A_325, %add3A_348], %mul3A_352 : memref<4x8x128xf32, #tpu.memory_space<vmem>>[vector<16xi32>, vector<16xi32>, vector<16xi32>], vector<16xf32>,
        %add3A_353 = arith.constant 64 : i32
        %add3A_354 = vector.broadcast %add3A_353 : i32 to vector<16xi32>
        %add3A_355 = arith.addi %iota3A, %add3A_354 : vector<16xi32>
        %gather3A_356 = tpu.vector_load_idx %arg19[%add3A_355, %get3A_321] : memref<128x32xf32, #tpu.memory_space<vmem>>[vector<16xi32>, vector<16xi32>], vector<16xf32>,
        %mul3A_357 = arith.constant 5.65685415 : f32
        %mul3A_358 = vector.broadcast %mul3A_357 : f32 to vector<16xf32>
        %mul3A_359 = arith.mulf %gather3A_356, %mul3A_358 : vector<16xf32>
        tpu.vector_store_idx %arg23[%shift_right_arithmetic3A_323, %and3A_325, %add3A_355], %mul3A_359 : memref<4x8x128xf32, #tpu.memory_space<vmem>>[vector<16xi32>, vector<16xi32>, vector<16xi32>], vector<16xf32>,
        %add3A_360 = arith.constant 80 : i32
        %add3A_361 = vector.broadcast %add3A_360 : i32 to vector<16xi32>
        %add3A_362 = arith.addi %iota3A, %add3A_361 : vector<16xi32>
        %gather3A_363 = tpu.vector_load_idx %arg19[%add3A_362, %get3A_321] : memref<128x32xf32, #tpu.memory_space<vmem>>[vector<16xi32>, vector<16xi32>], vector<16xf32>,
        %mul3A_364 = arith.constant 5.65685415 : f32
        %mul3A_365 = vector.broadcast %mul3A_364 : f32 to vector<16xf32>
        %mul3A_366 = arith.mulf %gather3A_363, %mul3A_365 : vector<16xf32>
        tpu.vector_store_idx %arg23[%shift_right_arithmetic3A_323, %and3A_325, %add3A_362], %mul3A_366 : memref<4x8x128xf32, #tpu.memory_space<vmem>>[vector<16xi32>, vector<16xi32>, vector<16xi32>], vector<16xf32>,
        %add3A_367 = arith.constant 96 : i32
        %add3A_368 = vector.broadcast %add3A_367 : i32 to vector<16xi32>
        %add3A_369 = arith.addi %iota3A, %add3A_368 : vector<16xi32>
        %gather3A_370 = tpu.vector_load_idx %arg19[%add3A_369, %get3A_321] : memref<128x32xf32, #tpu.memory_space<vmem>>[vector<16xi32>, vector<16xi32>], vector<16xf32>,
        %mul3A_371 = arith.constant 5.65685415 : f32
        %mul3A_372 = vector.broadcast %mul3A_371 : f32 to vector<16xf32>
        %mul3A_373 = arith.mulf %gather3A_370, %mul3A_372 : vector<16xf32>
        tpu.vector_store_idx %arg23[%shift_right_arithmetic3A_323, %and3A_325, %add3A_369], %mul3A_373 : memref<4x8x128xf32, #tpu.memory_space<vmem>>[vector<16xi32>, vector<16xi32>, vector<16xi32>], vector<16xf32>,
        %add3A_374 = arith.constant 112 : i32
        %add3A_375 = vector.broadcast %add3A_374 : i32 to vector<16xi32>
        %add3A_376 = arith.addi %iota3A, %add3A_375 : vector<16xi32>
        %gather3A_377 = tpu.vector_load_idx %arg19[%add3A_376, %get3A_321] : memref<128x32xf32, #tpu.memory_space<vmem>>[vector<16xi32>, vector<16xi32>], vector<16xf32>,
        %mul3A_378 = arith.constant 5.65685415 : f32
        %mul3A_379 = vector.broadcast %mul3A_378 : f32 to vector<16xf32>
        %mul3A_380 = arith.mulf %gather3A_377, %mul3A_379 : vector<16xf32>
        tpu.vector_store_idx %arg23[%shift_right_arithmetic3A_323, %and3A_325, %add3A_376], %mul3A_380 : memref<4x8x128xf32, #tpu.memory_space<vmem>>[vector<16xi32>, vector<16xi32>, vector<16xi32>], vector<16xf32>,
        %scan3A_381 = arith.constant 1 : i32
        %scan3A_382 = arith.addi %scan3A_315, %scan3A_381 : i32
        %mul3A_383 = arith.constant 1 : i32
        %mul3A_384 = arith.muli %scan3A_382, %mul3A_383 : i32
        %add3A_385 = arith.constant 0 : i32
        %add3A_386 = arith.addi %add3A_385, %mul3A_384 : i32
        %get3A_387 = arith.index_cast %add3A_386 : i32 to index
        %get3A_388 = arith.constant 0 : index
        %get3A_389 = tpu.vector_load %arg8[%get3A_387, %get3A_388] {strides = array<i32>} : memref<32x16xi32, #tpu.memory_space<vmem>>, vector<16xi32>,
        %shift_right_arithmetic3A_390 = arith.constant 3 : i32
        %shift_right_arithmetic3A_391 = vector.broadcast %shift_right_arithmetic3A_390 : i32 to vector<16xi32>
        %shift_right_arithmetic3A_392 = arith.shrsi %get3A_389, %shift_right_arithmetic3A_391 : vector<16xi32>
        %and3A_393 = arith.constant 7 : i32
        %and3A_394 = vector.broadcast %and3A_393 : i32 to vector<16xi32>
        %and3A_395 = arith.andi %get3A_389, %and3A_394 : vector<16xi32>
        %add3A_396 = arith.constant 0 : i32
        %add3A_397 = vector.broadcast %add3A_396 : i32 to vector<16xi32>
        %add3A_398 = arith.addi %iota3A, %add3A_397 : vector<16xi32>
        %gather3A_399 = tpu.vector_load_idx %arg19[%add3A_398, %get3A_389] : memref<128x32xf32, #tpu.memory_space<vmem>>[vector<16xi32>, vector<16xi32>], vector<16xf32>,
        %mul3A_400 = arith.constant 5.65685415 : f32
        %mul3A_401 = vector.broadcast %mul3A_400 : f32 to vector<16xf32>
        %mul3A_402 = arith.mulf %gather3A_399, %mul3A_401 : vector<16xf32>
        tpu.vector_store_idx %arg23[%shift_right_arithmetic3A_392, %and3A_395, %add3A_398], %mul3A_402 : memref<4x8x128xf32, #tpu.memory_space<vmem>>[vector<16xi32>, vector<16xi32>, vector<16xi32>], vector<16xf32>,
        %add3A_403 = arith.constant 16 : i32
        %add3A_404 = vector.broadcast %add3A_403 : i32 to vector<16xi32>
        %add3A_405 = arith.addi %iota3A, %add3A_404 : vector<16xi32>
        %gather3A_406 = tpu.vector_load_idx %arg19[%add3A_405, %get3A_389] : memref<128x32xf32, #tpu.memory_space<vmem>>[vector<16xi32>, vector<16xi32>], vector<16xf32>,
        %mul3A_407 = arith.constant 5.65685415 : f32
        %mul3A_408 = vector.broadcast %mul3A_407 : f32 to vector<16xf32>
        %mul3A_409 = arith.mulf %gather3A_406, %mul3A_408 : vector<16xf32>
        tpu.vector_store_idx %arg23[%shift_right_arithmetic3A_392, %and3A_395, %add3A_405], %mul3A_409 : memref<4x8x128xf32, #tpu.memory_space<vmem>>[vector<16xi32>, vector<16xi32>, vector<16xi32>], vector<16xf32>,
        %add3A_410 = arith.constant 32 : i32
        %add3A_411 = vector.broadcast %add3A_410 : i32 to vector<16xi32>
        %add3A_412 = arith.addi %iota3A, %add3A_411 : vector<16xi32>
        %gather3A_413 = tpu.vector_load_idx %arg19[%add3A_412, %get3A_389] : memref<128x32xf32, #tpu.memory_space<vmem>>[vector<16xi32>, vector<16xi32>], vector<16xf32>,
        %mul3A_414 = arith.constant 5.65685415 : f32
        %mul3A_415 = vector.broadcast %mul3A_414 : f32 to vector<16xf32>
        %mul3A_416 = arith.mulf %gather3A_413, %mul3A_415 : vector<16xf32>
        tpu.vector_store_idx %arg23[%shift_right_arithmetic3A_392, %and3A_395, %add3A_412], %mul3A_416 : memref<4x8x128xf32, #tpu.memory_space<vmem>>[vector<16xi32>, vector<16xi32>, vector<16xi32>], vector<16xf32>,
        %add3A_417 = arith.constant 48 : i32
        %add3A_418 = vector.broadcast %add3A_417 : i32 to vector<16xi32>
        %add3A_419 = arith.addi %iota3A, %add3A_418 : vector<16xi32>
        %gather3A_420 = tpu.vector_load_idx %arg19[%add3A_419, %get3A_389] : memref<128x32xf32, #tpu.memory_space<vmem>>[vector<16xi32>, vector<16xi32>], vector<16xf32>,
        %mul3A_421 = arith.constant 5.65685415 : f32
        %mul3A_422 = vector.broadcast %mul3A_421 : f32 to vector<16xf32>
        %mul3A_423 = arith.mulf %gather3A_420, %mul3A_422 : vector<16xf32>
        tpu.vector_store_idx %arg23[%shift_right_arithmetic3A_392, %and3A_395, %add3A_419], %mul3A_423 : memref<4x8x128xf32, #tpu.memory_space<vmem>>[vector<16xi32>, vector<16xi32>, vector<16xi32>], vector<16xf32>,
        %add3A_424 = arith.constant 64 : i32
        %add3A_425 = vector.broadcast %add3A_424 : i32 to vector<16xi32>
        %add3A_426 = arith.addi %iota3A, %add3A_425 : vector<16xi32>
        %gather3A_427 = tpu.vector_load_idx %arg19[%add3A_426, %get3A_389] : memref<128x32xf32, #tpu.memory_space<vmem>>[vector<16xi32>, vector<16xi32>], vector<16xf32>,
        %mul3A_428 = arith.constant 5.65685415 : f32
        %mul3A_429 = vector.broadcast %mul3A_428 : f32 to vector<16xf32>
        %mul3A_430 = arith.mulf %gather3A_427, %mul3A_429 : vector<16xf32>
        tpu.vector_store_idx %arg23[%shift_right_arithmetic3A_392, %and3A_395, %add3A_426], %mul3A_430 : memref<4x8x128xf32, #tpu.memory_space<vmem>>[vector<16xi32>, vector<16xi32>, vector<16xi32>], vector<16xf32>,
        %add3A_431 = arith.constant 80 : i32
        %add3A_432 = vector.broadcast %add3A_431 : i32 to vector<16xi32>
        %add3A_433 = arith.addi %iota3A, %add3A_432 : vector<16xi32>
        %gather3A_434 = tpu.vector_load_idx %arg19[%add3A_433, %get3A_389] : memref<128x32xf32, #tpu.memory_space<vmem>>[vector<16xi32>, vector<16xi32>], vector<16xf32>,
        %mul3A_435 = arith.constant 5.65685415 : f32
        %mul3A_436 = vector.broadcast %mul3A_435 : f32 to vector<16xf32>
        %mul3A_437 = arith.mulf %gather3A_434, %mul3A_436 : vector<16xf32>
        tpu.vector_store_idx %arg23[%shift_right_arithmetic3A_392, %and3A_395, %add3A_433], %mul3A_437 : memref<4x8x128xf32, #tpu.memory_space<vmem>>[vector<16xi32>, vector<16xi32>, vector<16xi32>], vector<16xf32>,
        %add3A_438 = arith.constant 96 : i32
        %add3A_439 = vector.broadcast %add3A_438 : i32 to vector<16xi32>
        %add3A_440 = arith.addi %iota3A, %add3A_439 : vector<16xi32>
        %gather3A_441 = tpu.vector_load_idx %arg19[%add3A_440, %get3A_389] : memref<128x32xf32, #tpu.memory_space<vmem>>[vector<16xi32>, vector<16xi32>], vector<16xf32>,
        %mul3A_442 = arith.constant 5.65685415 : f32
        %mul3A_443 = vector.broadcast %mul3A_442 : f32 to vector<16xf32>
        %mul3A_444 = arith.mulf %gather3A_441, %mul3A_443 : vector<16xf32>
        tpu.vector_store_idx %arg23[%shift_right_arithmetic3A_392, %and3A_395, %add3A_440], %mul3A_444 : memref<4x8x128xf32, #tpu.memory_space<vmem>>[vector<16xi32>, vector<16xi32>, vector<16xi32>], vector<16xf32>,
        %add3A_445 = arith.constant 112 : i32
        %add3A_446 = vector.broadcast %add3A_445 : i32 to vector<16xi32>
        %add3A_447 = arith.addi %iota3A, %add3A_446 : vector<16xi32>
        %gather3A_448 = tpu.vector_load_idx %arg19[%add3A_447, %get3A_389] : memref<128x32xf32, #tpu.memory_space<vmem>>[vector<16xi32>, vector<16xi32>], vector<16xf32>,
        %mul3A_449 = arith.constant 5.65685415 : f32
        %mul3A_450 = vector.broadcast %mul3A_449 : f32 to vector<16xf32>
        %mul3A_451 = arith.mulf %gather3A_448, %mul3A_450 : vector<16xf32>
        tpu.vector_store_idx %arg23[%shift_right_arithmetic3A_392, %and3A_395, %add3A_447], %mul3A_451 : memref<4x8x128xf32, #tpu.memory_space<vmem>>[vector<16xi32>, vector<16xi32>, vector<16xi32>], vector<16xf32>,
        %scan3A_452 = arith.constant 2 : i32
        %scan3A_453 = arith.addi %scan3A_315, %scan3A_452 : i32
        %mul3A_454 = arith.constant 1 : i32
        %mul3A_455 = arith.muli %scan3A_453, %mul3A_454 : i32
        %add3A_456 = arith.constant 0 : i32
        %add3A_457 = arith.addi %add3A_456, %mul3A_455 : i32
        %get3A_458 = arith.index_cast %add3A_457 : i32 to index
        %get3A_459 = arith.constant 0 : index
        %get3A_460 = tpu.vector_load %arg8[%get3A_458, %get3A_459] {strides = array<i32>} : memref<32x16xi32, #tpu.memory_space<vmem>>, vector<16xi32>,
        %shift_right_arithmetic3A_461 = arith.constant 3 : i32
        %shift_right_arithmetic3A_462 = vector.broadcast %shift_right_arithmetic3A_461 : i32 to vector<16xi32>
        %shift_right_arithmetic3A_463 = arith.shrsi %get3A_460, %shift_right_arithmetic3A_462 : vector<16xi32>
        %and3A_464 = arith.constant 7 : i32
        %and3A_465 = vector.broadcast %and3A_464 : i32 to vector<16xi32>
        %and3A_466 = arith.andi %get3A_460, %and3A_465 : vector<16xi32>
        %add3A_467 = arith.constant 0 : i32
        %add3A_468 = vector.broadcast %add3A_467 : i32 to vector<16xi32>
        %add3A_469 = arith.addi %iota3A, %add3A_468 : vector<16xi32>
        %gather3A_470 = tpu.vector_load_idx %arg19[%add3A_469, %get3A_460] : memref<128x32xf32, #tpu.memory_space<vmem>>[vector<16xi32>, vector<16xi32>], vector<16xf32>,
        %mul3A_471 = arith.constant 5.65685415 : f32
        %mul3A_472 = vector.broadcast %mul3A_471 : f32 to vector<16xf32>
        %mul3A_473 = arith.mulf %gather3A_470, %mul3A_472 : vector<16xf32>
        tpu.vector_store_idx %arg23[%shift_right_arithmetic3A_463, %and3A_466, %add3A_469], %mul3A_473 : memref<4x8x128xf32, #tpu.memory_space<vmem>>[vector<16xi32>, vector<16xi32>, vector<16xi32>], vector<16xf32>,
        %add3A_474 = arith.constant 16 : i32
        %add3A_475 = vector.broadcast %add3A_474 : i32 to vector<16xi32>
        %add3A_476 = arith.addi %iota3A, %add3A_475 : vector<16xi32>
        %gather3A_477 = tpu.vector_load_idx %arg19[%add3A_476, %get3A_460] : memref<128x32xf32, #tpu.memory_space<vmem>>[vector<16xi32>, vector<16xi32>], vector<16xf32>,
        %mul3A_478 = arith.constant 5.65685415 : f32
        %mul3A_479 = vector.broadcast %mul3A_478 : f32 to vector<16xf32>
        %mul3A_480 = arith.mulf %gather3A_477, %mul3A_479 : vector<16xf32>
        tpu.vector_store_idx %arg23[%shift_right_arithmetic3A_463, %and3A_466, %add3A_476], %mul3A_480 : memref<4x8x128xf32, #tpu.memory_space<vmem>>[vector<16xi32>, vector<16xi32>, vector<16xi32>], vector<16xf32>,
        %add3A_481 = arith.constant 32 : i32
        %add3A_482 = vector.broadcast %add3A_481 : i32 to vector<16xi32>
        %add3A_483 = arith.addi %iota3A, %add3A_482 : vector<16xi32>
        %gather3A_484 = tpu.vector_load_idx %arg19[%add3A_483, %get3A_460] : memref<128x32xf32, #tpu.memory_space<vmem>>[vector<16xi32>, vector<16xi32>], vector<16xf32>,
        %mul3A_485 = arith.constant 5.65685415 : f32
        %mul3A_486 = vector.broadcast %mul3A_485 : f32 to vector<16xf32>
        %mul3A_487 = arith.mulf %gather3A_484, %mul3A_486 : vector<16xf32>
        tpu.vector_store_idx %arg23[%shift_right_arithmetic3A_463, %and3A_466, %add3A_483], %mul3A_487 : memref<4x8x128xf32, #tpu.memory_space<vmem>>[vector<16xi32>, vector<16xi32>, vector<16xi32>], vector<16xf32>,
        %add3A_488 = arith.constant 48 : i32
        %add3A_489 = vector.broadcast %add3A_488 : i32 to vector<16xi32>
        %add3A_490 = arith.addi %iota3A, %add3A_489 : vector<16xi32>
        %gather3A_491 = tpu.vector_load_idx %arg19[%add3A_490, %get3A_460] : memref<128x32xf32, #tpu.memory_space<vmem>>[vector<16xi32>, vector<16xi32>], vector<16xf32>,
        %mul3A_492 = arith.constant 5.65685415 : f32
        %mul3A_493 = vector.broadcast %mul3A_492 : f32 to vector<16xf32>
        %mul3A_494 = arith.mulf %gather3A_491, %mul3A_493 : vector<16xf32>
        tpu.vector_store_idx %arg23[%shift_right_arithmetic3A_463, %and3A_466, %add3A_490], %mul3A_494 : memref<4x8x128xf32, #tpu.memory_space<vmem>>[vector<16xi32>, vector<16xi32>, vector<16xi32>], vector<16xf32>,
        %add3A_495 = arith.constant 64 : i32
        %add3A_496 = vector.broadcast %add3A_495 : i32 to vector<16xi32>
        %add3A_497 = arith.addi %iota3A, %add3A_496 : vector<16xi32>
        %gather3A_498 = tpu.vector_load_idx %arg19[%add3A_497, %get3A_460] : memref<128x32xf32, #tpu.memory_space<vmem>>[vector<16xi32>, vector<16xi32>], vector<16xf32>,
        %mul3A_499 = arith.constant 5.65685415 : f32
        %mul3A_500 = vector.broadcast %mul3A_499 : f32 to vector<16xf32>
        %mul3A_501 = arith.mulf %gather3A_498, %mul3A_500 : vector<16xf32>
        tpu.vector_store_idx %arg23[%shift_right_arithmetic3A_463, %and3A_466, %add3A_497], %mul3A_501 : memref<4x8x128xf32, #tpu.memory_space<vmem>>[vector<16xi32>, vector<16xi32>, vector<16xi32>], vector<16xf32>,
        %add3A_502 = arith.constant 80 : i32
        %add3A_503 = vector.broadcast %add3A_502 : i32 to vector<16xi32>
        %add3A_504 = arith.addi %iota3A, %add3A_503 : vector<16xi32>
        %gather3A_505 = tpu.vector_load_idx %arg19[%add3A_504, %get3A_460] : memref<128x32xf32, #tpu.memory_space<vmem>>[vector<16xi32>, vector<16xi32>], vector<16xf32>,
        %mul3A_506 = arith.constant 5.65685415 : f32
        %mul3A_507 = vector.broadcast %mul3A_506 : f32 to vector<16xf32>
        %mul3A_508 = arith.mulf %gather3A_505, %mul3A_507 : vector<16xf32>
        tpu.vector_store_idx %arg23[%shift_right_arithmetic3A_463, %and3A_466, %add3A_504], %mul3A_508 : memref<4x8x128xf32, #tpu.memory_space<vmem>>[vector<16xi32>, vector<16xi32>, vector<16xi32>], vector<16xf32>,
        %add3A_509 = arith.constant 96 : i32
        %add3A_510 = vector.broadcast %add3A_509 : i32 to vector<16xi32>
        %add3A_511 = arith.addi %iota3A, %add3A_510 : vector<16xi32>
        %gather3A_512 = tpu.vector_load_idx %arg19[%add3A_511, %get3A_460] : memref<128x32xf32, #tpu.memory_space<vmem>>[vector<16xi32>, vector<16xi32>], vector<16xf32>,
        %mul3A_513 = arith.constant 5.65685415 : f32
        %mul3A_514 = vector.broadcast %mul3A_513 : f32 to vector<16xf32>
        %mul3A_515 = arith.mulf %gather3A_512, %mul3A_514 : vector<16xf32>
        tpu.vector_store_idx %arg23[%shift_right_arithmetic3A_463, %and3A_466, %add3A_511], %mul3A_515 : memref<4x8x128xf32, #tpu.memory_space<vmem>>[vector<16xi32>, vector<16xi32>, vector<16xi32>], vector<16xf32>,
        %add3A_516 = arith.constant 112 : i32
        %add3A_517 = vector.broadcast %add3A_516 : i32 to vector<16xi32>
        %add3A_518 = arith.addi %iota3A, %add3A_517 : vector<16xi32>
        %gather3A_519 = tpu.vector_load_idx %arg19[%add3A_518, %get3A_460] : memref<128x32xf32, #tpu.memory_space<vmem>>[vector<16xi32>, vector<16xi32>], vector<16xf32>,
        %mul3A_520 = arith.constant 5.65685415 : f32
        %mul3A_521 = vector.broadcast %mul3A_520 : f32 to vector<16xf32>
        %mul3A_522 = arith.mulf %gather3A_519, %mul3A_521 : vector<16xf32>
        tpu.vector_store_idx %arg23[%shift_right_arithmetic3A_463, %and3A_466, %add3A_518], %mul3A_522 : memref<4x8x128xf32, #tpu.memory_space<vmem>>[vector<16xi32>, vector<16xi32>, vector<16xi32>], vector<16xf32>,
        %scan3A_523 = arith.constant 3 : i32
        %scan3A_524 = arith.addi %scan3A_315, %scan3A_523 : i32
        %mul3A_525 = arith.constant 1 : i32
        %mul3A_526 = arith.muli %scan3A_524, %mul3A_525 : i32
        %add3A_527 = arith.constant 0 : i32
        %add3A_528 = arith.addi %add3A_527, %mul3A_526 : i32
        %get3A_529 = arith.index_cast %add3A_528 : i32 to index
        %get3A_530 = arith.constant 0 : index
        %get3A_531 = tpu.vector_load %arg8[%get3A_529, %get3A_530] {strides = array<i32>} : memref<32x16xi32, #tpu.memory_space<vmem>>, vector<16xi32>,
        %shift_right_arithmetic3A_532 = arith.constant 3 : i32
        %shift_right_arithmetic3A_533 = vector.broadcast %shift_right_arithmetic3A_532 : i32 to vector<16xi32>
        %shift_right_arithmetic3A_534 = arith.shrsi %get3A_531, %shift_right_arithmetic3A_533 : vector<16xi32>
        %and3A_535 = arith.constant 7 : i32
        %and3A_536 = vector.broadcast %and3A_535 : i32 to vector<16xi32>
        %and3A_537 = arith.andi %get3A_531, %and3A_536 : vector<16xi32>
        %add3A_538 = arith.constant 0 : i32
        %add3A_539 = vector.broadcast %add3A_538 : i32 to vector<16xi32>
        %add3A_540 = arith.addi %iota3A, %add3A_539 : vector<16xi32>
        %gather3A_541 = tpu.vector_load_idx %arg19[%add3A_540, %get3A_531] : memref<128x32xf32, #tpu.memory_space<vmem>>[vector<16xi32>, vector<16xi32>], vector<16xf32>,
        %mul3A_542 = arith.constant 5.65685415 : f32
        %mul3A_543 = vector.broadcast %mul3A_542 : f32 to vector<16xf32>
        %mul3A_544 = arith.mulf %gather3A_541, %mul3A_543 : vector<16xf32>
        tpu.vector_store_idx %arg23[%shift_right_arithmetic3A_534, %and3A_537, %add3A_540], %mul3A_544 : memref<4x8x128xf32, #tpu.memory_space<vmem>>[vector<16xi32>, vector<16xi32>, vector<16xi32>], vector<16xf32>,
        %add3A_545 = arith.constant 16 : i32
        %add3A_546 = vector.broadcast %add3A_545 : i32 to vector<16xi32>
        %add3A_547 = arith.addi %iota3A, %add3A_546 : vector<16xi32>
        %gather3A_548 = tpu.vector_load_idx %arg19[%add3A_547, %get3A_531] : memref<128x32xf32, #tpu.memory_space<vmem>>[vector<16xi32>, vector<16xi32>], vector<16xf32>,
        %mul3A_549 = arith.constant 5.65685415 : f32
        %mul3A_550 = vector.broadcast %mul3A_549 : f32 to vector<16xf32>
        %mul3A_551 = arith.mulf %gather3A_548, %mul3A_550 : vector<16xf32>
        tpu.vector_store_idx %arg23[%shift_right_arithmetic3A_534, %and3A_537, %add3A_547], %mul3A_551 : memref<4x8x128xf32, #tpu.memory_space<vmem>>[vector<16xi32>, vector<16xi32>, vector<16xi32>], vector<16xf32>,
        %add3A_552 = arith.constant 32 : i32
        %add3A_553 = vector.broadcast %add3A_552 : i32 to vector<16xi32>
        %add3A_554 = arith.addi %iota3A, %add3A_553 : vector<16xi32>
        %gather3A_555 = tpu.vector_load_idx %arg19[%add3A_554, %get3A_531] : memref<128x32xf32, #tpu.memory_space<vmem>>[vector<16xi32>, vector<16xi32>], vector<16xf32>,
        %mul3A_556 = arith.constant 5.65685415 : f32
        %mul3A_557 = vector.broadcast %mul3A_556 : f32 to vector<16xf32>
        %mul3A_558 = arith.mulf %gather3A_555, %mul3A_557 : vector<16xf32>
        tpu.vector_store_idx %arg23[%shift_right_arithmetic3A_534, %and3A_537, %add3A_554], %mul3A_558 : memref<4x8x128xf32, #tpu.memory_space<vmem>>[vector<16xi32>, vector<16xi32>, vector<16xi32>], vector<16xf32>,
        %add3A_559 = arith.constant 48 : i32
        %add3A_560 = vector.broadcast %add3A_559 : i32 to vector<16xi32>
        %add3A_561 = arith.addi %iota3A, %add3A_560 : vector<16xi32>
        %gather3A_562 = tpu.vector_load_idx %arg19[%add3A_561, %get3A_531] : memref<128x32xf32, #tpu.memory_space<vmem>>[vector<16xi32>, vector<16xi32>], vector<16xf32>,
        %mul3A_563 = arith.constant 5.65685415 : f32
        %mul3A_564 = vector.broadcast %mul3A_563 : f32 to vector<16xf32>
        %mul3A_565 = arith.mulf %gather3A_562, %mul3A_564 : vector<16xf32>
        tpu.vector_store_idx %arg23[%shift_right_arithmetic3A_534, %and3A_537, %add3A_561], %mul3A_565 : memref<4x8x128xf32, #tpu.memory_space<vmem>>[vector<16xi32>, vector<16xi32>, vector<16xi32>], vector<16xf32>,
        %add3A_566 = arith.constant 64 : i32
        %add3A_567 = vector.broadcast %add3A_566 : i32 to vector<16xi32>
        %add3A_568 = arith.addi %iota3A, %add3A_567 : vector<16xi32>
        %gather3A_569 = tpu.vector_load_idx %arg19[%add3A_568, %get3A_531] : memref<128x32xf32, #tpu.memory_space<vmem>>[vector<16xi32>, vector<16xi32>], vector<16xf32>,
        %mul3A_570 = arith.constant 5.65685415 : f32
        %mul3A_571 = vector.broadcast %mul3A_570 : f32 to vector<16xf32>
        %mul3A_572 = arith.mulf %gather3A_569, %mul3A_571 : vector<16xf32>
        tpu.vector_store_idx %arg23[%shift_right_arithmetic3A_534, %and3A_537, %add3A_568], %mul3A_572 : memref<4x8x128xf32, #tpu.memory_space<vmem>>[vector<16xi32>, vector<16xi32>, vector<16xi32>], vector<16xf32>,
        %add3A_573 = arith.constant 80 : i32
        %add3A_574 = vector.broadcast %add3A_573 : i32 to vector<16xi32>
        %add3A_575 = arith.addi %iota3A, %add3A_574 : vector<16xi32>
        %gather3A_576 = tpu.vector_load_idx %arg19[%add3A_575, %get3A_531] : memref<128x32xf32, #tpu.memory_space<vmem>>[vector<16xi32>, vector<16xi32>], vector<16xf32>,
        %mul3A_577 = arith.constant 5.65685415 : f32
        %mul3A_578 = vector.broadcast %mul3A_577 : f32 to vector<16xf32>
        %mul3A_579 = arith.mulf %gather3A_576, %mul3A_578 : vector<16xf32>
        tpu.vector_store_idx %arg23[%shift_right_arithmetic3A_534, %and3A_537, %add3A_575], %mul3A_579 : memref<4x8x128xf32, #tpu.memory_space<vmem>>[vector<16xi32>, vector<16xi32>, vector<16xi32>], vector<16xf32>,
        %add3A_580 = arith.constant 96 : i32
        %add3A_581 = vector.broadcast %add3A_580 : i32 to vector<16xi32>
        %add3A_582 = arith.addi %iota3A, %add3A_581 : vector<16xi32>
        %gather3A_583 = tpu.vector_load_idx %arg19[%add3A_582, %get3A_531] : memref<128x32xf32, #tpu.memory_space<vmem>>[vector<16xi32>, vector<16xi32>], vector<16xf32>,
        %mul3A_584 = arith.constant 5.65685415 : f32
        %mul3A_585 = vector.broadcast %mul3A_584 : f32 to vector<16xf32>
        %mul3A_586 = arith.mulf %gather3A_583, %mul3A_585 : vector<16xf32>
        tpu.vector_store_idx %arg23[%shift_right_arithmetic3A_534, %and3A_537, %add3A_582], %mul3A_586 : memref<4x8x128xf32, #tpu.memory_space<vmem>>[vector<16xi32>, vector<16xi32>, vector<16xi32>], vector<16xf32>,
        %add3A_587 = arith.constant 112 : i32
        %add3A_588 = vector.broadcast %add3A_587 : i32 to vector<16xi32>
        %add3A_589 = arith.addi %iota3A, %add3A_588 : vector<16xi32>
        %gather3A_590 = tpu.vector_load_idx %arg19[%add3A_589, %get3A_531] : memref<128x32xf32, #tpu.memory_space<vmem>>[vector<16xi32>, vector<16xi32>], vector<16xf32>,
        %mul3A_591 = arith.constant 5.65685415 : f32
        %mul3A_592 = vector.broadcast %mul3A_591 : f32 to vector<16xf32>
        %mul3A_593 = arith.mulf %gather3A_590, %mul3A_592 : vector<16xf32>
        tpu.vector_store_idx %arg23[%shift_right_arithmetic3A_534, %and3A_537, %add3A_589], %mul3A_593 : memref<4x8x128xf32, #tpu.memory_space<vmem>>[vector<16xi32>, vector<16xi32>, vector<16xi32>], vector<16xf32>,
      }
      %scan3A_217 = arith.constant 32 : i32
      %lt3A_218 = arith.constant 49 : i32
      %lt3A_219 = arith.cmpi slt, %add3A_151, %lt3A_218 : i32
      %convert_element_type3A_220 = arith.extui %lt3A_219 : i1 to i32
      %cond3A_221 = arith.constant 0 : i32
      %cond3A_222 = arith.cmpi ne, %convert_element_type3A_220, %cond3A_221 : i32
      scf.if %cond3A_222 {
        %add3A_315 = arith.constant 4 : i32
        %add3A_316 = arith.addi %add3A_195, %add3A_315 : i32
        %jit3A = arith.constant 8 : i32
        %div3A = arith.divsi %add3A_316, %jit3A : i32
        %sign3A = arith.constant 0 : i32
        %sign3A_317 = arith.cmpi sgt, %add3A_316, %sign3A : i32
        %sign3A_318 = arith.extui %sign3A_317 : i1 to i32
        %sign3A_319 = arith.constant 0 : i32
        %sign3A_320 = arith.cmpi slt, %add3A_316, %sign3A_319 : i32
        %sign3A_321 = arith.extui %sign3A_320 : i1 to i32
        %sign3A_322 = arith.subi %sign3A_318, %sign3A_321 : i32
        %sign3A_323 = arith.constant 0 : i32
        %sign3A_324 = arith.cmpi sgt, %jit3A, %sign3A_323 : i32
        %sign3A_325 = arith.extui %sign3A_324 : i1 to i32
        %sign3A_326 = arith.constant 0 : i32
        %sign3A_327 = arith.cmpi slt, %jit3A, %sign3A_326 : i32
        %sign3A_328 = arith.extui %sign3A_327 : i1 to i32
        %sign3A_329 = arith.subi %sign3A_325, %sign3A_328 : i32
        %ne3A = arith.cmpi ne, %sign3A_322, %sign3A_329 : i32
        %rem3A = arith.remsi %add3A_316, %jit3A : i32
        %ne3A_330 = arith.constant 0 : i32
        %ne3A_331 = arith.cmpi ne, %rem3A, %ne3A_330 : i32
        %and3A = arith.andi %ne3A, %ne3A_331 : i1
        %sub3A = arith.constant 1 : i32
        %sub3A_332 = arith.subi %div3A, %sub3A : i32
        %select_n3A = arith.select %and3A, %sub3A_332, %div3A : i32
        %jit3A_333 = arith.constant 8 : i32
        %eq3A_334 = arith.constant 0 : i32
        %eq3A_335 = arith.cmpi eq, %jit3A_333, %eq3A_334 : i32
        %jit3A_336 = arith.constant 1 : i32
        %select_n3A_337 = arith.select %eq3A_335, %jit3A_336, %jit3A_333 : i32
        %rem3A_338 = arith.remsi %add3A_316, %select_n3A_337 : i32
        %ne3A_339 = arith.constant 0 : i32
        %ne3A_340 = arith.cmpi ne, %rem3A_338, %ne3A_339 : i32
        %lt3A_341 = arith.constant 0 : i32
        %lt3A_342 = arith.cmpi slt, %rem3A_338, %lt3A_341 : i32
        %lt3A_343 = arith.constant 0 : i32
        %lt3A_344 = arith.cmpi slt, %select_n3A_337, %lt3A_343 : i32
        %ne3A_345 = arith.xori %lt3A_342, %lt3A_344 : i1
        %and3A_346 = arith.andi %ne3A_345, %ne3A_340 : i1
        %add3A_347 = arith.addi %rem3A_338, %select_n3A_337 : i32
        %select_n3A_348 = arith.select %and3A_346, %add3A_347, %rem3A_338 : i32
        %dma_wait3A_349 = arith.constant 0 : i32
        %dma_wait3A_350 = arith.constant 0 : i32
        %dma_wait3A_351 = tpu.memref_slice %arg15[%dma_wait3A_349, %dma_wait3A_350] : memref<1x128xi32, #tpu.memory_space<vmem>> -> memref<1x128xi32, #tpu.memory_space<vmem>>
        %dma_wait3A_352 = tpu.memref_squeeze %dma_wait3A_351 : memref<1x128xi32, #tpu.memory_space<vmem>> -> memref<128xi32, #tpu.memory_space<vmem>>
        %dma_wait3A_353 = arith.constant 0 : i32
        %dma_wait3A_354 = tpu.memref_slice %arg2[%select_n3A, %add3A, %select_n3A_348, %dma_wait3A_353] : memref<25x32x8x128xi32, #tpu.memory_space<hbm>> -> memref<1x1x1x128xi32, #tpu.memory_space<hbm>>
        %dma_wait3A_355 = tpu.memref_squeeze %dma_wait3A_354 : memref<1x1x1x128xi32, #tpu.memory_space<hbm>> -> memref<128xi32, #tpu.memory_space<hbm>>
        %dma_wait3A_356 = arith.constant 0 : i32
        %dma_wait3A_357 = tpu.memref_slice %arg15[%dma_wait3A_349, %dma_wait3A_356] : memref<1x128xi32, #tpu.memory_space<vmem>> -> memref<1x128xi32, #tpu.memory_space<vmem>>
        %dma_wait3A_358 = tpu.memref_squeeze %dma_wait3A_357 : memref<1x128xi32, #tpu.memory_space<vmem>> -> memref<128xi32, #tpu.memory_space<vmem>>
        %dma_wait3A_359 = arith.constant 0 : i32
        %dma_wait3A_360 = tpu.memref_slice %arg2[%select_n3A, %add3A, %select_n3A_348, %dma_wait3A_359] : memref<25x32x8x128xi32, #tpu.memory_space<hbm>> -> memref<1x1x1x128xi32, #tpu.memory_space<hbm>>
        %dma_wait3A_361 = tpu.memref_squeeze %dma_wait3A_360 : memref<1x1x1x128xi32, #tpu.memory_space<hbm>> -> memref<128xi32, #tpu.memory_space<hbm>>
        tpu.wait_dma2 semaphore(%arg31 : memref<!tpu.dma_semaphore, #tpu.memory_space<semaphore_mem>>) src(%dma_wait3A_361 : memref<128xi32, #tpu.memory_space<hbm>>) dst(%dma_wait3A_358 : memref<128xi32, #tpu.memory_space<vmem>>)
        %dma_start3A_362 = arith.constant 0 : i32
        %dma_start3A_363 = arith.constant 0 : i32
        %dma_start3A_364 = tpu.memref_slice %arg15[%dma_start3A_362, %dma_start3A_363] : memref<1x128xi32, #tpu.memory_space<vmem>> -> memref<1x128xi32, #tpu.memory_space<vmem>>
        %dma_start3A_365 = tpu.memref_squeeze %dma_start3A_364 : memref<1x128xi32, #tpu.memory_space<vmem>> -> memref<128xi32, #tpu.memory_space<vmem>>
        %dma_start3A_366 = arith.constant 0 : i32
        %dma_start3A_367 = arith.constant 0 : i32
        %dma_start3A_368 = tpu.memref_slice %arg6[%dma_start3A_366, %dma_start3A_367] : memref<1000000x32xf32, #tpu.memory_space<hbm>> -> memref<1000000x32xf32, #tpu.memory_space<hbm>>
        tpu.enqueue_indirect_dma source(%dma_start3A_368 : memref<1000000x32xf32, #tpu.memory_space<hbm>>) target(%arg19 : memref<128x32xf32, #tpu.memory_space<vmem>>) offsets(%dma_start3A_365 : memref<128xi32, #tpu.memory_space<vmem>>) semaphore(%arg35 : memref<!tpu.dma_semaphore, #tpu.memory_space<semaphore_mem>>)
      } else {
      }
      %dma_start3A_223 = arith.constant 0 : i32
      %dma_start3A_224 = arith.constant 0 : i32
      %dma_start3A_225 = arith.constant 0 : i32
      %dma_start3A_226 = tpu.memref_slice %arg5[%add3A_195, %dma_start3A_223, %add3A, %dma_start3A_224, %dma_start3A_225] : memref<200x4x32x8x128xf32, #tpu.memory_space<hbm>> -> memref<1x4x1x8x128xf32, #tpu.memory_space<hbm>>
      %dma_start3A_227 = tpu.memref_squeeze %dma_start3A_226 : memref<1x4x1x8x128xf32, #tpu.memory_space<hbm>> -> memref<4x8x128xf32, #tpu.memory_space<hbm>>
      %dma_start3A_228 = arith.constant 0 : i32
      %dma_start3A_229 = arith.constant 0 : i32
      %dma_start3A_230 = arith.constant 0 : i32
      %dma_start3A_231 = tpu.memref_slice %arg5[%add3A_195, %dma_start3A_228, %add3A, %dma_start3A_229, %dma_start3A_230] : memref<200x4x32x8x128xf32, #tpu.memory_space<hbm>> -> memref<1x4x1x8x128xf32, #tpu.memory_space<hbm>>
      %dma_start3A_232 = tpu.memref_squeeze %dma_start3A_231 : memref<1x4x1x8x128xf32, #tpu.memory_space<hbm>> -> memref<4x8x128xf32, #tpu.memory_space<hbm>>
      tpu.enqueue_dma source(%arg23 : memref<4x8x128xf32, #tpu.memory_space<vmem>>) target(%dma_start3A_232 : memref<4x8x128xf32, #tpu.memory_space<hbm>>) target_semaphore(%arg39 : memref<!tpu.dma_semaphore, #tpu.memory_space<semaphore_mem>>)
      %mul3A_233 = arith.constant 4 : i32
      %mul3A_234 = arith.muli %add3A_151, %mul3A_233 : i32
      %add3A_235 = arith.constant 2 : i32
      %add3A_236 = arith.addi %mul3A_234, %add3A_235 : i32
      %dma_wait3A_237 = arith.constant 0 : i32
      %dma_wait3A_238 = arith.constant 0 : i32
      %dma_wait3A_239 = tpu.memref_slice %arg16[%dma_wait3A_237, %dma_wait3A_238] : memref<1x128xi32, #tpu.memory_space<vmem>> -> memref<1x128xi32, #tpu.memory_space<vmem>>
      %dma_wait3A_240 = tpu.memref_squeeze %dma_wait3A_239 : memref<1x128xi32, #tpu.memory_space<vmem>> -> memref<128xi32, #tpu.memory_space<vmem>>
      %dma_wait3A_241 = arith.constant 0 : i32
      %dma_wait3A_242 = arith.constant 0 : i32
      %dma_wait3A_243 = tpu.memref_slice %arg6[%dma_wait3A_241, %dma_wait3A_242] : memref<1000000x32xf32, #tpu.memory_space<hbm>> -> memref<1000000x32xf32, #tpu.memory_space<hbm>>
      tpu.wait_indirect_dma semaphore(%arg36 : memref<!tpu.dma_semaphore, #tpu.memory_space<semaphore_mem>>) src(%dma_wait3A_243 : memref<1000000x32xf32, #tpu.memory_space<hbm>>) dst(%arg20 : memref<128x32xf32, #tpu.memory_space<vmem>>)
      %ge3A_244 = arith.constant 1 : i32
      %ge3A_245 = arith.cmpi sge, %add3A_151, %ge3A_244 : i32
      %convert_element_type3A_246 = arith.extui %ge3A_245 : i1 to i32
      %cond3A_247 = arith.constant 0 : i32
      %cond3A_248 = arith.cmpi ne, %convert_element_type3A_246, %cond3A_247 : i32
      scf.if %cond3A_248 {
        %sub3A = arith.constant 4 : i32
        %sub3A_315 = arith.subi %add3A_236, %sub3A : i32
        %dma_wait3A_316 = arith.constant 0 : i32
        %dma_wait3A_317 = arith.constant 0 : i32
        %dma_wait3A_318 = arith.constant 0 : i32
        %dma_wait3A_319 = tpu.memref_slice %arg5[%sub3A_315, %dma_wait3A_316, %add3A, %dma_wait3A_317, %dma_wait3A_318] : memref<200x4x32x8x128xf32, #tpu.memory_space<hbm>> -> memref<1x4x1x8x128xf32, #tpu.memory_space<hbm>>
        %dma_wait3A_320 = tpu.memref_squeeze %dma_wait3A_319 : memref<1x4x1x8x128xf32, #tpu.memory_space<hbm>> -> memref<4x8x128xf32, #tpu.memory_space<hbm>>
        %dma_wait3A_321 = arith.constant 0 : i32
        %dma_wait3A_322 = arith.constant 0 : i32
        %dma_wait3A_323 = arith.constant 0 : i32
        %dma_wait3A_324 = tpu.memref_slice %arg5[%sub3A_315, %dma_wait3A_321, %add3A, %dma_wait3A_322, %dma_wait3A_323] : memref<200x4x32x8x128xf32, #tpu.memory_space<hbm>> -> memref<1x4x1x8x128xf32, #tpu.memory_space<hbm>>
        %dma_wait3A_325 = tpu.memref_squeeze %dma_wait3A_324 : memref<1x4x1x8x128xf32, #tpu.memory_space<hbm>> -> memref<4x8x128xf32, #tpu.memory_space<hbm>>
        tpu.wait_dma2 semaphore(%arg40 : memref<!tpu.dma_semaphore, #tpu.memory_space<semaphore_mem>>) src(%arg24 : memref<4x8x128xf32, #tpu.memory_space<vmem>>) dst(%dma_wait3A_325 : memref<4x8x128xf32, #tpu.memory_space<hbm>>)
      } else {
      }
      %lt3A_249 = arith.constant 49 : i32
      %lt3A_250 = arith.cmpi slt, %add3A_151, %lt3A_249 : i32
      %convert_element_type3A_251 = arith.extui %lt3A_250 : i1 to i32
      %cond3A_252 = arith.constant 0 : i32
      %cond3A_253 = arith.cmpi ne, %convert_element_type3A_251, %cond3A_252 : i32
      scf.if %cond3A_253 {
        %add3A_315 = arith.constant 4 : i32
        %add3A_316 = arith.addi %add3A_236, %add3A_315 : i32
        %jit3A = arith.constant 8 : i32
        %div3A = arith.divsi %add3A_316, %jit3A : i32
        %sign3A = arith.constant 0 : i32
        %sign3A_317 = arith.cmpi sgt, %add3A_316, %sign3A : i32
        %sign3A_318 = arith.extui %sign3A_317 : i1 to i32
        %sign3A_319 = arith.constant 0 : i32
        %sign3A_320 = arith.cmpi slt, %add3A_316, %sign3A_319 : i32
        %sign3A_321 = arith.extui %sign3A_320 : i1 to i32
        %sign3A_322 = arith.subi %sign3A_318, %sign3A_321 : i32
        %sign3A_323 = arith.constant 0 : i32
        %sign3A_324 = arith.cmpi sgt, %jit3A, %sign3A_323 : i32
        %sign3A_325 = arith.extui %sign3A_324 : i1 to i32
        %sign3A_326 = arith.constant 0 : i32
        %sign3A_327 = arith.cmpi slt, %jit3A, %sign3A_326 : i32
        %sign3A_328 = arith.extui %sign3A_327 : i1 to i32
        %sign3A_329 = arith.subi %sign3A_325, %sign3A_328 : i32
        %ne3A = arith.cmpi ne, %sign3A_322, %sign3A_329 : i32
        %rem3A = arith.remsi %add3A_316, %jit3A : i32
        %ne3A_330 = arith.constant 0 : i32
        %ne3A_331 = arith.cmpi ne, %rem3A, %ne3A_330 : i32
        %and3A = arith.andi %ne3A, %ne3A_331 : i1
        %sub3A = arith.constant 1 : i32
        %sub3A_332 = arith.subi %div3A, %sub3A : i32
        %select_n3A = arith.select %and3A, %sub3A_332, %div3A : i32
        %jit3A_333 = arith.constant 8 : i32
        %eq3A_334 = arith.constant 0 : i32
        %eq3A_335 = arith.cmpi eq, %jit3A_333, %eq3A_334 : i32
        %jit3A_336 = arith.constant 1 : i32
        %select_n3A_337 = arith.select %eq3A_335, %jit3A_336, %jit3A_333 : i32
        %rem3A_338 = arith.remsi %add3A_316, %select_n3A_337 : i32
        %ne3A_339 = arith.constant 0 : i32
        %ne3A_340 = arith.cmpi ne, %rem3A_338, %ne3A_339 : i32
        %lt3A_341 = arith.constant 0 : i32
        %lt3A_342 = arith.cmpi slt, %rem3A_338, %lt3A_341 : i32
        %lt3A_343 = arith.constant 0 : i32
        %lt3A_344 = arith.cmpi slt, %select_n3A_337, %lt3A_343 : i32
        %ne3A_345 = arith.xori %lt3A_342, %lt3A_344 : i1
        %and3A_346 = arith.andi %ne3A_345, %ne3A_340 : i1
        %add3A_347 = arith.addi %rem3A_338, %select_n3A_337 : i32
        %select_n3A_348 = arith.select %and3A_346, %add3A_347, %rem3A_338 : i32
        %dma_start3A_349 = arith.constant 0 : i32
        %dma_start3A_350 = arith.constant 0 : i32
        %dma_start3A_351 = tpu.memref_slice %arg16[%dma_start3A_349, %dma_start3A_350] : memref<1x128xi32, #tpu.memory_space<vmem>> -> memref<1x128xi32, #tpu.memory_space<vmem>>
        %dma_start3A_352 = tpu.memref_squeeze %dma_start3A_351 : memref<1x128xi32, #tpu.memory_space<vmem>> -> memref<128xi32, #tpu.memory_space<vmem>>
        %dma_start3A_353 = arith.constant 0 : i32
        %dma_start3A_354 = tpu.memref_slice %arg2[%select_n3A, %add3A, %select_n3A_348, %dma_start3A_353] : memref<25x32x8x128xi32, #tpu.memory_space<hbm>> -> memref<1x1x1x128xi32, #tpu.memory_space<hbm>>
        %dma_start3A_355 = tpu.memref_squeeze %dma_start3A_354 : memref<1x1x1x128xi32, #tpu.memory_space<hbm>> -> memref<128xi32, #tpu.memory_space<hbm>>
        %dma_start3A_356 = arith.constant 0 : i32
        %dma_start3A_357 = tpu.memref_slice %arg16[%dma_start3A_349, %dma_start3A_356] : memref<1x128xi32, #tpu.memory_space<vmem>> -> memref<1x128xi32, #tpu.memory_space<vmem>>
        %dma_start3A_358 = tpu.memref_squeeze %dma_start3A_357 : memref<1x128xi32, #tpu.memory_space<vmem>> -> memref<128xi32, #tpu.memory_space<vmem>>
        %dma_start3A_359 = arith.constant 0 : i32
        %dma_start3A_360 = tpu.memref_slice %arg2[%select_n3A, %add3A, %select_n3A_348, %dma_start3A_359] : memref<25x32x8x128xi32, #tpu.memory_space<hbm>> -> memref<1x1x1x128xi32, #tpu.memory_space<hbm>>
        %dma_start3A_361 = tpu.memref_squeeze %dma_start3A_360 : memref<1x1x1x128xi32, #tpu.memory_space<hbm>> -> memref<128xi32, #tpu.memory_space<hbm>>
        tpu.enqueue_dma source(%dma_start3A_361 : memref<128xi32, #tpu.memory_space<hbm>>) target(%dma_start3A_358 : memref<128xi32, #tpu.memory_space<vmem>>) target_semaphore(%arg32 : memref<!tpu.dma_semaphore, #tpu.memory_space<semaphore_mem>>)
      } else {
      }
      %scan3A_254 = arith.constant 0 : i32
      %scan3A_255 = arith.constant 32 : i32
      %scan3A_256 = arith.addi %scan3A_254, %scan3A_255 : i32
      %scan3A_257 = arith.constant 4 : i32
      scf.for %scan3A_315 = %scan3A_254 to %scan3A_256 step %scan3A_257  : i32 {
        %mul3A_316 = arith.constant 1 : i32
        %mul3A_317 = arith.muli %scan3A_315, %mul3A_316 : i32
        %add3A_318 = arith.constant 0 : i32
        %add3A_319 = arith.addi %add3A_318, %mul3A_317 : i32
        %get3A = arith.index_cast %add3A_319 : i32 to index
        %get3A_320 = arith.constant 0 : index
        %get3A_321 = tpu.vector_load %arg8[%get3A, %get3A_320] {strides = array<i32>} : memref<32x16xi32, #tpu.memory_space<vmem>>, vector<16xi32>,
        %shift_right_arithmetic3A = arith.constant 3 : i32
        %shift_right_arithmetic3A_322 = vector.broadcast %shift_right_arithmetic3A : i32 to vector<16xi32>
        %shift_right_arithmetic3A_323 = arith.shrsi %get3A_321, %shift_right_arithmetic3A_322 : vector<16xi32>
        %and3A = arith.constant 7 : i32
        %and3A_324 = vector.broadcast %and3A : i32 to vector<16xi32>
        %and3A_325 = arith.andi %get3A_321, %and3A_324 : vector<16xi32>
        %add3A_326 = arith.constant 0 : i32
        %add3A_327 = vector.broadcast %add3A_326 : i32 to vector<16xi32>
        %add3A_328 = arith.addi %iota3A, %add3A_327 : vector<16xi32>
        %gather3A = tpu.vector_load_idx %arg20[%add3A_328, %get3A_321] : memref<128x32xf32, #tpu.memory_space<vmem>>[vector<16xi32>, vector<16xi32>], vector<16xf32>,
        %mul3A_329 = arith.constant 5.65685415 : f32
        %mul3A_330 = vector.broadcast %mul3A_329 : f32 to vector<16xf32>
        %mul3A_331 = arith.mulf %gather3A, %mul3A_330 : vector<16xf32>
        tpu.vector_store_idx %arg24[%shift_right_arithmetic3A_323, %and3A_325, %add3A_328], %mul3A_331 : memref<4x8x128xf32, #tpu.memory_space<vmem>>[vector<16xi32>, vector<16xi32>, vector<16xi32>], vector<16xf32>,
        %add3A_332 = arith.constant 16 : i32
        %add3A_333 = vector.broadcast %add3A_332 : i32 to vector<16xi32>
        %add3A_334 = arith.addi %iota3A, %add3A_333 : vector<16xi32>
        %gather3A_335 = tpu.vector_load_idx %arg20[%add3A_334, %get3A_321] : memref<128x32xf32, #tpu.memory_space<vmem>>[vector<16xi32>, vector<16xi32>], vector<16xf32>,
        %mul3A_336 = arith.constant 5.65685415 : f32
        %mul3A_337 = vector.broadcast %mul3A_336 : f32 to vector<16xf32>
        %mul3A_338 = arith.mulf %gather3A_335, %mul3A_337 : vector<16xf32>
        tpu.vector_store_idx %arg24[%shift_right_arithmetic3A_323, %and3A_325, %add3A_334], %mul3A_338 : memref<4x8x128xf32, #tpu.memory_space<vmem>>[vector<16xi32>, vector<16xi32>, vector<16xi32>], vector<16xf32>,
        %add3A_339 = arith.constant 32 : i32
        %add3A_340 = vector.broadcast %add3A_339 : i32 to vector<16xi32>
        %add3A_341 = arith.addi %iota3A, %add3A_340 : vector<16xi32>
        %gather3A_342 = tpu.vector_load_idx %arg20[%add3A_341, %get3A_321] : memref<128x32xf32, #tpu.memory_space<vmem>>[vector<16xi32>, vector<16xi32>], vector<16xf32>,
        %mul3A_343 = arith.constant 5.65685415 : f32
        %mul3A_344 = vector.broadcast %mul3A_343 : f32 to vector<16xf32>
        %mul3A_345 = arith.mulf %gather3A_342, %mul3A_344 : vector<16xf32>
        tpu.vector_store_idx %arg24[%shift_right_arithmetic3A_323, %and3A_325, %add3A_341], %mul3A_345 : memref<4x8x128xf32, #tpu.memory_space<vmem>>[vector<16xi32>, vector<16xi32>, vector<16xi32>], vector<16xf32>,
        %add3A_346 = arith.constant 48 : i32
        %add3A_347 = vector.broadcast %add3A_346 : i32 to vector<16xi32>
        %add3A_348 = arith.addi %iota3A, %add3A_347 : vector<16xi32>
        %gather3A_349 = tpu.vector_load_idx %arg20[%add3A_348, %get3A_321] : memref<128x32xf32, #tpu.memory_space<vmem>>[vector<16xi32>, vector<16xi32>], vector<16xf32>,
        %mul3A_350 = arith.constant 5.65685415 : f32
        %mul3A_351 = vector.broadcast %mul3A_350 : f32 to vector<16xf32>
        %mul3A_352 = arith.mulf %gather3A_349, %mul3A_351 : vector<16xf32>
        tpu.vector_store_idx %arg24[%shift_right_arithmetic3A_323, %and3A_325, %add3A_348], %mul3A_352 : memref<4x8x128xf32, #tpu.memory_space<vmem>>[vector<16xi32>, vector<16xi32>, vector<16xi32>], vector<16xf32>,
        %add3A_353 = arith.constant 64 : i32
        %add3A_354 = vector.broadcast %add3A_353 : i32 to vector<16xi32>
        %add3A_355 = arith.addi %iota3A, %add3A_354 : vector<16xi32>
        %gather3A_356 = tpu.vector_load_idx %arg20[%add3A_355, %get3A_321] : memref<128x32xf32, #tpu.memory_space<vmem>>[vector<16xi32>, vector<16xi32>], vector<16xf32>,
        %mul3A_357 = arith.constant 5.65685415 : f32
        %mul3A_358 = vector.broadcast %mul3A_357 : f32 to vector<16xf32>
        %mul3A_359 = arith.mulf %gather3A_356, %mul3A_358 : vector<16xf32>
        tpu.vector_store_idx %arg24[%shift_right_arithmetic3A_323, %and3A_325, %add3A_355], %mul3A_359 : memref<4x8x128xf32, #tpu.memory_space<vmem>>[vector<16xi32>, vector<16xi32>, vector<16xi32>], vector<16xf32>,
        %add3A_360 = arith.constant 80 : i32
        %add3A_361 = vector.broadcast %add3A_360 : i32 to vector<16xi32>
        %add3A_362 = arith.addi %iota3A, %add3A_361 : vector<16xi32>
        %gather3A_363 = tpu.vector_load_idx %arg20[%add3A_362, %get3A_321] : memref<128x32xf32, #tpu.memory_space<vmem>>[vector<16xi32>, vector<16xi32>], vector<16xf32>,
        %mul3A_364 = arith.constant 5.65685415 : f32
        %mul3A_365 = vector.broadcast %mul3A_364 : f32 to vector<16xf32>
        %mul3A_366 = arith.mulf %gather3A_363, %mul3A_365 : vector<16xf32>
        tpu.vector_store_idx %arg24[%shift_right_arithmetic3A_323, %and3A_325, %add3A_362], %mul3A_366 : memref<4x8x128xf32, #tpu.memory_space<vmem>>[vector<16xi32>, vector<16xi32>, vector<16xi32>], vector<16xf32>,
        %add3A_367 = arith.constant 96 : i32
        %add3A_368 = vector.broadcast %add3A_367 : i32 to vector<16xi32>
        %add3A_369 = arith.addi %iota3A, %add3A_368 : vector<16xi32>
        %gather3A_370 = tpu.vector_load_idx %arg20[%add3A_369, %get3A_321] : memref<128x32xf32, #tpu.memory_space<vmem>>[vector<16xi32>, vector<16xi32>], vector<16xf32>,
        %mul3A_371 = arith.constant 5.65685415 : f32
        %mul3A_372 = vector.broadcast %mul3A_371 : f32 to vector<16xf32>
        %mul3A_373 = arith.mulf %gather3A_370, %mul3A_372 : vector<16xf32>
        tpu.vector_store_idx %arg24[%shift_right_arithmetic3A_323, %and3A_325, %add3A_369], %mul3A_373 : memref<4x8x128xf32, #tpu.memory_space<vmem>>[vector<16xi32>, vector<16xi32>, vector<16xi32>], vector<16xf32>,
        %add3A_374 = arith.constant 112 : i32
        %add3A_375 = vector.broadcast %add3A_374 : i32 to vector<16xi32>
        %add3A_376 = arith.addi %iota3A, %add3A_375 : vector<16xi32>
        %gather3A_377 = tpu.vector_load_idx %arg20[%add3A_376, %get3A_321] : memref<128x32xf32, #tpu.memory_space<vmem>>[vector<16xi32>, vector<16xi32>], vector<16xf32>,
        %mul3A_378 = arith.constant 5.65685415 : f32
        %mul3A_379 = vector.broadcast %mul3A_378 : f32 to vector<16xf32>
        %mul3A_380 = arith.mulf %gather3A_377, %mul3A_379 : vector<16xf32>
        tpu.vector_store_idx %arg24[%shift_right_arithmetic3A_323, %and3A_325, %add3A_376], %mul3A_380 : memref<4x8x128xf32, #tpu.memory_space<vmem>>[vector<16xi32>, vector<16xi32>, vector<16xi32>], vector<16xf32>,
        %scan3A_381 = arith.constant 1 : i32
        %scan3A_382 = arith.addi %scan3A_315, %scan3A_381 : i32
        %mul3A_383 = arith.constant 1 : i32
        %mul3A_384 = arith.muli %scan3A_382, %mul3A_383 : i32
        %add3A_385 = arith.constant 0 : i32
        %add3A_386 = arith.addi %add3A_385, %mul3A_384 : i32
        %get3A_387 = arith.index_cast %add3A_386 : i32 to index
        %get3A_388 = arith.constant 0 : index
        %get3A_389 = tpu.vector_load %arg8[%get3A_387, %get3A_388] {strides = array<i32>} : memref<32x16xi32, #tpu.memory_space<vmem>>, vector<16xi32>,
        %shift_right_arithmetic3A_390 = arith.constant 3 : i32
        %shift_right_arithmetic3A_391 = vector.broadcast %shift_right_arithmetic3A_390 : i32 to vector<16xi32>
        %shift_right_arithmetic3A_392 = arith.shrsi %get3A_389, %shift_right_arithmetic3A_391 : vector<16xi32>
        %and3A_393 = arith.constant 7 : i32
        %and3A_394 = vector.broadcast %and3A_393 : i32 to vector<16xi32>
        %and3A_395 = arith.andi %get3A_389, %and3A_394 : vector<16xi32>
        %add3A_396 = arith.constant 0 : i32
        %add3A_397 = vector.broadcast %add3A_396 : i32 to vector<16xi32>
        %add3A_398 = arith.addi %iota3A, %add3A_397 : vector<16xi32>
        %gather3A_399 = tpu.vector_load_idx %arg20[%add3A_398, %get3A_389] : memref<128x32xf32, #tpu.memory_space<vmem>>[vector<16xi32>, vector<16xi32>], vector<16xf32>,
        %mul3A_400 = arith.constant 5.65685415 : f32
        %mul3A_401 = vector.broadcast %mul3A_400 : f32 to vector<16xf32>
        %mul3A_402 = arith.mulf %gather3A_399, %mul3A_401 : vector<16xf32>
        tpu.vector_store_idx %arg24[%shift_right_arithmetic3A_392, %and3A_395, %add3A_398], %mul3A_402 : memref<4x8x128xf32, #tpu.memory_space<vmem>>[vector<16xi32>, vector<16xi32>, vector<16xi32>], vector<16xf32>,
        %add3A_403 = arith.constant 16 : i32
        %add3A_404 = vector.broadcast %add3A_403 : i32 to vector<16xi32>
        %add3A_405 = arith.addi %iota3A, %add3A_404 : vector<16xi32>
        %gather3A_406 = tpu.vector_load_idx %arg20[%add3A_405, %get3A_389] : memref<128x32xf32, #tpu.memory_space<vmem>>[vector<16xi32>, vector<16xi32>], vector<16xf32>,
        %mul3A_407 = arith.constant 5.65685415 : f32
        %mul3A_408 = vector.broadcast %mul3A_407 : f32 to vector<16xf32>
        %mul3A_409 = arith.mulf %gather3A_406, %mul3A_408 : vector<16xf32>
        tpu.vector_store_idx %arg24[%shift_right_arithmetic3A_392, %and3A_395, %add3A_405], %mul3A_409 : memref<4x8x128xf32, #tpu.memory_space<vmem>>[vector<16xi32>, vector<16xi32>, vector<16xi32>], vector<16xf32>,
        %add3A_410 = arith.constant 32 : i32
        %add3A_411 = vector.broadcast %add3A_410 : i32 to vector<16xi32>
        %add3A_412 = arith.addi %iota3A, %add3A_411 : vector<16xi32>
        %gather3A_413 = tpu.vector_load_idx %arg20[%add3A_412, %get3A_389] : memref<128x32xf32, #tpu.memory_space<vmem>>[vector<16xi32>, vector<16xi32>], vector<16xf32>,
        %mul3A_414 = arith.constant 5.65685415 : f32
        %mul3A_415 = vector.broadcast %mul3A_414 : f32 to vector<16xf32>
        %mul3A_416 = arith.mulf %gather3A_413, %mul3A_415 : vector<16xf32>
        tpu.vector_store_idx %arg24[%shift_right_arithmetic3A_392, %and3A_395, %add3A_412], %mul3A_416 : memref<4x8x128xf32, #tpu.memory_space<vmem>>[vector<16xi32>, vector<16xi32>, vector<16xi32>], vector<16xf32>,
        %add3A_417 = arith.constant 48 : i32
        %add3A_418 = vector.broadcast %add3A_417 : i32 to vector<16xi32>
        %add3A_419 = arith.addi %iota3A, %add3A_418 : vector<16xi32>
        %gather3A_420 = tpu.vector_load_idx %arg20[%add3A_419, %get3A_389] : memref<128x32xf32, #tpu.memory_space<vmem>>[vector<16xi32>, vector<16xi32>], vector<16xf32>,
        %mul3A_421 = arith.constant 5.65685415 : f32
        %mul3A_422 = vector.broadcast %mul3A_421 : f32 to vector<16xf32>
        %mul3A_423 = arith.mulf %gather3A_420, %mul3A_422 : vector<16xf32>
        tpu.vector_store_idx %arg24[%shift_right_arithmetic3A_392, %and3A_395, %add3A_419], %mul3A_423 : memref<4x8x128xf32, #tpu.memory_space<vmem>>[vector<16xi32>, vector<16xi32>, vector<16xi32>], vector<16xf32>,
        %add3A_424 = arith.constant 64 : i32
        %add3A_425 = vector.broadcast %add3A_424 : i32 to vector<16xi32>
        %add3A_426 = arith.addi %iota3A, %add3A_425 : vector<16xi32>
        %gather3A_427 = tpu.vector_load_idx %arg20[%add3A_426, %get3A_389] : memref<128x32xf32, #tpu.memory_space<vmem>>[vector<16xi32>, vector<16xi32>], vector<16xf32>,
        %mul3A_428 = arith.constant 5.65685415 : f32
        %mul3A_429 = vector.broadcast %mul3A_428 : f32 to vector<16xf32>
        %mul3A_430 = arith.mulf %gather3A_427, %mul3A_429 : vector<16xf32>
        tpu.vector_store_idx %arg24[%shift_right_arithmetic3A_392, %and3A_395, %add3A_426], %mul3A_430 : memref<4x8x128xf32, #tpu.memory_space<vmem>>[vector<16xi32>, vector<16xi32>, vector<16xi32>], vector<16xf32>,
        %add3A_431 = arith.constant 80 : i32
        %add3A_432 = vector.broadcast %add3A_431 : i32 to vector<16xi32>
        %add3A_433 = arith.addi %iota3A, %add3A_432 : vector<16xi32>
        %gather3A_434 = tpu.vector_load_idx %arg20[%add3A_433, %get3A_389] : memref<128x32xf32, #tpu.memory_space<vmem>>[vector<16xi32>, vector<16xi32>], vector<16xf32>,
        %mul3A_435 = arith.constant 5.65685415 : f32
        %mul3A_436 = vector.broadcast %mul3A_435 : f32 to vector<16xf32>
        %mul3A_437 = arith.mulf %gather3A_434, %mul3A_436 : vector<16xf32>
        tpu.vector_store_idx %arg24[%shift_right_arithmetic3A_392, %and3A_395, %add3A_433], %mul3A_437 : memref<4x8x128xf32, #tpu.memory_space<vmem>>[vector<16xi32>, vector<16xi32>, vector<16xi32>], vector<16xf32>,
        %add3A_438 = arith.constant 96 : i32
        %add3A_439 = vector.broadcast %add3A_438 : i32 to vector<16xi32>
        %add3A_440 = arith.addi %iota3A, %add3A_439 : vector<16xi32>
        %gather3A_441 = tpu.vector_load_idx %arg20[%add3A_440, %get3A_389] : memref<128x32xf32, #tpu.memory_space<vmem>>[vector<16xi32>, vector<16xi32>], vector<16xf32>,
        %mul3A_442 = arith.constant 5.65685415 : f32
        %mul3A_443 = vector.broadcast %mul3A_442 : f32 to vector<16xf32>
        %mul3A_444 = arith.mulf %gather3A_441, %mul3A_443 : vector<16xf32>
        tpu.vector_store_idx %arg24[%shift_right_arithmetic3A_392, %and3A_395, %add3A_440], %mul3A_444 : memref<4x8x128xf32, #tpu.memory_space<vmem>>[vector<16xi32>, vector<16xi32>, vector<16xi32>], vector<16xf32>,
        %add3A_445 = arith.constant 112 : i32
        %add3A_446 = vector.broadcast %add3A_445 : i32 to vector<16xi32>
        %add3A_447 = arith.addi %iota3A, %add3A_446 : vector<16xi32>
        %gather3A_448 = tpu.vector_load_idx %arg20[%add3A_447, %get3A_389] : memref<128x32xf32, #tpu.memory_space<vmem>>[vector<16xi32>, vector<16xi32>], vector<16xf32>,
        %mul3A_449 = arith.constant 5.65685415 : f32
        %mul3A_450 = vector.broadcast %mul3A_449 : f32 to vector<16xf32>
        %mul3A_451 = arith.mulf %gather3A_448, %mul3A_450 : vector<16xf32>
        tpu.vector_store_idx %arg24[%shift_right_arithmetic3A_392, %and3A_395, %add3A_447], %mul3A_451 : memref<4x8x128xf32, #tpu.memory_space<vmem>>[vector<16xi32>, vector<16xi32>, vector<16xi32>], vector<16xf32>,
        %scan3A_452 = arith.constant 2 : i32
        %scan3A_453 = arith.addi %scan3A_315, %scan3A_452 : i32
        %mul3A_454 = arith.constant 1 : i32
        %mul3A_455 = arith.muli %scan3A_453, %mul3A_454 : i32
        %add3A_456 = arith.constant 0 : i32
        %add3A_457 = arith.addi %add3A_456, %mul3A_455 : i32
        %get3A_458 = arith.index_cast %add3A_457 : i32 to index
        %get3A_459 = arith.constant 0 : index
        %get3A_460 = tpu.vector_load %arg8[%get3A_458, %get3A_459] {strides = array<i32>} : memref<32x16xi32, #tpu.memory_space<vmem>>, vector<16xi32>,
        %shift_right_arithmetic3A_461 = arith.constant 3 : i32
        %shift_right_arithmetic3A_462 = vector.broadcast %shift_right_arithmetic3A_461 : i32 to vector<16xi32>
        %shift_right_arithmetic3A_463 = arith.shrsi %get3A_460, %shift_right_arithmetic3A_462 : vector<16xi32>
        %and3A_464 = arith.constant 7 : i32
        %and3A_465 = vector.broadcast %and3A_464 : i32 to vector<16xi32>
        %and3A_466 = arith.andi %get3A_460, %and3A_465 : vector<16xi32>
        %add3A_467 = arith.constant 0 : i32
        %add3A_468 = vector.broadcast %add3A_467 : i32 to vector<16xi32>
        %add3A_469 = arith.addi %iota3A, %add3A_468 : vector<16xi32>
        %gather3A_470 = tpu.vector_load_idx %arg20[%add3A_469, %get3A_460] : memref<128x32xf32, #tpu.memory_space<vmem>>[vector<16xi32>, vector<16xi32>], vector<16xf32>,
        %mul3A_471 = arith.constant 5.65685415 : f32
        %mul3A_472 = vector.broadcast %mul3A_471 : f32 to vector<16xf32>
        %mul3A_473 = arith.mulf %gather3A_470, %mul3A_472 : vector<16xf32>
        tpu.vector_store_idx %arg24[%shift_right_arithmetic3A_463, %and3A_466, %add3A_469], %mul3A_473 : memref<4x8x128xf32, #tpu.memory_space<vmem>>[vector<16xi32>, vector<16xi32>, vector<16xi32>], vector<16xf32>,
        %add3A_474 = arith.constant 16 : i32
        %add3A_475 = vector.broadcast %add3A_474 : i32 to vector<16xi32>
        %add3A_476 = arith.addi %iota3A, %add3A_475 : vector<16xi32>
        %gather3A_477 = tpu.vector_load_idx %arg20[%add3A_476, %get3A_460] : memref<128x32xf32, #tpu.memory_space<vmem>>[vector<16xi32>, vector<16xi32>], vector<16xf32>,
        %mul3A_478 = arith.constant 5.65685415 : f32
        %mul3A_479 = vector.broadcast %mul3A_478 : f32 to vector<16xf32>
        %mul3A_480 = arith.mulf %gather3A_477, %mul3A_479 : vector<16xf32>
        tpu.vector_store_idx %arg24[%shift_right_arithmetic3A_463, %and3A_466, %add3A_476], %mul3A_480 : memref<4x8x128xf32, #tpu.memory_space<vmem>>[vector<16xi32>, vector<16xi32>, vector<16xi32>], vector<16xf32>,
        %add3A_481 = arith.constant 32 : i32
        %add3A_482 = vector.broadcast %add3A_481 : i32 to vector<16xi32>
        %add3A_483 = arith.addi %iota3A, %add3A_482 : vector<16xi32>
        %gather3A_484 = tpu.vector_load_idx %arg20[%add3A_483, %get3A_460] : memref<128x32xf32, #tpu.memory_space<vmem>>[vector<16xi32>, vector<16xi32>], vector<16xf32>,
        %mul3A_485 = arith.constant 5.65685415 : f32
        %mul3A_486 = vector.broadcast %mul3A_485 : f32 to vector<16xf32>
        %mul3A_487 = arith.mulf %gather3A_484, %mul3A_486 : vector<16xf32>
        tpu.vector_store_idx %arg24[%shift_right_arithmetic3A_463, %and3A_466, %add3A_483], %mul3A_487 : memref<4x8x128xf32, #tpu.memory_space<vmem>>[vector<16xi32>, vector<16xi32>, vector<16xi32>], vector<16xf32>,
        %add3A_488 = arith.constant 48 : i32
        %add3A_489 = vector.broadcast %add3A_488 : i32 to vector<16xi32>
        %add3A_490 = arith.addi %iota3A, %add3A_489 : vector<16xi32>
        %gather3A_491 = tpu.vector_load_idx %arg20[%add3A_490, %get3A_460] : memref<128x32xf32, #tpu.memory_space<vmem>>[vector<16xi32>, vector<16xi32>], vector<16xf32>,
        %mul3A_492 = arith.constant 5.65685415 : f32
        %mul3A_493 = vector.broadcast %mul3A_492 : f32 to vector<16xf32>
        %mul3A_494 = arith.mulf %gather3A_491, %mul3A_493 : vector<16xf32>
        tpu.vector_store_idx %arg24[%shift_right_arithmetic3A_463, %and3A_466, %add3A_490], %mul3A_494 : memref<4x8x128xf32, #tpu.memory_space<vmem>>[vector<16xi32>, vector<16xi32>, vector<16xi32>], vector<16xf32>,
        %add3A_495 = arith.constant 64 : i32
        %add3A_496 = vector.broadcast %add3A_495 : i32 to vector<16xi32>
        %add3A_497 = arith.addi %iota3A, %add3A_496 : vector<16xi32>
        %gather3A_498 = tpu.vector_load_idx %arg20[%add3A_497, %get3A_460] : memref<128x32xf32, #tpu.memory_space<vmem>>[vector<16xi32>, vector<16xi32>], vector<16xf32>,
        %mul3A_499 = arith.constant 5.65685415 : f32
        %mul3A_500 = vector.broadcast %mul3A_499 : f32 to vector<16xf32>
        %mul3A_501 = arith.mulf %gather3A_498, %mul3A_500 : vector<16xf32>
        tpu.vector_store_idx %arg24[%shift_right_arithmetic3A_463, %and3A_466, %add3A_497], %mul3A_501 : memref<4x8x128xf32, #tpu.memory_space<vmem>>[vector<16xi32>, vector<16xi32>, vector<16xi32>], vector<16xf32>,
        %add3A_502 = arith.constant 80 : i32
        %add3A_503 = vector.broadcast %add3A_502 : i32 to vector<16xi32>
        %add3A_504 = arith.addi %iota3A, %add3A_503 : vector<16xi32>
        %gather3A_505 = tpu.vector_load_idx %arg20[%add3A_504, %get3A_460] : memref<128x32xf32, #tpu.memory_space<vmem>>[vector<16xi32>, vector<16xi32>], vector<16xf32>,
        %mul3A_506 = arith.constant 5.65685415 : f32
        %mul3A_507 = vector.broadcast %mul3A_506 : f32 to vector<16xf32>
        %mul3A_508 = arith.mulf %gather3A_505, %mul3A_507 : vector<16xf32>
        tpu.vector_store_idx %arg24[%shift_right_arithmetic3A_463, %and3A_466, %add3A_504], %mul3A_508 : memref<4x8x128xf32, #tpu.memory_space<vmem>>[vector<16xi32>, vector<16xi32>, vector<16xi32>], vector<16xf32>,
        %add3A_509 = arith.constant 96 : i32
        %add3A_510 = vector.broadcast %add3A_509 : i32 to vector<16xi32>
        %add3A_511 = arith.addi %iota3A, %add3A_510 : vector<16xi32>
        %gather3A_512 = tpu.vector_load_idx %arg20[%add3A_511, %get3A_460] : memref<128x32xf32, #tpu.memory_space<vmem>>[vector<16xi32>, vector<16xi32>], vector<16xf32>,
        %mul3A_513 = arith.constant 5.65685415 : f32
        %mul3A_514 = vector.broadcast %mul3A_513 : f32 to vector<16xf32>
        %mul3A_515 = arith.mulf %gather3A_512, %mul3A_514 : vector<16xf32>
        tpu.vector_store_idx %arg24[%shift_right_arithmetic3A_463, %and3A_466, %add3A_511], %mul3A_515 : memref<4x8x128xf32, #tpu.memory_space<vmem>>[vector<16xi32>, vector<16xi32>, vector<16xi32>], vector<16xf32>,
        %add3A_516 = arith.constant 112 : i32
        %add3A_517 = vector.broadcast %add3A_516 : i32 to vector<16xi32>
        %add3A_518 = arith.addi %iota3A, %add3A_517 : vector<16xi32>
        %gather3A_519 = tpu.vector_load_idx %arg20[%add3A_518, %get3A_460] : memref<128x32xf32, #tpu.memory_space<vmem>>[vector<16xi32>, vector<16xi32>], vector<16xf32>,
        %mul3A_520 = arith.constant 5.65685415 : f32
        %mul3A_521 = vector.broadcast %mul3A_520 : f32 to vector<16xf32>
        %mul3A_522 = arith.mulf %gather3A_519, %mul3A_521 : vector<16xf32>
        tpu.vector_store_idx %arg24[%shift_right_arithmetic3A_463, %and3A_466, %add3A_518], %mul3A_522 : memref<4x8x128xf32, #tpu.memory_space<vmem>>[vector<16xi32>, vector<16xi32>, vector<16xi32>], vector<16xf32>,
        %scan3A_523 = arith.constant 3 : i32
        %scan3A_524 = arith.addi %scan3A_315, %scan3A_523 : i32
        %mul3A_525 = arith.constant 1 : i32
        %mul3A_526 = arith.muli %scan3A_524, %mul3A_525 : i32
        %add3A_527 = arith.constant 0 : i32
        %add3A_528 = arith.addi %add3A_527, %mul3A_526 : i32
        %get3A_529 = arith.index_cast %add3A_528 : i32 to index
        %get3A_530 = arith.constant 0 : index
        %get3A_531 = tpu.vector_load %arg8[%get3A_529, %get3A_530] {strides = array<i32>} : memref<32x16xi32, #tpu.memory_space<vmem>>, vector<16xi32>,
        %shift_right_arithmetic3A_532 = arith.constant 3 : i32
        %shift_right_arithmetic3A_533 = vector.broadcast %shift_right_arithmetic3A_532 : i32 to vector<16xi32>
        %shift_right_arithmetic3A_534 = arith.shrsi %get3A_531, %shift_right_arithmetic3A_533 : vector<16xi32>
        %and3A_535 = arith.constant 7 : i32
        %and3A_536 = vector.broadcast %and3A_535 : i32 to vector<16xi32>
        %and3A_537 = arith.andi %get3A_531, %and3A_536 : vector<16xi32>
        %add3A_538 = arith.constant 0 : i32
        %add3A_539 = vector.broadcast %add3A_538 : i32 to vector<16xi32>
        %add3A_540 = arith.addi %iota3A, %add3A_539 : vector<16xi32>
        %gather3A_541 = tpu.vector_load_idx %arg20[%add3A_540, %get3A_531] : memref<128x32xf32, #tpu.memory_space<vmem>>[vector<16xi32>, vector<16xi32>], vector<16xf32>,
        %mul3A_542 = arith.constant 5.65685415 : f32
        %mul3A_543 = vector.broadcast %mul3A_542 : f32 to vector<16xf32>
        %mul3A_544 = arith.mulf %gather3A_541, %mul3A_543 : vector<16xf32>
        tpu.vector_store_idx %arg24[%shift_right_arithmetic3A_534, %and3A_537, %add3A_540], %mul3A_544 : memref<4x8x128xf32, #tpu.memory_space<vmem>>[vector<16xi32>, vector<16xi32>, vector<16xi32>], vector<16xf32>,
        %add3A_545 = arith.constant 16 : i32
        %add3A_546 = vector.broadcast %add3A_545 : i32 to vector<16xi32>
        %add3A_547 = arith.addi %iota3A, %add3A_546 : vector<16xi32>
        %gather3A_548 = tpu.vector_load_idx %arg20[%add3A_547, %get3A_531] : memref<128x32xf32, #tpu.memory_space<vmem>>[vector<16xi32>, vector<16xi32>], vector<16xf32>,
        %mul3A_549 = arith.constant 5.65685415 : f32
        %mul3A_550 = vector.broadcast %mul3A_549 : f32 to vector<16xf32>
        %mul3A_551 = arith.mulf %gather3A_548, %mul3A_550 : vector<16xf32>
        tpu.vector_store_idx %arg24[%shift_right_arithmetic3A_534, %and3A_537, %add3A_547], %mul3A_551 : memref<4x8x128xf32, #tpu.memory_space<vmem>>[vector<16xi32>, vector<16xi32>, vector<16xi32>], vector<16xf32>,
        %add3A_552 = arith.constant 32 : i32
        %add3A_553 = vector.broadcast %add3A_552 : i32 to vector<16xi32>
        %add3A_554 = arith.addi %iota3A, %add3A_553 : vector<16xi32>
        %gather3A_555 = tpu.vector_load_idx %arg20[%add3A_554, %get3A_531] : memref<128x32xf32, #tpu.memory_space<vmem>>[vector<16xi32>, vector<16xi32>], vector<16xf32>,
        %mul3A_556 = arith.constant 5.65685415 : f32
        %mul3A_557 = vector.broadcast %mul3A_556 : f32 to vector<16xf32>
        %mul3A_558 = arith.mulf %gather3A_555, %mul3A_557 : vector<16xf32>
        tpu.vector_store_idx %arg24[%shift_right_arithmetic3A_534, %and3A_537, %add3A_554], %mul3A_558 : memref<4x8x128xf32, #tpu.memory_space<vmem>>[vector<16xi32>, vector<16xi32>, vector<16xi32>], vector<16xf32>,
        %add3A_559 = arith.constant 48 : i32
        %add3A_560 = vector.broadcast %add3A_559 : i32 to vector<16xi32>
        %add3A_561 = arith.addi %iota3A, %add3A_560 : vector<16xi32>
        %gather3A_562 = tpu.vector_load_idx %arg20[%add3A_561, %get3A_531] : memref<128x32xf32, #tpu.memory_space<vmem>>[vector<16xi32>, vector<16xi32>], vector<16xf32>,
        %mul3A_563 = arith.constant 5.65685415 : f32
        %mul3A_564 = vector.broadcast %mul3A_563 : f32 to vector<16xf32>
        %mul3A_565 = arith.mulf %gather3A_562, %mul3A_564 : vector<16xf32>
        tpu.vector_store_idx %arg24[%shift_right_arithmetic3A_534, %and3A_537, %add3A_561], %mul3A_565 : memref<4x8x128xf32, #tpu.memory_space<vmem>>[vector<16xi32>, vector<16xi32>, vector<16xi32>], vector<16xf32>,
        %add3A_566 = arith.constant 64 : i32
        %add3A_567 = vector.broadcast %add3A_566 : i32 to vector<16xi32>
        %add3A_568 = arith.addi %iota3A, %add3A_567 : vector<16xi32>
        %gather3A_569 = tpu.vector_load_idx %arg20[%add3A_568, %get3A_531] : memref<128x32xf32, #tpu.memory_space<vmem>>[vector<16xi32>, vector<16xi32>], vector<16xf32>,
        %mul3A_570 = arith.constant 5.65685415 : f32
        %mul3A_571 = vector.broadcast %mul3A_570 : f32 to vector<16xf32>
        %mul3A_572 = arith.mulf %gather3A_569, %mul3A_571 : vector<16xf32>
        tpu.vector_store_idx %arg24[%shift_right_arithmetic3A_534, %and3A_537, %add3A_568], %mul3A_572 : memref<4x8x128xf32, #tpu.memory_space<vmem>>[vector<16xi32>, vector<16xi32>, vector<16xi32>], vector<16xf32>,
        %add3A_573 = arith.constant 80 : i32
        %add3A_574 = vector.broadcast %add3A_573 : i32 to vector<16xi32>
        %add3A_575 = arith.addi %iota3A, %add3A_574 : vector<16xi32>
        %gather3A_576 = tpu.vector_load_idx %arg20[%add3A_575, %get3A_531] : memref<128x32xf32, #tpu.memory_space<vmem>>[vector<16xi32>, vector<16xi32>], vector<16xf32>,
        %mul3A_577 = arith.constant 5.65685415 : f32
        %mul3A_578 = vector.broadcast %mul3A_577 : f32 to vector<16xf32>
        %mul3A_579 = arith.mulf %gather3A_576, %mul3A_578 : vector<16xf32>
        tpu.vector_store_idx %arg24[%shift_right_arithmetic3A_534, %and3A_537, %add3A_575], %mul3A_579 : memref<4x8x128xf32, #tpu.memory_space<vmem>>[vector<16xi32>, vector<16xi32>, vector<16xi32>], vector<16xf32>,
        %add3A_580 = arith.constant 96 : i32
        %add3A_581 = vector.broadcast %add3A_580 : i32 to vector<16xi32>
        %add3A_582 = arith.addi %iota3A, %add3A_581 : vector<16xi32>
        %gather3A_583 = tpu.vector_load_idx %arg20[%add3A_582, %get3A_531] : memref<128x32xf32, #tpu.memory_space<vmem>>[vector<16xi32>, vector<16xi32>], vector<16xf32>,
        %mul3A_584 = arith.constant 5.65685415 : f32
        %mul3A_585 = vector.broadcast %mul3A_584 : f32 to vector<16xf32>
        %mul3A_586 = arith.mulf %gather3A_583, %mul3A_585 : vector<16xf32>
        tpu.vector_store_idx %arg24[%shift_right_arithmetic3A_534, %and3A_537, %add3A_582], %mul3A_586 : memref<4x8x128xf32, #tpu.memory_space<vmem>>[vector<16xi32>, vector<16xi32>, vector<16xi32>], vector<16xf32>,
        %add3A_587 = arith.constant 112 : i32
        %add3A_588 = vector.broadcast %add3A_587 : i32 to vector<16xi32>
        %add3A_589 = arith.addi %iota3A, %add3A_588 : vector<16xi32>
        %gather3A_590 = tpu.vector_load_idx %arg20[%add3A_589, %get3A_531] : memref<128x32xf32, #tpu.memory_space<vmem>>[vector<16xi32>, vector<16xi32>], vector<16xf32>,
        %mul3A_591 = arith.constant 5.65685415 : f32
        %mul3A_592 = vector.broadcast %mul3A_591 : f32 to vector<16xf32>
        %mul3A_593 = arith.mulf %gather3A_590, %mul3A_592 : vector<16xf32>
        tpu.vector_store_idx %arg24[%shift_right_arithmetic3A_534, %and3A_537, %add3A_589], %mul3A_593 : memref<4x8x128xf32, #tpu.memory_space<vmem>>[vector<16xi32>, vector<16xi32>, vector<16xi32>], vector<16xf32>,
      }
      %scan3A_258 = arith.constant 32 : i32
      %lt3A_259 = arith.constant 49 : i32
      %lt3A_260 = arith.cmpi slt, %add3A_151, %lt3A_259 : i32
      %convert_element_type3A_261 = arith.extui %lt3A_260 : i1 to i32
      %cond3A_262 = arith.constant 0 : i32
      %cond3A_263 = arith.cmpi ne, %convert_element_type3A_261, %cond3A_262 : i32
      scf.if %cond3A_263 {
        %add3A_315 = arith.constant 4 : i32
        %add3A_316 = arith.addi %add3A_236, %add3A_315 : i32
        %jit3A = arith.constant 8 : i32
        %div3A = arith.divsi %add3A_316, %jit3A : i32
        %sign3A = arith.constant 0 : i32
        %sign3A_317 = arith.cmpi sgt, %add3A_316, %sign3A : i32
        %sign3A_318 = arith.extui %sign3A_317 : i1 to i32
        %sign3A_319 = arith.constant 0 : i32
        %sign3A_320 = arith.cmpi slt, %add3A_316, %sign3A_319 : i32
        %sign3A_321 = arith.extui %sign3A_320 : i1 to i32
        %sign3A_322 = arith.subi %sign3A_318, %sign3A_321 : i32
        %sign3A_323 = arith.constant 0 : i32
        %sign3A_324 = arith.cmpi sgt, %jit3A, %sign3A_323 : i32
        %sign3A_325 = arith.extui %sign3A_324 : i1 to i32
        %sign3A_326 = arith.constant 0 : i32
        %sign3A_327 = arith.cmpi slt, %jit3A, %sign3A_326 : i32
        %sign3A_328 = arith.extui %sign3A_327 : i1 to i32
        %sign3A_329 = arith.subi %sign3A_325, %sign3A_328 : i32
        %ne3A = arith.cmpi ne, %sign3A_322, %sign3A_329 : i32
        %rem3A = arith.remsi %add3A_316, %jit3A : i32
        %ne3A_330 = arith.constant 0 : i32
        %ne3A_331 = arith.cmpi ne, %rem3A, %ne3A_330 : i32
        %and3A = arith.andi %ne3A, %ne3A_331 : i1
        %sub3A = arith.constant 1 : i32
        %sub3A_332 = arith.subi %div3A, %sub3A : i32
        %select_n3A = arith.select %and3A, %sub3A_332, %div3A : i32
        %jit3A_333 = arith.constant 8 : i32
        %eq3A_334 = arith.constant 0 : i32
        %eq3A_335 = arith.cmpi eq, %jit3A_333, %eq3A_334 : i32
        %jit3A_336 = arith.constant 1 : i32
        %select_n3A_337 = arith.select %eq3A_335, %jit3A_336, %jit3A_333 : i32
        %rem3A_338 = arith.remsi %add3A_316, %select_n3A_337 : i32
        %ne3A_339 = arith.constant 0 : i32
        %ne3A_340 = arith.cmpi ne, %rem3A_338, %ne3A_339 : i32
        %lt3A_341 = arith.constant 0 : i32
        %lt3A_342 = arith.cmpi slt, %rem3A_338, %lt3A_341 : i32
        %lt3A_343 = arith.constant 0 : i32
        %lt3A_344 = arith.cmpi slt, %select_n3A_337, %lt3A_343 : i32
        %ne3A_345 = arith.xori %lt3A_342, %lt3A_344 : i1
        %and3A_346 = arith.andi %ne3A_345, %ne3A_340 : i1
        %add3A_347 = arith.addi %rem3A_338, %select_n3A_337 : i32
        %select_n3A_348 = arith.select %and3A_346, %add3A_347, %rem3A_338 : i32
        %dma_wait3A_349 = arith.constant 0 : i32
        %dma_wait3A_350 = arith.constant 0 : i32
        %dma_wait3A_351 = tpu.memref_slice %arg16[%dma_wait3A_349, %dma_wait3A_350] : memref<1x128xi32, #tpu.memory_space<vmem>> -> memref<1x128xi32, #tpu.memory_space<vmem>>
        %dma_wait3A_352 = tpu.memref_squeeze %dma_wait3A_351 : memref<1x128xi32, #tpu.memory_space<vmem>> -> memref<128xi32, #tpu.memory_space<vmem>>
        %dma_wait3A_353 = arith.constant 0 : i32
        %dma_wait3A_354 = tpu.memref_slice %arg2[%select_n3A, %add3A, %select_n3A_348, %dma_wait3A_353] : memref<25x32x8x128xi32, #tpu.memory_space<hbm>> -> memref<1x1x1x128xi32, #tpu.memory_space<hbm>>
        %dma_wait3A_355 = tpu.memref_squeeze %dma_wait3A_354 : memref<1x1x1x128xi32, #tpu.memory_space<hbm>> -> memref<128xi32, #tpu.memory_space<hbm>>
        %dma_wait3A_356 = arith.constant 0 : i32
        %dma_wait3A_357 = tpu.memref_slice %arg16[%dma_wait3A_349, %dma_wait3A_356] : memref<1x128xi32, #tpu.memory_space<vmem>> -> memref<1x128xi32, #tpu.memory_space<vmem>>
        %dma_wait3A_358 = tpu.memref_squeeze %dma_wait3A_357 : memref<1x128xi32, #tpu.memory_space<vmem>> -> memref<128xi32, #tpu.memory_space<vmem>>
        %dma_wait3A_359 = arith.constant 0 : i32
        %dma_wait3A_360 = tpu.memref_slice %arg2[%select_n3A, %add3A, %select_n3A_348, %dma_wait3A_359] : memref<25x32x8x128xi32, #tpu.memory_space<hbm>> -> memref<1x1x1x128xi32, #tpu.memory_space<hbm>>
        %dma_wait3A_361 = tpu.memref_squeeze %dma_wait3A_360 : memref<1x1x1x128xi32, #tpu.memory_space<hbm>> -> memref<128xi32, #tpu.memory_space<hbm>>
        tpu.wait_dma2 semaphore(%arg32 : memref<!tpu.dma_semaphore, #tpu.memory_space<semaphore_mem>>) src(%dma_wait3A_361 : memref<128xi32, #tpu.memory_space<hbm>>) dst(%dma_wait3A_358 : memref<128xi32, #tpu.memory_space<vmem>>)
        %dma_start3A_362 = arith.constant 0 : i32
        %dma_start3A_363 = arith.constant 0 : i32
        %dma_start3A_364 = tpu.memref_slice %arg16[%dma_start3A_362, %dma_start3A_363] : memref<1x128xi32, #tpu.memory_space<vmem>> -> memref<1x128xi32, #tpu.memory_space<vmem>>
        %dma_start3A_365 = tpu.memref_squeeze %dma_start3A_364 : memref<1x128xi32, #tpu.memory_space<vmem>> -> memref<128xi32, #tpu.memory_space<vmem>>
        %dma_start3A_366 = arith.constant 0 : i32
        %dma_start3A_367 = arith.constant 0 : i32
        %dma_start3A_368 = tpu.memref_slice %arg6[%dma_start3A_366, %dma_start3A_367] : memref<1000000x32xf32, #tpu.memory_space<hbm>> -> memref<1000000x32xf32, #tpu.memory_space<hbm>>
        tpu.enqueue_indirect_dma source(%dma_start3A_368 : memref<1000000x32xf32, #tpu.memory_space<hbm>>) target(%arg20 : memref<128x32xf32, #tpu.memory_space<vmem>>) offsets(%dma_start3A_365 : memref<128xi32, #tpu.memory_space<vmem>>) semaphore(%arg36 : memref<!tpu.dma_semaphore, #tpu.memory_space<semaphore_mem>>)
      } else {
      }
      %dma_start3A_264 = arith.constant 0 : i32
      %dma_start3A_265 = arith.constant 0 : i32
      %dma_start3A_266 = arith.constant 0 : i32
      %dma_start3A_267 = tpu.memref_slice %arg5[%add3A_236, %dma_start3A_264, %add3A, %dma_start3A_265, %dma_start3A_266] : memref<200x4x32x8x128xf32, #tpu.memory_space<hbm>> -> memref<1x4x1x8x128xf32, #tpu.memory_space<hbm>>
      %dma_start3A_268 = tpu.memref_squeeze %dma_start3A_267 : memref<1x4x1x8x128xf32, #tpu.memory_space<hbm>> -> memref<4x8x128xf32, #tpu.memory_space<hbm>>
      %dma_start3A_269 = arith.constant 0 : i32
      %dma_start3A_270 = arith.constant 0 : i32
      %dma_start3A_271 = arith.constant 0 : i32
      %dma_start3A_272 = tpu.memref_slice %arg5[%add3A_236, %dma_start3A_269, %add3A, %dma_start3A_270, %dma_start3A_271] : memref<200x4x32x8x128xf32, #tpu.memory_space<hbm>> -> memref<1x4x1x8x128xf32, #tpu.memory_space<hbm>>
      %dma_start3A_273 = tpu.memref_squeeze %dma_start3A_272 : memref<1x4x1x8x128xf32, #tpu.memory_space<hbm>> -> memref<4x8x128xf32, #tpu.memory_space<hbm>>
      tpu.enqueue_dma source(%arg24 : memref<4x8x128xf32, #tpu.memory_space<vmem>>) target(%dma_start3A_273 : memref<4x8x128xf32, #tpu.memory_space<hbm>>) target_semaphore(%arg40 : memref<!tpu.dma_semaphore, #tpu.memory_space<semaphore_mem>>)
      %mul3A_274 = arith.constant 4 : i32
      %mul3A_275 = arith.muli %add3A_151, %mul3A_274 : i32
      %add3A_276 = arith.constant 3 : i32
      %add3A_277 = arith.addi %mul3A_275, %add3A_276 : i32
      %dma_wait3A_278 = arith.constant 0 : i32
      %dma_wait3A_279 = arith.constant 0 : i32
      %dma_wait3A_280 = tpu.memref_slice %arg17[%dma_wait3A_278, %dma_wait3A_279] : memref<1x128xi32, #tpu.memory_space<vmem>> -> memref<1x128xi32, #tpu.memory_space<vmem>>
      %dma_wait3A_281 = tpu.memref_squeeze %dma_wait3A_280 : memref<1x128xi32, #tpu.memory_space<vmem>> -> memref<128xi32, #tpu.memory_space<vmem>>
      %dma_wait3A_282 = arith.constant 0 : i32
      %dma_wait3A_283 = arith.constant 0 : i32
      %dma_wait3A_284 = tpu.memref_slice %arg6[%dma_wait3A_282, %dma_wait3A_283] : memref<1000000x32xf32, #tpu.memory_space<hbm>> -> memref<1000000x32xf32, #tpu.memory_space<hbm>>
      tpu.wait_indirect_dma semaphore(%arg37 : memref<!tpu.dma_semaphore, #tpu.memory_space<semaphore_mem>>) src(%dma_wait3A_284 : memref<1000000x32xf32, #tpu.memory_space<hbm>>) dst(%arg21 : memref<128x32xf32, #tpu.memory_space<vmem>>)
      %ge3A_285 = arith.constant 1 : i32
      %ge3A_286 = arith.cmpi sge, %add3A_151, %ge3A_285 : i32
      %convert_element_type3A_287 = arith.extui %ge3A_286 : i1 to i32
      %cond3A_288 = arith.constant 0 : i32
      %cond3A_289 = arith.cmpi ne, %convert_element_type3A_287, %cond3A_288 : i32
      scf.if %cond3A_289 {
        %sub3A = arith.constant 4 : i32
        %sub3A_315 = arith.subi %add3A_277, %sub3A : i32
        %dma_wait3A_316 = arith.constant 0 : i32
        %dma_wait3A_317 = arith.constant 0 : i32
        %dma_wait3A_318 = arith.constant 0 : i32
        %dma_wait3A_319 = tpu.memref_slice %arg5[%sub3A_315, %dma_wait3A_316, %add3A, %dma_wait3A_317, %dma_wait3A_318] : memref<200x4x32x8x128xf32, #tpu.memory_space<hbm>> -> memref<1x4x1x8x128xf32, #tpu.memory_space<hbm>>
        %dma_wait3A_320 = tpu.memref_squeeze %dma_wait3A_319 : memref<1x4x1x8x128xf32, #tpu.memory_space<hbm>> -> memref<4x8x128xf32, #tpu.memory_space<hbm>>
        %dma_wait3A_321 = arith.constant 0 : i32
        %dma_wait3A_322 = arith.constant 0 : i32
        %dma_wait3A_323 = arith.constant 0 : i32
        %dma_wait3A_324 = tpu.memref_slice %arg5[%sub3A_315, %dma_wait3A_321, %add3A, %dma_wait3A_322, %dma_wait3A_323] : memref<200x4x32x8x128xf32, #tpu.memory_space<hbm>> -> memref<1x4x1x8x128xf32, #tpu.memory_space<hbm>>
        %dma_wait3A_325 = tpu.memref_squeeze %dma_wait3A_324 : memref<1x4x1x8x128xf32, #tpu.memory_space<hbm>> -> memref<4x8x128xf32, #tpu.memory_space<hbm>>
        tpu.wait_dma2 semaphore(%arg41 : memref<!tpu.dma_semaphore, #tpu.memory_space<semaphore_mem>>) src(%arg25 : memref<4x8x128xf32, #tpu.memory_space<vmem>>) dst(%dma_wait3A_325 : memref<4x8x128xf32, #tpu.memory_space<hbm>>)
      } else {
      }
      %lt3A_290 = arith.constant 49 : i32
      %lt3A_291 = arith.cmpi slt, %add3A_151, %lt3A_290 : i32
      %convert_element_type3A_292 = arith.extui %lt3A_291 : i1 to i32
      %cond3A_293 = arith.constant 0 : i32
      %cond3A_294 = arith.cmpi ne, %convert_element_type3A_292, %cond3A_293 : i32
      scf.if %cond3A_294 {
        %add3A_315 = arith.constant 4 : i32
        %add3A_316 = arith.addi %add3A_277, %add3A_315 : i32
        %jit3A = arith.constant 8 : i32
        %div3A = arith.divsi %add3A_316, %jit3A : i32
        %sign3A = arith.constant 0 : i32
        %sign3A_317 = arith.cmpi sgt, %add3A_316, %sign3A : i32
        %sign3A_318 = arith.extui %sign3A_317 : i1 to i32
        %sign3A_319 = arith.constant 0 : i32
        %sign3A_320 = arith.cmpi slt, %add3A_316, %sign3A_319 : i32
        %sign3A_321 = arith.extui %sign3A_320 : i1 to i32
        %sign3A_322 = arith.subi %sign3A_318, %sign3A_321 : i32
        %sign3A_323 = arith.constant 0 : i32
        %sign3A_324 = arith.cmpi sgt, %jit3A, %sign3A_323 : i32
        %sign3A_325 = arith.extui %sign3A_324 : i1 to i32
        %sign3A_326 = arith.constant 0 : i32
        %sign3A_327 = arith.cmpi slt, %jit3A, %sign3A_326 : i32
        %sign3A_328 = arith.extui %sign3A_327 : i1 to i32
        %sign3A_329 = arith.subi %sign3A_325, %sign3A_328 : i32
        %ne3A = arith.cmpi ne, %sign3A_322, %sign3A_329 : i32
        %rem3A = arith.remsi %add3A_316, %jit3A : i32
        %ne3A_330 = arith.constant 0 : i32
        %ne3A_331 = arith.cmpi ne, %rem3A, %ne3A_330 : i32
        %and3A = arith.andi %ne3A, %ne3A_331 : i1
        %sub3A = arith.constant 1 : i32
        %sub3A_332 = arith.subi %div3A, %sub3A : i32
        %select_n3A = arith.select %and3A, %sub3A_332, %div3A : i32
        %jit3A_333 = arith.constant 8 : i32
        %eq3A_334 = arith.constant 0 : i32
        %eq3A_335 = arith.cmpi eq, %jit3A_333, %eq3A_334 : i32
        %jit3A_336 = arith.constant 1 : i32
        %select_n3A_337 = arith.select %eq3A_335, %jit3A_336, %jit3A_333 : i32
        %rem3A_338 = arith.remsi %add3A_316, %select_n3A_337 : i32
        %ne3A_339 = arith.constant 0 : i32
        %ne3A_340 = arith.cmpi ne, %rem3A_338, %ne3A_339 : i32
        %lt3A_341 = arith.constant 0 : i32
        %lt3A_342 = arith.cmpi slt, %rem3A_338, %lt3A_341 : i32
        %lt3A_343 = arith.constant 0 : i32
        %lt3A_344 = arith.cmpi slt, %select_n3A_337, %lt3A_343 : i32
        %ne3A_345 = arith.xori %lt3A_342, %lt3A_344 : i1
        %and3A_346 = arith.andi %ne3A_345, %ne3A_340 : i1
        %add3A_347 = arith.addi %rem3A_338, %select_n3A_337 : i32
        %select_n3A_348 = arith.select %and3A_346, %add3A_347, %rem3A_338 : i32
        %dma_start3A_349 = arith.constant 0 : i32
        %dma_start3A_350 = arith.constant 0 : i32
        %dma_start3A_351 = tpu.memref_slice %arg17[%dma_start3A_349, %dma_start3A_350] : memref<1x128xi32, #tpu.memory_space<vmem>> -> memref<1x128xi32, #tpu.memory_space<vmem>>
        %dma_start3A_352 = tpu.memref_squeeze %dma_start3A_351 : memref<1x128xi32, #tpu.memory_space<vmem>> -> memref<128xi32, #tpu.memory_space<vmem>>
        %dma_start3A_353 = arith.constant 0 : i32
        %dma_start3A_354 = tpu.memref_slice %arg2[%select_n3A, %add3A, %select_n3A_348, %dma_start3A_353] : memref<25x32x8x128xi32, #tpu.memory_space<hbm>> -> memref<1x1x1x128xi32, #tpu.memory_space<hbm>>
        %dma_start3A_355 = tpu.memref_squeeze %dma_start3A_354 : memref<1x1x1x128xi32, #tpu.memory_space<hbm>> -> memref<128xi32, #tpu.memory_space<hbm>>
        %dma_start3A_356 = arith.constant 0 : i32
        %dma_start3A_357 = tpu.memref_slice %arg17[%dma_start3A_349, %dma_start3A_356] : memref<1x128xi32, #tpu.memory_space<vmem>> -> memref<1x128xi32, #tpu.memory_space<vmem>>
        %dma_start3A_358 = tpu.memref_squeeze %dma_start3A_357 : memref<1x128xi32, #tpu.memory_space<vmem>> -> memref<128xi32, #tpu.memory_space<vmem>>
        %dma_start3A_359 = arith.constant 0 : i32
        %dma_start3A_360 = tpu.memref_slice %arg2[%select_n3A, %add3A, %select_n3A_348, %dma_start3A_359] : memref<25x32x8x128xi32, #tpu.memory_space<hbm>> -> memref<1x1x1x128xi32, #tpu.memory_space<hbm>>
        %dma_start3A_361 = tpu.memref_squeeze %dma_start3A_360 : memref<1x1x1x128xi32, #tpu.memory_space<hbm>> -> memref<128xi32, #tpu.memory_space<hbm>>
        tpu.enqueue_dma source(%dma_start3A_361 : memref<128xi32, #tpu.memory_space<hbm>>) target(%dma_start3A_358 : memref<128xi32, #tpu.memory_space<vmem>>) target_semaphore(%arg33 : memref<!tpu.dma_semaphore, #tpu.memory_space<semaphore_mem>>)
      } else {
      }
      %scan3A_295 = arith.constant 0 : i32
      %scan3A_296 = arith.constant 32 : i32
      %scan3A_297 = arith.addi %scan3A_295, %scan3A_296 : i32
      %scan3A_298 = arith.constant 4 : i32
      scf.for %scan3A_315 = %scan3A_295 to %scan3A_297 step %scan3A_298  : i32 {
        %mul3A_316 = arith.constant 1 : i32
        %mul3A_317 = arith.muli %scan3A_315, %mul3A_316 : i32
        %add3A_318 = arith.constant 0 : i32
        %add3A_319 = arith.addi %add3A_318, %mul3A_317 : i32
        %get3A = arith.index_cast %add3A_319 : i32 to index
        %get3A_320 = arith.constant 0 : index
        %get3A_321 = tpu.vector_load %arg8[%get3A, %get3A_320] {strides = array<i32>} : memref<32x16xi32, #tpu.memory_space<vmem>>, vector<16xi32>,
        %shift_right_arithmetic3A = arith.constant 3 : i32
        %shift_right_arithmetic3A_322 = vector.broadcast %shift_right_arithmetic3A : i32 to vector<16xi32>
        %shift_right_arithmetic3A_323 = arith.shrsi %get3A_321, %shift_right_arithmetic3A_322 : vector<16xi32>
        %and3A = arith.constant 7 : i32
        %and3A_324 = vector.broadcast %and3A : i32 to vector<16xi32>
        %and3A_325 = arith.andi %get3A_321, %and3A_324 : vector<16xi32>
        %add3A_326 = arith.constant 0 : i32
        %add3A_327 = vector.broadcast %add3A_326 : i32 to vector<16xi32>
        %add3A_328 = arith.addi %iota3A, %add3A_327 : vector<16xi32>
        %gather3A = tpu.vector_load_idx %arg21[%add3A_328, %get3A_321] : memref<128x32xf32, #tpu.memory_space<vmem>>[vector<16xi32>, vector<16xi32>], vector<16xf32>,
        %mul3A_329 = arith.constant 5.65685415 : f32
        %mul3A_330 = vector.broadcast %mul3A_329 : f32 to vector<16xf32>
        %mul3A_331 = arith.mulf %gather3A, %mul3A_330 : vector<16xf32>
        tpu.vector_store_idx %arg25[%shift_right_arithmetic3A_323, %and3A_325, %add3A_328], %mul3A_331 : memref<4x8x128xf32, #tpu.memory_space<vmem>>[vector<16xi32>, vector<16xi32>, vector<16xi32>], vector<16xf32>,
        %add3A_332 = arith.constant 16 : i32
        %add3A_333 = vector.broadcast %add3A_332 : i32 to vector<16xi32>
        %add3A_334 = arith.addi %iota3A, %add3A_333 : vector<16xi32>
        %gather3A_335 = tpu.vector_load_idx %arg21[%add3A_334, %get3A_321] : memref<128x32xf32, #tpu.memory_space<vmem>>[vector<16xi32>, vector<16xi32>], vector<16xf32>,
        %mul3A_336 = arith.constant 5.65685415 : f32
        %mul3A_337 = vector.broadcast %mul3A_336 : f32 to vector<16xf32>
        %mul3A_338 = arith.mulf %gather3A_335, %mul3A_337 : vector<16xf32>
        tpu.vector_store_idx %arg25[%shift_right_arithmetic3A_323, %and3A_325, %add3A_334], %mul3A_338 : memref<4x8x128xf32, #tpu.memory_space<vmem>>[vector<16xi32>, vector<16xi32>, vector<16xi32>], vector<16xf32>,
        %add3A_339 = arith.constant 32 : i32
        %add3A_340 = vector.broadcast %add3A_339 : i32 to vector<16xi32>
        %add3A_341 = arith.addi %iota3A, %add3A_340 : vector<16xi32>
        %gather3A_342 = tpu.vector_load_idx %arg21[%add3A_341, %get3A_321] : memref<128x32xf32, #tpu.memory_space<vmem>>[vector<16xi32>, vector<16xi32>], vector<16xf32>,
        %mul3A_343 = arith.constant 5.65685415 : f32
        %mul3A_344 = vector.broadcast %mul3A_343 : f32 to vector<16xf32>
        %mul3A_345 = arith.mulf %gather3A_342, %mul3A_344 : vector<16xf32>
        tpu.vector_store_idx %arg25[%shift_right_arithmetic3A_323, %and3A_325, %add3A_341], %mul3A_345 : memref<4x8x128xf32, #tpu.memory_space<vmem>>[vector<16xi32>, vector<16xi32>, vector<16xi32>], vector<16xf32>,
        %add3A_346 = arith.constant 48 : i32
        %add3A_347 = vector.broadcast %add3A_346 : i32 to vector<16xi32>
        %add3A_348 = arith.addi %iota3A, %add3A_347 : vector<16xi32>
        %gather3A_349 = tpu.vector_load_idx %arg21[%add3A_348, %get3A_321] : memref<128x32xf32, #tpu.memory_space<vmem>>[vector<16xi32>, vector<16xi32>], vector<16xf32>,
        %mul3A_350 = arith.constant 5.65685415 : f32
        %mul3A_351 = vector.broadcast %mul3A_350 : f32 to vector<16xf32>
        %mul3A_352 = arith.mulf %gather3A_349, %mul3A_351 : vector<16xf32>
        tpu.vector_store_idx %arg25[%shift_right_arithmetic3A_323, %and3A_325, %add3A_348], %mul3A_352 : memref<4x8x128xf32, #tpu.memory_space<vmem>>[vector<16xi32>, vector<16xi32>, vector<16xi32>], vector<16xf32>,
        %add3A_353 = arith.constant 64 : i32
        %add3A_354 = vector.broadcast %add3A_353 : i32 to vector<16xi32>
        %add3A_355 = arith.addi %iota3A, %add3A_354 : vector<16xi32>
        %gather3A_356 = tpu.vector_load_idx %arg21[%add3A_355, %get3A_321] : memref<128x32xf32, #tpu.memory_space<vmem>>[vector<16xi32>, vector<16xi32>], vector<16xf32>,
        %mul3A_357 = arith.constant 5.65685415 : f32
        %mul3A_358 = vector.broadcast %mul3A_357 : f32 to vector<16xf32>
        %mul3A_359 = arith.mulf %gather3A_356, %mul3A_358 : vector<16xf32>
        tpu.vector_store_idx %arg25[%shift_right_arithmetic3A_323, %and3A_325, %add3A_355], %mul3A_359 : memref<4x8x128xf32, #tpu.memory_space<vmem>>[vector<16xi32>, vector<16xi32>, vector<16xi32>], vector<16xf32>,
        %add3A_360 = arith.constant 80 : i32
        %add3A_361 = vector.broadcast %add3A_360 : i32 to vector<16xi32>
        %add3A_362 = arith.addi %iota3A, %add3A_361 : vector<16xi32>
        %gather3A_363 = tpu.vector_load_idx %arg21[%add3A_362, %get3A_321] : memref<128x32xf32, #tpu.memory_space<vmem>>[vector<16xi32>, vector<16xi32>], vector<16xf32>,
        %mul3A_364 = arith.constant 5.65685415 : f32
        %mul3A_365 = vector.broadcast %mul3A_364 : f32 to vector<16xf32>
        %mul3A_366 = arith.mulf %gather3A_363, %mul3A_365 : vector<16xf32>
        tpu.vector_store_idx %arg25[%shift_right_arithmetic3A_323, %and3A_325, %add3A_362], %mul3A_366 : memref<4x8x128xf32, #tpu.memory_space<vmem>>[vector<16xi32>, vector<16xi32>, vector<16xi32>], vector<16xf32>,
        %add3A_367 = arith.constant 96 : i32
        %add3A_368 = vector.broadcast %add3A_367 : i32 to vector<16xi32>
        %add3A_369 = arith.addi %iota3A, %add3A_368 : vector<16xi32>
        %gather3A_370 = tpu.vector_load_idx %arg21[%add3A_369, %get3A_321] : memref<128x32xf32, #tpu.memory_space<vmem>>[vector<16xi32>, vector<16xi32>], vector<16xf32>,
        %mul3A_371 = arith.constant 5.65685415 : f32
        %mul3A_372 = vector.broadcast %mul3A_371 : f32 to vector<16xf32>
        %mul3A_373 = arith.mulf %gather3A_370, %mul3A_372 : vector<16xf32>
        tpu.vector_store_idx %arg25[%shift_right_arithmetic3A_323, %and3A_325, %add3A_369], %mul3A_373 : memref<4x8x128xf32, #tpu.memory_space<vmem>>[vector<16xi32>, vector<16xi32>, vector<16xi32>], vector<16xf32>,
        %add3A_374 = arith.constant 112 : i32
        %add3A_375 = vector.broadcast %add3A_374 : i32 to vector<16xi32>
        %add3A_376 = arith.addi %iota3A, %add3A_375 : vector<16xi32>
        %gather3A_377 = tpu.vector_load_idx %arg21[%add3A_376, %get3A_321] : memref<128x32xf32, #tpu.memory_space<vmem>>[vector<16xi32>, vector<16xi32>], vector<16xf32>,
        %mul3A_378 = arith.constant 5.65685415 : f32
        %mul3A_379 = vector.broadcast %mul3A_378 : f32 to vector<16xf32>
        %mul3A_380 = arith.mulf %gather3A_377, %mul3A_379 : vector<16xf32>
        tpu.vector_store_idx %arg25[%shift_right_arithmetic3A_323, %and3A_325, %add3A_376], %mul3A_380 : memref<4x8x128xf32, #tpu.memory_space<vmem>>[vector<16xi32>, vector<16xi32>, vector<16xi32>], vector<16xf32>,
        %scan3A_381 = arith.constant 1 : i32
        %scan3A_382 = arith.addi %scan3A_315, %scan3A_381 : i32
        %mul3A_383 = arith.constant 1 : i32
        %mul3A_384 = arith.muli %scan3A_382, %mul3A_383 : i32
        %add3A_385 = arith.constant 0 : i32
        %add3A_386 = arith.addi %add3A_385, %mul3A_384 : i32
        %get3A_387 = arith.index_cast %add3A_386 : i32 to index
        %get3A_388 = arith.constant 0 : index
        %get3A_389 = tpu.vector_load %arg8[%get3A_387, %get3A_388] {strides = array<i32>} : memref<32x16xi32, #tpu.memory_space<vmem>>, vector<16xi32>,
        %shift_right_arithmetic3A_390 = arith.constant 3 : i32
        %shift_right_arithmetic3A_391 = vector.broadcast %shift_right_arithmetic3A_390 : i32 to vector<16xi32>
        %shift_right_arithmetic3A_392 = arith.shrsi %get3A_389, %shift_right_arithmetic3A_391 : vector<16xi32>
        %and3A_393 = arith.constant 7 : i32
        %and3A_394 = vector.broadcast %and3A_393 : i32 to vector<16xi32>
        %and3A_395 = arith.andi %get3A_389, %and3A_394 : vector<16xi32>
        %add3A_396 = arith.constant 0 : i32
        %add3A_397 = vector.broadcast %add3A_396 : i32 to vector<16xi32>
        %add3A_398 = arith.addi %iota3A, %add3A_397 : vector<16xi32>
        %gather3A_399 = tpu.vector_load_idx %arg21[%add3A_398, %get3A_389] : memref<128x32xf32, #tpu.memory_space<vmem>>[vector<16xi32>, vector<16xi32>], vector<16xf32>,
        %mul3A_400 = arith.constant 5.65685415 : f32
        %mul3A_401 = vector.broadcast %mul3A_400 : f32 to vector<16xf32>
        %mul3A_402 = arith.mulf %gather3A_399, %mul3A_401 : vector<16xf32>
        tpu.vector_store_idx %arg25[%shift_right_arithmetic3A_392, %and3A_395, %add3A_398], %mul3A_402 : memref<4x8x128xf32, #tpu.memory_space<vmem>>[vector<16xi32>, vector<16xi32>, vector<16xi32>], vector<16xf32>,
        %add3A_403 = arith.constant 16 : i32
        %add3A_404 = vector.broadcast %add3A_403 : i32 to vector<16xi32>
        %add3A_405 = arith.addi %iota3A, %add3A_404 : vector<16xi32>
        %gather3A_406 = tpu.vector_load_idx %arg21[%add3A_405, %get3A_389] : memref<128x32xf32, #tpu.memory_space<vmem>>[vector<16xi32>, vector<16xi32>], vector<16xf32>,
        %mul3A_407 = arith.constant 5.65685415 : f32
        %mul3A_408 = vector.broadcast %mul3A_407 : f32 to vector<16xf32>
        %mul3A_409 = arith.mulf %gather3A_406, %mul3A_408 : vector<16xf32>
        tpu.vector_store_idx %arg25[%shift_right_arithmetic3A_392, %and3A_395, %add3A_405], %mul3A_409 : memref<4x8x128xf32, #tpu.memory_space<vmem>>[vector<16xi32>, vector<16xi32>, vector<16xi32>], vector<16xf32>,
        %add3A_410 = arith.constant 32 : i32
        %add3A_411 = vector.broadcast %add3A_410 : i32 to vector<16xi32>
        %add3A_412 = arith.addi %iota3A, %add3A_411 : vector<16xi32>
        %gather3A_413 = tpu.vector_load_idx %arg21[%add3A_412, %get3A_389] : memref<128x32xf32, #tpu.memory_space<vmem>>[vector<16xi32>, vector<16xi32>], vector<16xf32>,
        %mul3A_414 = arith.constant 5.65685415 : f32
        %mul3A_415 = vector.broadcast %mul3A_414 : f32 to vector<16xf32>
        %mul3A_416 = arith.mulf %gather3A_413, %mul3A_415 : vector<16xf32>
        tpu.vector_store_idx %arg25[%shift_right_arithmetic3A_392, %and3A_395, %add3A_412], %mul3A_416 : memref<4x8x128xf32, #tpu.memory_space<vmem>>[vector<16xi32>, vector<16xi32>, vector<16xi32>], vector<16xf32>,
        %add3A_417 = arith.constant 48 : i32
        %add3A_418 = vector.broadcast %add3A_417 : i32 to vector<16xi32>
        %add3A_419 = arith.addi %iota3A, %add3A_418 : vector<16xi32>
        %gather3A_420 = tpu.vector_load_idx %arg21[%add3A_419, %get3A_389] : memref<128x32xf32, #tpu.memory_space<vmem>>[vector<16xi32>, vector<16xi32>], vector<16xf32>,
        %mul3A_421 = arith.constant 5.65685415 : f32
        %mul3A_422 = vector.broadcast %mul3A_421 : f32 to vector<16xf32>
        %mul3A_423 = arith.mulf %gather3A_420, %mul3A_422 : vector<16xf32>
        tpu.vector_store_idx %arg25[%shift_right_arithmetic3A_392, %and3A_395, %add3A_419], %mul3A_423 : memref<4x8x128xf32, #tpu.memory_space<vmem>>[vector<16xi32>, vector<16xi32>, vector<16xi32>], vector<16xf32>,
        %add3A_424 = arith.constant 64 : i32
        %add3A_425 = vector.broadcast %add3A_424 : i32 to vector<16xi32>
        %add3A_426 = arith.addi %iota3A, %add3A_425 : vector<16xi32>
        %gather3A_427 = tpu.vector_load_idx %arg21[%add3A_426, %get3A_389] : memref<128x32xf32, #tpu.memory_space<vmem>>[vector<16xi32>, vector<16xi32>], vector<16xf32>,
        %mul3A_428 = arith.constant 5.65685415 : f32
        %mul3A_429 = vector.broadcast %mul3A_428 : f32 to vector<16xf32>
        %mul3A_430 = arith.mulf %gather3A_427, %mul3A_429 : vector<16xf32>
        tpu.vector_store_idx %arg25[%shift_right_arithmetic3A_392, %and3A_395, %add3A_426], %mul3A_430 : memref<4x8x128xf32, #tpu.memory_space<vmem>>[vector<16xi32>, vector<16xi32>, vector<16xi32>], vector<16xf32>,
        %add3A_431 = arith.constant 80 : i32
        %add3A_432 = vector.broadcast %add3A_431 : i32 to vector<16xi32>
        %add3A_433 = arith.addi %iota3A, %add3A_432 : vector<16xi32>
        %gather3A_434 = tpu.vector_load_idx %arg21[%add3A_433, %get3A_389] : memref<128x32xf32, #tpu.memory_space<vmem>>[vector<16xi32>, vector<16xi32>], vector<16xf32>,
        %mul3A_435 = arith.constant 5.65685415 : f32
        %mul3A_436 = vector.broadcast %mul3A_435 : f32 to vector<16xf32>
        %mul3A_437 = arith.mulf %gather3A_434, %mul3A_436 : vector<16xf32>
        tpu.vector_store_idx %arg25[%shift_right_arithmetic3A_392, %and3A_395, %add3A_433], %mul3A_437 : memref<4x8x128xf32, #tpu.memory_space<vmem>>[vector<16xi32>, vector<16xi32>, vector<16xi32>], vector<16xf32>,
        %add3A_438 = arith.constant 96 : i32
        %add3A_439 = vector.broadcast %add3A_438 : i32 to vector<16xi32>
        %add3A_440 = arith.addi %iota3A, %add3A_439 : vector<16xi32>
        %gather3A_441 = tpu.vector_load_idx %arg21[%add3A_440, %get3A_389] : memref<128x32xf32, #tpu.memory_space<vmem>>[vector<16xi32>, vector<16xi32>], vector<16xf32>,
        %mul3A_442 = arith.constant 5.65685415 : f32
        %mul3A_443 = vector.broadcast %mul3A_442 : f32 to vector<16xf32>
        %mul3A_444 = arith.mulf %gather3A_441, %mul3A_443 : vector<16xf32>
        tpu.vector_store_idx %arg25[%shift_right_arithmetic3A_392, %and3A_395, %add3A_440], %mul3A_444 : memref<4x8x128xf32, #tpu.memory_space<vmem>>[vector<16xi32>, vector<16xi32>, vector<16xi32>], vector<16xf32>,
        %add3A_445 = arith.constant 112 : i32
        %add3A_446 = vector.broadcast %add3A_445 : i32 to vector<16xi32>
        %add3A_447 = arith.addi %iota3A, %add3A_446 : vector<16xi32>
        %gather3A_448 = tpu.vector_load_idx %arg21[%add3A_447, %get3A_389] : memref<128x32xf32, #tpu.memory_space<vmem>>[vector<16xi32>, vector<16xi32>], vector<16xf32>,
        %mul3A_449 = arith.constant 5.65685415 : f32
        %mul3A_450 = vector.broadcast %mul3A_449 : f32 to vector<16xf32>
        %mul3A_451 = arith.mulf %gather3A_448, %mul3A_450 : vector<16xf32>
        tpu.vector_store_idx %arg25[%shift_right_arithmetic3A_392, %and3A_395, %add3A_447], %mul3A_451 : memref<4x8x128xf32, #tpu.memory_space<vmem>>[vector<16xi32>, vector<16xi32>, vector<16xi32>], vector<16xf32>,
        %scan3A_452 = arith.constant 2 : i32
        %scan3A_453 = arith.addi %scan3A_315, %scan3A_452 : i32
        %mul3A_454 = arith.constant 1 : i32
        %mul3A_455 = arith.muli %scan3A_453, %mul3A_454 : i32
        %add3A_456 = arith.constant 0 : i32
        %add3A_457 = arith.addi %add3A_456, %mul3A_455 : i32
        %get3A_458 = arith.index_cast %add3A_457 : i32 to index
        %get3A_459 = arith.constant 0 : index
        %get3A_460 = tpu.vector_load %arg8[%get3A_458, %get3A_459] {strides = array<i32>} : memref<32x16xi32, #tpu.memory_space<vmem>>, vector<16xi32>,
        %shift_right_arithmetic3A_461 = arith.constant 3 : i32
        %shift_right_arithmetic3A_462 = vector.broadcast %shift_right_arithmetic3A_461 : i32 to vector<16xi32>
        %shift_right_arithmetic3A_463 = arith.shrsi %get3A_460, %shift_right_arithmetic3A_462 : vector<16xi32>
        %and3A_464 = arith.constant 7 : i32
        %and3A_465 = vector.broadcast %and3A_464 : i32 to vector<16xi32>
        %and3A_466 = arith.andi %get3A_460, %and3A_465 : vector<16xi32>
        %add3A_467 = arith.constant 0 : i32
        %add3A_468 = vector.broadcast %add3A_467 : i32 to vector<16xi32>
        %add3A_469 = arith.addi %iota3A, %add3A_468 : vector<16xi32>
        %gather3A_470 = tpu.vector_load_idx %arg21[%add3A_469, %get3A_460] : memref<128x32xf32, #tpu.memory_space<vmem>>[vector<16xi32>, vector<16xi32>], vector<16xf32>,
        %mul3A_471 = arith.constant 5.65685415 : f32
        %mul3A_472 = vector.broadcast %mul3A_471 : f32 to vector<16xf32>
        %mul3A_473 = arith.mulf %gather3A_470, %mul3A_472 : vector<16xf32>
        tpu.vector_store_idx %arg25[%shift_right_arithmetic3A_463, %and3A_466, %add3A_469], %mul3A_473 : memref<4x8x128xf32, #tpu.memory_space<vmem>>[vector<16xi32>, vector<16xi32>, vector<16xi32>], vector<16xf32>,
        %add3A_474 = arith.constant 16 : i32
        %add3A_475 = vector.broadcast %add3A_474 : i32 to vector<16xi32>
        %add3A_476 = arith.addi %iota3A, %add3A_475 : vector<16xi32>
        %gather3A_477 = tpu.vector_load_idx %arg21[%add3A_476, %get3A_460] : memref<128x32xf32, #tpu.memory_space<vmem>>[vector<16xi32>, vector<16xi32>], vector<16xf32>,
        %mul3A_478 = arith.constant 5.65685415 : f32
        %mul3A_479 = vector.broadcast %mul3A_478 : f32 to vector<16xf32>
        %mul3A_480 = arith.mulf %gather3A_477, %mul3A_479 : vector<16xf32>
        tpu.vector_store_idx %arg25[%shift_right_arithmetic3A_463, %and3A_466, %add3A_476], %mul3A_480 : memref<4x8x128xf32, #tpu.memory_space<vmem>>[vector<16xi32>, vector<16xi32>, vector<16xi32>], vector<16xf32>,
        %add3A_481 = arith.constant 32 : i32
        %add3A_482 = vector.broadcast %add3A_481 : i32 to vector<16xi32>
        %add3A_483 = arith.addi %iota3A, %add3A_482 : vector<16xi32>
        %gather3A_484 = tpu.vector_load_idx %arg21[%add3A_483, %get3A_460] : memref<128x32xf32, #tpu.memory_space<vmem>>[vector<16xi32>, vector<16xi32>], vector<16xf32>,
        %mul3A_485 = arith.constant 5.65685415 : f32
        %mul3A_486 = vector.broadcast %mul3A_485 : f32 to vector<16xf32>
        %mul3A_487 = arith.mulf %gather3A_484, %mul3A_486 : vector<16xf32>
        tpu.vector_store_idx %arg25[%shift_right_arithmetic3A_463, %and3A_466, %add3A_483], %mul3A_487 : memref<4x8x128xf32, #tpu.memory_space<vmem>>[vector<16xi32>, vector<16xi32>, vector<16xi32>], vector<16xf32>,
        %add3A_488 = arith.constant 48 : i32
        %add3A_489 = vector.broadcast %add3A_488 : i32 to vector<16xi32>
        %add3A_490 = arith.addi %iota3A, %add3A_489 : vector<16xi32>
        %gather3A_491 = tpu.vector_load_idx %arg21[%add3A_490, %get3A_460] : memref<128x32xf32, #tpu.memory_space<vmem>>[vector<16xi32>, vector<16xi32>], vector<16xf32>,
        %mul3A_492 = arith.constant 5.65685415 : f32
        %mul3A_493 = vector.broadcast %mul3A_492 : f32 to vector<16xf32>
        %mul3A_494 = arith.mulf %gather3A_491, %mul3A_493 : vector<16xf32>
        tpu.vector_store_idx %arg25[%shift_right_arithmetic3A_463, %and3A_466, %add3A_490], %mul3A_494 : memref<4x8x128xf32, #tpu.memory_space<vmem>>[vector<16xi32>, vector<16xi32>, vector<16xi32>], vector<16xf32>,
        %add3A_495 = arith.constant 64 : i32
        %add3A_496 = vector.broadcast %add3A_495 : i32 to vector<16xi32>
        %add3A_497 = arith.addi %iota3A, %add3A_496 : vector<16xi32>
        %gather3A_498 = tpu.vector_load_idx %arg21[%add3A_497, %get3A_460] : memref<128x32xf32, #tpu.memory_space<vmem>>[vector<16xi32>, vector<16xi32>], vector<16xf32>,
        %mul3A_499 = arith.constant 5.65685415 : f32
        %mul3A_500 = vector.broadcast %mul3A_499 : f32 to vector<16xf32>
        %mul3A_501 = arith.mulf %gather3A_498, %mul3A_500 : vector<16xf32>
        tpu.vector_store_idx %arg25[%shift_right_arithmetic3A_463, %and3A_466, %add3A_497], %mul3A_501 : memref<4x8x128xf32, #tpu.memory_space<vmem>>[vector<16xi32>, vector<16xi32>, vector<16xi32>], vector<16xf32>,
        %add3A_502 = arith.constant 80 : i32
        %add3A_503 = vector.broadcast %add3A_502 : i32 to vector<16xi32>
        %add3A_504 = arith.addi %iota3A, %add3A_503 : vector<16xi32>
        %gather3A_505 = tpu.vector_load_idx %arg21[%add3A_504, %get3A_460] : memref<128x32xf32, #tpu.memory_space<vmem>>[vector<16xi32>, vector<16xi32>], vector<16xf32>,
        %mul3A_506 = arith.constant 5.65685415 : f32
        %mul3A_507 = vector.broadcast %mul3A_506 : f32 to vector<16xf32>
        %mul3A_508 = arith.mulf %gather3A_505, %mul3A_507 : vector<16xf32>
        tpu.vector_store_idx %arg25[%shift_right_arithmetic3A_463, %and3A_466, %add3A_504], %mul3A_508 : memref<4x8x128xf32, #tpu.memory_space<vmem>>[vector<16xi32>, vector<16xi32>, vector<16xi32>], vector<16xf32>,
        %add3A_509 = arith.constant 96 : i32
        %add3A_510 = vector.broadcast %add3A_509 : i32 to vector<16xi32>
        %add3A_511 = arith.addi %iota3A, %add3A_510 : vector<16xi32>
        %gather3A_512 = tpu.vector_load_idx %arg21[%add3A_511, %get3A_460] : memref<128x32xf32, #tpu.memory_space<vmem>>[vector<16xi32>, vector<16xi32>], vector<16xf32>,
        %mul3A_513 = arith.constant 5.65685415 : f32
        %mul3A_514 = vector.broadcast %mul3A_513 : f32 to vector<16xf32>
        %mul3A_515 = arith.mulf %gather3A_512, %mul3A_514 : vector<16xf32>
        tpu.vector_store_idx %arg25[%shift_right_arithmetic3A_463, %and3A_466, %add3A_511], %mul3A_515 : memref<4x8x128xf32, #tpu.memory_space<vmem>>[vector<16xi32>, vector<16xi32>, vector<16xi32>], vector<16xf32>,
        %add3A_516 = arith.constant 112 : i32
        %add3A_517 = vector.broadcast %add3A_516 : i32 to vector<16xi32>
        %add3A_518 = arith.addi %iota3A, %add3A_517 : vector<16xi32>
        %gather3A_519 = tpu.vector_load_idx %arg21[%add3A_518, %get3A_460] : memref<128x32xf32, #tpu.memory_space<vmem>>[vector<16xi32>, vector<16xi32>], vector<16xf32>,
        %mul3A_520 = arith.constant 5.65685415 : f32
        %mul3A_521 = vector.broadcast %mul3A_520 : f32 to vector<16xf32>
        %mul3A_522 = arith.mulf %gather3A_519, %mul3A_521 : vector<16xf32>
        tpu.vector_store_idx %arg25[%shift_right_arithmetic3A_463, %and3A_466, %add3A_518], %mul3A_522 : memref<4x8x128xf32, #tpu.memory_space<vmem>>[vector<16xi32>, vector<16xi32>, vector<16xi32>], vector<16xf32>,
        %scan3A_523 = arith.constant 3 : i32
        %scan3A_524 = arith.addi %scan3A_315, %scan3A_523 : i32
        %mul3A_525 = arith.constant 1 : i32
        %mul3A_526 = arith.muli %scan3A_524, %mul3A_525 : i32
        %add3A_527 = arith.constant 0 : i32
        %add3A_528 = arith.addi %add3A_527, %mul3A_526 : i32
        %get3A_529 = arith.index_cast %add3A_528 : i32 to index
        %get3A_530 = arith.constant 0 : index
        %get3A_531 = tpu.vector_load %arg8[%get3A_529, %get3A_530] {strides = array<i32>} : memref<32x16xi32, #tpu.memory_space<vmem>>, vector<16xi32>,
        %shift_right_arithmetic3A_532 = arith.constant 3 : i32
        %shift_right_arithmetic3A_533 = vector.broadcast %shift_right_arithmetic3A_532 : i32 to vector<16xi32>
        %shift_right_arithmetic3A_534 = arith.shrsi %get3A_531, %shift_right_arithmetic3A_533 : vector<16xi32>
        %and3A_535 = arith.constant 7 : i32
        %and3A_536 = vector.broadcast %and3A_535 : i32 to vector<16xi32>
        %and3A_537 = arith.andi %get3A_531, %and3A_536 : vector<16xi32>
        %add3A_538 = arith.constant 0 : i32
        %add3A_539 = vector.broadcast %add3A_538 : i32 to vector<16xi32>
        %add3A_540 = arith.addi %iota3A, %add3A_539 : vector<16xi32>
        %gather3A_541 = tpu.vector_load_idx %arg21[%add3A_540, %get3A_531] : memref<128x32xf32, #tpu.memory_space<vmem>>[vector<16xi32>, vector<16xi32>], vector<16xf32>,
        %mul3A_542 = arith.constant 5.65685415 : f32
        %mul3A_543 = vector.broadcast %mul3A_542 : f32 to vector<16xf32>
        %mul3A_544 = arith.mulf %gather3A_541, %mul3A_543 : vector<16xf32>
        tpu.vector_store_idx %arg25[%shift_right_arithmetic3A_534, %and3A_537, %add3A_540], %mul3A_544 : memref<4x8x128xf32, #tpu.memory_space<vmem>>[vector<16xi32>, vector<16xi32>, vector<16xi32>], vector<16xf32>,
        %add3A_545 = arith.constant 16 : i32
        %add3A_546 = vector.broadcast %add3A_545 : i32 to vector<16xi32>
        %add3A_547 = arith.addi %iota3A, %add3A_546 : vector<16xi32>
        %gather3A_548 = tpu.vector_load_idx %arg21[%add3A_547, %get3A_531] : memref<128x32xf32, #tpu.memory_space<vmem>>[vector<16xi32>, vector<16xi32>], vector<16xf32>,
        %mul3A_549 = arith.constant 5.65685415 : f32
        %mul3A_550 = vector.broadcast %mul3A_549 : f32 to vector<16xf32>
        %mul3A_551 = arith.mulf %gather3A_548, %mul3A_550 : vector<16xf32>
        tpu.vector_store_idx %arg25[%shift_right_arithmetic3A_534, %and3A_537, %add3A_547], %mul3A_551 : memref<4x8x128xf32, #tpu.memory_space<vmem>>[vector<16xi32>, vector<16xi32>, vector<16xi32>], vector<16xf32>,
        %add3A_552 = arith.constant 32 : i32
        %add3A_553 = vector.broadcast %add3A_552 : i32 to vector<16xi32>
        %add3A_554 = arith.addi %iota3A, %add3A_553 : vector<16xi32>
        %gather3A_555 = tpu.vector_load_idx %arg21[%add3A_554, %get3A_531] : memref<128x32xf32, #tpu.memory_space<vmem>>[vector<16xi32>, vector<16xi32>], vector<16xf32>,
        %mul3A_556 = arith.constant 5.65685415 : f32
        %mul3A_557 = vector.broadcast %mul3A_556 : f32 to vector<16xf32>
        %mul3A_558 = arith.mulf %gather3A_555, %mul3A_557 : vector<16xf32>
        tpu.vector_store_idx %arg25[%shift_right_arithmetic3A_534, %and3A_537, %add3A_554], %mul3A_558 : memref<4x8x128xf32, #tpu.memory_space<vmem>>[vector<16xi32>, vector<16xi32>, vector<16xi32>], vector<16xf32>,
        %add3A_559 = arith.constant 48 : i32
        %add3A_560 = vector.broadcast %add3A_559 : i32 to vector<16xi32>
        %add3A_561 = arith.addi %iota3A, %add3A_560 : vector<16xi32>
        %gather3A_562 = tpu.vector_load_idx %arg21[%add3A_561, %get3A_531] : memref<128x32xf32, #tpu.memory_space<vmem>>[vector<16xi32>, vector<16xi32>], vector<16xf32>,
        %mul3A_563 = arith.constant 5.65685415 : f32
        %mul3A_564 = vector.broadcast %mul3A_563 : f32 to vector<16xf32>
        %mul3A_565 = arith.mulf %gather3A_562, %mul3A_564 : vector<16xf32>
        tpu.vector_store_idx %arg25[%shift_right_arithmetic3A_534, %and3A_537, %add3A_561], %mul3A_565 : memref<4x8x128xf32, #tpu.memory_space<vmem>>[vector<16xi32>, vector<16xi32>, vector<16xi32>], vector<16xf32>,
        %add3A_566 = arith.constant 64 : i32
        %add3A_567 = vector.broadcast %add3A_566 : i32 to vector<16xi32>
        %add3A_568 = arith.addi %iota3A, %add3A_567 : vector<16xi32>
        %gather3A_569 = tpu.vector_load_idx %arg21[%add3A_568, %get3A_531] : memref<128x32xf32, #tpu.memory_space<vmem>>[vector<16xi32>, vector<16xi32>], vector<16xf32>,
        %mul3A_570 = arith.constant 5.65685415 : f32
        %mul3A_571 = vector.broadcast %mul3A_570 : f32 to vector<16xf32>
        %mul3A_572 = arith.mulf %gather3A_569, %mul3A_571 : vector<16xf32>
        tpu.vector_store_idx %arg25[%shift_right_arithmetic3A_534, %and3A_537, %add3A_568], %mul3A_572 : memref<4x8x128xf32, #tpu.memory_space<vmem>>[vector<16xi32>, vector<16xi32>, vector<16xi32>], vector<16xf32>,
        %add3A_573 = arith.constant 80 : i32
        %add3A_574 = vector.broadcast %add3A_573 : i32 to vector<16xi32>
        %add3A_575 = arith.addi %iota3A, %add3A_574 : vector<16xi32>
        %gather3A_576 = tpu.vector_load_idx %arg21[%add3A_575, %get3A_531] : memref<128x32xf32, #tpu.memory_space<vmem>>[vector<16xi32>, vector<16xi32>], vector<16xf32>,
        %mul3A_577 = arith.constant 5.65685415 : f32
        %mul3A_578 = vector.broadcast %mul3A_577 : f32 to vector<16xf32>
        %mul3A_579 = arith.mulf %gather3A_576, %mul3A_578 : vector<16xf32>
        tpu.vector_store_idx %arg25[%shift_right_arithmetic3A_534, %and3A_537, %add3A_575], %mul3A_579 : memref<4x8x128xf32, #tpu.memory_space<vmem>>[vector<16xi32>, vector<16xi32>, vector<16xi32>], vector<16xf32>,
        %add3A_580 = arith.constant 96 : i32
        %add3A_581 = vector.broadcast %add3A_580 : i32 to vector<16xi32>
        %add3A_582 = arith.addi %iota3A, %add3A_581 : vector<16xi32>
        %gather3A_583 = tpu.vector_load_idx %arg21[%add3A_582, %get3A_531] : memref<128x32xf32, #tpu.memory_space<vmem>>[vector<16xi32>, vector<16xi32>], vector<16xf32>,
        %mul3A_584 = arith.constant 5.65685415 : f32
        %mul3A_585 = vector.broadcast %mul3A_584 : f32 to vector<16xf32>
        %mul3A_586 = arith.mulf %gather3A_583, %mul3A_585 : vector<16xf32>
        tpu.vector_store_idx %arg25[%shift_right_arithmetic3A_534, %and3A_537, %add3A_582], %mul3A_586 : memref<4x8x128xf32, #tpu.memory_space<vmem>>[vector<16xi32>, vector<16xi32>, vector<16xi32>], vector<16xf32>,
        %add3A_587 = arith.constant 112 : i32
        %add3A_588 = vector.broadcast %add3A_587 : i32 to vector<16xi32>
        %add3A_589 = arith.addi %iota3A, %add3A_588 : vector<16xi32>
        %gather3A_590 = tpu.vector_load_idx %arg21[%add3A_589, %get3A_531] : memref<128x32xf32, #tpu.memory_space<vmem>>[vector<16xi32>, vector<16xi32>], vector<16xf32>,
        %mul3A_591 = arith.constant 5.65685415 : f32
        %mul3A_592 = vector.broadcast %mul3A_591 : f32 to vector<16xf32>
        %mul3A_593 = arith.mulf %gather3A_590, %mul3A_592 : vector<16xf32>
        tpu.vector_store_idx %arg25[%shift_right_arithmetic3A_534, %and3A_537, %add3A_589], %mul3A_593 : memref<4x8x128xf32, #tpu.memory_space<vmem>>[vector<16xi32>, vector<16xi32>, vector<16xi32>], vector<16xf32>,
      }
      %scan3A_299 = arith.constant 32 : i32
      %lt3A_300 = arith.constant 49 : i32
      %lt3A_301 = arith.cmpi slt, %add3A_151, %lt3A_300 : i32
      %convert_element_type3A_302 = arith.extui %lt3A_301 : i1 to i32
      %cond3A_303 = arith.constant 0 : i32
      %cond3A_304 = arith.cmpi ne, %convert_element_type3A_302, %cond3A_303 : i32
      scf.if %cond3A_304 {
        %add3A_315 = arith.constant 4 : i32
        %add3A_316 = arith.addi %add3A_277, %add3A_315 : i32
        %jit3A = arith.constant 8 : i32
        %div3A = arith.divsi %add3A_316, %jit3A : i32
        %sign3A = arith.constant 0 : i32
        %sign3A_317 = arith.cmpi sgt, %add3A_316, %sign3A : i32
        %sign3A_318 = arith.extui %sign3A_317 : i1 to i32
        %sign3A_319 = arith.constant 0 : i32
        %sign3A_320 = arith.cmpi slt, %add3A_316, %sign3A_319 : i32
        %sign3A_321 = arith.extui %sign3A_320 : i1 to i32
        %sign3A_322 = arith.subi %sign3A_318, %sign3A_321 : i32
        %sign3A_323 = arith.constant 0 : i32
        %sign3A_324 = arith.cmpi sgt, %jit3A, %sign3A_323 : i32
        %sign3A_325 = arith.extui %sign3A_324 : i1 to i32
        %sign3A_326 = arith.constant 0 : i32
        %sign3A_327 = arith.cmpi slt, %jit3A, %sign3A_326 : i32
        %sign3A_328 = arith.extui %sign3A_327 : i1 to i32
        %sign3A_329 = arith.subi %sign3A_325, %sign3A_328 : i32
        %ne3A = arith.cmpi ne, %sign3A_322, %sign3A_329 : i32
        %rem3A = arith.remsi %add3A_316, %jit3A : i32
        %ne3A_330 = arith.constant 0 : i32
        %ne3A_331 = arith.cmpi ne, %rem3A, %ne3A_330 : i32
        %and3A = arith.andi %ne3A, %ne3A_331 : i1
        %sub3A = arith.constant 1 : i32
        %sub3A_332 = arith.subi %div3A, %sub3A : i32
        %select_n3A = arith.select %and3A, %sub3A_332, %div3A : i32
        %jit3A_333 = arith.constant 8 : i32
        %eq3A_334 = arith.constant 0 : i32
        %eq3A_335 = arith.cmpi eq, %jit3A_333, %eq3A_334 : i32
        %jit3A_336 = arith.constant 1 : i32
        %select_n3A_337 = arith.select %eq3A_335, %jit3A_336, %jit3A_333 : i32
        %rem3A_338 = arith.remsi %add3A_316, %select_n3A_337 : i32
        %ne3A_339 = arith.constant 0 : i32
        %ne3A_340 = arith.cmpi ne, %rem3A_338, %ne3A_339 : i32
        %lt3A_341 = arith.constant 0 : i32
        %lt3A_342 = arith.cmpi slt, %rem3A_338, %lt3A_341 : i32
        %lt3A_343 = arith.constant 0 : i32
        %lt3A_344 = arith.cmpi slt, %select_n3A_337, %lt3A_343 : i32
        %ne3A_345 = arith.xori %lt3A_342, %lt3A_344 : i1
        %and3A_346 = arith.andi %ne3A_345, %ne3A_340 : i1
        %add3A_347 = arith.addi %rem3A_338, %select_n3A_337 : i32
        %select_n3A_348 = arith.select %and3A_346, %add3A_347, %rem3A_338 : i32
        %dma_wait3A_349 = arith.constant 0 : i32
        %dma_wait3A_350 = arith.constant 0 : i32
        %dma_wait3A_351 = tpu.memref_slice %arg17[%dma_wait3A_349, %dma_wait3A_350] : memref<1x128xi32, #tpu.memory_space<vmem>> -> memref<1x128xi32, #tpu.memory_space<vmem>>
        %dma_wait3A_352 = tpu.memref_squeeze %dma_wait3A_351 : memref<1x128xi32, #tpu.memory_space<vmem>> -> memref<128xi32, #tpu.memory_space<vmem>>
        %dma_wait3A_353 = arith.constant 0 : i32
        %dma_wait3A_354 = tpu.memref_slice %arg2[%select_n3A, %add3A, %select_n3A_348, %dma_wait3A_353] : memref<25x32x8x128xi32, #tpu.memory_space<hbm>> -> memref<1x1x1x128xi32, #tpu.memory_space<hbm>>
        %dma_wait3A_355 = tpu.memref_squeeze %dma_wait3A_354 : memref<1x1x1x128xi32, #tpu.memory_space<hbm>> -> memref<128xi32, #tpu.memory_space<hbm>>
        %dma_wait3A_356 = arith.constant 0 : i32
        %dma_wait3A_357 = tpu.memref_slice %arg17[%dma_wait3A_349, %dma_wait3A_356] : memref<1x128xi32, #tpu.memory_space<vmem>> -> memref<1x128xi32, #tpu.memory_space<vmem>>
        %dma_wait3A_358 = tpu.memref_squeeze %dma_wait3A_357 : memref<1x128xi32, #tpu.memory_space<vmem>> -> memref<128xi32, #tpu.memory_space<vmem>>
        %dma_wait3A_359 = arith.constant 0 : i32
        %dma_wait3A_360 = tpu.memref_slice %arg2[%select_n3A, %add3A, %select_n3A_348, %dma_wait3A_359] : memref<25x32x8x128xi32, #tpu.memory_space<hbm>> -> memref<1x1x1x128xi32, #tpu.memory_space<hbm>>
        %dma_wait3A_361 = tpu.memref_squeeze %dma_wait3A_360 : memref<1x1x1x128xi32, #tpu.memory_space<hbm>> -> memref<128xi32, #tpu.memory_space<hbm>>
        tpu.wait_dma2 semaphore(%arg33 : memref<!tpu.dma_semaphore, #tpu.memory_space<semaphore_mem>>) src(%dma_wait3A_361 : memref<128xi32, #tpu.memory_space<hbm>>) dst(%dma_wait3A_358 : memref<128xi32, #tpu.memory_space<vmem>>)
        %dma_start3A_362 = arith.constant 0 : i32
        %dma_start3A_363 = arith.constant 0 : i32
        %dma_start3A_364 = tpu.memref_slice %arg17[%dma_start3A_362, %dma_start3A_363] : memref<1x128xi32, #tpu.memory_space<vmem>> -> memref<1x128xi32, #tpu.memory_space<vmem>>
        %dma_start3A_365 = tpu.memref_squeeze %dma_start3A_364 : memref<1x128xi32, #tpu.memory_space<vmem>> -> memref<128xi32, #tpu.memory_space<vmem>>
        %dma_start3A_366 = arith.constant 0 : i32
        %dma_start3A_367 = arith.constant 0 : i32
        %dma_start3A_368 = tpu.memref_slice %arg6[%dma_start3A_366, %dma_start3A_367] : memref<1000000x32xf32, #tpu.memory_space<hbm>> -> memref<1000000x32xf32, #tpu.memory_space<hbm>>
        tpu.enqueue_indirect_dma source(%dma_start3A_368 : memref<1000000x32xf32, #tpu.memory_space<hbm>>) target(%arg21 : memref<128x32xf32, #tpu.memory_space<vmem>>) offsets(%dma_start3A_365 : memref<128xi32, #tpu.memory_space<vmem>>) semaphore(%arg37 : memref<!tpu.dma_semaphore, #tpu.memory_space<semaphore_mem>>)
      } else {
      }
      %dma_start3A_305 = arith.constant 0 : i32
      %dma_start3A_306 = arith.constant 0 : i32
      %dma_start3A_307 = arith.constant 0 : i32
      %dma_start3A_308 = tpu.memref_slice %arg5[%add3A_277, %dma_start3A_305, %add3A, %dma_start3A_306, %dma_start3A_307] : memref<200x4x32x8x128xf32, #tpu.memory_space<hbm>> -> memref<1x4x1x8x128xf32, #tpu.memory_space<hbm>>
      %dma_start3A_309 = tpu.memref_squeeze %dma_start3A_308 : memref<1x4x1x8x128xf32, #tpu.memory_space<hbm>> -> memref<4x8x128xf32, #tpu.memory_space<hbm>>
      %dma_start3A_310 = arith.constant 0 : i32
      %dma_start3A_311 = arith.constant 0 : i32
      %dma_start3A_312 = arith.constant 0 : i32
      %dma_start3A_313 = tpu.memref_slice %arg5[%add3A_277, %dma_start3A_310, %add3A, %dma_start3A_311, %dma_start3A_312] : memref<200x4x32x8x128xf32, #tpu.memory_space<hbm>> -> memref<1x4x1x8x128xf32, #tpu.memory_space<hbm>>
      %dma_start3A_314 = tpu.memref_squeeze %dma_start3A_313 : memref<1x4x1x8x128xf32, #tpu.memory_space<hbm>> -> memref<4x8x128xf32, #tpu.memory_space<hbm>>
      tpu.enqueue_dma source(%arg25 : memref<4x8x128xf32, #tpu.memory_space<vmem>>) target(%dma_start3A_314 : memref<4x8x128xf32, #tpu.memory_space<hbm>>) target_semaphore(%arg41 : memref<!tpu.dma_semaphore, #tpu.memory_space<semaphore_mem>>)
    }
    %scan3A_102 = arith.constant 50 : i32
    %dma_wait3A_103 = arith.constant 196 : i32
    %dma_wait3A_104 = arith.constant 0 : i32
    %dma_wait3A_105 = arith.constant 0 : i32
    %dma_wait3A_106 = arith.constant 0 : i32
    %dma_wait3A_107 = tpu.memref_slice %arg5[%dma_wait3A_103, %dma_wait3A_104, %add3A, %dma_wait3A_105, %dma_wait3A_106] : memref<200x4x32x8x128xf32, #tpu.memory_space<hbm>> -> memref<1x4x1x8x128xf32, #tpu.memory_space<hbm>>
    %dma_wait3A_108 = tpu.memref_squeeze %dma_wait3A_107 : memref<1x4x1x8x128xf32, #tpu.memory_space<hbm>> -> memref<4x8x128xf32, #tpu.memory_space<hbm>>
    %dma_wait3A_109 = arith.constant 0 : i32
    %dma_wait3A_110 = arith.constant 0 : i32
    %dma_wait3A_111 = arith.constant 0 : i32
    %dma_wait3A_112 = tpu.memref_slice %arg5[%dma_wait3A_103, %dma_wait3A_109, %add3A, %dma_wait3A_110, %dma_wait3A_111] : memref<200x4x32x8x128xf32, #tpu.memory_space<hbm>> -> memref<1x4x1x8x128xf32, #tpu.memory_space<hbm>>
    %dma_wait3A_113 = tpu.memref_squeeze %dma_wait3A_112 : memref<1x4x1x8x128xf32, #tpu.memory_space<hbm>> -> memref<4x8x128xf32, #tpu.memory_space<hbm>>
    tpu.wait_dma2 semaphore(%arg38 : memref<!tpu.dma_semaphore, #tpu.memory_space<semaphore_mem>>) src(%arg22 : memref<4x8x128xf32, #tpu.memory_space<vmem>>) dst(%dma_wait3A_113 : memref<4x8x128xf32, #tpu.memory_space<hbm>>)
    %dma_wait3A_114 = arith.constant 197 : i32
    %dma_wait3A_115 = arith.constant 0 : i32
    %dma_wait3A_116 = arith.constant 0 : i32
    %dma_wait3A_117 = arith.constant 0 : i32
    %dma_wait3A_118 = tpu.memref_slice %arg5[%dma_wait3A_114, %dma_wait3A_115, %add3A, %dma_wait3A_116, %dma_wait3A_117] : memref<200x4x32x8x128xf32, #tpu.memory_space<hbm>> -> memref<1x4x1x8x128xf32, #tpu.memory_space<hbm>>
    %dma_wait3A_119 = tpu.memref_squeeze %dma_wait3A_118 : memref<1x4x1x8x128xf32, #tpu.memory_space<hbm>> -> memref<4x8x128xf32, #tpu.memory_space<hbm>>
    %dma_wait3A_120 = arith.constant 0 : i32
    %dma_wait3A_121 = arith.constant 0 : i32
    %dma_wait3A_122 = arith.constant 0 : i32
    %dma_wait3A_123 = tpu.memref_slice %arg5[%dma_wait3A_114, %dma_wait3A_120, %add3A, %dma_wait3A_121, %dma_wait3A_122] : memref<200x4x32x8x128xf32, #tpu.memory_space<hbm>> -> memref<1x4x1x8x128xf32, #tpu.memory_space<hbm>>
    %dma_wait3A_124 = tpu.memref_squeeze %dma_wait3A_123 : memref<1x4x1x8x128xf32, #tpu.memory_space<hbm>> -> memref<4x8x128xf32, #tpu.memory_space<hbm>>
    tpu.wait_dma2 semaphore(%arg39 : memref<!tpu.dma_semaphore, #tpu.memory_space<semaphore_mem>>) src(%arg23 : memref<4x8x128xf32, #tpu.memory_space<vmem>>) dst(%dma_wait3A_124 : memref<4x8x128xf32, #tpu.memory_space<hbm>>)
    %dma_wait3A_125 = arith.constant 198 : i32
    %dma_wait3A_126 = arith.constant 0 : i32
    %dma_wait3A_127 = arith.constant 0 : i32
    %dma_wait3A_128 = arith.constant 0 : i32
    %dma_wait3A_129 = tpu.memref_slice %arg5[%dma_wait3A_125, %dma_wait3A_126, %add3A, %dma_wait3A_127, %dma_wait3A_128] : memref<200x4x32x8x128xf32, #tpu.memory_space<hbm>> -> memref<1x4x1x8x128xf32, #tpu.memory_space<hbm>>
    %dma_wait3A_130 = tpu.memref_squeeze %dma_wait3A_129 : memref<1x4x1x8x128xf32, #tpu.memory_space<hbm>> -> memref<4x8x128xf32, #tpu.memory_space<hbm>>
    %dma_wait3A_131 = arith.constant 0 : i32
    %dma_wait3A_132 = arith.constant 0 : i32
    %dma_wait3A_133 = arith.constant 0 : i32
    %dma_wait3A_134 = tpu.memref_slice %arg5[%dma_wait3A_125, %dma_wait3A_131, %add3A, %dma_wait3A_132, %dma_wait3A_133] : memref<200x4x32x8x128xf32, #tpu.memory_space<hbm>> -> memref<1x4x1x8x128xf32, #tpu.memory_space<hbm>>
    %dma_wait3A_135 = tpu.memref_squeeze %dma_wait3A_134 : memref<1x4x1x8x128xf32, #tpu.memory_space<hbm>> -> memref<4x8x128xf32, #tpu.memory_space<hbm>>
    tpu.wait_dma2 semaphore(%arg40 : memref<!tpu.dma_semaphore, #tpu.memory_space<semaphore_mem>>) src(%arg24 : memref<4x8x128xf32, #tpu.memory_space<vmem>>) dst(%dma_wait3A_135 : memref<4x8x128xf32, #tpu.memory_space<hbm>>)
    %dma_wait3A_136 = arith.constant 199 : i32
    %dma_wait3A_137 = arith.constant 0 : i32
    %dma_wait3A_138 = arith.constant 0 : i32
    %dma_wait3A_139 = arith.constant 0 : i32
    %dma_wait3A_140 = tpu.memref_slice %arg5[%dma_wait3A_136, %dma_wait3A_137, %add3A, %dma_wait3A_138, %dma_wait3A_139] : memref<200x4x32x8x128xf32, #tpu.memory_space<hbm>> -> memref<1x4x1x8x128xf32, #tpu.memory_space<hbm>>
    %dma_wait3A_141 = tpu.memref_squeeze %dma_wait3A_140 : memref<1x4x1x8x128xf32, #tpu.memory_space<hbm>> -> memref<4x8x128xf32, #tpu.memory_space<hbm>>
    %dma_wait3A_142 = arith.constant 0 : i32
    %dma_wait3A_143 = arith.constant 0 : i32
    %dma_wait3A_144 = arith.constant 0 : i32
    %dma_wait3A_145 = tpu.memref_slice %arg5[%dma_wait3A_136, %dma_wait3A_142, %add3A, %dma_wait3A_143, %dma_wait3A_144] : memref<200x4x32x8x128xf32, #tpu.memory_space<hbm>> -> memref<1x4x1x8x128xf32, #tpu.memory_space<hbm>>
    %dma_wait3A_146 = tpu.memref_squeeze %dma_wait3A_145 : memref<1x4x1x8x128xf32, #tpu.memory_space<hbm>> -> memref<4x8x128xf32, #tpu.memory_space<hbm>>
    tpu.wait_dma2 semaphore(%arg41 : memref<!tpu.dma_semaphore, #tpu.memory_space<semaphore_mem>>) src(%arg25 : memref<4x8x128xf32, #tpu.memory_space<vmem>>) dst(%dma_wait3A_146 : memref<4x8x128xf32, #tpu.memory_space<hbm>>)
    return
  }
}

</mosaic_0001>

<sc_bundles>
// kernel: _emb_call.3.cloned.1.call-start
scs
__scs_entry_jumppad:
0x0: {  	(pc) =	sbr.rel $0x88, $3  }
0x1: {  	(tag) =	ssettag $0x0;
	lr =	simm.s32 $0x1  }
0x2: {  	[smem:$0x3F9E] =	sst lr;
	_ =	strace $0xD0000000  }
0x3: {  	_ = 	snop  }
0x4: {  	_ = 	snop  }
0x5: {  	_ = 	snop  }
0x6: {  	_ = 	snop  }
0x7: {  	_ = 	snop  }
__scs_overlays_trampoline_lowered:
0x8: {  	[smem:$0x3FAD] =	sst s0  }
0x9: {  	[smem:$0x3FAE] =	sst s1  }
0xa: {  	[smem:$0x3FAF] =	sst s2  }
0xb: {  	[smem:$0x3FB0] =	sst s3  }
0xc: {  	[smem:$0x3FB1] =	sst s4  }
0xd: {  	[smem:$0x3FB2] =	sst s5  }
0xe: {  	[smem:$0x3FB3] =	sst s6  }
0xf: {  	[smem:$0x3FB4] =	sst s7  }
0x10: {  	[smem:$0x3FB5] =	sst s8  }
0x11: {  	[smem:$0x3FB6] =	sst s9;
	s0 =	simm.s32 @!p0 $0x0  }
0x12: {  	s1 =	sld [smem:$0x3F9C];
	s0 =	simm.s32 @p0 $0x1  }
0x13: {  	[smem:$0x3FB7] =	sst s0;
	s0 =	simm.s32 @!p1 $0x0  }
0x14: {  	s2 =	sld [smem:$0x3F9B];
	s0 =	simm.s32 @p1 $0x1  }
0x15: {  	[smem:$0x3FB8] =	sst s0;
	s0 =	simm.s32 @!p2 $0x0  }
0x16: {  	s3 =	sld [smem:$0x3FDB];
	s0 =	simm.s32 @p2 $0x1  }
0x17: {  	s4 =	simm.s32 $0x1BF5;
	[smem:$0x3FBA] =	sst s0  }
0x18: {  	s0 =	sld [smem:$0x3F9D];
	_ =	swait.ge [sflag:s4], $0x0  }
0x19: {  	s7 =	sld [smem:$0x3F9E]  }
0x1a: {  	s8 =	sadd.s32 $0xFFFFE003, lr  }
0x1b: {  	s9 =	sadd.s32 $0xFFFFFEF7, lr;
	s5 =	simm.s32 $0xFFFFFFFF;
	p2 =	slt.u32 s8, $0xFFFFF086  }
0x1c: {  	p1 =	slt.u32 s9, $0xF7A;
	s5 =	simm.s32 @!p2 $0x0  }
0x1d: {  	s5 =	simm.s32 @p1 $0x1;
	p0 =	seq.s32 s7, s2  }
0x1e: {  	s7 =	smul.u32 @!p0 $0xF7A, s2;
	p2 =	seq.s32 @!p0 s5, $0x0  }
0x1f: {  	s9 =	smul.u32 $0xF7A, s1;
	s8 =	simm.s32 @!p0 $0x1BF5;
	p2 =	por !p2, p0  }
0x20: {  	[sflag:s8] =	ssyncset.s32 @!p0 $0xFFFFF086;
	s6 =	sadd.s32 @!p0 s3, s7;
	s7 =	simm.s32 @!p0 $0x108  }
0x21: {  	s3 =	sadd.s32 s3, s9;
	s6 =	sadd.s32 @!p0 $0x88, s6;
	s7 =	simm.s32 @p2 $0x1082  }
0x22: {  	[simem:s7], [sflag:s8] =	dma.local @!p0 [hbm:s6], $0xF7A  }
0x23: {  	s9 =	sor.u32 $0xD0000000, s2;
	s6 =	simm.s32 $0x108;
	_ =	swait.ge @!p0 [sflag:s8], $0x0  }
0x24: {  	s3 =	sadd.s32 $0x88, s3;
	s6 =	simm.s32 @!p1 $0x1082;
	[sflag:s4] =	ssyncset.s32 $0xFFFFF086  }
0x25: {  	[simem:s6], [sflag:s4] =	dma.local [hbm:s3], $0xF7A  }
0x26: {  	[smem:$0x3F9E] =	sst s1;
	(tag) =	ssettag s2;
	_ =	strace s9  }
0x27: {  	s1 =	sld [smem:$0x3FAE]  }
0x28: {  	s2 =	sld [smem:$0x3FAF]  }
0x29: {  	s4 =	sld [smem:$0x3FB1]  }
0x2a: {  	p0 =	seq.s32 s5, $0x0;
	s5 =	sld [smem:$0x3FB2]  }
0x2b: {  	s6 =	sld [smem:$0x3FB3]  }
0x2c: {  	s7 =	sld [smem:$0x3FB4]  }
0x2d: {  	s3 =	simm.s32 $0x108;
	s8 =	sld [smem:$0x3FB5]  }
0x2e: {  	s3 =	simm.s32 @!p0 $0x1082;
	s9 =	sld [smem:$0x3FB6]  }
0x2f: {  	lr =	sadd.s32 s0, s3;
	s0 =	sld [smem:$0x3FAD]  }
0x30: {  	s3 =	sld [smem:$0x3FB0]  }
0x31: {  	[smem:$0x3FB9] =	sst s10  }
0x32: {  	s10 =	sld [smem:$0x3FB7];
	_ =	sdelay $0x3  }
0x33: {  	p0 =	seq.s32 s10, $0x1;
	s10 =	sld [smem:$0x3FB9];
	_ =	sdelay $0x3  }
0x34: {  	[smem:$0x3FB9] =	sst s10  }
0x35: {  	s10 =	sld [smem:$0x3FB8];
	_ =	sdelay $0x3  }
0x36: {  	p1 =	seq.s32 s10, $0x1;
	s10 =	sld [smem:$0x3FB9];
	_ =	sdelay $0x3  }
0x37: {  	[smem:$0x3FB9] =	sst s10  }
0x38: {  	s10 =	sld [smem:$0x3FBA]  }
0x39: {  	_ = 	snop;
	(pc) =	sbr.ind lr, $3  }
0x3a: {  	_ = 	snop  }
0x3b: {  	_ = 	snop  }
0x3c: {  	p2 =	seq.s32 s10, $0x1;
	s10 =	sld [smem:$0x3FB9]  }
0x3d: {  	_ =	shalt  }
0x3e: {  	_ =	shalt  }
0x3f: {  	_ =	shalt  }
0x40: {  	_ =	shalt  }
0x41: {  	_ =	shalt  }
0x42: {  	_ =	shalt  }
0x43: {  	_ =	shalt  }
0x44: {  	_ =	shalt  }
0x45: {  	_ =	shalt  }
0x46: {  	_ =	shalt  }
0x47: {  	_ =	shalt  }
0x48: {  	_ =	shalt  }
0x49: {  	_ =	shalt  }
0x4a: {  	_ =	shalt  }
0x4b: {  	_ =	shalt  }
0x4c: {  	_ =	shalt  }
0x4d: {  	_ =	shalt  }
0x4e: {  	_ =	shalt  }
0x4f: {  	_ =	shalt  }
0x50: {  	_ =	shalt  }
0x51: {  	_ =	shalt  }
0x52: {  	_ =	shalt  }
0x53: {  	_ =	shalt  }
0x54: {  	_ =	shalt  }
0x55: {  	_ =	shalt  }
0x56: {  	_ =	shalt  }
0x57: {  	_ =	shalt  }
0x58: {  	_ =	shalt  }
0x59: {  	_ =	shalt  }
0x5a: {  	_ =	shalt  }
0x5b: {  	_ =	shalt  }
0x5c: {  	_ =	shalt  }
0x5d: {  	_ =	shalt  }
0x5e: {  	_ =	shalt  }
0x5f: {  	_ =	shalt  }
0x60: {  	_ =	shalt  }
0x61: {  	_ =	shalt  }
0x62: {  	_ =	shalt  }
0x63: {  	_ =	shalt  }
0x64: {  	_ =	shalt  }
0x65: {  	_ =	shalt  }
0x66: {  	_ =	shalt  }
0x67: {  	_ =	shalt  }
0x68: {  	_ =	shalt  }
0x69: {  	_ =	shalt  }
0x6a: {  	_ =	shalt  }
0x6b: {  	_ =	shalt  }
0x6c: {  	_ =	shalt  }
0x6d: {  	_ =	shalt  }
0x6e: {  	_ =	shalt  }
0x6f: {  	_ =	shalt  }
0x70: {  	_ =	shalt  }
0x71: {  	_ =	shalt  }
0x72: {  	_ =	shalt  }
0x73: {  	_ =	shalt  }
0x74: {  	_ =	shalt  }
0x75: {  	_ =	shalt  }
0x76: {  	_ =	shalt  }
0x77: {  	_ =	shalt  }
0x78: {  	_ =	shalt  }
0x79: {  	_ =	shalt  }
0x7a: {  	_ =	shalt  }
0x7b: {  	_ =	shalt  }
0x7c: {  	_ =	shalt  }
0x7d: {  	_ =	shalt  }
0x7e: {  	_ =	shalt  }
0x7f: {  	_ =	shalt  }
0x80: {  	_ =	shalt  }
0x81: {  	_ =	shalt  }
0x82: {  	_ =	shalt  }
0x83: {  	_ =	shalt  }
0x84: {  	_ =	shalt  }
0x85: {  	_ =	shalt  }
0x86: {  	_ =	shalt  }
0x87: {  	_ =	shalt  }
.Lfunc_end0:
.L_simem_size_0:
called_computation_lowered:
.L_overlay_start_0:
0x88: {  	s2 =	sld [smem:$0x3FD9]  }
0x89: {  	s3 =	sld [smem:$0x3FFE];
	_ =	sdelay $0x1  }
0x8a: {  	s1 =	srdreg.scid  }
0x8b: {  	s0 =	sand.u32 $0x1, s1  }
0x8c: {  	s18 =	sshll.u32 s0, $0xA;
	s2 =	sadd.s32 s3, s2  }
0x8d: {  	s3 =	sadd.s32 s2, s18  }
0x8e: {  	[smem:$0x3FC5] =	sst s3  }
0x8f: {  	_ = 	snop  }
0x90: {  	s3 =	sld [smem:$0x3FC9]  }
0x91: {  	s4 =	sld [smem:$0x3FC8]  }
0x92: {  	s5 =	sld [smem:$0x3FC7]  }
0x93: {  	s6 =	sld [smem:$0x3FD0];
	(tm) =	ssettm $0x1  }
0x94: {  	s7 =	sld [smem:$0x3FFB];
	_ =	sdelay $0x3  }
0x95: {  	_ =	strace s7  }
0x96: {  	s7 =	sld [smem:$0x3FFC];
	_ =	sdelay $0x3  }
0x97: {  	_ =	strace s7  }
0x98: {  	s7 =	sld [smem:$0x3FFD];
	_ =	sdelay $0x3  }
0x99: {  	_ =	strace s7  }
0x9a: {  	_ =	strace $0x8FFFFFFF  }
0x9b: {  	s19 =	sld [smem:$0x3FDB];
	_ =	sdelay $0x1  }
0x9c: {  	s8 =	simm.s32 $_scs_section_size  }
0x9d: {  	s9 =	simm.s32 $_size__tile_overlayer_lowered;
	s10 =	simm.s32 $_tile_overlayer_lowered  }
0x9e: {  	s22 =	simm.s32 $0x1BFF;
	s21 =	sshll.u32 s10, $0x1;
	s7 =	sadd.s32 s8, s19  }
0x9f: {  	s11 =	simm.s32 $0x0;
	s20 =	sshll.u32 s9, $0x1;
	s9 =	sadd.s32 s21, s7  }
0xa0: {  	[timem:s11], [sflag:s22] =	dma.local [hbm:s9], s20  }
0xa1: {  	_ =	swait.ge [sflag:s22], s20  }
0xa2: {  	s8 =	ssub.s32 $0x0, s20;
	[sflag:s22] =	ssyncset.done $0x0  }
0xa3: {  	[sflag:s22] =	ssyncadd.s32 s8;
	_ =	sdelay $0x1  }
0xa4: {  	s23 =	simm.s32 $0x1B8B  }
0xa5: {  	_ =	swait.ge [sflag:s23], $0x1  }
0xa6: {  	[sflag:s23] =	ssyncset.done $0x0  }
0xa7: {  	s24 =	simm.s32 $0x1B8E;
	[sflag:s23] =	ssyncadd.s32 $0xFFFFFFFF  }
0xa8: {  	s25 =	simm.s32 $execute0_lowered;
	[smem:$0x3FD2] =	sst s24  }
0xa9: {  	s8 =	sshll.u32 s25, $0x1;
	_ =	strace $0x80000046;
	[dreg:$0x1] =	wrdreg $0xFFFFFFFF  }
0xaa: {  	s26 =	simm.s32 $_size_execute0_lowered;
	s7 =	sadd.s32 s7, s8;
	[dreg:$0x0] =	wrdreg $0x0  }
0xab: {  	s8 =	sshll.u32 s26, $0x1;
	[dreg:$0x2] =	wrdreg s7  }
0xac: {  	[dreg:$0x3] =	wrdreg s8  }
0xad: {  	[dreg:$0x4] =	wrdreg $0xC0  }
0xae: {  	_ =	task [dreg:s11], $0x5FFFF  }
0xaf: {  	[dreg:$0x1] =	wrdreg $0xFFFFFFFF  }
0xb0: {  	[dreg:$0x0] =	wrdreg $0x60  }
0xb1: {  	[dreg:$0x2] =	wrdreg s3  }
0xb2: {  	[dreg:$0x3] =	wrdreg s4  }
0xb3: {  	[dreg:$0x4] =	wrdreg s5  }
0xb4: {  	s28 =	sadd.s32 $0x800, s2;
	[dreg:$0x5] =	wrdreg s6  }
0xb5: {  	s2 =	sadd.s32 $0xF42C00, s2;
	[dreg:$0x6] =	wrdreg s28  }
0xb6: {  	[dreg:$0x7] =	wrdreg s2  }
0xb7: {  	[dreg:$0x8] =	wrdreg $0x9  }
0xb8: {  	_ =	task.clear_ibuf [dreg:s11], $0x9FFFF;
	_ =	strace $0x90000046  }
0xb9: {  	s29 =	simm.s32 $0x9;
	_ =	strace $0x80000048  }
0xba: {  	_ =	swait.ge [sflag:s29], $0x1  }
0xbb: {  	[sflag:s29] =	ssyncadd.s32 $0xFFFFFFFF  }
0xbc: {  	_ =	strace $0x90000048  }
0xbd: {  	_ =	sfence  }
0xbe: {  	s30 =	sld [smem:$0x0];
	_ =	sdelay $0x2  }
0xbf: {  	s31 =	sshll.u32 s1, $0xD;
	s1 =	sshrl.u32 s1, $0x2  }
0xc0: {  	s3 =	sand.u32 $0x4000, s31;
	s1 =	sadd.s32 s1, s30  }
0xc1: {  	s0 =	sor.u32 s3, s0;
	s1 =	sshll.u32 s1, $0x11  }
0xc2: {  	s0 =	sor.u32 s1, s0  }
0xc3: {  	s0 =	sadd.s32 $0x8F2B, s0  }
0xc4: {  	[sflag:s0] =	ssyncadd.remote.s32 $0x1  }
0xc5: {  	_ =	sfence.sel $0xFFFF  }
0xc6: {  	[dreg:$0x0] =	wrdreg $0xFFFFFFFF;
	(pc) =	sbr.abs _section_cstart, $3  }
0xc7: {  	[dreg:$0x1] =	wrdreg $0xFFFFFFFF  }
0xc8: {  	_ =	task.clear_ibuf [dreg:s11], $0x2FFFF;
	_ =	strace $0x9FFFFFFF  }
0xc9: {  	(tm) =	ssettm $0x7FFFFFFF  }
tec
execute0_lowered:
.L_overlay_start_1:
0x0: {  	(tag) =	ssettag $0x1  }
0x1: {  	s0 =	rddreg [dreg:$0x0]  }
0x2: {  	s1 =	rddreg [dreg:$0x1]  }
0x3: {  	s9 =	rddreg [dreg:$0x3]  }
0x4: {  	s4 =	rddreg [dreg:$0x4]  }
0x5: {  	s11 =	rddreg [dreg:$0x5];
	s2 =	srdreg.scid  }
0x6: {  	s6 =	simm.s32 $0x0;
	s3 =	stileid.u32;
	s28 =	simm.s32 $0x1080  }
0x7: {  	s29 =	simm.s32 $0x2080;
	s30 =	simm.s32 $0x1;
	s31 =	simm.s32 $0x3080  }
0x8: {  	s2 =	sand.u32 $0x1, s2;
	[smem:$0x7FF] =	sst s6;
	s8 =	sshll.u32 s3, $0x1  }
0x9: {  	s22 =	sadd.s32 $0x4000, s9;
	s23 =	sadd.s32 $0x8000, s9;
	p0 =	sne.s32 s3, $0x0  }
0xa: {  	s24 =	sadd.s32 $0xC000, s9;
	p1 =	sgt.u32 s3, $0x1;
	s9 =	simm.s32 $0x9  }
0xb: {  	s3 =	simm.s32 $0x1E280;
	_ =	strace $0x80000047;
	[dreg:$0x10] =	wrdreg s22  }
0xc: {  	s5 =	ssub.s32 $0x2, s2;
	s13 =	sor.u32 s2, s8;
	[dreg:$0x11] =	wrdreg s23  }
0xd: {  	s14 =	sshll.u32 s2, $0x4;
	[dreg:$0x12] =	wrdreg s24;
	s23 =	simm.s32 $0x400  }
0xe: {  	s22 =	simm.s32 $0x17280;
	s8 =	simm.s32 $0x1C280;
	s24 =	simm.s32 $0xC  }
0xf: {  	s7 =	sshrl.u32 s5, $0x1;
	s15 =	sshll.u32 s13, $0x7;
	s16 =	sor.u32 $0x1E80, s13  }
0x10: {  	s10 =	sshll.u32 s13, $0xA;
	s19 =	sxor.u32 $0x10, s14;
	[dreg:$0x8] =	wrdreg s14  }
0x11: {  	[dreg:$0x7] =	wrdreg s13;
	p2 =	sne.s32 s13, $0x4;
	s12 =	sadd.s32 s1, s15  }
0x12: {  	s5 =	ssub.s32 s5, s7;
	s2 =	sadd.s32 s0, s15;
	[dreg:$0x9] =	wrdreg s12  }
0x13: {  	s17 =	sshll.u32 s16, $0x7;
	s26 =	sadd.s32 s19, s11;
	[dreg:$0xc] =	wrdreg s2  }
0x14: {  	s18 =	sshll.u32 s16, $0xB;
	s12 =	sadd.s32 $0x1000, s12;
	[dreg:$0x16] =	wrdreg s26  }
0x15: {  	s16 =	simm.s32 $0xB280;
	s20 =	sadd.s32 $0x10, s2;
	[dreg:$0xa] =	wrdreg s12  }
0x16: {  	s15 =	simm.s32 $0xB;
	s21 =	sadd.s32 $0x20, s2;
	[dreg:$0xd] =	wrdreg s20  }
0x17: {  	s2 =	sadd.s32 $0x30, s2;
	s25 =	smax.u32 s5, $0x1;
	[dreg:$0xe] =	wrdreg s21  }
0x18: {  	v0 =	vlaneseq.u32;
	v16 =	vimm.s32 $0x5CAB51AB;
	v17 =	vimm.s32 $0x0;
	s5 =	simm.s32 $0x7080;
	s26 =	simm.s32 $0x8000;
	[dreg:$0xf] =	wrdreg s2  }
0x19: {  	v1 =	vmul.u32 $0x80, v0;
	v2 =	vor.u32 $0x10, v0;
	v4 =	vor.u32 $0x20, v0;
	s12 =	sadd.s32 $0x2000, s1;
	s1 =	sadd.s32 s1, s17;
	[dreg:$0x13] =	wrdreg s25  }
0x1a: {  	v6 =	vor.u32 $0x30, v0;
	v8 =	vor.u32 $0x40, v0;
	v10 =	vor.u32 $0x50, v0;
	s2 =	sadd.s32 @!p0 s14, s11;
	s17 =	simm.s32 $0xF280;
	s21 =	simm.s32 $0x13280  }
0x1b: {  	v12 =	vor.u32 $0x60, v0;
	v14 =	vor.u32 $0x70, v0;
	v3 =	vor.u32 $0x800, v1;
	s14 =	simm.s32 $0x1B280;
	s11 =	simm.s32 $0x1D280;
	[dreg:$0xb] =	wrdreg s1  }
0x1c: {  	v5 =	vor.u32 $0x1000, v1;
	v7 =	vor.u32 $0x1800, v1;
	v9 =	vor.u32 $0x2000, v1;
	[dreg:$0x14] =	wrdreg s2;
	s1 =	sadd.s32 s18, s4;
	s2 =	simm.s32 $0xA  }
0x1d: {  	v11 =	vor.u32 $0x2800, v1;
	v13 =	vor.u32 $0x3000, v1;
	v15 =	vor.u32 $0x3800, v1;
	s18 =	simm.s32 $0x0;
	[dreg:$0x15] =	wrdreg s1;
	s1 =	simm.s32 $0x2  }
.LBB2_1:
0x1e: {  	[dreg:$0x17] =	wrdreg s18;
	v18 =	vimm.s32 @!p0 $0x0  }
0x1f: {  	s7 =	simm.s32 @!p0 $0x0;
	s18 =	simm.s32 @!p0 $0x1000;
	s13 =	rddreg [dreg:$0x14];
	[tilespmem:$0x1000] =	vst @!p0 v18  }
0x20: {  	[hbm4b:s13+s7] =	stream.linear.scatter @!p0 [tilespmem:s18], [sflag:$0x11], $0x80, $0x38;
	[tilespmem:$0x1F280] =	vst v63  }
0x21: {  	s7 =	simm.s32 @!p0 $0x11  }
0x22: {  	_ =	swait.ge @!p0 [sflag:s7], $0x80  }
0x23: {  	v18 =	vadd.s32 s6, v0;
	[sflag:s7] =	ssyncset.done @!p0 $0x0  }
0x24: {  	v18 =	vand.u32 $0x1F, v18;
	[sflag:s7] =	ssyncadd.s32 @!p0 $0xFFFFFF80  }
0x25: {  	s18 =	simm.s32 $0x0;
	s7 =	simm.s32 $0x1;
	[tilespmem:s6+$0x0] =	vst v18  }
.LBB2_2:
0x26: {  	p3 =	sne.s32 s7, $0x1F  }
.Ltmp0:
0x27: {  	_ = 	snop;
	(pc) =	sbr.rel @p3 .LBB2_2-.Ltmp0, $4  }
0x28: {  	_ = 	snop  }
0x29: {  	v18 =	vadd.s32 s7, v0;
	s7 =	sadd.s32 $0x1, s7  }
0x2a: {  	s18 =	sadd.s32 $0x80, s18;
	v18 =	vand.u32 $0x1F, v18  }
0x2b: {  	[tilespmem:s18+$0x0] =	vst v18  }
0x2c: {  	s7 =	rddreg [dreg:$0x9];
	s13 =	simm.s32 $0x7A1400  }
0x2d: {  	[tilespmem:s28], [sflag:$0x1] =	stream.strided.gather [hbm4b:s7+s23], $0x1000, s13, s23, $0x38;
	[tilespmem:$0x1F280] =	vst v63  }
0x2e: {  	s25 =	rddreg [dreg:$0xa];
	s7 =	simm.s32 $0x0  }
0x2f: {  	[tilespmem:s29], [sflag:$0x2] =	stream.strided.gather [hbm4b:s25+s23], $0x1000, s13, s23, $0x38;
	[tilespmem:$0x1F280] =	vst v63  }
.LBB2_4:
0x30: {  	_ =	swait.ge [sflag:s30], $0x1000  }
0x31: {  	p3 =	seq.s32 s7, $0x0;
	[sflag:s30] =	ssyncset.done $0x0  }
0x32: {  	s19 =	simm.s32 @!p3 $0x3;
	[sflag:s30] =	ssyncadd.s32 $0xFFFFF000  }
0x33: {  	s18 =	sshll.u32 s7, $0x6;
	_ =	swait.ge @!p3 [sflag:s19], $0x4000  }
0x34: {  	s20 =	simm.s32 $0x100;
	s13 =	rddreg [dreg:$0x7];
	[sflag:s19] =	ssyncset.done @!p3 $0x0  }
0x35: {  	s18 =	sor.u32 s13, s18;
	[sflag:s19] =	ssyncadd.s32 @!p3 $0xFFFFC000;
	s19 =	simm.s32 $0xFFFFFFFC  }
.LBB2_5:
0x36: {  	v18 =	vld [tilespmem:s20+$0xFFFFFF00];
	_ =	sdelay $0x4  }
0x37: {  	v19 =	vshll.u32 v18, $0x7  }
0x38: {  	v20 =	vor.u32 v0, v19;
	_ =	sdelay $0x4  }
0x39: {  	v21 =	vadd.s32 v1, v18;
	v20 =	vld.idx.msk [tilespmem:v20+s28+$0x0], $0xffff  }
0x3a: {  	v22 =	vor.u32 v2, v19;
	_ =	sdelay $0x3  }
0x3b: {  	[tilespmem:v21+s31+$0x0] =	vst.idx.msk $0xffff, v20  }
0x3c: {  	v51 =	vadd.s32 v3, v18;
	v20 =	vld.idx.msk [tilespmem:v22+s28+$0x0], $0xffff  }
0x3d: {  	v52 =	vor.u32 v4, v19;
	_ =	sdelay $0x3  }
0x3e: {  	[tilespmem:v51+s31+$0x0] =	vst.idx.msk $0xffff, v20  }
0x3f: {  	v53 =	vadd.s32 v5, v18;
	v20 =	vld.idx.msk [tilespmem:v52+s28+$0x0], $0xffff  }
0x40: {  	v54 =	vor.u32 v6, v19;
	_ =	sdelay $0x3  }
0x41: {  	[tilespmem:v53+s31+$0x0] =	vst.idx.msk $0xffff, v20  }
0x42: {  	v55 =	vadd.s32 v7, v18;
	v20 =	vld.idx.msk [tilespmem:v54+s28+$0x0], $0xffff  }
0x43: {  	v56 =	vor.u32 v8, v19;
	_ =	sdelay $0x3  }
0x44: {  	[tilespmem:v55+s31+$0x0] =	vst.idx.msk $0xffff, v20  }
0x45: {  	v57 =	vadd.s32 v9, v18;
	v20 =	vld.idx.msk [tilespmem:v56+s28+$0x0], $0xffff  }
0x46: {  	v58 =	vor.u32 v10, v19;
	_ =	sdelay $0x3  }
0x47: {  	[tilespmem:v57+s31+$0x0] =	vst.idx.msk $0xffff, v20  }
0x48: {  	v59 =	vadd.s32 v11, v18;
	v20 =	vld.idx.msk [tilespmem:v58+s28+$0x0], $0xffff  }
0x49: {  	v60 =	vor.u32 v12, v19;
	_ =	sdelay $0x3  }
0x4a: {  	[tilespmem:v59+s31+$0x0] =	vst.idx.msk $0xffff, v20  }
0x4b: {  	v61 =	vadd.s32 v13, v18;
	v20 =	vld.idx.msk [tilespmem:v60+s28+$0x0], $0xffff  }
0x4c: {  	v19 =	vor.u32 v14, v19;
	_ =	sdelay $0x3  }
0x4d: {  	[tilespmem:v61+s31+$0x0] =	vst.idx.msk $0xffff, v20  }
0x4e: {  	v18 =	vadd.s32 v15, v18;
	v19 =	vld.idx.msk [tilespmem:v19+s28+$0x0], $0xffff;
	_ =	sdelay $0x4  }
0x4f: {  	[tilespmem:v18+s31+$0x0] =	vst.idx.msk $0xffff, v19  }
0x50: {  	v18 =	vld [tilespmem:s20+$0xFFFFFF80];
	_ =	sdelay $0x4  }
0x51: {  	v19 =	vshll.u32 v18, $0x7  }
0x52: {  	v62 =	vor.u32 v0, v19;
	_ =	sdelay $0x4  }
0x53: {  	v63 =	vadd.s32 v1, v18;
	v20 =	vld.idx.msk [tilespmem:v62+s28+$0x0], $0xffff  }
0x54: {  	v24 =	vor.u32 v2, v19;
	_ =	sdelay $0x3  }
0x55: {  	[tilespmem:v63+s31+$0x0] =	vst.idx.msk $0xffff, v20  }
0x56: {  	v25 =	vadd.s32 v3, v18;
	v20 =	vld.idx.msk [tilespmem:v24+s28+$0x0], $0xffff  }
0x57: {  	v26 =	vor.u32 v4, v19;
	_ =	sdelay $0x3  }
0x58: {  	[tilespmem:v25+s31+$0x0] =	vst.idx.msk $0xffff, v20  }
0x59: {  	v27 =	vadd.s32 v5, v18;
	v20 =	vld.idx.msk [tilespmem:v26+s28+$0x0], $0xffff  }
0x5a: {  	v28 =	vor.u32 v6, v19;
	_ =	sdelay $0x3  }
0x5b: {  	[tilespmem:v27+s31+$0x0] =	vst.idx.msk $0xffff, v20  }
0x5c: {  	v29 =	vadd.s32 v7, v18;
	v20 =	vld.idx.msk [tilespmem:v28+s28+$0x0], $0xffff  }
0x5d: {  	v30 =	vor.u32 v8, v19;
	_ =	sdelay $0x3  }
0x5e: {  	[tilespmem:v29+s31+$0x0] =	vst.idx.msk $0xffff, v20  }
0x5f: {  	v31 =	vadd.s32 v9, v18;
	v20 =	vld.idx.msk [tilespmem:v30+s28+$0x0], $0xffff  }
0x60: {  	v32 =	vor.u32 v10, v19;
	_ =	sdelay $0x3  }
0x61: {  	[tilespmem:v31+s31+$0x0] =	vst.idx.msk $0xffff, v20  }
0x62: {  	v33 =	vadd.s32 v11, v18;
	v20 =	vld.idx.msk [tilespmem:v32+s28+$0x0], $0xffff  }
0x63: {  	v34 =	vor.u32 v12, v19;
	_ =	sdelay $0x3  }
0x64: {  	[tilespmem:v33+s31+$0x0] =	vst.idx.msk $0xffff, v20  }
0x65: {  	v35 =	vadd.s32 v13, v18;
	v20 =	vld.idx.msk [tilespmem:v34+s28+$0x0], $0xffff  }
0x66: {  	v19 =	vor.u32 v14, v19;
	_ =	sdelay $0x3  }
0x67: {  	[tilespmem:v35+s31+$0x0] =	vst.idx.msk $0xffff, v20  }
0x68: {  	v18 =	vadd.s32 v15, v18;
	v19 =	vld.idx.msk [tilespmem:v19+s28+$0x0], $0xffff;
	_ =	sdelay $0x4  }
0x69: {  	[tilespmem:v18+s31+$0x0] =	vst.idx.msk $0xffff, v19  }
0x6a: {  	v18 =	vld [tilespmem:s20+$0x0];
	_ =	sdelay $0x4  }
0x6b: {  	v19 =	vshll.u32 v18, $0x7  }
0x6c: {  	v36 =	vor.u32 v0, v19;
	_ =	sdelay $0x4  }
0x6d: {  	v37 =	vadd.s32 v1, v18;
	v20 =	vld.idx.msk [tilespmem:v36+s28+$0x0], $0xffff  }
0x6e: {  	v38 =	vor.u32 v2, v19;
	_ =	sdelay $0x3  }
0x6f: {  	[tilespmem:v37+s31+$0x0] =	vst.idx.msk $0xffff, v20  }
0x70: {  	v39 =	vadd.s32 v3, v18;
	v20 =	vld.idx.msk [tilespmem:v38+s28+$0x0], $0xffff  }
0x71: {  	v40 =	vor.u32 v4, v19;
	_ =	sdelay $0x3  }
0x72: {  	[tilespmem:v39+s31+$0x0] =	vst.idx.msk $0xffff, v20  }
0x73: {  	v41 =	vadd.s32 v5, v18;
	v20 =	vld.idx.msk [tilespmem:v40+s28+$0x0], $0xffff  }
0x74: {  	v42 =	vor.u32 v6, v19;
	_ =	sdelay $0x3  }
0x75: {  	[tilespmem:v41+s31+$0x0] =	vst.idx.msk $0xffff, v20  }
0x76: {  	v43 =	vadd.s32 v7, v18;
	v20 =	vld.idx.msk [tilespmem:v42+s28+$0x0], $0xffff  }
0x77: {  	v44 =	vor.u32 v8, v19;
	_ =	sdelay $0x3  }
0x78: {  	[tilespmem:v43+s31+$0x0] =	vst.idx.msk $0xffff, v20  }
0x79: {  	v45 =	vadd.s32 v9, v18;
	v20 =	vld.idx.msk [tilespmem:v44+s28+$0x0], $0xffff  }
0x7a: {  	v46 =	vor.u32 v10, v19;
	_ =	sdelay $0x3  }
0x7b: {  	[tilespmem:v45+s31+$0x0] =	vst.idx.msk $0xffff, v20  }
0x7c: {  	v47 =	vadd.s32 v11, v18;
	v20 =	vld.idx.msk [tilespmem:v46+s28+$0x0], $0xffff  }
0x7d: {  	v48 =	vor.u32 v12, v19;
	_ =	sdelay $0x3  }
0x7e: {  	[tilespmem:v47+s31+$0x0] =	vst.idx.msk $0xffff, v20  }
0x7f: {  	v49 =	vadd.s32 v13, v18;
	v20 =	vld.idx.msk [tilespmem:v48+s28+$0x0], $0xffff  }
0x80: {  	v19 =	vor.u32 v14, v19;
	_ =	sdelay $0x3  }
0x81: {  	[tilespmem:v49+s31+$0x0] =	vst.idx.msk $0xffff, v20  }
0x82: {  	v18 =	vadd.s32 v15, v18;
	v19 =	vld.idx.msk [tilespmem:v19+s28+$0x0], $0xffff;
	_ =	sdelay $0x4  }
0x83: {  	[tilespmem:v18+s31+$0x0] =	vst.idx.msk $0xffff, v19  }
0x84: {  	v18 =	vld [tilespmem:s20+$0x80];
	_ =	sdelay $0x4  }
0x85: {  	v19 =	vshll.u32 v18, $0x7  }
0x86: {  	v50 =	vor.u32 v0, v19;
	_ =	sdelay $0x4  }
0x87: {  	v51 =	vadd.s32 v1, v18;
	v20 =	vld.idx.msk [tilespmem:v50+s28+$0x0], $0xffff  }
0x88: {  	v52 =	vor.u32 v2, v19;
	_ =	sdelay $0x3  }
0x89: {  	[tilespmem:v51+s31+$0x0] =	vst.idx.msk $0xffff, v20  }
0x8a: {  	v53 =	vadd.s32 v3, v18;
	v20 =	vld.idx.msk [tilespmem:v52+s28+$0x0], $0xffff  }
0x8b: {  	v54 =	vor.u32 v4, v19;
	_ =	sdelay $0x3  }
0x8c: {  	[tilespmem:v53+s31+$0x0] =	vst.idx.msk $0xffff, v20  }
0x8d: {  	v55 =	vadd.s32 v5, v18;
	v20 =	vld.idx.msk [tilespmem:v54+s28+$0x0], $0xffff  }
0x8e: {  	v56 =	vor.u32 v6, v19;
	_ =	sdelay $0x3  }
0x8f: {  	[tilespmem:v55+s31+$0x0] =	vst.idx.msk $0xffff, v20  }
0x90: {  	v57 =	vadd.s32 v7, v18;
	v20 =	vld.idx.msk [tilespmem:v56+s28+$0x0], $0xffff  }
0x91: {  	v58 =	vor.u32 v8, v19;
	_ =	sdelay $0x3  }
0x92: {  	[tilespmem:v57+s31+$0x0] =	vst.idx.msk $0xffff, v20  }
0x93: {  	v59 =	vadd.s32 v9, v18;
	v20 =	vld.idx.msk [tilespmem:v58+s28+$0x0], $0xffff  }
0x94: {  	v60 =	vor.u32 v10, v19;
	_ =	sdelay $0x3  }
0x95: {  	[tilespmem:v59+s31+$0x0] =	vst.idx.msk $0xffff, v20  }
0x96: {  	v61 =	vadd.s32 v11, v18;
	v20 =	vld.idx.msk [tilespmem:v60+s28+$0x0], $0xffff  }
0x97: {  	v62 =	vor.u32 v12, v19;
	_ =	sdelay $0x3  }
0x98: {  	[tilespmem:v61+s31+$0x0] =	vst.idx.msk $0xffff, v20  }
0x99: {  	v63 =	vadd.s32 v13, v18;
	v20 =	vld.idx.msk [tilespmem:v62+s28+$0x0], $0xffff  }
0x9a: {  	v19 =	vor.u32 v14, v19;
	_ =	sdelay $0x3  }
0x9b: {  	s19 =	sadd.s32 $0x4, s19;
	[tilespmem:v63+s31+$0x0] =	vst.idx.msk $0xffff, v20  }
0x9c: {  	p4 =	slt.u32 s19, $0x1C;
	v18 =	vadd.s32 v15, v18;
	v19 =	vld.idx.msk [tilespmem:v19+s28+$0x0], $0xffff  }
.Ltmp1:
0x9d: {  	_ = 	snop;
	(pc) =	sbr.rel @p4 .LBB2_5-.Ltmp1, $2  }
0x9e: {  	_ =	sdelay $0x2  }
0x9f: {  	s20 =	sadd.s32 $0x200, s20;
	[tilespmem:v18+s31+$0x0] =	vst.idx.msk $0xffff, v19  }
0xa0: {  	p4 =	seq.s32 s7, $0x79  }
0xa1: {  	s19 =	sshll.u32 @!p4 s18, $0x7;
	s20 =	simm.s32 @!p4 $0x400  }
0xa2: {  	s25 =	simm.s32 @!p4 $0x7A1400;
	s13 =	simm.s32 @!p4 $0x1080;
	s19 =	sadd.s32 @!p4 s19, s12  }
0xa3: {  	[tilespmem:s13], [sflag:$0x1] =	stream.strided.gather @!p4 [hbm4b:s19+s20], $0x1000, s25, s20, $0x38;
	[tilespmem:$0x1F280] =	vst v63  }
0xa4: {  	s25 =	sshll.u32 s18, $0xB  }
0xa5: {  	s13 =	sadd.s32 s25, s4  }
0xa6: {  	[hbm4b:s13+s6] =	stream.linear.scatter [tilespmem:s31], [sflag:$0x3], $0x4000, $0x38;
	[tilespmem:$0x1F280] =	vst v63  }
0xa7: {  	_ =	swait.ge [sflag:s1], $0x1000  }
0xa8: {  	[sflag:s1] =	ssyncset.done $0x0  }
0xa9: {  	s13 =	simm.s32 @!p3 $0x4;
	[sflag:s1] =	ssyncadd.s32 $0xFFFFF000  }
0xaa: {  	_ =	swait.ge @!p3 [sflag:s13], $0x4000  }
0xab: {  	s18 =	sor.u32 $0x20, s18;
	[sflag:s13] =	ssyncset.done @!p3 $0x0  }
0xac: {  	s19 =	simm.s32 $0xFFFFFFFC;
	s20 =	simm.s32 $0x100;
	[sflag:s13] =	ssyncadd.s32 @!p3 $0xFFFFC000  }
.LBB2_7:
0xad: {  	v18 =	vld [tilespmem:s20+$0xFFFFFF00];
	_ =	sdelay $0x4  }
0xae: {  	v19 =	vshll.u32 v18, $0x7  }
0xaf: {  	v20 =	vor.u32 v0, v19;
	_ =	sdelay $0x4  }
0xb0: {  	v21 =	vadd.s32 v1, v18;
	v20 =	vld.idx.msk [tilespmem:v20+s29+$0x0], $0xffff  }
0xb1: {  	v22 =	vor.u32 v2, v19;
	_ =	sdelay $0x3  }
0xb2: {  	[tilespmem:v21+s5+$0x0] =	vst.idx.msk $0xffff, v20  }
0xb3: {  	v51 =	vadd.s32 v3, v18;
	v20 =	vld.idx.msk [tilespmem:v22+s29+$0x0], $0xffff  }
0xb4: {  	v52 =	vor.u32 v4, v19;
	_ =	sdelay $0x3  }
0xb5: {  	[tilespmem:v51+s5+$0x0] =	vst.idx.msk $0xffff, v20  }
0xb6: {  	v53 =	vadd.s32 v5, v18;
	v20 =	vld.idx.msk [tilespmem:v52+s29+$0x0], $0xffff  }
0xb7: {  	v54 =	vor.u32 v6, v19;
	_ =	sdelay $0x3  }
0xb8: {  	[tilespmem:v53+s5+$0x0] =	vst.idx.msk $0xffff, v20  }
0xb9: {  	v55 =	vadd.s32 v7, v18;
	v20 =	vld.idx.msk [tilespmem:v54+s29+$0x0], $0xffff  }
0xba: {  	v56 =	vor.u32 v8, v19;
	_ =	sdelay $0x3  }
0xbb: {  	[tilespmem:v55+s5+$0x0] =	vst.idx.msk $0xffff, v20  }
0xbc: {  	v57 =	vadd.s32 v9, v18;
	v20 =	vld.idx.msk [tilespmem:v56+s29+$0x0], $0xffff  }
0xbd: {  	v58 =	vor.u32 v10, v19;
	_ =	sdelay $0x3  }
0xbe: {  	[tilespmem:v57+s5+$0x0] =	vst.idx.msk $0xffff, v20  }
0xbf: {  	v59 =	vadd.s32 v11, v18;
	v20 =	vld.idx.msk [tilespmem:v58+s29+$0x0], $0xffff  }
0xc0: {  	v60 =	vor.u32 v12, v19;
	_ =	sdelay $0x3  }
0xc1: {  	[tilespmem:v59+s5+$0x0] =	vst.idx.msk $0xffff, v20  }
0xc2: {  	v61 =	vadd.s32 v13, v18;
	v20 =	vld.idx.msk [tilespmem:v60+s29+$0x0], $0xffff  }
0xc3: {  	v19 =	vor.u32 v14, v19;
	_ =	sdelay $0x3  }
0xc4: {  	[tilespmem:v61+s5+$0x0] =	vst.idx.msk $0xffff, v20  }
0xc5: {  	v18 =	vadd.s32 v15, v18;
	v19 =	vld.idx.msk [tilespmem:v19+s29+$0x0], $0xffff;
	_ =	sdelay $0x4  }
0xc6: {  	[tilespmem:v18+s5+$0x0] =	vst.idx.msk $0xffff, v19  }
0xc7: {  	v18 =	vld [tilespmem:s20+$0xFFFFFF80];
	_ =	sdelay $0x4  }
0xc8: {  	v19 =	vshll.u32 v18, $0x7  }
0xc9: {  	v62 =	vor.u32 v0, v19;
	_ =	sdelay $0x4  }
0xca: {  	v63 =	vadd.s32 v1, v18;
	v20 =	vld.idx.msk [tilespmem:v62+s29+$0x0], $0xffff  }
0xcb: {  	v24 =	vor.u32 v2, v19;
	_ =	sdelay $0x3  }
0xcc: {  	[tilespmem:v63+s5+$0x0] =	vst.idx.msk $0xffff, v20  }
0xcd: {  	v25 =	vadd.s32 v3, v18;
	v20 =	vld.idx.msk [tilespmem:v24+s29+$0x0], $0xffff  }
0xce: {  	v26 =	vor.u32 v4, v19;
	_ =	sdelay $0x3  }
0xcf: {  	[tilespmem:v25+s5+$0x0] =	vst.idx.msk $0xffff, v20  }
0xd0: {  	v27 =	vadd.s32 v5, v18;
	v20 =	vld.idx.msk [tilespmem:v26+s29+$0x0], $0xffff  }
0xd1: {  	v28 =	vor.u32 v6, v19;
	_ =	sdelay $0x3  }
0xd2: {  	[tilespmem:v27+s5+$0x0] =	vst.idx.msk $0xffff, v20  }
0xd3: {  	v29 =	vadd.s32 v7, v18;
	v20 =	vld.idx.msk [tilespmem:v28+s29+$0x0], $0xffff  }
0xd4: {  	v30 =	vor.u32 v8, v19;
	_ =	sdelay $0x3  }
0xd5: {  	[tilespmem:v29+s5+$0x0] =	vst.idx.msk $0xffff, v20  }
0xd6: {  	v31 =	vadd.s32 v9, v18;
	v20 =	vld.idx.msk [tilespmem:v30+s29+$0x0], $0xffff  }
0xd7: {  	v32 =	vor.u32 v10, v19;
	_ =	sdelay $0x3  }
0xd8: {  	[tilespmem:v31+s5+$0x0] =	vst.idx.msk $0xffff, v20  }
0xd9: {  	v33 =	vadd.s32 v11, v18;
	v20 =	vld.idx.msk [tilespmem:v32+s29+$0x0], $0xffff  }
0xda: {  	v34 =	vor.u32 v12, v19;
	_ =	sdelay $0x3  }
0xdb: {  	[tilespmem:v33+s5+$0x0] =	vst.idx.msk $0xffff, v20  }
0xdc: {  	v35 =	vadd.s32 v13, v18;
	v20 =	vld.idx.msk [tilespmem:v34+s29+$0x0], $0xffff  }
0xdd: {  	v19 =	vor.u32 v14, v19;
	_ =	sdelay $0x3  }
0xde: {  	[tilespmem:v35+s5+$0x0] =	vst.idx.msk $0xffff, v20  }
0xdf: {  	v18 =	vadd.s32 v15, v18;
	v19 =	vld.idx.msk [tilespmem:v19+s29+$0x0], $0xffff;
	_ =	sdelay $0x4  }
0xe0: {  	[tilespmem:v18+s5+$0x0] =	vst.idx.msk $0xffff, v19  }
0xe1: {  	v18 =	vld [tilespmem:s20+$0x0];
	_ =	sdelay $0x4  }
0xe2: {  	v19 =	vshll.u32 v18, $0x7  }
0xe3: {  	v36 =	vor.u32 v0, v19;
	_ =	sdelay $0x4  }
0xe4: {  	v37 =	vadd.s32 v1, v18;
	v20 =	vld.idx.msk [tilespmem:v36+s29+$0x0], $0xffff  }
0xe5: {  	v38 =	vor.u32 v2, v19;
	_ =	sdelay $0x3  }
0xe6: {  	[tilespmem:v37+s5+$0x0] =	vst.idx.msk $0xffff, v20  }
0xe7: {  	v39 =	vadd.s32 v3, v18;
	v20 =	vld.idx.msk [tilespmem:v38+s29+$0x0], $0xffff  }
0xe8: {  	v40 =	vor.u32 v4, v19;
	_ =	sdelay $0x3  }
0xe9: {  	[tilespmem:v39+s5+$0x0] =	vst.idx.msk $0xffff, v20  }
0xea: {  	v41 =	vadd.s32 v5, v18;
	v20 =	vld.idx.msk [tilespmem:v40+s29+$0x0], $0xffff  }
0xeb: {  	v42 =	vor.u32 v6, v19;
	_ =	sdelay $0x3  }
0xec: {  	[tilespmem:v41+s5+$0x0] =	vst.idx.msk $0xffff, v20  }
0xed: {  	v43 =	vadd.s32 v7, v18;
	v20 =	vld.idx.msk [tilespmem:v42+s29+$0x0], $0xffff  }
0xee: {  	v44 =	vor.u32 v8, v19;
	_ =	sdelay $0x3  }
0xef: {  	[tilespmem:v43+s5+$0x0] =	vst.idx.msk $0xffff, v20  }
0xf0: {  	v45 =	vadd.s32 v9, v18;
	v20 =	vld.idx.msk [tilespmem:v44+s29+$0x0], $0xffff  }
0xf1: {  	v46 =	vor.u32 v10, v19;
	_ =	sdelay $0x3  }
0xf2: {  	[tilespmem:v45+s5+$0x0] =	vst.idx.msk $0xffff, v20  }
0xf3: {  	v47 =	vadd.s32 v11, v18;
	v20 =	vld.idx.msk [tilespmem:v46+s29+$0x0], $0xffff  }
0xf4: {  	v48 =	vor.u32 v12, v19;
	_ =	sdelay $0x3  }
0xf5: {  	[tilespmem:v47+s5+$0x0] =	vst.idx.msk $0xffff, v20  }
0xf6: {  	v49 =	vadd.s32 v13, v18;
	v20 =	vld.idx.msk [tilespmem:v48+s29+$0x0], $0xffff  }
0xf7: {  	v19 =	vor.u32 v14, v19;
	_ =	sdelay $0x3  }
0xf8: {  	[tilespmem:v49+s5+$0x0] =	vst.idx.msk $0xffff, v20  }
0xf9: {  	v18 =	vadd.s32 v15, v18;
	v19 =	vld.idx.msk [tilespmem:v19+s29+$0x0], $0xffff;
	_ =	sdelay $0x4  }
0xfa: {  	[tilespmem:v18+s5+$0x0] =	vst.idx.msk $0xffff, v19  }
0xfb: {  	v18 =	vld [tilespmem:s20+$0x80];
	_ =	sdelay $0x4  }
0xfc: {  	v19 =	vshll.u32 v18, $0x7  }
0xfd: {  	v50 =	vor.u32 v0, v19;
	_ =	sdelay $0x4  }
0xfe: {  	v51 =	vadd.s32 v1, v18;
	v20 =	vld.idx.msk [tilespmem:v50+s29+$0x0], $0xffff  }
0xff: {  	v52 =	vor.u32 v2, v19;
	_ =	sdelay $0x3  }
0x100: {  	[tilespmem:v51+s5+$0x0] =	vst.idx.msk $0xffff, v20  }
0x101: {  	v53 =	vadd.s32 v3, v18;
	v20 =	vld.idx.msk [tilespmem:v52+s29+$0x0], $0xffff  }
0x102: {  	v54 =	vor.u32 v4, v19;
	_ =	sdelay $0x3  }
0x103: {  	[tilespmem:v53+s5+$0x0] =	vst.idx.msk $0xffff, v20  }
0x104: {  	v55 =	vadd.s32 v5, v18;
	v20 =	vld.idx.msk [tilespmem:v54+s29+$0x0], $0xffff  }
0x105: {  	v56 =	vor.u32 v6, v19;
	_ =	sdelay $0x3  }
0x106: {  	[tilespmem:v55+s5+$0x0] =	vst.idx.msk $0xffff, v20  }
0x107: {  	v57 =	vadd.s32 v7, v18;
	v20 =	vld.idx.msk [tilespmem:v56+s29+$0x0], $0xffff  }
0x108: {  	v58 =	vor.u32 v8, v19;
	_ =	sdelay $0x3  }
0x109: {  	[tilespmem:v57+s5+$0x0] =	vst.idx.msk $0xffff, v20  }
0x10a: {  	v59 =	vadd.s32 v9, v18;
	v20 =	vld.idx.msk [tilespmem:v58+s29+$0x0], $0xffff  }
0x10b: {  	v60 =	vor.u32 v10, v19;
	_ =	sdelay $0x3  }
0x10c: {  	[tilespmem:v59+s5+$0x0] =	vst.idx.msk $0xffff, v20  }
0x10d: {  	v61 =	vadd.s32 v11, v18;
	v20 =	vld.idx.msk [tilespmem:v60+s29+$0x0], $0xffff  }
0x10e: {  	v62 =	vor.u32 v12, v19;
	_ =	sdelay $0x3  }
0x10f: {  	[tilespmem:v61+s5+$0x0] =	vst.idx.msk $0xffff, v20  }
0x110: {  	v63 =	vadd.s32 v13, v18;
	v20 =	vld.idx.msk [tilespmem:v62+s29+$0x0], $0xffff  }
0x111: {  	v19 =	vor.u32 v14, v19;
	_ =	sdelay $0x3  }
0x112: {  	s19 =	sadd.s32 $0x4, s19;
	[tilespmem:v63+s5+$0x0] =	vst.idx.msk $0xffff, v20  }
0x113: {  	p3 =	slt.u32 s19, $0x1C;
	v18 =	vadd.s32 v15, v18;
	v19 =	vld.idx.msk [tilespmem:v19+s29+$0x0], $0xffff  }
.Ltmp2:
0x114: {  	_ = 	snop;
	(pc) =	sbr.rel @p3 .LBB2_7-.Ltmp2, $2  }
0x115: {  	_ =	sdelay $0x2  }
0x116: {  	s20 =	sadd.s32 $0x200, s20;
	[tilespmem:v18+s5+$0x0] =	vst.idx.msk $0xffff, v19  }
0x117: {  	s13 =	sshll.u32 @!p4 s18, $0x7;
	s7 =	sadd.s32 $0x1, s7  }
0x118: {  	s19 =	simm.s32 @!p4 $0x400;
	s20 =	simm.s32 @!p4 $0x7A1400;
	p3 =	sne.s32 s7, $0x7A  }
.Ltmp3:
0x119: {  	s25 =	simm.s32 @!p4 $0x2080;
	s13 =	sadd.s32 @!p4 s13, s12;
	(pc) =	sbr.rel @p3 .LBB2_4-.Ltmp3, $4  }
0x11a: {  	[tilespmem:s25], [sflag:$0x2] =	stream.strided.gather @!p4 [hbm4b:s13+s19], $0x1000, s20, s19, $0x38;
	[tilespmem:$0x1F280] =	vst v63  }
0x11b: {  	s25 =	sshll.u32 s18, $0xB  }
0x11c: {  	s13 =	sadd.s32 s25, s4  }
0x11d: {  	[hbm4b:s13+s6] =	stream.linear.scatter [tilespmem:s5], [sflag:$0x4], $0x4000, $0x38;
	[tilespmem:$0x1F280] =	vst v63  }
0x11e: {  	s7 =	simm.s32 $0x3  }
0x11f: {  	_ =	swait.ge [sflag:s7], $0x4000  }
.Ltmp4:
0x120: {  	[sflag:s7] =	ssyncset.done $0x0;
	(pc) =	sbr.rel @p1 .LBB2_13-.Ltmp4, $4  }
0x121: {  	s25 =	simm.s32 $0x4;
	[sflag:s7] =	ssyncadd.s32 $0xFFFFC000  }
0x122: {  	_ =	swait.ge [sflag:s25], $0x4000  }
0x123: {  	[sflag:s25] =	ssyncset.done $0x0  }
0x124: {  	s19 =	simm.s32 $0x11;
	s20 =	simm.s32 $0x1000;
	[sflag:s25] =	ssyncadd.s32 $0xFFFFC000  }
0x125: {  	s7 =	rddreg [dreg:$0xb];
	s13 =	simm.s32 $0x7A1400  }
0x126: {  	[tilespmem:s28], [sflag:$0x11] =	stream.strided.gather [hbm4b:s7+s23], $0x1000, s13, s23, $0x38;
	[tilespmem:$0x1F280] =	vst v63  }
0x127: {  	_ =	swait.ge [sflag:s19], $0x1000  }
0x128: {  	[sflag:s19] =	ssyncset.done $0x0  }
0x129: {  	s18 =	simm.s32 $0x100;
	s7 =	simm.s32 $0xFFFFFFFC;
	[sflag:s19] =	ssyncadd.s32 $0xFFFFF000  }
.LBB2_11:
0x12a: {  	v18 =	vld [tilespmem:s18+$0xFFFFFF00];
	_ =	sdelay $0x4  }
0x12b: {  	v19 =	vshll.u32 v18, $0x7  }
0x12c: {  	v20 =	vor.u32 v0, v19;
	_ =	sdelay $0x4  }
0x12d: {  	v21 =	vadd.s32 v1, v18;
	v20 =	vld.idx.msk [tilespmem:v20+s28+$0x0], $0xffff  }
0x12e: {  	v22 =	vor.u32 v2, v19;
	_ =	sdelay $0x3  }
0x12f: {  	[tilespmem:v21+s31+$0x0] =	vst.idx.msk $0xffff, v20  }
0x130: {  	v51 =	vadd.s32 v3, v18;
	v20 =	vld.idx.msk [tilespmem:v22+s28+$0x0], $0xffff  }
0x131: {  	v52 =	vor.u32 v4, v19;
	_ =	sdelay $0x3  }
0x132: {  	[tilespmem:v51+s31+$0x0] =	vst.idx.msk $0xffff, v20  }
0x133: {  	v53 =	vadd.s32 v5, v18;
	v20 =	vld.idx.msk [tilespmem:v52+s28+$0x0], $0xffff  }
0x134: {  	v54 =	vor.u32 v6, v19;
	_ =	sdelay $0x3  }
0x135: {  	[tilespmem:v53+s31+$0x0] =	vst.idx.msk $0xffff, v20  }
0x136: {  	v55 =	vadd.s32 v7, v18;
	v20 =	vld.idx.msk [tilespmem:v54+s28+$0x0], $0xffff  }
0x137: {  	v56 =	vor.u32 v8, v19;
	_ =	sdelay $0x3  }
0x138: {  	[tilespmem:v55+s31+$0x0] =	vst.idx.msk $0xffff, v20  }
0x139: {  	v57 =	vadd.s32 v9, v18;
	v20 =	vld.idx.msk [tilespmem:v56+s28+$0x0], $0xffff  }
0x13a: {  	v58 =	vor.u32 v10, v19;
	_ =	sdelay $0x3  }
0x13b: {  	[tilespmem:v57+s31+$0x0] =	vst.idx.msk $0xffff, v20  }
0x13c: {  	v59 =	vadd.s32 v11, v18;
	v20 =	vld.idx.msk [tilespmem:v58+s28+$0x0], $0xffff  }
0x13d: {  	v60 =	vor.u32 v12, v19;
	_ =	sdelay $0x3  }
0x13e: {  	[tilespmem:v59+s31+$0x0] =	vst.idx.msk $0xffff, v20  }
0x13f: {  	v61 =	vadd.s32 v13, v18;
	v20 =	vld.idx.msk [tilespmem:v60+s28+$0x0], $0xffff  }
0x140: {  	v19 =	vor.u32 v14, v19;
	_ =	sdelay $0x3  }
0x141: {  	[tilespmem:v61+s31+$0x0] =	vst.idx.msk $0xffff, v20  }
0x142: {  	v18 =	vadd.s32 v15, v18;
	v19 =	vld.idx.msk [tilespmem:v19+s28+$0x0], $0xffff;
	_ =	sdelay $0x4  }
0x143: {  	[tilespmem:v18+s31+$0x0] =	vst.idx.msk $0xffff, v19  }
0x144: {  	v18 =	vld [tilespmem:s18+$0xFFFFFF80];
	_ =	sdelay $0x4  }
0x145: {  	v19 =	vshll.u32 v18, $0x7  }
0x146: {  	v62 =	vor.u32 v0, v19;
	_ =	sdelay $0x4  }
0x147: {  	v63 =	vadd.s32 v1, v18;
	v20 =	vld.idx.msk [tilespmem:v62+s28+$0x0], $0xffff  }
0x148: {  	v24 =	vor.u32 v2, v19;
	_ =	sdelay $0x3  }
0x149: {  	[tilespmem:v63+s31+$0x0] =	vst.idx.msk $0xffff, v20  }
0x14a: {  	v25 =	vadd.s32 v3, v18;
	v20 =	vld.idx.msk [tilespmem:v24+s28+$0x0], $0xffff  }
0x14b: {  	v26 =	vor.u32 v4, v19;
	_ =	sdelay $0x3  }
0x14c: {  	[tilespmem:v25+s31+$0x0] =	vst.idx.msk $0xffff, v20  }
0x14d: {  	v27 =	vadd.s32 v5, v18;
	v20 =	vld.idx.msk [tilespmem:v26+s28+$0x0], $0xffff  }
0x14e: {  	v28 =	vor.u32 v6, v19;
	_ =	sdelay $0x3  }
0x14f: {  	[tilespmem:v27+s31+$0x0] =	vst.idx.msk $0xffff, v20  }
0x150: {  	v29 =	vadd.s32 v7, v18;
	v20 =	vld.idx.msk [tilespmem:v28+s28+$0x0], $0xffff  }
0x151: {  	v30 =	vor.u32 v8, v19;
	_ =	sdelay $0x3  }
0x152: {  	[tilespmem:v29+s31+$0x0] =	vst.idx.msk $0xffff, v20  }
0x153: {  	v31 =	vadd.s32 v9, v18;
	v20 =	vld.idx.msk [tilespmem:v30+s28+$0x0], $0xffff  }
0x154: {  	v32 =	vor.u32 v10, v19;
	_ =	sdelay $0x3  }
0x155: {  	[tilespmem:v31+s31+$0x0] =	vst.idx.msk $0xffff, v20  }
0x156: {  	v33 =	vadd.s32 v11, v18;
	v20 =	vld.idx.msk [tilespmem:v32+s28+$0x0], $0xffff  }
0x157: {  	v34 =	vor.u32 v12, v19;
	_ =	sdelay $0x3  }
0x158: {  	[tilespmem:v33+s31+$0x0] =	vst.idx.msk $0xffff, v20  }
0x159: {  	v35 =	vadd.s32 v13, v18;
	v20 =	vld.idx.msk [tilespmem:v34+s28+$0x0], $0xffff  }
0x15a: {  	v19 =	vor.u32 v14, v19;
	_ =	sdelay $0x3  }
0x15b: {  	[tilespmem:v35+s31+$0x0] =	vst.idx.msk $0xffff, v20  }
0x15c: {  	v18 =	vadd.s32 v15, v18;
	v19 =	vld.idx.msk [tilespmem:v19+s28+$0x0], $0xffff;
	_ =	sdelay $0x4  }
0x15d: {  	[tilespmem:v18+s31+$0x0] =	vst.idx.msk $0xffff, v19  }
0x15e: {  	v18 =	vld [tilespmem:s18+$0x0];
	_ =	sdelay $0x4  }
0x15f: {  	v19 =	vshll.u32 v18, $0x7  }
0x160: {  	v36 =	vor.u32 v0, v19;
	_ =	sdelay $0x4  }
0x161: {  	v37 =	vadd.s32 v1, v18;
	v20 =	vld.idx.msk [tilespmem:v36+s28+$0x0], $0xffff  }
0x162: {  	v38 =	vor.u32 v2, v19;
	_ =	sdelay $0x3  }
0x163: {  	[tilespmem:v37+s31+$0x0] =	vst.idx.msk $0xffff, v20  }
0x164: {  	v39 =	vadd.s32 v3, v18;
	v20 =	vld.idx.msk [tilespmem:v38+s28+$0x0], $0xffff  }
0x165: {  	v40 =	vor.u32 v4, v19;
	_ =	sdelay $0x3  }
0x166: {  	[tilespmem:v39+s31+$0x0] =	vst.idx.msk $0xffff, v20  }
0x167: {  	v41 =	vadd.s32 v5, v18;
	v20 =	vld.idx.msk [tilespmem:v40+s28+$0x0], $0xffff  }
0x168: {  	v42 =	vor.u32 v6, v19;
	_ =	sdelay $0x3  }
0x169: {  	[tilespmem:v41+s31+$0x0] =	vst.idx.msk $0xffff, v20  }
0x16a: {  	v43 =	vadd.s32 v7, v18;
	v20 =	vld.idx.msk [tilespmem:v42+s28+$0x0], $0xffff  }
0x16b: {  	v44 =	vor.u32 v8, v19;
	_ =	sdelay $0x3  }
0x16c: {  	[tilespmem:v43+s31+$0x0] =	vst.idx.msk $0xffff, v20  }
0x16d: {  	v45 =	vadd.s32 v9, v18;
	v20 =	vld.idx.msk [tilespmem:v44+s28+$0x0], $0xffff  }
0x16e: {  	v46 =	vor.u32 v10, v19;
	_ =	sdelay $0x3  }
0x16f: {  	[tilespmem:v45+s31+$0x0] =	vst.idx.msk $0xffff, v20  }
0x170: {  	v47 =	vadd.s32 v11, v18;
	v20 =	vld.idx.msk [tilespmem:v46+s28+$0x0], $0xffff  }
0x171: {  	v48 =	vor.u32 v12, v19;
	_ =	sdelay $0x3  }
0x172: {  	[tilespmem:v47+s31+$0x0] =	vst.idx.msk $0xffff, v20  }
0x173: {  	v49 =	vadd.s32 v13, v18;
	v20 =	vld.idx.msk [tilespmem:v48+s28+$0x0], $0xffff  }
0x174: {  	v19 =	vor.u32 v14, v19;
	_ =	sdelay $0x3  }
0x175: {  	[tilespmem:v49+s31+$0x0] =	vst.idx.msk $0xffff, v20  }
0x176: {  	v18 =	vadd.s32 v15, v18;
	v19 =	vld.idx.msk [tilespmem:v19+s28+$0x0], $0xffff;
	_ =	sdelay $0x4  }
0x177: {  	[tilespmem:v18+s31+$0x0] =	vst.idx.msk $0xffff, v19  }
0x178: {  	v18 =	vld [tilespmem:s18+$0x80];
	_ =	sdelay $0x4  }
0x179: {  	v19 =	vshll.u32 v18, $0x7  }
0x17a: {  	v50 =	vor.u32 v0, v19;
	_ =	sdelay $0x4  }
0x17b: {  	v51 =	vadd.s32 v1, v18;
	v20 =	vld.idx.msk [tilespmem:v50+s28+$0x0], $0xffff  }
0x17c: {  	v52 =	vor.u32 v2, v19;
	_ =	sdelay $0x3  }
0x17d: {  	[tilespmem:v51+s31+$0x0] =	vst.idx.msk $0xffff, v20  }
0x17e: {  	v53 =	vadd.s32 v3, v18;
	v20 =	vld.idx.msk [tilespmem:v52+s28+$0x0], $0xffff  }
0x17f: {  	v54 =	vor.u32 v4, v19;
	_ =	sdelay $0x3  }
0x180: {  	[tilespmem:v53+s31+$0x0] =	vst.idx.msk $0xffff, v20  }
0x181: {  	v55 =	vadd.s32 v5, v18;
	v20 =	vld.idx.msk [tilespmem:v54+s28+$0x0], $0xffff  }
0x182: {  	v56 =	vor.u32 v6, v19;
	_ =	sdelay $0x3  }
0x183: {  	[tilespmem:v55+s31+$0x0] =	vst.idx.msk $0xffff, v20  }
0x184: {  	v57 =	vadd.s32 v7, v18;
	v20 =	vld.idx.msk [tilespmem:v56+s28+$0x0], $0xffff  }
0x185: {  	v58 =	vor.u32 v8, v19;
	_ =	sdelay $0x3  }
0x186: {  	[tilespmem:v57+s31+$0x0] =	vst.idx.msk $0xffff, v20  }
0x187: {  	v59 =	vadd.s32 v9, v18;
	v20 =	vld.idx.msk [tilespmem:v58+s28+$0x0], $0xffff  }
0x188: {  	v60 =	vor.u32 v10, v19;
	_ =	sdelay $0x3  }
0x189: {  	[tilespmem:v59+s31+$0x0] =	vst.idx.msk $0xffff, v20  }
0x18a: {  	v61 =	vadd.s32 v11, v18;
	v20 =	vld.idx.msk [tilespmem:v60+s28+$0x0], $0xffff  }
0x18b: {  	v62 =	vor.u32 v12, v19;
	_ =	sdelay $0x3  }
0x18c: {  	[tilespmem:v61+s31+$0x0] =	vst.idx.msk $0xffff, v20  }
0x18d: {  	v63 =	vadd.s32 v13, v18;
	v20 =	vld.idx.msk [tilespmem:v62+s28+$0x0], $0xffff  }
0x18e: {  	v19 =	vor.u32 v14, v19;
	_ =	sdelay $0x3  }
0x18f: {  	s7 =	sadd.s32 $0x4, s7;
	[tilespmem:v63+s31+$0x0] =	vst.idx.msk $0xffff, v20  }
0x190: {  	p3 =	slt.u32 s7, $0x1C;
	v18 =	vadd.s32 v15, v18;
	v19 =	vld.idx.msk [tilespmem:v19+s28+$0x0], $0xffff  }
.Ltmp5:
0x191: {  	_ = 	snop;
	(pc) =	sbr.rel @p3 .LBB2_11-.Ltmp5, $2  }
0x192: {  	_ =	sdelay $0x2  }
0x193: {  	s18 =	sadd.s32 $0x200, s18;
	[tilespmem:v18+s31+$0x0] =	vst.idx.msk $0xffff, v19  }
0x194: {  	s7 =	rddreg [dreg:$0x15]  }
0x195: {  	[hbm4b:s7+s6] =	stream.linear.scatter [tilespmem:s31], [sflag:$0x11], $0x4000, $0x38;
	[tilespmem:$0x1F280] =	vst v63  }
0x196: {  	_ =	swait.ge [sflag:s19], $0x4000  }
0x197: {  	[sflag:s19] =	ssyncset.done $0x0  }
0x198: {  	[sflag:s19] =	ssyncadd.s32 $0xFFFFC000  }
.LBB2_13:
.Ltmp6:
0x199: {  	(pc) =	sbr.rel @p2 .LBB2_15-.Ltmp6, $1  }
0x19a: {  	_ =	sdelay $0x3  }
0x19b: {  	s7 =	rddreg [dreg:$0x2]  }
0x19c: {  	[tilespmem:s28], [sflag:$0x11] =	stream.linear.gather [hbm4b:s7+s6], $0x800, $0x38;
	[tilespmem:$0x1F280] =	vst v63  }
0x19d: {  	_ =	swait.ge [sflag:s19], $0x800  }
0x19e: {  	[sflag:s19] =	ssyncset.done $0x0  }
0x19f: {  	[sflag:s19] =	ssyncadd.s32 $0xFFFFF800  }
0x1a0: {  	v18 =	vld [tilespmem:$0x1080]  }
0x1a1: {  	v19 =	vld [tilespmem:$0x1090]  }
0x1a2: {  	v20 =	vld [tilespmem:$0x10A0]  }
0x1a3: {  	v21 =	vld [tilespmem:$0x10B0]  }
0x1a4: {  	v22 =	vld [tilespmem:$0x10C0]  }
0x1a5: {  	v31 =	vld [tilespmem:$0x10F0];
	[tilespmem:$0x3080] =	vst v18  }
0x1a6: {  	v18 =	vld [tilespmem:$0x10D0];
	[tilespmem:$0x3090] =	vst v19  }
0x1a7: {  	v19 =	vld [tilespmem:$0x10E0];
	[tilespmem:$0x3100] =	vst v20  }
0x1a8: {  	v32 =	vld [tilespmem:$0x1100];
	[tilespmem:$0x3110] =	vst v21  }
0x1a9: {  	v33 =	vld [tilespmem:$0x1110];
	[tilespmem:$0x3180] =	vst v22  }
0x1aa: {  	v34 =	vld [tilespmem:$0x1140];
	[tilespmem:$0x3210] =	vst v31  }
0x1ab: {  	[tilespmem:$0x3190] =	vst v18;
	v18 =	vld [tilespmem:$0x1120]  }
0x1ac: {  	[tilespmem:$0x3200] =	vst v19;
	v19 =	vld [tilespmem:$0x1130]  }
0x1ad: {  	v35 =	vld [tilespmem:$0x1150];
	[tilespmem:$0x3280] =	vst v32  }
0x1ae: {  	v36 =	vld [tilespmem:$0x1160];
	[tilespmem:$0x3290] =	vst v33  }
0x1af: {  	v37 =	vld [tilespmem:$0x1190];
	[tilespmem:$0x3380] =	vst v34  }
0x1b0: {  	[tilespmem:$0x3300] =	vst v18;
	v18 =	vld [tilespmem:$0x1170]  }
0x1b1: {  	[tilespmem:$0x3310] =	vst v19;
	v19 =	vld [tilespmem:$0x1180]  }
0x1b2: {  	v38 =	vld [tilespmem:$0x11A0];
	[tilespmem:$0x3390] =	vst v35  }
0x1b3: {  	v39 =	vld [tilespmem:$0x11B0];
	[tilespmem:$0x3400] =	vst v36  }
0x1b4: {  	v40 =	vld [tilespmem:$0x11E0];
	[tilespmem:$0x3490] =	vst v37  }
0x1b5: {  	[tilespmem:$0x3410] =	vst v18;
	v18 =	vld [tilespmem:$0x11C0]  }
0x1b6: {  	[tilespmem:$0x3480] =	vst v19;
	v19 =	vld [tilespmem:$0x11D0]  }
0x1b7: {  	v41 =	vld [tilespmem:$0x11F0];
	[tilespmem:$0x3500] =	vst v38  }
0x1b8: {  	v42 =	vld [tilespmem:$0x1200];
	[tilespmem:$0x3510] =	vst v39  }
0x1b9: {  	v43 =	vld [tilespmem:$0x1230];
	[tilespmem:$0x3600] =	vst v40  }
0x1ba: {  	[tilespmem:$0x3580] =	vst v18;
	v18 =	vld [tilespmem:$0x1210]  }
0x1bb: {  	[tilespmem:$0x3590] =	vst v19;
	v19 =	vld [tilespmem:$0x1220]  }
0x1bc: {  	v44 =	vld [tilespmem:$0x1240];
	[tilespmem:$0x3610] =	vst v41  }
0x1bd: {  	v45 =	vld [tilespmem:$0x1250];
	[tilespmem:$0x3680] =	vst v42  }
0x1be: {  	v46 =	vld [tilespmem:$0x1280];
	[tilespmem:$0x3710] =	vst v43  }
0x1bf: {  	[tilespmem:$0x3690] =	vst v18;
	v18 =	vld [tilespmem:$0x1260]  }
0x1c0: {  	[tilespmem:$0x3700] =	vst v19;
	v19 =	vld [tilespmem:$0x1270]  }
0x1c1: {  	v47 =	vld [tilespmem:$0x1290];
	[tilespmem:$0x3780] =	vst v44  }
0x1c2: {  	v48 =	vld [tilespmem:$0x12A0];
	[tilespmem:$0x3790] =	vst v45  }
0x1c3: {  	v49 =	vld [tilespmem:$0x12D0];
	[tilespmem:$0x3880] =	vst v46  }
0x1c4: {  	[tilespmem:$0x3800] =	vst v18;
	v18 =	vld [tilespmem:$0x12B0]  }
0x1c5: {  	[tilespmem:$0x3810] =	vst v19;
	v19 =	vld [tilespmem:$0x12C0]  }
0x1c6: {  	v50 =	vld [tilespmem:$0x12E0];
	[tilespmem:$0x3890] =	vst v47  }
0x1c7: {  	v51 =	vld [tilespmem:$0x12F0];
	[tilespmem:$0x3900] =	vst v48  }
0x1c8: {  	v52 =	vld [tilespmem:$0x1320];
	[tilespmem:$0x3990] =	vst v49  }
0x1c9: {  	[tilespmem:$0x3910] =	vst v18;
	v18 =	vld [tilespmem:$0x1300]  }
0x1ca: {  	[tilespmem:$0x3980] =	vst v19;
	v19 =	vld [tilespmem:$0x1310]  }
0x1cb: {  	v53 =	vld [tilespmem:$0x1330];
	[tilespmem:$0x3A00] =	vst v50  }
0x1cc: {  	v54 =	vld [tilespmem:$0x1340];
	[tilespmem:$0x3A10] =	vst v51  }
0x1cd: {  	v55 =	vld [tilespmem:$0x1370];
	[tilespmem:$0x3B00] =	vst v52  }
0x1ce: {  	[tilespmem:$0x3A80] =	vst v18;
	v18 =	vld [tilespmem:$0x1350]  }
0x1cf: {  	[tilespmem:$0x3A90] =	vst v19;
	v19 =	vld [tilespmem:$0x1360]  }
0x1d0: {  	v56 =	vld [tilespmem:$0x1380];
	[tilespmem:$0x3B10] =	vst v53  }
0x1d1: {  	v57 =	vld [tilespmem:$0x1390];
	[tilespmem:$0x3B80] =	vst v54  }
0x1d2: {  	v58 =	vld [tilespmem:$0x13C0];
	[tilespmem:$0x3C10] =	vst v55  }
0x1d3: {  	[tilespmem:$0x3B90] =	vst v18;
	v18 =	vld [tilespmem:$0x13A0]  }
0x1d4: {  	[tilespmem:$0x3C00] =	vst v19;
	v19 =	vld [tilespmem:$0x13B0]  }
0x1d5: {  	v59 =	vld [tilespmem:$0x13D0];
	[tilespmem:$0x3C80] =	vst v56  }
0x1d6: {  	v60 =	vld [tilespmem:$0x13E0];
	[tilespmem:$0x3C90] =	vst v57  }
0x1d7: {  	v61 =	vld [tilespmem:$0x1410];
	[tilespmem:$0x3D80] =	vst v58  }
0x1d8: {  	[tilespmem:$0x3D00] =	vst v18;
	v18 =	vld [tilespmem:$0x13F0]  }
0x1d9: {  	[tilespmem:$0x3D10] =	vst v19;
	v19 =	vld [tilespmem:$0x1400]  }
0x1da: {  	v62 =	vld [tilespmem:$0x1420];
	[tilespmem:$0x3D90] =	vst v59  }
0x1db: {  	v63 =	vld [tilespmem:$0x1430];
	[tilespmem:$0x3E00] =	vst v60  }
0x1dc: {  	v24 =	vld [tilespmem:$0x1460];
	[tilespmem:$0x3E90] =	vst v61  }
0x1dd: {  	[tilespmem:$0x3E10] =	vst v18;
	v18 =	vld [tilespmem:$0x1440]  }
0x1de: {  	[tilespmem:$0x3E80] =	vst v19;
	v19 =	vld [tilespmem:$0x1450]  }
0x1df: {  	v25 =	vld [tilespmem:$0x1470];
	[tilespmem:$0x3F00] =	vst v62  }
0x1e0: {  	v26 =	vld [tilespmem:$0x1480];
	[tilespmem:$0x3F10] =	vst v63  }
0x1e1: {  	v27 =	vld [tilespmem:$0x14B0];
	[tilespmem:$0x4000] =	vst v24  }
0x1e2: {  	[tilespmem:$0x3F80] =	vst v18;
	v18 =	vld [tilespmem:$0x1490]  }
0x1e3: {  	[tilespmem:$0x3F90] =	vst v19;
	v19 =	vld [tilespmem:$0x14A0]  }
0x1e4: {  	v28 =	vld [tilespmem:$0x14C0];
	[tilespmem:$0x4010] =	vst v25  }
0x1e5: {  	v29 =	vld [tilespmem:$0x14D0];
	[tilespmem:$0x4080] =	vst v26  }
0x1e6: {  	v30 =	vld [tilespmem:$0x1500];
	[tilespmem:$0x4110] =	vst v27  }
0x1e7: {  	[tilespmem:$0x4090] =	vst v18;
	v18 =	vld [tilespmem:$0x14E0]  }
0x1e8: {  	[tilespmem:$0x4100] =	vst v19;
	v19 =	vld [tilespmem:$0x14F0]  }
0x1e9: {  	[tilespmem:$0x4180] =	vst v28;
	v31 =	vld [tilespmem:$0x1510]  }
0x1ea: {  	[tilespmem:$0x4190] =	vst v29;
	v32 =	vld [tilespmem:$0x1520]  }
0x1eb: {  	[tilespmem:$0x4280] =	vst v30;
	v33 =	vld [tilespmem:$0x1550]  }
0x1ec: {  	[tilespmem:$0x4200] =	vst v18;
	v18 =	vld [tilespmem:$0x1530]  }
0x1ed: {  	[tilespmem:$0x4210] =	vst v19;
	v19 =	vld [tilespmem:$0x1540]  }
0x1ee: {  	v34 =	vld [tilespmem:$0x1560];
	[tilespmem:$0x4290] =	vst v31  }
0x1ef: {  	v35 =	vld [tilespmem:$0x1570];
	[tilespmem:$0x4300] =	vst v32  }
0x1f0: {  	v36 =	vld [tilespmem:$0x15A0];
	[tilespmem:$0x4390] =	vst v33  }
0x1f1: {  	[tilespmem:$0x4310] =	vst v18;
	v18 =	vld [tilespmem:$0x1580]  }
0x1f2: {  	[tilespmem:$0x4380] =	vst v19;
	v19 =	vld [tilespmem:$0x1590]  }
0x1f3: {  	v37 =	vld [tilespmem:$0x15B0];
	[tilespmem:$0x4400] =	vst v34  }
0x1f4: {  	v38 =	vld [tilespmem:$0x15C0];
	[tilespmem:$0x4410] =	vst v35  }
0x1f5: {  	v39 =	vld [tilespmem:$0x15F0];
	[tilespmem:$0x4500] =	vst v36  }
0x1f6: {  	[tilespmem:$0x4480] =	vst v18;
	v18 =	vld [tilespmem:$0x15D0]  }
0x1f7: {  	[tilespmem:$0x4490] =	vst v19;
	v19 =	vld [tilespmem:$0x15E0]  }
0x1f8: {  	v40 =	vld [tilespmem:$0x1600];
	[tilespmem:$0x4510] =	vst v37  }
0x1f9: {  	v41 =	vld [tilespmem:$0x1610];
	[tilespmem:$0x4580] =	vst v38  }
0x1fa: {  	v42 =	vld [tilespmem:$0x1640];
	[tilespmem:$0x4610] =	vst v39  }
0x1fb: {  	[tilespmem:$0x4590] =	vst v18;
	v18 =	vld [tilespmem:$0x1620]  }
0x1fc: {  	[tilespmem:$0x4600] =	vst v19;
	v19 =	vld [tilespmem:$0x1630]  }
0x1fd: {  	v43 =	vld [tilespmem:$0x1650];
	[tilespmem:$0x4680] =	vst v40  }
0x1fe: {  	v44 =	vld [tilespmem:$0x1660];
	[tilespmem:$0x4690] =	vst v41  }
0x1ff: {  	v45 =	vld [tilespmem:$0x1690];
	[tilespmem:$0x4780] =	vst v42  }
0x200: {  	[tilespmem:$0x4700] =	vst v18;
	v18 =	vld [tilespmem:$0x1670]  }
0x201: {  	[tilespmem:$0x4710] =	vst v19;
	v19 =	vld [tilespmem:$0x1680]  }
0x202: {  	v46 =	vld [tilespmem:$0x16A0];
	[tilespmem:$0x4790] =	vst v43  }
0x203: {  	v47 =	vld [tilespmem:$0x16B0];
	[tilespmem:$0x4800] =	vst v44  }
0x204: {  	v48 =	vld [tilespmem:$0x16E0];
	[tilespmem:$0x4890] =	vst v45  }
0x205: {  	[tilespmem:$0x4810] =	vst v18;
	v18 =	vld [tilespmem:$0x16C0]  }
0x206: {  	[tilespmem:$0x4880] =	vst v19;
	v19 =	vld [tilespmem:$0x16D0]  }
0x207: {  	v49 =	vld [tilespmem:$0x16F0];
	[tilespmem:$0x4900] =	vst v46  }
0x208: {  	v50 =	vld [tilespmem:$0x1700];
	[tilespmem:$0x4910] =	vst v47  }
0x209: {  	v51 =	vld [tilespmem:$0x1730];
	[tilespmem:$0x4A00] =	vst v48  }
0x20a: {  	[tilespmem:$0x4980] =	vst v18;
	v18 =	vld [tilespmem:$0x1710]  }
0x20b: {  	[tilespmem:$0x4990] =	vst v19;
	v19 =	vld [tilespmem:$0x1720]  }
0x20c: {  	v52 =	vld [tilespmem:$0x1740];
	[tilespmem:$0x4A10] =	vst v49  }
0x20d: {  	v53 =	vld [tilespmem:$0x1750];
	[tilespmem:$0x4A80] =	vst v50  }
0x20e: {  	v54 =	vld [tilespmem:$0x1780];
	[tilespmem:$0x4B10] =	vst v51  }
0x20f: {  	[tilespmem:$0x4A90] =	vst v18;
	v18 =	vld [tilespmem:$0x1760]  }
0x210: {  	[tilespmem:$0x4B00] =	vst v19;
	v19 =	vld [tilespmem:$0x1770]  }
0x211: {  	v55 =	vld [tilespmem:$0x1790];
	[tilespmem:$0x4B80] =	vst v52  }
0x212: {  	v56 =	vld [tilespmem:$0x17A0];
	[tilespmem:$0x4B90] =	vst v53  }
0x213: {  	v57 =	vld [tilespmem:$0x17D0];
	[tilespmem:$0x4C80] =	vst v54  }
0x214: {  	[tilespmem:$0x4C00] =	vst v18;
	v18 =	vld [tilespmem:$0x17B0]  }
0x215: {  	[tilespmem:$0x4C10] =	vst v19;
	v19 =	vld [tilespmem:$0x17C0]  }
0x216: {  	v58 =	vld [tilespmem:$0x17E0];
	[tilespmem:$0x4C90] =	vst v55  }
0x217: {  	v59 =	vld [tilespmem:$0x17F0];
	[tilespmem:$0x4D00] =	vst v56  }
0x218: {  	v60 =	vld [tilespmem:$0x1820];
	[tilespmem:$0x4D90] =	vst v57  }
0x219: {  	[tilespmem:$0x4D10] =	vst v18;
	v18 =	vld [tilespmem:$0x1800]  }
0x21a: {  	[tilespmem:$0x4D80] =	vst v19;
	v19 =	vld [tilespmem:$0x1810]  }
0x21b: {  	v61 =	vld [tilespmem:$0x1830];
	[tilespmem:$0x4E00] =	vst v58  }
0x21c: {  	v62 =	vld [tilespmem:$0x1840];
	[tilespmem:$0x4E10] =	vst v59  }
0x21d: {  	v63 =	vld [tilespmem:$0x1870];
	[tilespmem:$0x4F00] =	vst v60  }
0x21e: {  	[tilespmem:$0x4E80] =	vst v18;
	v18 =	vld [tilespmem:$0x1850]  }
0x21f: {  	[tilespmem:$0x4E90] =	vst v19;
	v19 =	vld [tilespmem:$0x1860]  }
0x220: {  	[tilespmem:$0x4F10] =	vst v61  }
0x221: {  	[tilespmem:$0x4F80] =	vst v62  }
0x222: {  	[tilespmem:$0x5010] =	vst v63  }
0x223: {  	[tilespmem:$0x4F90] =	vst v18  }
0x224: {  	s25 =	sadd.s32 $0xF42000, s4;
	[tilespmem:$0x5000] =	vst v19  }
0x225: {  	[hbm4b:s25+s6] =	stream.linear.scatter [tilespmem:s31], [sflag:$0x11], $0x2000, $0x38;
	[tilespmem:$0x1F280] =	vst v63  }
0x226: {  	_ =	swait.ge [sflag:s19], $0x2000  }
0x227: {  	[sflag:s19] =	ssyncset.done $0x0  }
0x228: {  	[sflag:s19] =	ssyncadd.s32 $0xFFFFE000  }
.LBB2_15:
.Ltmp7:
0x229: {  	(pc) =	sbr.rel @p0 .LBB2_18-.Ltmp7, $3  }
0x22a: {  	_ =	sdelay $0x1  }
0x22b: {  	[bflag:$0x0] =	sbarrier.arrive $0xFFFF  }
0x22c: {  	s18 =	rddreg [dreg:$0x16]  }
0x22d: {  	s7 =	rddreg [dreg:$0x5]  }
0x22e: {  	s13 =	rddreg [dreg:$0x8]  }
0x22f: {  	[tilespmem:$0x1000] =	vst v16;
	s13 =	sadd.s32 s13, s7;
	s7 =	simm.s32 $0x0  }
0x230: {  	[hbm4b:s13+s7] =	stream.linear.scatter [tilespmem:s20], [sflag:$0x11], $0x80, $0x38;
	[tilespmem:$0x1F280] =	vst v63  }
0x231: {  	_ =	swait.ge [sflag:s19], $0x80  }
0x232: {  	[sflag:s19] =	ssyncset.done $0x0  }
0x233: {  	[sflag:s19] =	ssyncadd.s32 $0xFFFFFF80  }
.LBB2_17:
0x234: {  	[tilespmem:s20], [sflag:$0x11] =	stream.linear.gather [hbm4b:s18+s6], $0x80, $0x38;
	[tilespmem:$0x1F280] =	vst v63  }
0x235: {  	_ =	swait.ge [sflag:s19], $0x80  }
0x236: {  	[sflag:s19] =	ssyncset.done $0x0  }
0x237: {  	[sflag:s19] =	ssyncadd.s32 $0xFFFFFF80  }
0x238: {  	v18 =	vld [tilespmem:$0x1000];
	_ =	sdelay $0x4  }
0x239: {  	vm0 =	veq.s32 v18, $0x5CAB51AB  }
0x23a: {  	v18 =	vsel vm0, $0x1, v17  }
0x23b: {  	(xrf0) =	vadd.scan.msk.s32 $0xffff, v18;
	_ =	sdelay $0x5  }
0x23c: {  	v18, _, _ =	vpop (xrf0)  }
0x23d: {  	(v2sf) =	vpush v18, $0xF;
	_ =	sdelay $0xe  }
0x23e: {  	p3 =	sgt.u32 s7, $0x30D3E;
	s13 =	spop (v2sf)  }
0x23f: {  	p4 =	sne.s32 @!p3 s13, $0x10  }
0x240: {  	p3 =	por p3, !p4  }
.Ltmp8:
0x241: {  	_ = 	snop;
	(pc) =	sbr.rel @!p3 .LBB2_17-.Ltmp8, $2  }
0x242: {  	_ =	sdelay $0x2  }
0x243: {  	s7 =	sadd.s32 $0x1, s7  }
.LBB2_18:
0x244: {  	[bflag:$0x0] =	sbarrier.arrive $0xFFFF  }
0x245: {  	s25 =	simm.s32 $0x0;
	s13 =	simm.s32 $0xB080;
	s7 =	rddreg [dreg:$0xc]  }
0x246: {  	[tilespmem:s13], [sflag:$0x11] =	stream.linear.gather [hbm4b:s7+s25], $0x80, $0x38;
	[tilespmem:$0x1F280] =	vst v63  }
0x247: {  	_ =	swait.ge [sflag:s19], $0x80  }
0x248: {  	[sflag:s19] =	ssyncset.done $0x0  }
0x249: {  	s18 =	simm.s32 $0x80;
	[sflag:s19] =	ssyncadd.s32 $0xFFFFFF80  }
0x24a: {  	[tilespmem:s16], [sflag:$0x9] =	stream.indirect.gather [hbm4b:s4+s18], $0x20, s13, s18, $0xb8;
	[tilespmem:$0x1F280] =	vst v63  }
0x24b: {  	s20 =	simm.s32 $0xB100;
	s13 =	rddreg [dreg:$0xd]  }
0x24c: {  	[tilespmem:s20], [sflag:$0x11] =	stream.linear.gather [hbm4b:s13+s25], $0x80, $0x38;
	[tilespmem:$0x1F280] =	vst v63  }
0x24d: {  	_ =	swait.ge [sflag:s19], $0x80  }
0x24e: {  	[sflag:s19] =	ssyncset.done $0x0  }
0x24f: {  	[sflag:s19] =	ssyncadd.s32 $0xFFFFFF80  }
0x250: {  	[tilespmem:s17], [sflag:$0xA] =	stream.indirect.gather [hbm4b:s4+s18], $0x20, s20, s18, $0xb8;
	[tilespmem:$0x1F280] =	vst v63  }
0x251: {  	s13 =	rddreg [dreg:$0xe];
	s20 =	simm.s32 $0xB180  }
0x252: {  	[tilespmem:s20], [sflag:$0x11] =	stream.linear.gather [hbm4b:s13+s25], $0x80, $0x38;
	[tilespmem:$0x1F280] =	vst v63  }
0x253: {  	_ =	swait.ge [sflag:s19], $0x80  }
0x254: {  	[sflag:s19] =	ssyncset.done $0x0  }
0x255: {  	[sflag:s19] =	ssyncadd.s32 $0xFFFFFF80  }
0x256: {  	[tilespmem:s21], [sflag:$0xB] =	stream.indirect.gather [hbm4b:s4+s18], $0x20, s20, s18, $0xb8;
	[tilespmem:$0x1F280] =	vst v63  }
0x257: {  	s13 =	rddreg [dreg:$0xf];
	s20 =	simm.s32 $0xB200  }
0x258: {  	[tilespmem:s20], [sflag:$0x11] =	stream.linear.gather [hbm4b:s13+s25], $0x80, $0x38;
	[tilespmem:$0x1F280] =	vst v63  }
0x259: {  	_ =	swait.ge [sflag:s19], $0x80  }
0x25a: {  	[sflag:s19] =	ssyncset.done $0x0  }
0x25b: {  	[sflag:s19] =	ssyncadd.s32 $0xFFFFFF80  }
0x25c: {  	[tilespmem:s22], [sflag:$0xC] =	stream.indirect.gather [hbm4b:s4+s18], $0x20, s20, s18, $0xb8;
	[tilespmem:$0x1F280] =	vst v63  }
.LBB2_19:
0x25d: {  	_ =	swait.ge [sflag:s9], $0x1000  }
0x25e: {  	p4 =	seq.s32 s25, $0x0;
	[sflag:s9] =	ssyncset.done $0x0  }
0x25f: {  	s13 =	simm.s32 @!p4 $0xD;
	[sflag:s9] =	ssyncadd.s32 $0xFFFFF000  }
0x260: {  	p3 =	seq.s32 @!p4 s25, $0x31;
	_ =	swait.ge @!p4 [sflag:s13], $0x1000  }
0x261: {  	s7 =	sshll.u32 s25, $0x2;
	p5 =	por p4, !p3;
	[sflag:s13] =	ssyncset.done @!p4 $0x0  }
0x262: {  	[sflag:s13] =	ssyncadd.s32 @!p4 $0xFFFFF000;
	s13 =	sadd.s32 @p5 $0x4, s7  }
0x263: {  	s18 =	sshll.u32 @p5 s13, $0x7;
	s13 =	sshll.u32 @p5 s13, $0xC  }
0x264: {  	s18 =	sand.u32 @p5 $0x200, s18;
	s13 =	sand.u32 @p5 $0x1F8000, s13  }
0x265: {  	s13 =	sor.u32 @p5 s13, s18  }
0x266: {  	s13 =	sor.u32 @p5 s10, s13  }
0x267: {  	s13 =	sshrl.u32 @p5 s13, $0x3  }
0x268: {  	p3 =	por @!p4 $0x1, $0x1;
	s18 =	simm.s32 @p5 $0xB080;
	s13 =	sadd.s32 @p5 s0, s13  }
0x269: {  	[tilespmem:s18], [sflag:$0x5] =	stream.linear.gather @p5 [hbm4b:s13+s6], $0x80, $0x38;
	[tilespmem:$0x1F280] =	vst v63  }
0x26a: {  	s19 =	simm.s32 $0x100;
	p3 =	por @p5 $0x0, $0x0;
	s18 =	simm.s32 $0xFFFFFFFC  }
.LBB2_20:
0x26b: {  	v18 =	vld [tilespmem:s19+$0xFFFFFF00];
	_ =	sdelay $0x4  }
0x26c: {  	v19 =	vadd.s32 v1, v18;
	_ =	sdelay $0x4  }
0x26d: {  	v19 =	vld.idx.msk [tilespmem:v19+s16+$0x0], $0xffff  }
0x26e: {  	v20 =	vshll.u32 v18, $0x7  }
0x26f: {  	v21 =	vor.u32 v0, v20  }
0x270: {  	v22 =	vadd.s32 v3, v18;
	_ =	sdelay $0x1  }
0x271: {  	v19 =	vmul.f32 $5.656854150e+00, v19;
	_ =	sdelay $0x1  }
0x272: {  	[tilespmem:v21+s14+$0x0] =	vst.idx.msk $0xffff, v19  }
0x273: {  	v19 =	vld.idx.msk [tilespmem:v22+s16+$0x0], $0xffff;
	_ =	sdelay $0x1  }
0x274: {  	v51 =	vor.u32 v2, v20  }
0x275: {  	v52 =	vadd.s32 v5, v18;
	_ =	sdelay $0x1  }
0x276: {  	v19 =	vmul.f32 $5.656854150e+00, v19;
	_ =	sdelay $0x1  }
0x277: {  	[tilespmem:v51+s14+$0x0] =	vst.idx.msk $0xffff, v19  }
0x278: {  	v19 =	vld.idx.msk [tilespmem:v52+s16+$0x0], $0xffff;
	_ =	sdelay $0x1  }
0x279: {  	v53 =	vor.u32 v4, v20  }
0x27a: {  	v54 =	vadd.s32 v7, v18;
	_ =	sdelay $0x1  }
0x27b: {  	v19 =	vmul.f32 $5.656854150e+00, v19;
	_ =	sdelay $0x1  }
0x27c: {  	[tilespmem:v53+s14+$0x0] =	vst.idx.msk $0xffff, v19  }
0x27d: {  	v19 =	vld.idx.msk [tilespmem:v54+s16+$0x0], $0xffff;
	_ =	sdelay $0x1  }
0x27e: {  	v55 =	vor.u32 v6, v20  }
0x27f: {  	v56 =	vadd.s32 v9, v18;
	_ =	sdelay $0x1  }
0x280: {  	v19 =	vmul.f32 $5.656854150e+00, v19;
	_ =	sdelay $0x1  }
0x281: {  	[tilespmem:v55+s14+$0x0] =	vst.idx.msk $0xffff, v19  }
0x282: {  	v19 =	vld.idx.msk [tilespmem:v56+s16+$0x0], $0xffff;
	_ =	sdelay $0x1  }
0x283: {  	v57 =	vor.u32 v8, v20  }
0x284: {  	v58 =	vadd.s32 v11, v18;
	_ =	sdelay $0x1  }
0x285: {  	v19 =	vmul.f32 $5.656854150e+00, v19;
	_ =	sdelay $0x1  }
0x286: {  	[tilespmem:v57+s14+$0x0] =	vst.idx.msk $0xffff, v19  }
0x287: {  	v19 =	vld.idx.msk [tilespmem:v58+s16+$0x0], $0xffff;
	_ =	sdelay $0x1  }
0x288: {  	v59 =	vor.u32 v10, v20  }
0x289: {  	v60 =	vadd.s32 v13, v18;
	_ =	sdelay $0x1  }
0x28a: {  	v19 =	vmul.f32 $5.656854150e+00, v19;
	_ =	sdelay $0x1  }
0x28b: {  	[tilespmem:v59+s14+$0x0] =	vst.idx.msk $0xffff, v19  }
0x28c: {  	v19 =	vld.idx.msk [tilespmem:v60+s16+$0x0], $0xffff;
	_ =	sdelay $0x1  }
0x28d: {  	v61 =	vor.u32 v12, v20  }
0x28e: {  	v18 =	vadd.s32 v15, v18;
	_ =	sdelay $0x1  }
0x28f: {  	v19 =	vmul.f32 $5.656854150e+00, v19;
	_ =	sdelay $0x1  }
0x290: {  	[tilespmem:v61+s14+$0x0] =	vst.idx.msk $0xffff, v19  }
0x291: {  	v18 =	vld.idx.msk [tilespmem:v18+s16+$0x0], $0xffff;
	_ =	sdelay $0x1  }
0x292: {  	v19 =	vor.u32 v14, v20;
	_ =	sdelay $0x2  }
0x293: {  	v18 =	vmul.f32 $5.656854150e+00, v18;
	_ =	sdelay $0x1  }
0x294: {  	[tilespmem:v19+s14+$0x0] =	vst.idx.msk $0xffff, v18  }
0x295: {  	v18 =	vld [tilespmem:s19+$0xFFFFFF80];
	_ =	sdelay $0x4  }
0x296: {  	v19 =	vadd.s32 v1, v18;
	_ =	sdelay $0x4  }
0x297: {  	v19 =	vld.idx.msk [tilespmem:v19+s16+$0x0], $0xffff  }
0x298: {  	v62 =	vshll.u32 v18, $0x7  }
0x299: {  	v63 =	vor.u32 v0, v62  }
0x29a: {  	v24 =	vadd.s32 v3, v18;
	_ =	sdelay $0x1  }
0x29b: {  	v19 =	vmul.f32 $5.656854150e+00, v19;
	_ =	sdelay $0x1  }
0x29c: {  	[tilespmem:v63+s14+$0x0] =	vst.idx.msk $0xffff, v19  }
0x29d: {  	v19 =	vld.idx.msk [tilespmem:v24+s16+$0x0], $0xffff;
	_ =	sdelay $0x1  }
0x29e: {  	v25 =	vor.u32 v2, v62  }
0x29f: {  	v26 =	vadd.s32 v5, v18;
	_ =	sdelay $0x1  }
0x2a0: {  	v19 =	vmul.f32 $5.656854150e+00, v19;
	_ =	sdelay $0x1  }
0x2a1: {  	[tilespmem:v25+s14+$0x0] =	vst.idx.msk $0xffff, v19  }
0x2a2: {  	v19 =	vld.idx.msk [tilespmem:v26+s16+$0x0], $0xffff;
	_ =	sdelay $0x1  }
0x2a3: {  	v27 =	vor.u32 v4, v62  }
0x2a4: {  	v28 =	vadd.s32 v7, v18;
	_ =	sdelay $0x1  }
0x2a5: {  	v19 =	vmul.f32 $5.656854150e+00, v19;
	_ =	sdelay $0x1  }
0x2a6: {  	[tilespmem:v27+s14+$0x0] =	vst.idx.msk $0xffff, v19  }
0x2a7: {  	v19 =	vld.idx.msk [tilespmem:v28+s16+$0x0], $0xffff;
	_ =	sdelay $0x1  }
0x2a8: {  	v29 =	vor.u32 v6, v62  }
0x2a9: {  	v30 =	vadd.s32 v9, v18;
	_ =	sdelay $0x1  }
0x2aa: {  	v19 =	vmul.f32 $5.656854150e+00, v19;
	_ =	sdelay $0x1  }
0x2ab: {  	[tilespmem:v29+s14+$0x0] =	vst.idx.msk $0xffff, v19  }
0x2ac: {  	v19 =	vld.idx.msk [tilespmem:v30+s16+$0x0], $0xffff;
	_ =	sdelay $0x1  }
0x2ad: {  	v31 =	vor.u32 v8, v62  }
0x2ae: {  	v32 =	vadd.s32 v11, v18;
	_ =	sdelay $0x1  }
0x2af: {  	v19 =	vmul.f32 $5.656854150e+00, v19;
	_ =	sdelay $0x1  }
0x2b0: {  	[tilespmem:v31+s14+$0x0] =	vst.idx.msk $0xffff, v19  }
0x2b1: {  	v19 =	vld.idx.msk [tilespmem:v32+s16+$0x0], $0xffff;
	_ =	sdelay $0x1  }
0x2b2: {  	v33 =	vor.u32 v10, v62  }
0x2b3: {  	v34 =	vadd.s32 v13, v18;
	_ =	sdelay $0x1  }
0x2b4: {  	v19 =	vmul.f32 $5.656854150e+00, v19;
	_ =	sdelay $0x1  }
0x2b5: {  	[tilespmem:v33+s14+$0x0] =	vst.idx.msk $0xffff, v19  }
0x2b6: {  	v19 =	vld.idx.msk [tilespmem:v34+s16+$0x0], $0xffff;
	_ =	sdelay $0x1  }
0x2b7: {  	v35 =	vor.u32 v12, v62  }
0x2b8: {  	v18 =	vadd.s32 v15, v18;
	_ =	sdelay $0x1  }
0x2b9: {  	v19 =	vmul.f32 $5.656854150e+00, v19;
	_ =	sdelay $0x1  }
0x2ba: {  	[tilespmem:v35+s14+$0x0] =	vst.idx.msk $0xffff, v19  }
0x2bb: {  	v18 =	vld.idx.msk [tilespmem:v18+s16+$0x0], $0xffff;
	_ =	sdelay $0x1  }
0x2bc: {  	v19 =	vor.u32 v14, v62;
	_ =	sdelay $0x2  }
0x2bd: {  	v18 =	vmul.f32 $5.656854150e+00, v18;
	_ =	sdelay $0x1  }
0x2be: {  	[tilespmem:v19+s14+$0x0] =	vst.idx.msk $0xffff, v18  }
0x2bf: {  	v18 =	vld [tilespmem:s19+$0x0];
	_ =	sdelay $0x4  }
0x2c0: {  	v19 =	vadd.s32 v1, v18;
	_ =	sdelay $0x4  }
0x2c1: {  	v19 =	vld.idx.msk [tilespmem:v19+s16+$0x0], $0xffff  }
0x2c2: {  	v36 =	vshll.u32 v18, $0x7  }
0x2c3: {  	v37 =	vor.u32 v0, v36  }
0x2c4: {  	v38 =	vadd.s32 v3, v18;
	_ =	sdelay $0x1  }
0x2c5: {  	v19 =	vmul.f32 $5.656854150e+00, v19;
	_ =	sdelay $0x1  }
0x2c6: {  	[tilespmem:v37+s14+$0x0] =	vst.idx.msk $0xffff, v19  }
0x2c7: {  	v19 =	vld.idx.msk [tilespmem:v38+s16+$0x0], $0xffff;
	_ =	sdelay $0x1  }
0x2c8: {  	v39 =	vor.u32 v2, v36  }
0x2c9: {  	v40 =	vadd.s32 v5, v18;
	_ =	sdelay $0x1  }
0x2ca: {  	v19 =	vmul.f32 $5.656854150e+00, v19;
	_ =	sdelay $0x1  }
0x2cb: {  	[tilespmem:v39+s14+$0x0] =	vst.idx.msk $0xffff, v19  }
0x2cc: {  	v19 =	vld.idx.msk [tilespmem:v40+s16+$0x0], $0xffff;
	_ =	sdelay $0x1  }
0x2cd: {  	v41 =	vor.u32 v4, v36  }
0x2ce: {  	v42 =	vadd.s32 v7, v18;
	_ =	sdelay $0x1  }
0x2cf: {  	v19 =	vmul.f32 $5.656854150e+00, v19;
	_ =	sdelay $0x1  }
0x2d0: {  	[tilespmem:v41+s14+$0x0] =	vst.idx.msk $0xffff, v19  }
0x2d1: {  	v19 =	vld.idx.msk [tilespmem:v42+s16+$0x0], $0xffff;
	_ =	sdelay $0x1  }
0x2d2: {  	v43 =	vor.u32 v6, v36  }
0x2d3: {  	v44 =	vadd.s32 v9, v18;
	_ =	sdelay $0x1  }
0x2d4: {  	v19 =	vmul.f32 $5.656854150e+00, v19;
	_ =	sdelay $0x1  }
0x2d5: {  	[tilespmem:v43+s14+$0x0] =	vst.idx.msk $0xffff, v19  }
0x2d6: {  	v19 =	vld.idx.msk [tilespmem:v44+s16+$0x0], $0xffff;
	_ =	sdelay $0x1  }
0x2d7: {  	v45 =	vor.u32 v8, v36  }
0x2d8: {  	v46 =	vadd.s32 v11, v18;
	_ =	sdelay $0x1  }
0x2d9: {  	v19 =	vmul.f32 $5.656854150e+00, v19;
	_ =	sdelay $0x1  }
0x2da: {  	[tilespmem:v45+s14+$0x0] =	vst.idx.msk $0xffff, v19  }
0x2db: {  	v19 =	vld.idx.msk [tilespmem:v46+s16+$0x0], $0xffff;
	_ =	sdelay $0x1  }
0x2dc: {  	v47 =	vor.u32 v10, v36  }
0x2dd: {  	v48 =	vadd.s32 v13, v18;
	_ =	sdelay $0x1  }
0x2de: {  	v19 =	vmul.f32 $5.656854150e+00, v19;
	_ =	sdelay $0x1  }
0x2df: {  	[tilespmem:v47+s14+$0x0] =	vst.idx.msk $0xffff, v19  }
0x2e0: {  	v19 =	vld.idx.msk [tilespmem:v48+s16+$0x0], $0xffff;
	_ =	sdelay $0x1  }
0x2e1: {  	v49 =	vor.u32 v12, v36  }
0x2e2: {  	v18 =	vadd.s32 v15, v18;
	_ =	sdelay $0x1  }
0x2e3: {  	v19 =	vmul.f32 $5.656854150e+00, v19;
	_ =	sdelay $0x1  }
0x2e4: {  	[tilespmem:v49+s14+$0x0] =	vst.idx.msk $0xffff, v19  }
0x2e5: {  	v18 =	vld.idx.msk [tilespmem:v18+s16+$0x0], $0xffff;
	_ =	sdelay $0x1  }
0x2e6: {  	v19 =	vor.u32 v14, v36;
	_ =	sdelay $0x2  }
0x2e7: {  	v18 =	vmul.f32 $5.656854150e+00, v18;
	_ =	sdelay $0x1  }
0x2e8: {  	[tilespmem:v19+s14+$0x0] =	vst.idx.msk $0xffff, v18  }
0x2e9: {  	v18 =	vld [tilespmem:s19+$0x80];
	_ =	sdelay $0x4  }
0x2ea: {  	v19 =	vadd.s32 v1, v18;
	_ =	sdelay $0x4  }
0x2eb: {  	v19 =	vld.idx.msk [tilespmem:v19+s16+$0x0], $0xffff  }
0x2ec: {  	v50 =	vshll.u32 v18, $0x7  }
0x2ed: {  	v51 =	vor.u32 v0, v50  }
0x2ee: {  	v52 =	vadd.s32 v3, v18;
	_ =	sdelay $0x1  }
0x2ef: {  	v19 =	vmul.f32 $5.656854150e+00, v19;
	_ =	sdelay $0x1  }
0x2f0: {  	[tilespmem:v51+s14+$0x0] =	vst.idx.msk $0xffff, v19  }
0x2f1: {  	v19 =	vld.idx.msk [tilespmem:v52+s16+$0x0], $0xffff;
	_ =	sdelay $0x1  }
0x2f2: {  	v53 =	vor.u32 v2, v50  }
0x2f3: {  	v54 =	vadd.s32 v5, v18;
	_ =	sdelay $0x1  }
0x2f4: {  	v19 =	vmul.f32 $5.656854150e+00, v19;
	_ =	sdelay $0x1  }
0x2f5: {  	[tilespmem:v53+s14+$0x0] =	vst.idx.msk $0xffff, v19  }
0x2f6: {  	v19 =	vld.idx.msk [tilespmem:v54+s16+$0x0], $0xffff;
	_ =	sdelay $0x1  }
0x2f7: {  	v55 =	vor.u32 v4, v50  }
0x2f8: {  	v56 =	vadd.s32 v7, v18;
	_ =	sdelay $0x1  }
0x2f9: {  	v19 =	vmul.f32 $5.656854150e+00, v19;
	_ =	sdelay $0x1  }
0x2fa: {  	[tilespmem:v55+s14+$0x0] =	vst.idx.msk $0xffff, v19  }
0x2fb: {  	v19 =	vld.idx.msk [tilespmem:v56+s16+$0x0], $0xffff;
	_ =	sdelay $0x1  }
0x2fc: {  	v57 =	vor.u32 v6, v50  }
0x2fd: {  	v58 =	vadd.s32 v9, v18;
	_ =	sdelay $0x1  }
0x2fe: {  	v19 =	vmul.f32 $5.656854150e+00, v19;
	_ =	sdelay $0x1  }
0x2ff: {  	[tilespmem:v57+s14+$0x0] =	vst.idx.msk $0xffff, v19  }
0x300: {  	v19 =	vld.idx.msk [tilespmem:v58+s16+$0x0], $0xffff;
	_ =	sdelay $0x1  }
0x301: {  	v59 =	vor.u32 v8, v50  }
0x302: {  	v60 =	vadd.s32 v11, v18;
	_ =	sdelay $0x1  }
0x303: {  	v19 =	vmul.f32 $5.656854150e+00, v19;
	_ =	sdelay $0x1  }
0x304: {  	[tilespmem:v59+s14+$0x0] =	vst.idx.msk $0xffff, v19  }
0x305: {  	v19 =	vld.idx.msk [tilespmem:v60+s16+$0x0], $0xffff;
	_ =	sdelay $0x1  }
0x306: {  	v61 =	vor.u32 v10, v50  }
0x307: {  	v62 =	vadd.s32 v13, v18;
	_ =	sdelay $0x1  }
0x308: {  	v19 =	vmul.f32 $5.656854150e+00, v19;
	_ =	sdelay $0x1  }
0x309: {  	[tilespmem:v61+s14+$0x0] =	vst.idx.msk $0xffff, v19  }
0x30a: {  	v19 =	vld.idx.msk [tilespmem:v62+s16+$0x0], $0xffff;
	_ =	sdelay $0x1  }
0x30b: {  	v63 =	vor.u32 v12, v50  }
0x30c: {  	v18 =	vadd.s32 v15, v18;
	_ =	sdelay $0x1  }
0x30d: {  	v19 =	vmul.f32 $5.656854150e+00, v19;
	_ =	sdelay $0x1  }
0x30e: {  	[tilespmem:v63+s14+$0x0] =	vst.idx.msk $0xffff, v19  }
0x30f: {  	v18 =	vld.idx.msk [tilespmem:v18+s16+$0x0], $0xffff  }
0x310: {  	s18 =	sadd.s32 $0x4, s18  }
0x311: {  	p5 =	slt.u32 s18, $0x1C;
	v19 =	vor.u32 v14, v50  }
.Ltmp9:
0x312: {  	_ = 	snop;
	(pc) =	sbr.rel @p5 .LBB2_20-.Ltmp9, $3  }
0x313: {  	_ = 	snop  }
0x314: {  	v18 =	vmul.f32 $5.656854150e+00, v18;
	_ =	sdelay $0x1  }
0x315: {  	s19 =	sadd.s32 $0x200, s19;
	[tilespmem:v19+s14+$0x0] =	vst.idx.msk $0xffff, v18  }
0x316: {  	s13 =	simm.s32 @!p3 $0x5  }
0x317: {  	_ =	swait.ge @!p3 [sflag:s13], $0x80  }
0x318: {  	s18 =	simm.s32 @!p3 $0xB080;
	[sflag:s13] =	ssyncset.done @!p3 $0x0  }
0x319: {  	s19 =	simm.s32 @!p3 $0xB280;
	[sflag:s13] =	ssyncadd.s32 @!p3 $0xFFFFFF80;
	s13 =	simm.s32 @!p3 $0x80  }
0x31a: {  	[tilespmem:s19], [sflag:$0x9] =	stream.indirect.gather @!p3 [hbm4b:s4+s13], $0x20, s18, s13, $0xb8;
	[tilespmem:$0x1F280] =	vst v63  }
0x31b: {  	s19 =	sshll.u32 s25, $0x13  }
0x31c: {  	s13 =	sor.u32 s10, s19  }
0x31d: {  	s20 =	rddreg [dreg:$0x3];
	s18 =	sshrl.u32 s13, $0x3  }
0x31e: {  	s13 =	sadd.s32 s20, s18  }
0x31f: {  	[hbm4b:s13+s23] =	stream.strided.scatter [tilespmem:s14], [sflag:$0xD], $0x1000, s26, s23, $0x38;
	[tilespmem:$0x1F280] =	vst v63  }
0x320: {  	s13 =	sadd.s32 @!p3 $0x5, s7  }
0x321: {  	_ =	swait.ge [sflag:s2], $0x1000;
	s19 =	sshll.u32 @!p3 s13, $0x7;
	s13 =	sshll.u32 @!p3 s13, $0xC  }
0x322: {  	[sflag:s2] =	ssyncset.done $0x0;
	s19 =	sand.u32 @!p3 $0x280, s19;
	s13 =	sand.u32 @!p3 $0x1F8000, s13  }
0x323: {  	s20 =	simm.s32 @!p4 $0xE;
	[sflag:s2] =	ssyncadd.s32 $0xFFFFF000;
	s13 =	sor.u32 @!p3 s13, s19  }
0x324: {  	_ =	swait.ge @!p4 [sflag:s20], $0x1000;
	s13 =	sor.u32 @!p3 s10, s13  }
0x325: {  	s19 =	simm.s32 @!p3 $0x0;
	[sflag:s20] =	ssyncset.done @!p4 $0x0;
	s13 =	sshrl.u32 @!p3 s13, $0x3  }
0x326: {  	[sflag:s20] =	ssyncadd.s32 @!p4 $0xFFFFF000;
	s13 =	sadd.s32 @!p3 s0, s13;
	s20 =	simm.s32 @!p3 $0xB100  }
0x327: {  	[tilespmem:s20], [sflag:$0x6] =	stream.linear.gather @!p3 [hbm4b:s13+s19], $0x80, $0x38;
	[tilespmem:$0x1F280] =	vst v63  }
0x328: {  	s19 =	simm.s32 $0xFFFFFFFC;
	s20 =	simm.s32 $0x100  }
.LBB2_22:
0x329: {  	v18 =	vld [tilespmem:s20+$0xFFFFFF00];
	_ =	sdelay $0x4  }
0x32a: {  	v19 =	vadd.s32 v1, v18;
	_ =	sdelay $0x4  }
0x32b: {  	v19 =	vld.idx.msk [tilespmem:v19+s17+$0x0], $0xffff  }
0x32c: {  	v20 =	vshll.u32 v18, $0x7  }
0x32d: {  	v21 =	vor.u32 v0, v20  }
0x32e: {  	v22 =	vadd.s32 v3, v18;
	_ =	sdelay $0x1  }
0x32f: {  	v19 =	vmul.f32 $5.656854150e+00, v19;
	_ =	sdelay $0x1  }
0x330: {  	[tilespmem:v21+s8+$0x0] =	vst.idx.msk $0xffff, v19  }
0x331: {  	v19 =	vld.idx.msk [tilespmem:v22+s17+$0x0], $0xffff;
	_ =	sdelay $0x1  }
0x332: {  	v51 =	vor.u32 v2, v20  }
0x333: {  	v52 =	vadd.s32 v5, v18;
	_ =	sdelay $0x1  }
0x334: {  	v19 =	vmul.f32 $5.656854150e+00, v19;
	_ =	sdelay $0x1  }
0x335: {  	[tilespmem:v51+s8+$0x0] =	vst.idx.msk $0xffff, v19  }
0x336: {  	v19 =	vld.idx.msk [tilespmem:v52+s17+$0x0], $0xffff;
	_ =	sdelay $0x1  }
0x337: {  	v53 =	vor.u32 v4, v20  }
0x338: {  	v54 =	vadd.s32 v7, v18;
	_ =	sdelay $0x1  }
0x339: {  	v19 =	vmul.f32 $5.656854150e+00, v19;
	_ =	sdelay $0x1  }
0x33a: {  	[tilespmem:v53+s8+$0x0] =	vst.idx.msk $0xffff, v19  }
0x33b: {  	v19 =	vld.idx.msk [tilespmem:v54+s17+$0x0], $0xffff;
	_ =	sdelay $0x1  }
0x33c: {  	v55 =	vor.u32 v6, v20  }
0x33d: {  	v56 =	vadd.s32 v9, v18;
	_ =	sdelay $0x1  }
0x33e: {  	v19 =	vmul.f32 $5.656854150e+00, v19;
	_ =	sdelay $0x1  }
0x33f: {  	[tilespmem:v55+s8+$0x0] =	vst.idx.msk $0xffff, v19  }
0x340: {  	v19 =	vld.idx.msk [tilespmem:v56+s17+$0x0], $0xffff;
	_ =	sdelay $0x1  }
0x341: {  	v57 =	vor.u32 v8, v20  }
0x342: {  	v58 =	vadd.s32 v11, v18;
	_ =	sdelay $0x1  }
0x343: {  	v19 =	vmul.f32 $5.656854150e+00, v19;
	_ =	sdelay $0x1  }
0x344: {  	[tilespmem:v57+s8+$0x0] =	vst.idx.msk $0xffff, v19  }
0x345: {  	v19 =	vld.idx.msk [tilespmem:v58+s17+$0x0], $0xffff;
	_ =	sdelay $0x1  }
0x346: {  	v59 =	vor.u32 v10, v20  }
0x347: {  	v60 =	vadd.s32 v13, v18;
	_ =	sdelay $0x1  }
0x348: {  	v19 =	vmul.f32 $5.656854150e+00, v19;
	_ =	sdelay $0x1  }
0x349: {  	[tilespmem:v59+s8+$0x0] =	vst.idx.msk $0xffff, v19  }
0x34a: {  	v19 =	vld.idx.msk [tilespmem:v60+s17+$0x0], $0xffff;
	_ =	sdelay $0x1  }
0x34b: {  	v61 =	vor.u32 v12, v20  }
0x34c: {  	v18 =	vadd.s32 v15, v18;
	_ =	sdelay $0x1  }
0x34d: {  	v19 =	vmul.f32 $5.656854150e+00, v19;
	_ =	sdelay $0x1  }
0x34e: {  	[tilespmem:v61+s8+$0x0] =	vst.idx.msk $0xffff, v19  }
0x34f: {  	v18 =	vld.idx.msk [tilespmem:v18+s17+$0x0], $0xffff;
	_ =	sdelay $0x1  }
0x350: {  	v19 =	vor.u32 v14, v20;
	_ =	sdelay $0x2  }
0x351: {  	v18 =	vmul.f32 $5.656854150e+00, v18;
	_ =	sdelay $0x1  }
0x352: {  	[tilespmem:v19+s8+$0x0] =	vst.idx.msk $0xffff, v18  }
0x353: {  	v18 =	vld [tilespmem:s20+$0xFFFFFF80];
	_ =	sdelay $0x4  }
0x354: {  	v19 =	vadd.s32 v1, v18;
	_ =	sdelay $0x4  }
0x355: {  	v19 =	vld.idx.msk [tilespmem:v19+s17+$0x0], $0xffff  }
0x356: {  	v62 =	vshll.u32 v18, $0x7  }
0x357: {  	v63 =	vor.u32 v0, v62  }
0x358: {  	v24 =	vadd.s32 v3, v18;
	_ =	sdelay $0x1  }
0x359: {  	v19 =	vmul.f32 $5.656854150e+00, v19;
	_ =	sdelay $0x1  }
0x35a: {  	[tilespmem:v63+s8+$0x0] =	vst.idx.msk $0xffff, v19  }
0x35b: {  	v19 =	vld.idx.msk [tilespmem:v24+s17+$0x0], $0xffff;
	_ =	sdelay $0x1  }
0x35c: {  	v25 =	vor.u32 v2, v62  }
0x35d: {  	v26 =	vadd.s32 v5, v18;
	_ =	sdelay $0x1  }
0x35e: {  	v19 =	vmul.f32 $5.656854150e+00, v19;
	_ =	sdelay $0x1  }
0x35f: {  	[tilespmem:v25+s8+$0x0] =	vst.idx.msk $0xffff, v19  }
0x360: {  	v19 =	vld.idx.msk [tilespmem:v26+s17+$0x0], $0xffff;
	_ =	sdelay $0x1  }
0x361: {  	v27 =	vor.u32 v4, v62  }
0x362: {  	v28 =	vadd.s32 v7, v18;
	_ =	sdelay $0x1  }
0x363: {  	v19 =	vmul.f32 $5.656854150e+00, v19;
	_ =	sdelay $0x1  }
0x364: {  	[tilespmem:v27+s8+$0x0] =	vst.idx.msk $0xffff, v19  }
0x365: {  	v19 =	vld.idx.msk [tilespmem:v28+s17+$0x0], $0xffff;
	_ =	sdelay $0x1  }
0x366: {  	v29 =	vor.u32 v6, v62  }
0x367: {  	v30 =	vadd.s32 v9, v18;
	_ =	sdelay $0x1  }
0x368: {  	v19 =	vmul.f32 $5.656854150e+00, v19;
	_ =	sdelay $0x1  }
0x369: {  	[tilespmem:v29+s8+$0x0] =	vst.idx.msk $0xffff, v19  }
0x36a: {  	v19 =	vld.idx.msk [tilespmem:v30+s17+$0x0], $0xffff;
	_ =	sdelay $0x1  }
0x36b: {  	v31 =	vor.u32 v8, v62  }
0x36c: {  	v32 =	vadd.s32 v11, v18;
	_ =	sdelay $0x1  }
0x36d: {  	v19 =	vmul.f32 $5.656854150e+00, v19;
	_ =	sdelay $0x1  }
0x36e: {  	[tilespmem:v31+s8+$0x0] =	vst.idx.msk $0xffff, v19  }
0x36f: {  	v19 =	vld.idx.msk [tilespmem:v32+s17+$0x0], $0xffff;
	_ =	sdelay $0x1  }
0x370: {  	v33 =	vor.u32 v10, v62  }
0x371: {  	v34 =	vadd.s32 v13, v18;
	_ =	sdelay $0x1  }
0x372: {  	v19 =	vmul.f32 $5.656854150e+00, v19;
	_ =	sdelay $0x1  }
0x373: {  	[tilespmem:v33+s8+$0x0] =	vst.idx.msk $0xffff, v19  }
0x374: {  	v19 =	vld.idx.msk [tilespmem:v34+s17+$0x0], $0xffff;
	_ =	sdelay $0x1  }
0x375: {  	v35 =	vor.u32 v12, v62  }
0x376: {  	v18 =	vadd.s32 v15, v18;
	_ =	sdelay $0x1  }
0x377: {  	v19 =	vmul.f32 $5.656854150e+00, v19;
	_ =	sdelay $0x1  }
0x378: {  	[tilespmem:v35+s8+$0x0] =	vst.idx.msk $0xffff, v19  }
0x379: {  	v18 =	vld.idx.msk [tilespmem:v18+s17+$0x0], $0xffff;
	_ =	sdelay $0x1  }
0x37a: {  	v19 =	vor.u32 v14, v62;
	_ =	sdelay $0x2  }
0x37b: {  	v18 =	vmul.f32 $5.656854150e+00, v18;
	_ =	sdelay $0x1  }
0x37c: {  	[tilespmem:v19+s8+$0x0] =	vst.idx.msk $0xffff, v18  }
0x37d: {  	v18 =	vld [tilespmem:s20+$0x0];
	_ =	sdelay $0x4  }
0x37e: {  	v19 =	vadd.s32 v1, v18;
	_ =	sdelay $0x4  }
0x37f: {  	v19 =	vld.idx.msk [tilespmem:v19+s17+$0x0], $0xffff  }
0x380: {  	v36 =	vshll.u32 v18, $0x7  }
0x381: {  	v37 =	vor.u32 v0, v36  }
0x382: {  	v38 =	vadd.s32 v3, v18;
	_ =	sdelay $0x1  }
0x383: {  	v19 =	vmul.f32 $5.656854150e+00, v19;
	_ =	sdelay $0x1  }
0x384: {  	[tilespmem:v37+s8+$0x0] =	vst.idx.msk $0xffff, v19  }
0x385: {  	v19 =	vld.idx.msk [tilespmem:v38+s17+$0x0], $0xffff;
	_ =	sdelay $0x1  }
0x386: {  	v39 =	vor.u32 v2, v36  }
0x387: {  	v40 =	vadd.s32 v5, v18;
	_ =	sdelay $0x1  }
0x388: {  	v19 =	vmul.f32 $5.656854150e+00, v19;
	_ =	sdelay $0x1  }
0x389: {  	[tilespmem:v39+s8+$0x0] =	vst.idx.msk $0xffff, v19  }
0x38a: {  	v19 =	vld.idx.msk [tilespmem:v40+s17+$0x0], $0xffff;
	_ =	sdelay $0x1  }
0x38b: {  	v41 =	vor.u32 v4, v36  }
0x38c: {  	v42 =	vadd.s32 v7, v18;
	_ =	sdelay $0x1  }
0x38d: {  	v19 =	vmul.f32 $5.656854150e+00, v19;
	_ =	sdelay $0x1  }
0x38e: {  	[tilespmem:v41+s8+$0x0] =	vst.idx.msk $0xffff, v19  }
0x38f: {  	v19 =	vld.idx.msk [tilespmem:v42+s17+$0x0], $0xffff;
	_ =	sdelay $0x1  }
0x390: {  	v43 =	vor.u32 v6, v36  }
0x391: {  	v44 =	vadd.s32 v9, v18;
	_ =	sdelay $0x1  }
0x392: {  	v19 =	vmul.f32 $5.656854150e+00, v19;
	_ =	sdelay $0x1  }
0x393: {  	[tilespmem:v43+s8+$0x0] =	vst.idx.msk $0xffff, v19  }
0x394: {  	v19 =	vld.idx.msk [tilespmem:v44+s17+$0x0], $0xffff;
	_ =	sdelay $0x1  }
0x395: {  	v45 =	vor.u32 v8, v36  }
0x396: {  	v46 =	vadd.s32 v11, v18;
	_ =	sdelay $0x1  }
0x397: {  	v19 =	vmul.f32 $5.656854150e+00, v19;
	_ =	sdelay $0x1  }
0x398: {  	[tilespmem:v45+s8+$0x0] =	vst.idx.msk $0xffff, v19  }
0x399: {  	v19 =	vld.idx.msk [tilespmem:v46+s17+$0x0], $0xffff;
	_ =	sdelay $0x1  }
0x39a: {  	v47 =	vor.u32 v10, v36  }
0x39b: {  	v48 =	vadd.s32 v13, v18;
	_ =	sdelay $0x1  }
0x39c: {  	v19 =	vmul.f32 $5.656854150e+00, v19;
	_ =	sdelay $0x1  }
0x39d: {  	[tilespmem:v47+s8+$0x0] =	vst.idx.msk $0xffff, v19  }
0x39e: {  	v19 =	vld.idx.msk [tilespmem:v48+s17+$0x0], $0xffff;
	_ =	sdelay $0x1  }
0x39f: {  	v49 =	vor.u32 v12, v36  }
0x3a0: {  	v18 =	vadd.s32 v15, v18;
	_ =	sdelay $0x1  }
0x3a1: {  	v19 =	vmul.f32 $5.656854150e+00, v19;
	_ =	sdelay $0x1  }
0x3a2: {  	[tilespmem:v49+s8+$0x0] =	vst.idx.msk $0xffff, v19  }
0x3a3: {  	v18 =	vld.idx.msk [tilespmem:v18+s17+$0x0], $0xffff;
	_ =	sdelay $0x1  }
0x3a4: {  	v19 =	vor.u32 v14, v36;
	_ =	sdelay $0x2  }
0x3a5: {  	v18 =	vmul.f32 $5.656854150e+00, v18;
	_ =	sdelay $0x1  }
0x3a6: {  	[tilespmem:v19+s8+$0x0] =	vst.idx.msk $0xffff, v18  }
0x3a7: {  	v18 =	vld [tilespmem:s20+$0x80];
	_ =	sdelay $0x4  }
0x3a8: {  	v19 =	vadd.s32 v1, v18;
	_ =	sdelay $0x4  }
0x3a9: {  	v19 =	vld.idx.msk [tilespmem:v19+s17+$0x0], $0xffff  }
0x3aa: {  	v50 =	vshll.u32 v18, $0x7  }
0x3ab: {  	v51 =	vor.u32 v0, v50  }
0x3ac: {  	v52 =	vadd.s32 v3, v18;
	_ =	sdelay $0x1  }
0x3ad: {  	v19 =	vmul.f32 $5.656854150e+00, v19;
	_ =	sdelay $0x1  }
0x3ae: {  	[tilespmem:v51+s8+$0x0] =	vst.idx.msk $0xffff, v19  }
0x3af: {  	v19 =	vld.idx.msk [tilespmem:v52+s17+$0x0], $0xffff;
	_ =	sdelay $0x1  }
0x3b0: {  	v53 =	vor.u32 v2, v50  }
0x3b1: {  	v54 =	vadd.s32 v5, v18;
	_ =	sdelay $0x1  }
0x3b2: {  	v19 =	vmul.f32 $5.656854150e+00, v19;
	_ =	sdelay $0x1  }
0x3b3: {  	[tilespmem:v53+s8+$0x0] =	vst.idx.msk $0xffff, v19  }
0x3b4: {  	v19 =	vld.idx.msk [tilespmem:v54+s17+$0x0], $0xffff;
	_ =	sdelay $0x1  }
0x3b5: {  	v55 =	vor.u32 v4, v50  }
0x3b6: {  	v56 =	vadd.s32 v7, v18;
	_ =	sdelay $0x1  }
0x3b7: {  	v19 =	vmul.f32 $5.656854150e+00, v19;
	_ =	sdelay $0x1  }
0x3b8: {  	[tilespmem:v55+s8+$0x0] =	vst.idx.msk $0xffff, v19  }
0x3b9: {  	v19 =	vld.idx.msk [tilespmem:v56+s17+$0x0], $0xffff;
	_ =	sdelay $0x1  }
0x3ba: {  	v57 =	vor.u32 v6, v50  }
0x3bb: {  	v58 =	vadd.s32 v9, v18;
	_ =	sdelay $0x1  }
0x3bc: {  	v19 =	vmul.f32 $5.656854150e+00, v19;
	_ =	sdelay $0x1  }
0x3bd: {  	[tilespmem:v57+s8+$0x0] =	vst.idx.msk $0xffff, v19  }
0x3be: {  	v19 =	vld.idx.msk [tilespmem:v58+s17+$0x0], $0xffff;
	_ =	sdelay $0x1  }
0x3bf: {  	v59 =	vor.u32 v8, v50  }
0x3c0: {  	v60 =	vadd.s32 v11, v18;
	_ =	sdelay $0x1  }
0x3c1: {  	v19 =	vmul.f32 $5.656854150e+00, v19;
	_ =	sdelay $0x1  }
0x3c2: {  	[tilespmem:v59+s8+$0x0] =	vst.idx.msk $0xffff, v19  }
0x3c3: {  	v19 =	vld.idx.msk [tilespmem:v60+s17+$0x0], $0xffff;
	_ =	sdelay $0x1  }
0x3c4: {  	v61 =	vor.u32 v10, v50  }
0x3c5: {  	v62 =	vadd.s32 v13, v18;
	_ =	sdelay $0x1  }
0x3c6: {  	v19 =	vmul.f32 $5.656854150e+00, v19;
	_ =	sdelay $0x1  }
0x3c7: {  	[tilespmem:v61+s8+$0x0] =	vst.idx.msk $0xffff, v19  }
0x3c8: {  	v19 =	vld.idx.msk [tilespmem:v62+s17+$0x0], $0xffff;
	_ =	sdelay $0x1  }
0x3c9: {  	v63 =	vor.u32 v12, v50  }
0x3ca: {  	v18 =	vadd.s32 v15, v18;
	_ =	sdelay $0x1  }
0x3cb: {  	v19 =	vmul.f32 $5.656854150e+00, v19;
	_ =	sdelay $0x1  }
0x3cc: {  	[tilespmem:v63+s8+$0x0] =	vst.idx.msk $0xffff, v19  }
0x3cd: {  	v18 =	vld.idx.msk [tilespmem:v18+s17+$0x0], $0xffff  }
0x3ce: {  	s19 =	sadd.s32 $0x4, s19  }
0x3cf: {  	p5 =	slt.u32 s19, $0x1C;
	v19 =	vor.u32 v14, v50  }
.Ltmp10:
0x3d0: {  	_ = 	snop;
	(pc) =	sbr.rel @p5 .LBB2_22-.Ltmp10, $3  }
0x3d1: {  	_ = 	snop  }
0x3d2: {  	v18 =	vmul.f32 $5.656854150e+00, v18;
	_ =	sdelay $0x1  }
0x3d3: {  	s20 =	sadd.s32 $0x200, s20;
	[tilespmem:v19+s8+$0x0] =	vst.idx.msk $0xffff, v18  }
0x3d4: {  	s13 =	simm.s32 @!p3 $0x6  }
0x3d5: {  	_ =	swait.ge @!p3 [sflag:s13], $0x80  }
0x3d6: {  	s19 =	simm.s32 @!p3 $0xB100;
	[sflag:s13] =	ssyncset.done @!p3 $0x0  }
0x3d7: {  	s20 =	simm.s32 @!p3 $0xF280;
	[sflag:s13] =	ssyncadd.s32 @!p3 $0xFFFFFF80;
	s13 =	simm.s32 @!p3 $0x80  }
0x3d8: {  	[tilespmem:s20], [sflag:$0xA] =	stream.indirect.gather @!p3 [hbm4b:s4+s13], $0x20, s19, s13, $0xb8;
	[tilespmem:$0x1F280] =	vst v63  }
0x3d9: {  	s20 =	rddreg [dreg:$0x10]  }
0x3da: {  	s13 =	sadd.s32 s18, s20  }
0x3db: {  	[hbm4b:s13+s23] =	stream.strided.scatter [tilespmem:s8], [sflag:$0xE], $0x1000, s26, s23, $0x38;
	[tilespmem:$0x1F280] =	vst v63  }
0x3dc: {  	s13 =	sadd.s32 @!p3 $0x6, s7  }
0x3dd: {  	_ =	swait.ge [sflag:s15], $0x1000;
	s19 =	sshll.u32 @!p3 s13, $0x7;
	s13 =	sshll.u32 @!p3 s13, $0xC  }
0x3de: {  	[sflag:s15] =	ssyncset.done $0x0;
	s19 =	sand.u32 @!p3 $0x300, s19;
	s13 =	sand.u32 @!p3 $0x1F8000, s13  }
0x3df: {  	s20 =	simm.s32 @!p4 $0xF;
	[sflag:s15] =	ssyncadd.s32 $0xFFFFF000;
	s13 =	sor.u32 @!p3 s13, s19  }
0x3e0: {  	_ =	swait.ge @!p4 [sflag:s20], $0x1000;
	s13 =	sor.u32 @!p3 s10, s13  }
0x3e1: {  	s19 =	simm.s32 @!p3 $0x0;
	[sflag:s20] =	ssyncset.done @!p4 $0x0;
	s13 =	sshrl.u32 @!p3 s13, $0x3  }
0x3e2: {  	[sflag:s20] =	ssyncadd.s32 @!p4 $0xFFFFF000;
	s13 =	sadd.s32 @!p3 s0, s13;
	s20 =	simm.s32 @!p3 $0xB180  }
0x3e3: {  	[tilespmem:s20], [sflag:$0x7] =	stream.linear.gather @!p3 [hbm4b:s13+s19], $0x80, $0x38;
	[tilespmem:$0x1F280] =	vst v63  }
0x3e4: {  	s19 =	simm.s32 $0xFFFFFFFC;
	s20 =	simm.s32 $0x100  }
.LBB2_24:
0x3e5: {  	v18 =	vld [tilespmem:s20+$0xFFFFFF00];
	_ =	sdelay $0x4  }
0x3e6: {  	v19 =	vadd.s32 v1, v18;
	_ =	sdelay $0x4  }
0x3e7: {  	v19 =	vld.idx.msk [tilespmem:v19+s21+$0x0], $0xffff  }
0x3e8: {  	v20 =	vshll.u32 v18, $0x7  }
0x3e9: {  	v21 =	vor.u32 v0, v20  }
0x3ea: {  	v22 =	vadd.s32 v3, v18;
	_ =	sdelay $0x1  }
0x3eb: {  	v19 =	vmul.f32 $5.656854150e+00, v19;
	_ =	sdelay $0x1  }
0x3ec: {  	[tilespmem:v21+s11+$0x0] =	vst.idx.msk $0xffff, v19  }
0x3ed: {  	v19 =	vld.idx.msk [tilespmem:v22+s21+$0x0], $0xffff;
	_ =	sdelay $0x1  }
0x3ee: {  	v51 =	vor.u32 v2, v20  }
0x3ef: {  	v52 =	vadd.s32 v5, v18;
	_ =	sdelay $0x1  }
0x3f0: {  	v19 =	vmul.f32 $5.656854150e+00, v19;
	_ =	sdelay $0x1  }
0x3f1: {  	[tilespmem:v51+s11+$0x0] =	vst.idx.msk $0xffff, v19  }
0x3f2: {  	v19 =	vld.idx.msk [tilespmem:v52+s21+$0x0], $0xffff;
	_ =	sdelay $0x1  }
0x3f3: {  	v53 =	vor.u32 v4, v20  }
0x3f4: {  	v54 =	vadd.s32 v7, v18;
	_ =	sdelay $0x1  }
0x3f5: {  	v19 =	vmul.f32 $5.656854150e+00, v19;
	_ =	sdelay $0x1  }
0x3f6: {  	[tilespmem:v53+s11+$0x0] =	vst.idx.msk $0xffff, v19  }
0x3f7: {  	v19 =	vld.idx.msk [tilespmem:v54+s21+$0x0], $0xffff;
	_ =	sdelay $0x1  }
0x3f8: {  	v55 =	vor.u32 v6, v20  }
0x3f9: {  	v56 =	vadd.s32 v9, v18;
	_ =	sdelay $0x1  }
0x3fa: {  	v19 =	vmul.f32 $5.656854150e+00, v19;
	_ =	sdelay $0x1  }
0x3fb: {  	[tilespmem:v55+s11+$0x0] =	vst.idx.msk $0xffff, v19  }
0x3fc: {  	v19 =	vld.idx.msk [tilespmem:v56+s21+$0x0], $0xffff;
	_ =	sdelay $0x1  }
0x3fd: {  	v57 =	vor.u32 v8, v20  }
0x3fe: {  	v58 =	vadd.s32 v11, v18;
	_ =	sdelay $0x1  }
0x3ff: {  	v19 =	vmul.f32 $5.656854150e+00, v19;
	_ =	sdelay $0x1  }
0x400: {  	[tilespmem:v57+s11+$0x0] =	vst.idx.msk $0xffff, v19  }
0x401: {  	v19 =	vld.idx.msk [tilespmem:v58+s21+$0x0], $0xffff;
	_ =	sdelay $0x1  }
0x402: {  	v59 =	vor.u32 v10, v20  }
0x403: {  	v60 =	vadd.s32 v13, v18;
	_ =	sdelay $0x1  }
0x404: {  	v19 =	vmul.f32 $5.656854150e+00, v19;
	_ =	sdelay $0x1  }
0x405: {  	[tilespmem:v59+s11+$0x0] =	vst.idx.msk $0xffff, v19  }
0x406: {  	v19 =	vld.idx.msk [tilespmem:v60+s21+$0x0], $0xffff;
	_ =	sdelay $0x1  }
0x407: {  	v61 =	vor.u32 v12, v20  }
0x408: {  	v18 =	vadd.s32 v15, v18;
	_ =	sdelay $0x1  }
0x409: {  	v19 =	vmul.f32 $5.656854150e+00, v19;
	_ =	sdelay $0x1  }
0x40a: {  	[tilespmem:v61+s11+$0x0] =	vst.idx.msk $0xffff, v19  }
0x40b: {  	v18 =	vld.idx.msk [tilespmem:v18+s21+$0x0], $0xffff;
	_ =	sdelay $0x1  }
0x40c: {  	v19 =	vor.u32 v14, v20;
	_ =	sdelay $0x2  }
0x40d: {  	v18 =	vmul.f32 $5.656854150e+00, v18;
	_ =	sdelay $0x1  }
0x40e: {  	[tilespmem:v19+s11+$0x0] =	vst.idx.msk $0xffff, v18  }
0x40f: {  	v18 =	vld [tilespmem:s20+$0xFFFFFF80];
	_ =	sdelay $0x4  }
0x410: {  	v19 =	vadd.s32 v1, v18;
	_ =	sdelay $0x4  }
0x411: {  	v19 =	vld.idx.msk [tilespmem:v19+s21+$0x0], $0xffff  }
0x412: {  	v62 =	vshll.u32 v18, $0x7  }
0x413: {  	v63 =	vor.u32 v0, v62  }
0x414: {  	v24 =	vadd.s32 v3, v18;
	_ =	sdelay $0x1  }
0x415: {  	v19 =	vmul.f32 $5.656854150e+00, v19;
	_ =	sdelay $0x1  }
0x416: {  	[tilespmem:v63+s11+$0x0] =	vst.idx.msk $0xffff, v19  }
0x417: {  	v19 =	vld.idx.msk [tilespmem:v24+s21+$0x0], $0xffff;
	_ =	sdelay $0x1  }
0x418: {  	v25 =	vor.u32 v2, v62  }
0x419: {  	v26 =	vadd.s32 v5, v18;
	_ =	sdelay $0x1  }
0x41a: {  	v19 =	vmul.f32 $5.656854150e+00, v19;
	_ =	sdelay $0x1  }
0x41b: {  	[tilespmem:v25+s11+$0x0] =	vst.idx.msk $0xffff, v19  }
0x41c: {  	v19 =	vld.idx.msk [tilespmem:v26+s21+$0x0], $0xffff;
	_ =	sdelay $0x1  }
0x41d: {  	v27 =	vor.u32 v4, v62  }
0x41e: {  	v28 =	vadd.s32 v7, v18;
	_ =	sdelay $0x1  }
0x41f: {  	v19 =	vmul.f32 $5.656854150e+00, v19;
	_ =	sdelay $0x1  }
0x420: {  	[tilespmem:v27+s11+$0x0] =	vst.idx.msk $0xffff, v19  }
0x421: {  	v19 =	vld.idx.msk [tilespmem:v28+s21+$0x0], $0xffff;
	_ =	sdelay $0x1  }
0x422: {  	v29 =	vor.u32 v6, v62  }
0x423: {  	v30 =	vadd.s32 v9, v18;
	_ =	sdelay $0x1  }
0x424: {  	v19 =	vmul.f32 $5.656854150e+00, v19;
	_ =	sdelay $0x1  }
0x425: {  	[tilespmem:v29+s11+$0x0] =	vst.idx.msk $0xffff, v19  }
0x426: {  	v19 =	vld.idx.msk [tilespmem:v30+s21+$0x0], $0xffff;
	_ =	sdelay $0x1  }
0x427: {  	v31 =	vor.u32 v8, v62  }
0x428: {  	v32 =	vadd.s32 v11, v18;
	_ =	sdelay $0x1  }
0x429: {  	v19 =	vmul.f32 $5.656854150e+00, v19;
	_ =	sdelay $0x1  }
0x42a: {  	[tilespmem:v31+s11+$0x0] =	vst.idx.msk $0xffff, v19  }
0x42b: {  	v19 =	vld.idx.msk [tilespmem:v32+s21+$0x0], $0xffff;
	_ =	sdelay $0x1  }
0x42c: {  	v33 =	vor.u32 v10, v62  }
0x42d: {  	v34 =	vadd.s32 v13, v18;
	_ =	sdelay $0x1  }
0x42e: {  	v19 =	vmul.f32 $5.656854150e+00, v19;
	_ =	sdelay $0x1  }
0x42f: {  	[tilespmem:v33+s11+$0x0] =	vst.idx.msk $0xffff, v19  }
0x430: {  	v19 =	vld.idx.msk [tilespmem:v34+s21+$0x0], $0xffff;
	_ =	sdelay $0x1  }
0x431: {  	v35 =	vor.u32 v12, v62  }
0x432: {  	v18 =	vadd.s32 v15, v18;
	_ =	sdelay $0x1  }
0x433: {  	v19 =	vmul.f32 $5.656854150e+00, v19;
	_ =	sdelay $0x1  }
0x434: {  	[tilespmem:v35+s11+$0x0] =	vst.idx.msk $0xffff, v19  }
0x435: {  	v18 =	vld.idx.msk [tilespmem:v18+s21+$0x0], $0xffff;
	_ =	sdelay $0x1  }
0x436: {  	v19 =	vor.u32 v14, v62;
	_ =	sdelay $0x2  }
0x437: {  	v18 =	vmul.f32 $5.656854150e+00, v18;
	_ =	sdelay $0x1  }
0x438: {  	[tilespmem:v19+s11+$0x0] =	vst.idx.msk $0xffff, v18  }
0x439: {  	v18 =	vld [tilespmem:s20+$0x0];
	_ =	sdelay $0x4  }
0x43a: {  	v19 =	vadd.s32 v1, v18;
	_ =	sdelay $0x4  }
0x43b: {  	v19 =	vld.idx.msk [tilespmem:v19+s21+$0x0], $0xffff  }
0x43c: {  	v36 =	vshll.u32 v18, $0x7  }
0x43d: {  	v37 =	vor.u32 v0, v36  }
0x43e: {  	v38 =	vadd.s32 v3, v18;
	_ =	sdelay $0x1  }
0x43f: {  	v19 =	vmul.f32 $5.656854150e+00, v19;
	_ =	sdelay $0x1  }
0x440: {  	[tilespmem:v37+s11+$0x0] =	vst.idx.msk $0xffff, v19  }
0x441: {  	v19 =	vld.idx.msk [tilespmem:v38+s21+$0x0], $0xffff;
	_ =	sdelay $0x1  }
0x442: {  	v39 =	vor.u32 v2, v36  }
0x443: {  	v40 =	vadd.s32 v5, v18;
	_ =	sdelay $0x1  }
0x444: {  	v19 =	vmul.f32 $5.656854150e+00, v19;
	_ =	sdelay $0x1  }
0x445: {  	[tilespmem:v39+s11+$0x0] =	vst.idx.msk $0xffff, v19  }
0x446: {  	v19 =	vld.idx.msk [tilespmem:v40+s21+$0x0], $0xffff;
	_ =	sdelay $0x1  }
0x447: {  	v41 =	vor.u32 v4, v36  }
0x448: {  	v42 =	vadd.s32 v7, v18;
	_ =	sdelay $0x1  }
0x449: {  	v19 =	vmul.f32 $5.656854150e+00, v19;
	_ =	sdelay $0x1  }
0x44a: {  	[tilespmem:v41+s11+$0x0] =	vst.idx.msk $0xffff, v19  }
0x44b: {  	v19 =	vld.idx.msk [tilespmem:v42+s21+$0x0], $0xffff;
	_ =	sdelay $0x1  }
0x44c: {  	v43 =	vor.u32 v6, v36  }
0x44d: {  	v44 =	vadd.s32 v9, v18;
	_ =	sdelay $0x1  }
0x44e: {  	v19 =	vmul.f32 $5.656854150e+00, v19;
	_ =	sdelay $0x1  }
0x44f: {  	[tilespmem:v43+s11+$0x0] =	vst.idx.msk $0xffff, v19  }
0x450: {  	v19 =	vld.idx.msk [tilespmem:v44+s21+$0x0], $0xffff;
	_ =	sdelay $0x1  }
0x451: {  	v45 =	vor.u32 v8, v36  }
0x452: {  	v46 =	vadd.s32 v11, v18;
	_ =	sdelay $0x1  }
0x453: {  	v19 =	vmul.f32 $5.656854150e+00, v19;
	_ =	sdelay $0x1  }
0x454: {  	[tilespmem:v45+s11+$0x0] =	vst.idx.msk $0xffff, v19  }
0x455: {  	v19 =	vld.idx.msk [tilespmem:v46+s21+$0x0], $0xffff;
	_ =	sdelay $0x1  }
0x456: {  	v47 =	vor.u32 v10, v36  }
0x457: {  	v48 =	vadd.s32 v13, v18;
	_ =	sdelay $0x1  }
0x458: {  	v19 =	vmul.f32 $5.656854150e+00, v19;
	_ =	sdelay $0x1  }
0x459: {  	[tilespmem:v47+s11+$0x0] =	vst.idx.msk $0xffff, v19  }
0x45a: {  	v19 =	vld.idx.msk [tilespmem:v48+s21+$0x0], $0xffff;
	_ =	sdelay $0x1  }
0x45b: {  	v49 =	vor.u32 v12, v36  }
0x45c: {  	v18 =	vadd.s32 v15, v18;
	_ =	sdelay $0x1  }
0x45d: {  	v19 =	vmul.f32 $5.656854150e+00, v19;
	_ =	sdelay $0x1  }
0x45e: {  	[tilespmem:v49+s11+$0x0] =	vst.idx.msk $0xffff, v19  }
0x45f: {  	v18 =	vld.idx.msk [tilespmem:v18+s21+$0x0], $0xffff;
	_ =	sdelay $0x1  }
0x460: {  	v19 =	vor.u32 v14, v36;
	_ =	sdelay $0x2  }
0x461: {  	v18 =	vmul.f32 $5.656854150e+00, v18;
	_ =	sdelay $0x1  }
0x462: {  	[tilespmem:v19+s11+$0x0] =	vst.idx.msk $0xffff, v18  }
0x463: {  	v18 =	vld [tilespmem:s20+$0x80];
	_ =	sdelay $0x4  }
0x464: {  	v19 =	vadd.s32 v1, v18;
	_ =	sdelay $0x4  }
0x465: {  	v19 =	vld.idx.msk [tilespmem:v19+s21+$0x0], $0xffff  }
0x466: {  	v50 =	vshll.u32 v18, $0x7  }
0x467: {  	v51 =	vor.u32 v0, v50  }
0x468: {  	v52 =	vadd.s32 v3, v18;
	_ =	sdelay $0x1  }
0x469: {  	v19 =	vmul.f32 $5.656854150e+00, v19;
	_ =	sdelay $0x1  }
0x46a: {  	[tilespmem:v51+s11+$0x0] =	vst.idx.msk $0xffff, v19  }
0x46b: {  	v19 =	vld.idx.msk [tilespmem:v52+s21+$0x0], $0xffff;
	_ =	sdelay $0x1  }
0x46c: {  	v53 =	vor.u32 v2, v50  }
0x46d: {  	v54 =	vadd.s32 v5, v18;
	_ =	sdelay $0x1  }
0x46e: {  	v19 =	vmul.f32 $5.656854150e+00, v19;
	_ =	sdelay $0x1  }
0x46f: {  	[tilespmem:v53+s11+$0x0] =	vst.idx.msk $0xffff, v19  }
0x470: {  	v19 =	vld.idx.msk [tilespmem:v54+s21+$0x0], $0xffff;
	_ =	sdelay $0x1  }
0x471: {  	v55 =	vor.u32 v4, v50  }
0x472: {  	v56 =	vadd.s32 v7, v18;
	_ =	sdelay $0x1  }
0x473: {  	v19 =	vmul.f32 $5.656854150e+00, v19;
	_ =	sdelay $0x1  }
0x474: {  	[tilespmem:v55+s11+$0x0] =	vst.idx.msk $0xffff, v19  }
0x475: {  	v19 =	vld.idx.msk [tilespmem:v56+s21+$0x0], $0xffff;
	_ =	sdelay $0x1  }
0x476: {  	v57 =	vor.u32 v6, v50  }
0x477: {  	v58 =	vadd.s32 v9, v18;
	_ =	sdelay $0x1  }
0x478: {  	v19 =	vmul.f32 $5.656854150e+00, v19;
	_ =	sdelay $0x1  }
0x479: {  	[tilespmem:v57+s11+$0x0] =	vst.idx.msk $0xffff, v19  }
0x47a: {  	v19 =	vld.idx.msk [tilespmem:v58+s21+$0x0], $0xffff;
	_ =	sdelay $0x1  }
0x47b: {  	v59 =	vor.u32 v8, v50  }
0x47c: {  	v60 =	vadd.s32 v11, v18;
	_ =	sdelay $0x1  }
0x47d: {  	v19 =	vmul.f32 $5.656854150e+00, v19;
	_ =	sdelay $0x1  }
0x47e: {  	[tilespmem:v59+s11+$0x0] =	vst.idx.msk $0xffff, v19  }
0x47f: {  	v19 =	vld.idx.msk [tilespmem:v60+s21+$0x0], $0xffff;
	_ =	sdelay $0x1  }
0x480: {  	v61 =	vor.u32 v10, v50  }
0x481: {  	v62 =	vadd.s32 v13, v18;
	_ =	sdelay $0x1  }
0x482: {  	v19 =	vmul.f32 $5.656854150e+00, v19;
	_ =	sdelay $0x1  }
0x483: {  	[tilespmem:v61+s11+$0x0] =	vst.idx.msk $0xffff, v19  }
0x484: {  	v19 =	vld.idx.msk [tilespmem:v62+s21+$0x0], $0xffff;
	_ =	sdelay $0x1  }
0x485: {  	v63 =	vor.u32 v12, v50  }
0x486: {  	v18 =	vadd.s32 v15, v18;
	_ =	sdelay $0x1  }
0x487: {  	v19 =	vmul.f32 $5.656854150e+00, v19;
	_ =	sdelay $0x1  }
0x488: {  	[tilespmem:v63+s11+$0x0] =	vst.idx.msk $0xffff, v19  }
0x489: {  	v18 =	vld.idx.msk [tilespmem:v18+s21+$0x0], $0xffff  }
0x48a: {  	s19 =	sadd.s32 $0x4, s19  }
0x48b: {  	p5 =	slt.u32 s19, $0x1C;
	v19 =	vor.u32 v14, v50  }
.Ltmp11:
0x48c: {  	_ = 	snop;
	(pc) =	sbr.rel @p5 .LBB2_24-.Ltmp11, $3  }
0x48d: {  	_ = 	snop  }
0x48e: {  	v18 =	vmul.f32 $5.656854150e+00, v18;
	_ =	sdelay $0x1  }
0x48f: {  	s20 =	sadd.s32 $0x200, s20;
	[tilespmem:v19+s11+$0x0] =	vst.idx.msk $0xffff, v18  }
0x490: {  	s13 =	simm.s32 @!p3 $0x7  }
0x491: {  	_ =	swait.ge @!p3 [sflag:s13], $0x80  }
0x492: {  	s19 =	simm.s32 @!p3 $0xB180;
	[sflag:s13] =	ssyncset.done @!p3 $0x0  }
0x493: {  	s20 =	simm.s32 @!p3 $0x13280;
	[sflag:s13] =	ssyncadd.s32 @!p3 $0xFFFFFF80;
	s13 =	simm.s32 @!p3 $0x80  }
0x494: {  	[tilespmem:s20], [sflag:$0xB] =	stream.indirect.gather @!p3 [hbm4b:s4+s13], $0x20, s19, s13, $0xb8;
	[tilespmem:$0x1F280] =	vst v63  }
0x495: {  	s20 =	rddreg [dreg:$0x11]  }
0x496: {  	s7 =	sadd.s32 @!p3 $0x7, s7;
	s13 =	sadd.s32 s18, s20  }
0x497: {  	[hbm4b:s13+s23] =	stream.strided.scatter [tilespmem:s11], [sflag:$0xF], $0x1000, s26, s23, $0x38;
	[tilespmem:$0x1F280] =	vst v63  }
0x498: {  	s13 =	sshll.u32 @!p3 s7, $0x7;
	s7 =	sshll.u32 @!p3 s7, $0xC;
	_ =	swait.ge [sflag:s24], $0x1000  }
0x499: {  	s13 =	sand.u32 @!p3 $0x380, s13;
	s7 =	sand.u32 @!p3 $0x1F8000, s7;
	[sflag:s24] =	ssyncset.done $0x0  }
0x49a: {  	s19 =	simm.s32 @!p4 $0x10;
	s7 =	sor.u32 @!p3 s7, s13;
	[sflag:s24] =	ssyncadd.s32 $0xFFFFF000  }
0x49b: {  	s7 =	sor.u32 @!p3 s10, s7;
	_ =	swait.ge @!p4 [sflag:s19], $0x1000  }
0x49c: {  	s13 =	simm.s32 @!p3 $0x0;
	s7 =	sshrl.u32 @!p3 s7, $0x3;
	[sflag:s19] =	ssyncset.done @!p4 $0x0  }
0x49d: {  	s7 =	sadd.s32 @!p3 s0, s7;
	[sflag:s19] =	ssyncadd.s32 @!p4 $0xFFFFF000;
	s19 =	simm.s32 @!p3 $0xB200  }
0x49e: {  	[tilespmem:s19], [sflag:$0x8] =	stream.linear.gather @!p3 [hbm4b:s7+s13], $0x80, $0x38;
	[tilespmem:$0x1F280] =	vst v63  }
0x49f: {  	s7 =	simm.s32 $0xFFFFFFFC;
	s19 =	simm.s32 $0x100  }
.LBB2_26:
0x4a0: {  	v18 =	vld [tilespmem:s19+$0xFFFFFF00];
	_ =	sdelay $0x4  }
0x4a1: {  	v19 =	vadd.s32 v1, v18;
	_ =	sdelay $0x4  }
0x4a2: {  	v19 =	vld.idx.msk [tilespmem:v19+s22+$0x0], $0xffff  }
0x4a3: {  	v20 =	vshll.u32 v18, $0x7  }
0x4a4: {  	v21 =	vor.u32 v0, v20  }
0x4a5: {  	v22 =	vadd.s32 v3, v18;
	_ =	sdelay $0x1  }
0x4a6: {  	v19 =	vmul.f32 $5.656854150e+00, v19;
	_ =	sdelay $0x1  }
0x4a7: {  	[tilespmem:v21+s3+$0x0] =	vst.idx.msk $0xffff, v19  }
0x4a8: {  	v19 =	vld.idx.msk [tilespmem:v22+s22+$0x0], $0xffff;
	_ =	sdelay $0x1  }
0x4a9: {  	v51 =	vor.u32 v2, v20  }
0x4aa: {  	v52 =	vadd.s32 v5, v18;
	_ =	sdelay $0x1  }
0x4ab: {  	v19 =	vmul.f32 $5.656854150e+00, v19;
	_ =	sdelay $0x1  }
0x4ac: {  	[tilespmem:v51+s3+$0x0] =	vst.idx.msk $0xffff, v19  }
0x4ad: {  	v19 =	vld.idx.msk [tilespmem:v52+s22+$0x0], $0xffff;
	_ =	sdelay $0x1  }
0x4ae: {  	v53 =	vor.u32 v4, v20  }
0x4af: {  	v54 =	vadd.s32 v7, v18;
	_ =	sdelay $0x1  }
0x4b0: {  	v19 =	vmul.f32 $5.656854150e+00, v19;
	_ =	sdelay $0x1  }
0x4b1: {  	[tilespmem:v53+s3+$0x0] =	vst.idx.msk $0xffff, v19  }
0x4b2: {  	v19 =	vld.idx.msk [tilespmem:v54+s22+$0x0], $0xffff;
	_ =	sdelay $0x1  }
0x4b3: {  	v55 =	vor.u32 v6, v20  }
0x4b4: {  	v56 =	vadd.s32 v9, v18;
	_ =	sdelay $0x1  }
0x4b5: {  	v19 =	vmul.f32 $5.656854150e+00, v19;
	_ =	sdelay $0x1  }
0x4b6: {  	[tilespmem:v55+s3+$0x0] =	vst.idx.msk $0xffff, v19  }
0x4b7: {  	v19 =	vld.idx.msk [tilespmem:v56+s22+$0x0], $0xffff;
	_ =	sdelay $0x1  }
0x4b8: {  	v57 =	vor.u32 v8, v20  }
0x4b9: {  	v58 =	vadd.s32 v11, v18;
	_ =	sdelay $0x1  }
0x4ba: {  	v19 =	vmul.f32 $5.656854150e+00, v19;
	_ =	sdelay $0x1  }
0x4bb: {  	[tilespmem:v57+s3+$0x0] =	vst.idx.msk $0xffff, v19  }
0x4bc: {  	v19 =	vld.idx.msk [tilespmem:v58+s22+$0x0], $0xffff;
	_ =	sdelay $0x1  }
0x4bd: {  	v59 =	vor.u32 v10, v20  }
0x4be: {  	v60 =	vadd.s32 v13, v18;
	_ =	sdelay $0x1  }
0x4bf: {  	v19 =	vmul.f32 $5.656854150e+00, v19;
	_ =	sdelay $0x1  }
0x4c0: {  	[tilespmem:v59+s3+$0x0] =	vst.idx.msk $0xffff, v19  }
0x4c1: {  	v19 =	vld.idx.msk [tilespmem:v60+s22+$0x0], $0xffff;
	_ =	sdelay $0x1  }
0x4c2: {  	v61 =	vor.u32 v12, v20  }
0x4c3: {  	v18 =	vadd.s32 v15, v18;
	_ =	sdelay $0x1  }
0x4c4: {  	v19 =	vmul.f32 $5.656854150e+00, v19;
	_ =	sdelay $0x1  }
0x4c5: {  	[tilespmem:v61+s3+$0x0] =	vst.idx.msk $0xffff, v19  }
0x4c6: {  	v18 =	vld.idx.msk [tilespmem:v18+s22+$0x0], $0xffff;
	_ =	sdelay $0x1  }
0x4c7: {  	v19 =	vor.u32 v14, v20;
	_ =	sdelay $0x2  }
0x4c8: {  	v18 =	vmul.f32 $5.656854150e+00, v18;
	_ =	sdelay $0x1  }
0x4c9: {  	[tilespmem:v19+s3+$0x0] =	vst.idx.msk $0xffff, v18  }
0x4ca: {  	v18 =	vld [tilespmem:s19+$0xFFFFFF80];
	_ =	sdelay $0x4  }
0x4cb: {  	v19 =	vadd.s32 v1, v18;
	_ =	sdelay $0x4  }
0x4cc: {  	v19 =	vld.idx.msk [tilespmem:v19+s22+$0x0], $0xffff  }
0x4cd: {  	v62 =	vshll.u32 v18, $0x7  }
0x4ce: {  	v63 =	vor.u32 v0, v62  }
0x4cf: {  	v24 =	vadd.s32 v3, v18;
	_ =	sdelay $0x1  }
0x4d0: {  	v19 =	vmul.f32 $5.656854150e+00, v19;
	_ =	sdelay $0x1  }
0x4d1: {  	[tilespmem:v63+s3+$0x0] =	vst.idx.msk $0xffff, v19  }
0x4d2: {  	v19 =	vld.idx.msk [tilespmem:v24+s22+$0x0], $0xffff;
	_ =	sdelay $0x1  }
0x4d3: {  	v25 =	vor.u32 v2, v62  }
0x4d4: {  	v26 =	vadd.s32 v5, v18;
	_ =	sdelay $0x1  }
0x4d5: {  	v19 =	vmul.f32 $5.656854150e+00, v19;
	_ =	sdelay $0x1  }
0x4d6: {  	[tilespmem:v25+s3+$0x0] =	vst.idx.msk $0xffff, v19  }
0x4d7: {  	v19 =	vld.idx.msk [tilespmem:v26+s22+$0x0], $0xffff;
	_ =	sdelay $0x1  }
0x4d8: {  	v27 =	vor.u32 v4, v62  }
0x4d9: {  	v28 =	vadd.s32 v7, v18;
	_ =	sdelay $0x1  }
0x4da: {  	v19 =	vmul.f32 $5.656854150e+00, v19;
	_ =	sdelay $0x1  }
0x4db: {  	[tilespmem:v27+s3+$0x0] =	vst.idx.msk $0xffff, v19  }
0x4dc: {  	v19 =	vld.idx.msk [tilespmem:v28+s22+$0x0], $0xffff;
	_ =	sdelay $0x1  }
0x4dd: {  	v29 =	vor.u32 v6, v62  }
0x4de: {  	v30 =	vadd.s32 v9, v18;
	_ =	sdelay $0x1  }
0x4df: {  	v19 =	vmul.f32 $5.656854150e+00, v19;
	_ =	sdelay $0x1  }
0x4e0: {  	[tilespmem:v29+s3+$0x0] =	vst.idx.msk $0xffff, v19  }
0x4e1: {  	v19 =	vld.idx.msk [tilespmem:v30+s22+$0x0], $0xffff;
	_ =	sdelay $0x1  }
0x4e2: {  	v31 =	vor.u32 v8, v62  }
0x4e3: {  	v32 =	vadd.s32 v11, v18;
	_ =	sdelay $0x1  }
0x4e4: {  	v19 =	vmul.f32 $5.656854150e+00, v19;
	_ =	sdelay $0x1  }
0x4e5: {  	[tilespmem:v31+s3+$0x0] =	vst.idx.msk $0xffff, v19  }
0x4e6: {  	v19 =	vld.idx.msk [tilespmem:v32+s22+$0x0], $0xffff;
	_ =	sdelay $0x1  }
0x4e7: {  	v33 =	vor.u32 v10, v62  }
0x4e8: {  	v34 =	vadd.s32 v13, v18;
	_ =	sdelay $0x1  }
0x4e9: {  	v19 =	vmul.f32 $5.656854150e+00, v19;
	_ =	sdelay $0x1  }
0x4ea: {  	[tilespmem:v33+s3+$0x0] =	vst.idx.msk $0xffff, v19  }
0x4eb: {  	v19 =	vld.idx.msk [tilespmem:v34+s22+$0x0], $0xffff;
	_ =	sdelay $0x1  }
0x4ec: {  	v35 =	vor.u32 v12, v62  }
0x4ed: {  	v18 =	vadd.s32 v15, v18;
	_ =	sdelay $0x1  }
0x4ee: {  	v19 =	vmul.f32 $5.656854150e+00, v19;
	_ =	sdelay $0x1  }
0x4ef: {  	[tilespmem:v35+s3+$0x0] =	vst.idx.msk $0xffff, v19  }
0x4f0: {  	v18 =	vld.idx.msk [tilespmem:v18+s22+$0x0], $0xffff;
	_ =	sdelay $0x1  }
0x4f1: {  	v19 =	vor.u32 v14, v62;
	_ =	sdelay $0x2  }
0x4f2: {  	v18 =	vmul.f32 $5.656854150e+00, v18;
	_ =	sdelay $0x1  }
0x4f3: {  	[tilespmem:v19+s3+$0x0] =	vst.idx.msk $0xffff, v18  }
0x4f4: {  	v18 =	vld [tilespmem:s19+$0x0];
	_ =	sdelay $0x4  }
0x4f5: {  	v19 =	vadd.s32 v1, v18;
	_ =	sdelay $0x4  }
0x4f6: {  	v19 =	vld.idx.msk [tilespmem:v19+s22+$0x0], $0xffff  }
0x4f7: {  	v36 =	vshll.u32 v18, $0x7  }
0x4f8: {  	v37 =	vor.u32 v0, v36  }
0x4f9: {  	v38 =	vadd.s32 v3, v18;
	_ =	sdelay $0x1  }
0x4fa: {  	v19 =	vmul.f32 $5.656854150e+00, v19;
	_ =	sdelay $0x1  }
0x4fb: {  	[tilespmem:v37+s3+$0x0] =	vst.idx.msk $0xffff, v19  }
0x4fc: {  	v19 =	vld.idx.msk [tilespmem:v38+s22+$0x0], $0xffff;
	_ =	sdelay $0x1  }
0x4fd: {  	v39 =	vor.u32 v2, v36  }
0x4fe: {  	v40 =	vadd.s32 v5, v18;
	_ =	sdelay $0x1  }
0x4ff: {  	v19 =	vmul.f32 $5.656854150e+00, v19;
	_ =	sdelay $0x1  }
0x500: {  	[tilespmem:v39+s3+$0x0] =	vst.idx.msk $0xffff, v19  }
0x501: {  	v19 =	vld.idx.msk [tilespmem:v40+s22+$0x0], $0xffff;
	_ =	sdelay $0x1  }
0x502: {  	v41 =	vor.u32 v4, v36  }
0x503: {  	v42 =	vadd.s32 v7, v18;
	_ =	sdelay $0x1  }
0x504: {  	v19 =	vmul.f32 $5.656854150e+00, v19;
	_ =	sdelay $0x1  }
0x505: {  	[tilespmem:v41+s3+$0x0] =	vst.idx.msk $0xffff, v19  }
0x506: {  	v19 =	vld.idx.msk [tilespmem:v42+s22+$0x0], $0xffff;
	_ =	sdelay $0x1  }
0x507: {  	v43 =	vor.u32 v6, v36  }
0x508: {  	v44 =	vadd.s32 v9, v18;
	_ =	sdelay $0x1  }
0x509: {  	v19 =	vmul.f32 $5.656854150e+00, v19;
	_ =	sdelay $0x1  }
0x50a: {  	[tilespmem:v43+s3+$0x0] =	vst.idx.msk $0xffff, v19  }
0x50b: {  	v19 =	vld.idx.msk [tilespmem:v44+s22+$0x0], $0xffff;
	_ =	sdelay $0x1  }
0x50c: {  	v45 =	vor.u32 v8, v36  }
0x50d: {  	v46 =	vadd.s32 v11, v18;
	_ =	sdelay $0x1  }
0x50e: {  	v19 =	vmul.f32 $5.656854150e+00, v19;
	_ =	sdelay $0x1  }
0x50f: {  	[tilespmem:v45+s3+$0x0] =	vst.idx.msk $0xffff, v19  }
0x510: {  	v19 =	vld.idx.msk [tilespmem:v46+s22+$0x0], $0xffff;
	_ =	sdelay $0x1  }
0x511: {  	v47 =	vor.u32 v10, v36  }
0x512: {  	v48 =	vadd.s32 v13, v18;
	_ =	sdelay $0x1  }
0x513: {  	v19 =	vmul.f32 $5.656854150e+00, v19;
	_ =	sdelay $0x1  }
0x514: {  	[tilespmem:v47+s3+$0x0] =	vst.idx.msk $0xffff, v19  }
0x515: {  	v19 =	vld.idx.msk [tilespmem:v48+s22+$0x0], $0xffff;
	_ =	sdelay $0x1  }
0x516: {  	v49 =	vor.u32 v12, v36  }
0x517: {  	v18 =	vadd.s32 v15, v18;
	_ =	sdelay $0x1  }
0x518: {  	v19 =	vmul.f32 $5.656854150e+00, v19;
	_ =	sdelay $0x1  }
0x519: {  	[tilespmem:v49+s3+$0x0] =	vst.idx.msk $0xffff, v19  }
0x51a: {  	v18 =	vld.idx.msk [tilespmem:v18+s22+$0x0], $0xffff;
	_ =	sdelay $0x1  }
0x51b: {  	v19 =	vor.u32 v14, v36;
	_ =	sdelay $0x2  }
0x51c: {  	v18 =	vmul.f32 $5.656854150e+00, v18;
	_ =	sdelay $0x1  }
0x51d: {  	[tilespmem:v19+s3+$0x0] =	vst.idx.msk $0xffff, v18  }
0x51e: {  	v18 =	vld [tilespmem:s19+$0x80];
	_ =	sdelay $0x4  }
0x51f: {  	v19 =	vadd.s32 v1, v18;
	_ =	sdelay $0x4  }
0x520: {  	v19 =	vld.idx.msk [tilespmem:v19+s22+$0x0], $0xffff  }
0x521: {  	v50 =	vshll.u32 v18, $0x7  }
0x522: {  	v51 =	vor.u32 v0, v50  }
0x523: {  	v52 =	vadd.s32 v3, v18;
	_ =	sdelay $0x1  }
0x524: {  	v19 =	vmul.f32 $5.656854150e+00, v19;
	_ =	sdelay $0x1  }
0x525: {  	[tilespmem:v51+s3+$0x0] =	vst.idx.msk $0xffff, v19  }
0x526: {  	v19 =	vld.idx.msk [tilespmem:v52+s22+$0x0], $0xffff;
	_ =	sdelay $0x1  }
0x527: {  	v53 =	vor.u32 v2, v50  }
0x528: {  	v54 =	vadd.s32 v5, v18;
	_ =	sdelay $0x1  }
0x529: {  	v19 =	vmul.f32 $5.656854150e+00, v19;
	_ =	sdelay $0x1  }
0x52a: {  	[tilespmem:v53+s3+$0x0] =	vst.idx.msk $0xffff, v19  }
0x52b: {  	v19 =	vld.idx.msk [tilespmem:v54+s22+$0x0], $0xffff;
	_ =	sdelay $0x1  }
0x52c: {  	v55 =	vor.u32 v4, v50  }
0x52d: {  	v56 =	vadd.s32 v7, v18;
	_ =	sdelay $0x1  }
0x52e: {  	v19 =	vmul.f32 $5.656854150e+00, v19;
	_ =	sdelay $0x1  }
0x52f: {  	[tilespmem:v55+s3+$0x0] =	vst.idx.msk $0xffff, v19  }
0x530: {  	v19 =	vld.idx.msk [tilespmem:v56+s22+$0x0], $0xffff;
	_ =	sdelay $0x1  }
0x531: {  	v57 =	vor.u32 v6, v50  }
0x532: {  	v58 =	vadd.s32 v9, v18;
	_ =	sdelay $0x1  }
0x533: {  	v19 =	vmul.f32 $5.656854150e+00, v19;
	_ =	sdelay $0x1  }
0x534: {  	[tilespmem:v57+s3+$0x0] =	vst.idx.msk $0xffff, v19  }
0x535: {  	v19 =	vld.idx.msk [tilespmem:v58+s22+$0x0], $0xffff;
	_ =	sdelay $0x1  }
0x536: {  	v59 =	vor.u32 v8, v50  }
0x537: {  	v60 =	vadd.s32 v11, v18;
	_ =	sdelay $0x1  }
0x538: {  	v19 =	vmul.f32 $5.656854150e+00, v19;
	_ =	sdelay $0x1  }
0x539: {  	[tilespmem:v59+s3+$0x0] =	vst.idx.msk $0xffff, v19  }
0x53a: {  	v19 =	vld.idx.msk [tilespmem:v60+s22+$0x0], $0xffff;
	_ =	sdelay $0x1  }
0x53b: {  	v61 =	vor.u32 v10, v50  }
0x53c: {  	v62 =	vadd.s32 v13, v18;
	_ =	sdelay $0x1  }
0x53d: {  	v19 =	vmul.f32 $5.656854150e+00, v19;
	_ =	sdelay $0x1  }
0x53e: {  	[tilespmem:v61+s3+$0x0] =	vst.idx.msk $0xffff, v19  }
0x53f: {  	v19 =	vld.idx.msk [tilespmem:v62+s22+$0x0], $0xffff;
	_ =	sdelay $0x1  }
0x540: {  	v63 =	vor.u32 v12, v50  }
0x541: {  	v18 =	vadd.s32 v15, v18;
	_ =	sdelay $0x1  }
0x542: {  	v19 =	vmul.f32 $5.656854150e+00, v19;
	_ =	sdelay $0x1  }
0x543: {  	[tilespmem:v63+s3+$0x0] =	vst.idx.msk $0xffff, v19  }
0x544: {  	v18 =	vld.idx.msk [tilespmem:v18+s22+$0x0], $0xffff  }
0x545: {  	s7 =	sadd.s32 $0x4, s7  }
0x546: {  	p4 =	slt.u32 s7, $0x1C;
	v19 =	vor.u32 v14, v50  }
.Ltmp12:
0x547: {  	_ = 	snop;
	(pc) =	sbr.rel @p4 .LBB2_26-.Ltmp12, $3  }
0x548: {  	_ = 	snop  }
0x549: {  	v18 =	vmul.f32 $5.656854150e+00, v18;
	_ =	sdelay $0x1  }
0x54a: {  	s19 =	sadd.s32 $0x200, s19;
	[tilespmem:v19+s3+$0x0] =	vst.idx.msk $0xffff, v18  }
0x54b: {  	s7 =	simm.s32 @!p3 $0x8  }
0x54c: {  	_ =	swait.ge @!p3 [sflag:s7], $0x80  }
0x54d: {  	s13 =	simm.s32 @!p3 $0xB200;
	s19 =	simm.s32 @!p3 $0x17280;
	[sflag:s7] =	ssyncset.done @!p3 $0x0  }
0x54e: {  	s25 =	sadd.s32 $0x1, s25;
	[sflag:s7] =	ssyncadd.s32 @!p3 $0xFFFFFF80;
	s7 =	simm.s32 @!p3 $0x80  }
0x54f: {  	[tilespmem:s19], [sflag:$0xC] =	stream.indirect.gather @!p3 [hbm4b:s4+s7], $0x20, s13, s7, $0xb8;
	[tilespmem:$0x1F280] =	vst v63  }
0x550: {  	p3 =	sne.s32 s25, $0x32  }
.Ltmp13:
0x551: {  	_ = 	snop;
	(pc) =	sbr.rel @p3 .LBB2_19-.Ltmp13, $4  }
0x552: {  	_ = 	snop  }
0x553: {  	s20 =	rddreg [dreg:$0x12]  }
0x554: {  	s7 =	sadd.s32 s18, s20  }
0x555: {  	[hbm4b:s7+s23] =	stream.strided.scatter [tilespmem:s3], [sflag:$0x10], $0x1000, s26, s23, $0x38;
	[tilespmem:$0x1F280] =	vst v63  }
0x556: {  	s7 =	simm.s32 $0xD  }
0x557: {  	_ =	swait.ge [sflag:s7], $0x1000  }
0x558: {  	[sflag:s7] =	ssyncset.done $0x0  }
0x559: {  	s19 =	simm.s32 $0xE;
	[sflag:s7] =	ssyncadd.s32 $0xFFFFF000  }
0x55a: {  	_ =	swait.ge [sflag:s19], $0x1000  }
0x55b: {  	[sflag:s19] =	ssyncset.done $0x0  }
0x55c: {  	s20 =	simm.s32 $0xF;
	[sflag:s19] =	ssyncadd.s32 $0xFFFFF000  }
0x55d: {  	_ =	swait.ge [sflag:s20], $0x1000  }
0x55e: {  	[sflag:s20] =	ssyncset.done $0x0  }
0x55f: {  	s13 =	simm.s32 $0x10;
	[sflag:s20] =	ssyncadd.s32 $0xFFFFF000  }
0x560: {  	_ =	swait.ge [sflag:s13], $0x1000  }
0x561: {  	s18 =	rddreg [dreg:$0x17]  }
0x562: {  	s25 =	rddreg [dreg:$0x13];
	s18 =	sadd.s32 $0x1, s18  }
0x563: {  	p3 =	sne.s32 s18, s25  }
.Ltmp14:
0x564: {  	_ = 	snop;
	(pc) =	sbr.rel @p3 .LBB2_1-.Ltmp14, $3  }
0x565: {  	_ =	sdelay $0x1  }
0x566: {  	[sflag:s13] =	ssyncset.done $0x0  }
0x567: {  	[sflag:s13] =	ssyncadd.s32 $0xFFFFF000  }
0x568: {  	_ =	sfence.sel $0x180000  }
0x569: {  	[bflag:$0x0] =	sbarrier.arrive $0xFFFF  }
0x56a: {  	_ =	strace $0x90000047  }
0x56b: {  	[bflag:$0x2] =	sbarrier.arrive $0xFFFF  }
0x56c: {  	s0 =	rddreg [dreg:$0x6]  }
0x56d: {  	s0 =	sadd.s32 @!p0 $0x100000, s0  }
0x56e: {  	[sflag:s0] =	ssyncadd.tile.s32 @!p0 $0x1;
	_ =	shalt  }
.Lfunc_end2:
_tile_overlayer_lowered:
.L_overlay_start_2:
0x56f: {  	(tag) =	ssettag $0x2  }
0x570: {  	s0 =	rddreg [dreg:$0x0];
	s2 =	stileid.u32  }
0x571: {  	s1 =	rddreg [dreg:$0x1];
	p0 =	sne.s32 s2, $0x0  }
0x572: {  	s3 =	rddreg [dreg:$0x2];
	[bflag:$0x3] =	sbarrier.arrive $0xFFFF;
	s2 =	simm.s32 @!p0 $0x1C11  }
0x573: {  	[timem:s3], [sflag:s2] =	dma.local @!p0 [hbm:s0], s1  }
0x574: {  	s0 =	simm.s32 @!p0 $0x11  }
0x575: {  	_ =	swait.ge @!p0 [sflag:s0], s1  }
0x576: {  	s1 =	ssub.s32 @!p0 $0x0, s1;
	[sflag:s0] =	ssyncset.done @!p0 $0x0  }
0x577: {  	[sflag:s0] =	ssyncadd.s32 @!p0 s1  }
0x578: {  	[bflag:$0x3] =	sbarrier.arrive $0xFFFF  }
0x579: {  	_ =	shalt  }

</sc_bundles>
